<compile_context>
chip_gen: v7x
topology: tpu7x:2x2x1
jax: 0.10.2.dev20260603
libtpu: 0.0.44.dev20260713+nightly
codegen_flags: <defaults>
</compile_context>

<pallas_src>
import functools

import jax
import jax.numpy as jnp
from jax import lax
from jax.experimental import pallas as pl
from jax.experimental.pallas import tpu as pltpu
from jax.experimental.pallas import tpu_sc as plsc

_F32 = jnp.float32
_I32 = jnp.int32


def _segment_sum_sc(table2, edges, n_nodes, n_edges):
    E = n_edges
    NS = 16
    ept = E // NS
    assert ept * NS == E
    nchunk, tail = divmod(ept, 128)
    assert tail % 16 == 0
    WB = 40
    RPT = 1000
    n_wtiles = n_nodes // RPT
    assert n_wtiles * RPT == n_nodes and n_wtiles <= NS and RPT % WB == 0
    nwr = RPT // WB

    mesh = plsc.VectorSubcoreMesh(core_axis_name="c", subcore_axis_name="s")

    assert nchunk % 2 == 0 and nchunk >= 4
    SCW = 1024
    assert tail == 0 or nchunk % 8 != 0
    _dmax = max(ept * (NS - 1) + (nchunk - nchunk % 8) * 128 - (E - SCW), 0)
    assert _dmax % 16 == 0 and _dmax + (nchunk % 8) * 128 + tail <= SCW

    scratch = [
        pltpu.VMEM((SCW,), _I32),
        pltpu.VMEM((SCW,), _I32),
        pltpu.VMEM((128,), _I32),
        pltpu.VMEM((128,), _I32),
        pltpu.VMEM((128,), _I32),
        pltpu.VMEM((128,), _I32),
        pltpu.VMEM((128, 128), _F32),
        pltpu.VMEM((128, 128), _F32),
        pltpu.VMEM((WB, 128), _F32),
        pltpu.VMEM_SHARED((n_nodes, 128), _F32),
        pltpu.SemaphoreType.DMA,
        pltpu.SemaphoreType.DMA,
        pltpu.SemaphoreType.DMA,
    ]
    if tail:
        scratch += [
            pltpu.VMEM((tail,), _I32),
            pltpu.VMEM((tail,), _I32),
            pltpu.VMEM((tail, 128), _F32),
        ]

    @functools.partial(
        pl.kernel,
        mesh=mesh,
        out_type=jax.ShapeDtypeStruct((2, n_nodes, 128), _F32),
        scratch_types=scratch,
    )
    def k(table_hbm, edges_hbm, out_hbm,
          srcS, dstS, idxA, dstA, idxB, dstB, rowsA, rowsB,
          zbuf, acc, semA, semB, semZ, *tails):
        c = lax.axis_index("c")
        s = lax.axis_index("s")

        def zrow(r, carry):
            for j in range(8):
                zbuf[r, pl.ds(j * 16, 16)] = jnp.zeros((16,), _F32)
            return carry
        lax.fori_loop(0, WB, zrow, 0)

        row0 = s * RPT

        @pl.when(s < n_wtiles)
        def _zero():
            def zcp(t, carry):
                pltpu.async_copy(zbuf, acc.at[pl.ds(row0 + t * WB, WB)],
                                 semZ)
                return carry
            lax.fori_loop(0, nwr, zcp, 0)

            def zdr(t, carry):
                pltpu.make_async_copy(
                    zbuf, acc.at[pl.ds(row0 + t * WB, WB)], semZ).wait()
                return carry
            lax.fori_loop(0, nwr, zdr, 0)

        ebase = s * ept
        plsc.subcore_barrier()

        def fill(cidx, idx_v, dst_v):
            b0 = ebase + (cidx - cidx % 8) * 128
            d = jnp.maximum(b0 - (E - SCW), 0)

            @pl.when(cidx % 8 == 0)
            def _stage():
                bs = pl.multiple_of(b0 - d, 8)
                pltpu.sync_copy(edges_hbm.at[pl.ds(bs, SCW)], srcS)
                pltpu.sync_copy(edges_hbm.at[pl.ds(E + bs, SCW)], dstS)
            loc = d + (cidx % 8) * 128
            for j in range(8):
                sv = srcS[pl.ds(loc + j * 16, 16)]
                idx_v[pl.ds(j * 16, 16)] = sv * 2 + c
                dst_v[pl.ds(j * 16, 16)] = dstS[pl.ds(loc + j * 16, 16)]

        fill(jnp.int32(0), idxA, dstA)
        pltpu.async_copy(table_hbm.at[idxA], rowsA, semA)
        fill(jnp.int32(1), idxB, dstB)
        pltpu.async_copy(table_hbm.at[idxB], rowsB, semB)

        def step(i2, carry):
            pltpu.make_async_copy(table_hbm.at[idxA], rowsA, semA).wait()
            pltpu.sync_copy(rowsA, acc.at[dstA], add=True)
            fill(2 * i2 + 2, idxA, dstA)
            pltpu.async_copy(table_hbm.at[idxA], rowsA, semA)
            pltpu.make_async_copy(table_hbm.at[idxB], rowsB, semB).wait()
            pltpu.sync_copy(rowsB, acc.at[dstB], add=True)
            fill(2 * i2 + 3, idxB, dstB)
            pltpu.async_copy(table_hbm.at[idxB], rowsB, semB)
            return carry
        lax.fori_loop(0, nchunk // 2 - 1, step, 0)

        pltpu.make_async_copy(table_hbm.at[idxA], rowsA, semA).wait()
        pltpu.sync_copy(rowsA, acc.at[dstA], add=True)
        pltpu.make_async_copy(table_hbm.at[idxB], rowsB, semB).wait()
        pltpu.sync_copy(rowsB, acc.at[dstB], add=True)

        if tail:
            idx_t, dst_t, rows_t = tails
            b0t = ebase + (nchunk - nchunk % 8) * 128
            off = jnp.maximum(b0t - (E - SCW), 0) + (nchunk % 8) * 128
            for j in range(tail // 16):
                sv = srcS[pl.ds(off + j * 16, 16)]
                idx_t[pl.ds(j * 16, 16)] = sv * 2 + c
                dst_t[pl.ds(j * 16, 16)] = dstS[pl.ds(off + j * 16, 16)]
            pltpu.async_copy(table_hbm.at[idx_t], rows_t, semA).wait()
            pltpu.sync_copy(rows_t, acc.at[dst_t], add=True)

        plsc.subcore_barrier()

        @pl.when(s < n_wtiles)
        def _writeout():
            pltpu.sync_copy(acc.at[pl.ds(row0, RPT)],
                            out_hbm.at[c, pl.ds(row0, RPT)])

    return k(table2, edges)


def _gin_mlp_tc(x, aggT, Wa, ba, Wb, bb, relu_out, x_is_table, out_table):
    if x_is_table:
        N2 = x.shape[0]
        N, D = N2 // 2, 256
    else:
        N, D = x.shape
    BN = 1000
    assert N % BN == 0
    grid = (N // BN,)
    dn = (((1,), (0,)), ((), ()))

    def body(x_ref, agg_ref, wa_ref, ba_ref, wb_ref, bb_ref, o_ref):
        if x_is_table:
            xb = x_ref[...].reshape(BN, 2, 128)
            h = jnp.concatenate([xb[:, 0, :] + agg_ref[0],
                                 xb[:, 1, :] + agg_ref[1]], axis=-1)
        else:
            h = x_ref[...] + jnp.concatenate([agg_ref[0], agg_ref[1]],
                                             axis=-1)
        u = lax.dot_general(h, wa_ref[...], dn,
                            preferred_element_type=_F32)
        u = jnp.maximum(u + ba_ref[...], 0.0)
        y = lax.dot_general(u, wb_ref[...], dn,
                            preferred_element_type=_F32)
        y = y + bb_ref[...]
        if relu_out:
            y = jnp.maximum(y, 0.0)
        o_ref[...] = y.reshape(o_ref.shape)

    if x_is_table:
        x_spec = pl.BlockSpec((2 * BN, 128), lambda i: (i, 0))
    else:
        x_spec = pl.BlockSpec((BN, D), lambda i: (i, 0))
    if out_table:
        out_sds = jax.ShapeDtypeStruct((2 * N, 128), _F32)
        out_spec = pl.BlockSpec((2 * BN, 128), lambda i: (i, 0))
    else:
        out_sds = jax.ShapeDtypeStruct((N, D), _F32)
        out_spec = pl.BlockSpec((BN, D), lambda i: (i, 0))

    return pl.pallas_call(
        body,
        grid=grid,
        in_specs=[
            x_spec,
            pl.BlockSpec((2, BN, 128), lambda i: (0, i, 0)),
            pl.BlockSpec((D, D), lambda i: (0, 0)),
            pl.BlockSpec((1, D), lambda i: (0, 0)),
            pl.BlockSpec((D, D), lambda i: (0, 0)),
            pl.BlockSpec((1, D), lambda i: (0, 0)),
        ],
        out_specs=out_spec,
        out_shape=out_sds,
    )(x, aggT, Wa, ba.reshape(1, D), Wb, bb.reshape(1, D))


def kernel(x, ei, W1a, b1a, W1b, b1b, W2a, b2a, W2b, b2b):
    N, D = x.shape
    assert D == 256
    ei32 = ei.astype(_I32)

    E = ei.shape[1]
    x2 = x.reshape(2 * N, 128)
    eiflat = ei32.reshape(2 * E)
    agg1 = _segment_sum_sc(x2, eiflat, N, E)
    y1t = _gin_mlp_tc(x, agg1, W1a, b1a, W1b, b1b,
                      relu_out=True, x_is_table=False, out_table=True)
    agg2 = _segment_sum_sc(y1t, eiflat, N, E)
    out = _gin_mlp_tc(y1t, agg2, W2a, b2a, W2b, b2b,
                      relu_out=False, x_is_table=True, out_table=False)
    return out

# --- scband reference (transcript-rebuilt; emitter-appended) ---
"""Pipeline reference for scband-ginnet-88811333746740 (READ-ONLY COPY).

The authoritative reference and input builder live on the scoring server;
editing this copy changes nothing except your own understanding.
"""

import jax, jax.numpy as jnp
import numpy as np

N = 10000
E = 160000
D_IN = 256
D_HID = 256
D_OUT = 256


def setup_inputs(seed: int = 0) -> dict:
    key = jax.random.key(seed)
    ks = jax.random.split(key, 10)
    x = jax.random.normal(ks[0], (N, D_IN), dtype=jnp.float32)
    ei = jax.random.randint(ks[1], (2, E), 0, N, dtype=jnp.int64)
    # conv1 MLP: Linear(in_c, hidden) -> ReLU -> Linear(hidden, hidden)
    W1a = jax.random.normal(ks[2], (D_IN, D_HID), dtype=jnp.float32) * 0.05
    b1a = jnp.zeros((D_HID,), dtype=jnp.float32)
    W1b = jax.random.normal(ks[3], (D_HID, D_HID), dtype=jnp.float32) * 0.05
    b1b = jnp.zeros((D_HID,), dtype=jnp.float32)
    # conv2 MLP: Linear(hidden, hidden) -> ReLU -> Linear(hidden, out_c)
    W2a = jax.random.normal(ks[4], (D_HID, D_HID), dtype=jnp.float32) * 0.05
    b2a = jnp.zeros((D_HID,), dtype=jnp.float32)
    W2b = jax.random.normal(ks[5], (D_HID, D_OUT), dtype=jnp.float32) * 0.05
    b2b = jnp.zeros((D_OUT,), dtype=jnp.float32)
    return {"x": x, "ei": ei, "W1a": W1a, "b1a": b1a, "W1b": W1b, "b1b": b1b,
            "W2a": W2a, "b2a": b2a, "W2b": W2b, "b2b": b2b}


def _gin_conv(x, ei, Wa, ba, Wb, bb):
    # GINConv with eps=0 (default): mlp((1+eps)*x + sum_{j->i} x_j)
    src = ei[0]
    dst = ei[1]
    msgs = jnp.take(x, src, axis=0)            # gather source features [E, d]
    agg = jax.ops.segment_sum(msgs, dst, num_segments=x.shape[0])  # scatter-add at dst
    h = x + agg
    h = jnp.maximum(h @ Wa + ba, 0.0)
    return h @ Wb + bb


def reference(x, ei, W1a, b1a, W1b, b1b, W2a, b2a, W2b, b2b):
    h = _gin_conv(x, ei, W1a, b1a, W1b, b1b)
    h = jnp.maximum(h, 0.0)
    # dropout p=0.5 is identity in eval mode
    out = _gin_conv(h, ei, W2a, b2a, W2b, b2b)
    return out

if __name__ == "__main__":
    import jax
    _d = setup_inputs()
    print(jax.jit(kernel)(*tuple(_d.values())))

</pallas_src>

<mosaic_0001>
#map = affine_map<(d0, d1) -> (0, 0)>
#map1 = affine_map<(d0, d1) -> (0)>
#map2 = affine_map<(d0, d1) -> (0, 0, 0)>
module attributes {stable_mosaic.version = 14 : i64} {
  func.func @k(%arg0: i32, %arg1: i32, %arg2: memref<20000x128xf32, #tpu.memory_space<hbm>>, %arg3: memref<320000xi32, #tpu.memory_space<hbm>>, %arg4: memref<2x10000x128xf32, #tpu.memory_space<hbm>>, %arg5: memref<1024xi32, #tpu.memory_space<vmem>>, %arg6: memref<1024xi32, #tpu.memory_space<vmem>>, %arg7: memref<128xi32, #tpu.memory_space<vmem>>, %arg8: memref<128xi32, #tpu.memory_space<vmem>>, %arg9: memref<128xi32, #tpu.memory_space<vmem>>, %arg10: memref<128xi32, #tpu.memory_space<vmem>>, %arg11: memref<128x128xf32, #tpu.memory_space<vmem>>, %arg12: memref<128x128xf32, #tpu.memory_space<vmem>>, %arg13: memref<40x128xf32, #tpu.memory_space<vmem>>, %arg14: memref<10000x128xf32, #tpu.memory_space<vmem_shared>>, %arg15: memref<!tpu.dma_semaphore, #tpu.memory_space<semaphore_mem>>, %arg16: memref<!tpu.dma_semaphore, #tpu.memory_space<semaphore_mem>>, %arg17: memref<!tpu.dma_semaphore, #tpu.memory_space<semaphore_mem>>, %arg18: memref<16xi32, #tpu.memory_space<vmem>>, %arg19: memref<16xi32, #tpu.memory_space<vmem>>, %arg20: memref<16x128xf32, #tpu.memory_space<vmem>>) attributes {dimension_semantics = [#tpu.dimension_semantics<core_parallel>, #tpu.dimension_semantics<subcore_parallel>], iteration_bounds = array<i64: 2, 16>, scalar_prefetch = 0 : i64, scratch_operands = 16 : i64, tpu.core_type = #tpu.core_type<sc_vector_subcore>, window_params = [{transform_indices = #map}, {transform_indices = #map1}, {transform_indices = #map2}]} {
    %scan3A = arith.constant 0 : i32
    %scan3A_0 = arith.constant 0 : i32
    %scan3A_1 = arith.constant 40 : i32
    %scan3A_2 = arith.addi %scan3A_0, %scan3A_1 : i32
    %scan3A_3 = arith.constant 1 : i32
    scf.for %scan3A_562 = %scan3A_0 to %scan3A_2 step %scan3A_3  : i32 {
      %broadcast_in_dim3A = arith.constant 0.000000e+00 : f32
      %broadcast_in_dim3A_563 = vector.broadcast %broadcast_in_dim3A : f32 to vector<16xf32>
      %swap3A_564 = arith.index_cast %scan3A_562 : i32 to index
      %swap3A_565 = arith.constant 0 : index
      %swap3A_566 = tpu.vector_load %arg13[%swap3A_564, %swap3A_565] {strides = array<i32>} : memref<40x128xf32, #tpu.memory_space<vmem>>, vector<1x16xf32>,
      %swap3A_567 = vector.shape_cast %swap3A_566 : vector<1x16xf32> to vector<16xf32>
      %swap3A_568 = vector.shape_cast %broadcast_in_dim3A_563 : vector<16xf32> to vector<1x16xf32>
      tpu.vector_store %arg13[%swap3A_564, %swap3A_565], %swap3A_568 {strides = array<i32>} : memref<40x128xf32, #tpu.memory_space<vmem>>, vector<1x16xf32>,
      %broadcast_in_dim3A_569 = arith.constant 0.000000e+00 : f32
      %broadcast_in_dim3A_570 = vector.broadcast %broadcast_in_dim3A_569 : f32 to vector<16xf32>
      %swap3A_571 = arith.index_cast %scan3A_562 : i32 to index
      %swap3A_572 = arith.constant 16 : index
      %swap3A_573 = tpu.vector_load %arg13[%swap3A_571, %swap3A_572] {strides = array<i32>} : memref<40x128xf32, #tpu.memory_space<vmem>>, vector<1x16xf32>,
      %swap3A_574 = vector.shape_cast %swap3A_573 : vector<1x16xf32> to vector<16xf32>
      %swap3A_575 = vector.shape_cast %broadcast_in_dim3A_570 : vector<16xf32> to vector<1x16xf32>
      tpu.vector_store %arg13[%swap3A_571, %swap3A_572], %swap3A_575 {strides = array<i32>} : memref<40x128xf32, #tpu.memory_space<vmem>>, vector<1x16xf32>,
      %broadcast_in_dim3A_576 = arith.constant 0.000000e+00 : f32
      %broadcast_in_dim3A_577 = vector.broadcast %broadcast_in_dim3A_576 : f32 to vector<16xf32>
      %swap3A_578 = arith.index_cast %scan3A_562 : i32 to index
      %swap3A_579 = arith.constant 32 : index
      %swap3A_580 = tpu.vector_load %arg13[%swap3A_578, %swap3A_579] {strides = array<i32>} : memref<40x128xf32, #tpu.memory_space<vmem>>, vector<1x16xf32>,
      %swap3A_581 = vector.shape_cast %swap3A_580 : vector<1x16xf32> to vector<16xf32>
      %swap3A_582 = vector.shape_cast %broadcast_in_dim3A_577 : vector<16xf32> to vector<1x16xf32>
      tpu.vector_store %arg13[%swap3A_578, %swap3A_579], %swap3A_582 {strides = array<i32>} : memref<40x128xf32, #tpu.memory_space<vmem>>, vector<1x16xf32>,
      %broadcast_in_dim3A_583 = arith.constant 0.000000e+00 : f32
      %broadcast_in_dim3A_584 = vector.broadcast %broadcast_in_dim3A_583 : f32 to vector<16xf32>
      %swap3A_585 = arith.index_cast %scan3A_562 : i32 to index
      %swap3A_586 = arith.constant 48 : index
      %swap3A_587 = tpu.vector_load %arg13[%swap3A_585, %swap3A_586] {strides = array<i32>} : memref<40x128xf32, #tpu.memory_space<vmem>>, vector<1x16xf32>,
      %swap3A_588 = vector.shape_cast %swap3A_587 : vector<1x16xf32> to vector<16xf32>
      %swap3A_589 = vector.shape_cast %broadcast_in_dim3A_584 : vector<16xf32> to vector<1x16xf32>
      tpu.vector_store %arg13[%swap3A_585, %swap3A_586], %swap3A_589 {strides = array<i32>} : memref<40x128xf32, #tpu.memory_space<vmem>>, vector<1x16xf32>,
      %broadcast_in_dim3A_590 = arith.constant 0.000000e+00 : f32
      %broadcast_in_dim3A_591 = vector.broadcast %broadcast_in_dim3A_590 : f32 to vector<16xf32>
      %swap3A_592 = arith.index_cast %scan3A_562 : i32 to index
      %swap3A_593 = arith.constant 64 : index
      %swap3A_594 = tpu.vector_load %arg13[%swap3A_592, %swap3A_593] {strides = array<i32>} : memref<40x128xf32, #tpu.memory_space<vmem>>, vector<1x16xf32>,
      %swap3A_595 = vector.shape_cast %swap3A_594 : vector<1x16xf32> to vector<16xf32>
      %swap3A_596 = vector.shape_cast %broadcast_in_dim3A_591 : vector<16xf32> to vector<1x16xf32>
      tpu.vector_store %arg13[%swap3A_592, %swap3A_593], %swap3A_596 {strides = array<i32>} : memref<40x128xf32, #tpu.memory_space<vmem>>, vector<1x16xf32>,
      %broadcast_in_dim3A_597 = arith.constant 0.000000e+00 : f32
      %broadcast_in_dim3A_598 = vector.broadcast %broadcast_in_dim3A_597 : f32 to vector<16xf32>
      %swap3A_599 = arith.index_cast %scan3A_562 : i32 to index
      %swap3A_600 = arith.constant 80 : index
      %swap3A_601 = tpu.vector_load %arg13[%swap3A_599, %swap3A_600] {strides = array<i32>} : memref<40x128xf32, #tpu.memory_space<vmem>>, vector<1x16xf32>,
      %swap3A_602 = vector.shape_cast %swap3A_601 : vector<1x16xf32> to vector<16xf32>
      %swap3A_603 = vector.shape_cast %broadcast_in_dim3A_598 : vector<16xf32> to vector<1x16xf32>
      tpu.vector_store %arg13[%swap3A_599, %swap3A_600], %swap3A_603 {strides = array<i32>} : memref<40x128xf32, #tpu.memory_space<vmem>>, vector<1x16xf32>,
      %broadcast_in_dim3A_604 = arith.constant 0.000000e+00 : f32
      %broadcast_in_dim3A_605 = vector.broadcast %broadcast_in_dim3A_604 : f32 to vector<16xf32>
      %swap3A_606 = arith.index_cast %scan3A_562 : i32 to index
      %swap3A_607 = arith.constant 96 : index
      %swap3A_608 = tpu.vector_load %arg13[%swap3A_606, %swap3A_607] {strides = array<i32>} : memref<40x128xf32, #tpu.memory_space<vmem>>, vector<1x16xf32>,
      %swap3A_609 = vector.shape_cast %swap3A_608 : vector<1x16xf32> to vector<16xf32>
      %swap3A_610 = vector.shape_cast %broadcast_in_dim3A_605 : vector<16xf32> to vector<1x16xf32>
      tpu.vector_store %arg13[%swap3A_606, %swap3A_607], %swap3A_610 {strides = array<i32>} : memref<40x128xf32, #tpu.memory_space<vmem>>, vector<1x16xf32>,
      %broadcast_in_dim3A_611 = arith.constant 0.000000e+00 : f32
      %broadcast_in_dim3A_612 = vector.broadcast %broadcast_in_dim3A_611 : f32 to vector<16xf32>
      %swap3A_613 = arith.index_cast %scan3A_562 : i32 to index
      %swap3A_614 = arith.constant 112 : index
      %swap3A_615 = tpu.vector_load %arg13[%swap3A_613, %swap3A_614] {strides = array<i32>} : memref<40x128xf32, #tpu.memory_space<vmem>>, vector<1x16xf32>,
      %swap3A_616 = vector.shape_cast %swap3A_615 : vector<1x16xf32> to vector<16xf32>
      %swap3A_617 = vector.shape_cast %broadcast_in_dim3A_612 : vector<16xf32> to vector<1x16xf32>
      tpu.vector_store %arg13[%swap3A_613, %swap3A_614], %swap3A_617 {strides = array<i32>} : memref<40x128xf32, #tpu.memory_space<vmem>>, vector<1x16xf32>,
    }
    %scan3A_4 = arith.constant 40 : i32
    %mul3A = arith.constant 1000 : i32
    %mul3A_5 = arith.muli %arg1, %mul3A : i32
    %lt3A = arith.constant 10 : i32
    %lt3A_6 = arith.cmpi slt, %arg1, %lt3A : i32
    %convert_element_type3A = arith.extui %lt3A_6 : i1 to i32
    %cond3A = arith.constant 0 : i32
    %cond3A_7 = arith.cmpi ne, %convert_element_type3A, %cond3A : i32
    scf.if %cond3A_7 {
      %scan3A_562 = arith.constant 0 : i32
      %scan3A_563 = arith.constant 0 : i32
      %scan3A_564 = arith.constant 25 : i32
      %scan3A_565 = arith.addi %scan3A_563, %scan3A_564 : i32
      %scan3A_566 = arith.constant 1 : i32
      scf.for %scan3A_574 = %scan3A_563 to %scan3A_565 step %scan3A_566  : i32 {
        %mul3A_575 = arith.constant 40 : i32
        %mul3A_576 = arith.muli %scan3A_574, %mul3A_575 : i32
        %add3A_577 = arith.addi %mul3A_5, %mul3A_576 : i32
        %dma_start3A_578 = arith.constant 0 : i32
        %dma_start3A_579 = tpu.memref_slice %arg14[%add3A_577, %dma_start3A_578] : memref<10000x128xf32, #tpu.memory_space<vmem_shared>> -> memref<40x128xf32, #tpu.memory_space<vmem_shared>>
        %dma_start3A_580 = arith.constant 0 : i32
        %dma_start3A_581 = tpu.memref_slice %arg14[%add3A_577, %dma_start3A_580] : memref<10000x128xf32, #tpu.memory_space<vmem_shared>> -> memref<40x128xf32, #tpu.memory_space<vmem_shared>>
        tpu.enqueue_dma source(%arg13 : memref<40x128xf32, #tpu.memory_space<vmem>>) target(%dma_start3A_581 : memref<40x128xf32, #tpu.memory_space<vmem_shared>>) target_semaphore(%arg17 : memref<!tpu.dma_semaphore, #tpu.memory_space<semaphore_mem>>)
      }
      %scan3A_567 = arith.constant 25 : i32
      %scan3A_568 = arith.constant 0 : i32
      %scan3A_569 = arith.constant 0 : i32
      %scan3A_570 = arith.constant 25 : i32
      %scan3A_571 = arith.addi %scan3A_569, %scan3A_570 : i32
      %scan3A_572 = arith.constant 1 : i32
      scf.for %scan3A_574 = %scan3A_569 to %scan3A_571 step %scan3A_572  : i32 {
        %mul3A_575 = arith.constant 40 : i32
        %mul3A_576 = arith.muli %scan3A_574, %mul3A_575 : i32
        %add3A_577 = arith.addi %mul3A_5, %mul3A_576 : i32
        %dma_wait3A_578 = arith.constant 0 : i32
        %dma_wait3A_579 = tpu.memref_slice %arg14[%add3A_577, %dma_wait3A_578] : memref<10000x128xf32, #tpu.memory_space<vmem_shared>> -> memref<40x128xf32, #tpu.memory_space<vmem_shared>>
        %dma_wait3A_580 = arith.constant 0 : i32
        %dma_wait3A_581 = tpu.memref_slice %arg14[%add3A_577, %dma_wait3A_580] : memref<10000x128xf32, #tpu.memory_space<vmem_shared>> -> memref<40x128xf32, #tpu.memory_space<vmem_shared>>
        tpu.wait_dma2 semaphore(%arg17 : memref<!tpu.dma_semaphore, #tpu.memory_space<semaphore_mem>>) src(%arg13 : memref<40x128xf32, #tpu.memory_space<vmem>>) dst(%dma_wait3A_581 : memref<40x128xf32, #tpu.memory_space<vmem_shared>>)
      }
      %scan3A_573 = arith.constant 25 : i32
    } else {
    }
    %mul3A_8 = arith.constant 10000 : i32
    %mul3A_9 = arith.muli %arg1, %mul3A_8 : i32
    %barrier3A = arith.constant 0 : index
    tpu.barrier barrier_id(%barrier3A)
    %jit3A = arith.constant 0 : i32
    %jit3A_10 = arith.constant 8 : i32
    %eq3A = arith.constant 0 : i32
    %eq3A_11 = arith.cmpi eq, %jit3A_10, %eq3A : i32
    %jit3A_12 = arith.constant 1 : i32
    %select_n3A = arith.select %eq3A_11, %jit3A_12, %jit3A_10 : i32
    %rem3A = arith.remsi %jit3A, %select_n3A : i32
    %ne3A = arith.constant 0 : i32
    %ne3A_13 = arith.cmpi ne, %rem3A, %ne3A : i32
    %lt3A_14 = arith.constant 0 : i32
    %lt3A_15 = arith.cmpi slt, %rem3A, %lt3A_14 : i32
    %lt3A_16 = arith.constant 0 : i32
    %lt3A_17 = arith.cmpi slt, %select_n3A, %lt3A_16 : i32
    %ne3A_18 = arith.xori %lt3A_15, %lt3A_17 : i1
    %and3A = arith.andi %ne3A_18, %ne3A_13 : i1
    %add3A = arith.addi %rem3A, %select_n3A : i32
    %select_n3A_19 = arith.select %and3A, %add3A, %rem3A : i32
    %sub3A = arith.constant 0 : i32
    %sub3A_20 = arith.subi %sub3A, %select_n3A_19 : i32
    %mul3A_21 = arith.constant 128 : i32
    %mul3A_22 = arith.muli %sub3A_20, %mul3A_21 : i32
    %add3A_23 = arith.addi %mul3A_9, %mul3A_22 : i32
    %sub3A_24 = arith.constant 158976 : i32
    %sub3A_25 = arith.subi %add3A_23, %sub3A_24 : i32
    %max3A = arith.constant 0 : i32
    %max3A_26 = arith.maxsi %sub3A_25, %max3A : i32
    %jit3A_27 = arith.constant 0 : i32
    %jit3A_28 = arith.constant 8 : i32
    %eq3A_29 = arith.constant 0 : i32
    %eq3A_30 = arith.cmpi eq, %jit3A_28, %eq3A_29 : i32
    %jit3A_31 = arith.constant 1 : i32
    %select_n3A_32 = arith.select %eq3A_30, %jit3A_31, %jit3A_28 : i32
    %rem3A_33 = arith.remsi %jit3A_27, %select_n3A_32 : i32
    %ne3A_34 = arith.constant 0 : i32
    %ne3A_35 = arith.cmpi ne, %rem3A_33, %ne3A_34 : i32
    %lt3A_36 = arith.constant 0 : i32
    %lt3A_37 = arith.cmpi slt, %rem3A_33, %lt3A_36 : i32
    %lt3A_38 = arith.constant 0 : i32
    %lt3A_39 = arith.cmpi slt, %select_n3A_32, %lt3A_38 : i32
    %ne3A_40 = arith.xori %lt3A_37, %lt3A_39 : i1
    %and3A_41 = arith.andi %ne3A_40, %ne3A_35 : i1
    %add3A_42 = arith.addi %rem3A_33, %select_n3A_32 : i32
    %select_n3A_43 = arith.select %and3A_41, %add3A_42, %rem3A_33 : i32
    %eq3A_44 = arith.constant 0 : i32
    %eq3A_45 = arith.cmpi eq, %select_n3A_43, %eq3A_44 : i32
    %convert_element_type3A_46 = arith.extui %eq3A_45 : i1 to i32
    %cond3A_47 = arith.constant 0 : i32
    %cond3A_48 = arith.cmpi ne, %convert_element_type3A_46, %cond3A_47 : i32
    scf.if %cond3A_48 {
      %sub3A_562 = arith.subi %add3A_23, %max3A_26 : i32
      %multiple_of3A = tpu.assume_multiple %sub3A_562, 8 : i32
      "tpu.region"() ({
        %run_scoped3A = tpu.sem_alloc : memref<!tpu.dma_semaphore, #tpu.memory_space<semaphore_mem>>
        %dma_start3A_565 = tpu.memref_slice %arg3[%multiple_of3A] : memref<320000xi32, #tpu.memory_space<hbm>> -> memref<1024xi32, #tpu.memory_space<hbm>>
        %dma_start3A_566 = tpu.memref_slice %arg3[%multiple_of3A] : memref<320000xi32, #tpu.memory_space<hbm>> -> memref<1024xi32, #tpu.memory_space<hbm>>
        tpu.enqueue_dma source(%dma_start3A_566 : memref<1024xi32, #tpu.memory_space<hbm>>) target(%arg5 : memref<1024xi32, #tpu.memory_space<vmem>>) target_semaphore(%run_scoped3A : memref<!tpu.dma_semaphore, #tpu.memory_space<semaphore_mem>>)
        %dma_wait3A_567 = tpu.memref_slice %arg3[%multiple_of3A] : memref<320000xi32, #tpu.memory_space<hbm>> -> memref<1024xi32, #tpu.memory_space<hbm>>
        %dma_wait3A_568 = tpu.memref_slice %arg3[%multiple_of3A] : memref<320000xi32, #tpu.memory_space<hbm>> -> memref<1024xi32, #tpu.memory_space<hbm>>
        tpu.wait_dma2 semaphore(%run_scoped3A : memref<!tpu.dma_semaphore, #tpu.memory_space<semaphore_mem>>) src(%dma_wait3A_568 : memref<1024xi32, #tpu.memory_space<hbm>>) dst(%arg5 : memref<1024xi32, #tpu.memory_space<vmem>>)
        tpu.yield
      }) : () -> ()
      %add3A_563 = arith.constant 160000 : i32
      %add3A_564 = arith.addi %add3A_563, %multiple_of3A : i32
      "tpu.region"() ({
        %run_scoped3A = tpu.sem_alloc : memref<!tpu.dma_semaphore, #tpu.memory_space<semaphore_mem>>
        %dma_start3A_565 = tpu.memref_slice %arg3[%add3A_564] : memref<320000xi32, #tpu.memory_space<hbm>> -> memref<1024xi32, #tpu.memory_space<hbm>>
        %dma_start3A_566 = tpu.memref_slice %arg3[%add3A_564] : memref<320000xi32, #tpu.memory_space<hbm>> -> memref<1024xi32, #tpu.memory_space<hbm>>
        tpu.enqueue_dma source(%dma_start3A_566 : memref<1024xi32, #tpu.memory_space<hbm>>) target(%arg6 : memref<1024xi32, #tpu.memory_space<vmem>>) target_semaphore(%run_scoped3A : memref<!tpu.dma_semaphore, #tpu.memory_space<semaphore_mem>>)
        %dma_wait3A_567 = tpu.memref_slice %arg3[%add3A_564] : memref<320000xi32, #tpu.memory_space<hbm>> -> memref<1024xi32, #tpu.memory_space<hbm>>
        %dma_wait3A_568 = tpu.memref_slice %arg3[%add3A_564] : memref<320000xi32, #tpu.memory_space<hbm>> -> memref<1024xi32, #tpu.memory_space<hbm>>
        tpu.wait_dma2 semaphore(%run_scoped3A : memref<!tpu.dma_semaphore, #tpu.memory_space<semaphore_mem>>) src(%dma_wait3A_568 : memref<1024xi32, #tpu.memory_space<hbm>>) dst(%arg6 : memref<1024xi32, #tpu.memory_space<vmem>>)
        tpu.yield
      }) : () -> ()
    } else {
    }
    %jit3A_49 = arith.constant 0 : i32
    %jit3A_50 = arith.constant 8 : i32
    %eq3A_51 = arith.constant 0 : i32
    %eq3A_52 = arith.cmpi eq, %jit3A_50, %eq3A_51 : i32
    %jit3A_53 = arith.constant 1 : i32
    %select_n3A_54 = arith.select %eq3A_52, %jit3A_53, %jit3A_50 : i32
    %rem3A_55 = arith.remsi %jit3A_49, %select_n3A_54 : i32
    %ne3A_56 = arith.constant 0 : i32
    %ne3A_57 = arith.cmpi ne, %rem3A_55, %ne3A_56 : i32
    %lt3A_58 = arith.constant 0 : i32
    %lt3A_59 = arith.cmpi slt, %rem3A_55, %lt3A_58 : i32
    %lt3A_60 = arith.constant 0 : i32
    %lt3A_61 = arith.cmpi slt, %select_n3A_54, %lt3A_60 : i32
    %ne3A_62 = arith.xori %lt3A_59, %lt3A_61 : i1
    %and3A_63 = arith.andi %ne3A_62, %ne3A_57 : i1
    %add3A_64 = arith.addi %rem3A_55, %select_n3A_54 : i32
    %select_n3A_65 = arith.select %and3A_63, %add3A_64, %rem3A_55 : i32
    %mul3A_66 = arith.constant 128 : i32
    %mul3A_67 = arith.muli %select_n3A_65, %mul3A_66 : i32
    %add3A_68 = arith.addi %max3A_26, %mul3A_67 : i32
    %add3A_69 = arith.constant 0 : i32
    %add3A_70 = arith.addi %add3A_68, %add3A_69 : i32
    %get3A = arith.index_cast %add3A_70 : i32 to index
    %get3A_71 = tpu.vector_load %arg5[%get3A] {strides = array<i32>} : memref<1024xi32, #tpu.memory_space<vmem>>, vector<16xi32>,
    %get3A_72 = vector.shape_cast %get3A_71 : vector<16xi32> to vector<16xi32>
    %mul3A_73 = arith.constant 2 : i32
    %mul3A_74 = vector.broadcast %mul3A_73 : i32 to vector<16xi32>
    %mul3A_75 = arith.muli %get3A_72, %mul3A_74 : vector<16xi32>
    %add3A_76 = vector.broadcast %arg0 : i32 to vector<16xi32>
    %add3A_77 = arith.addi %mul3A_75, %add3A_76 : vector<16xi32>
    %swap3A = arith.constant 0 : index
    %swap3A_78 = tpu.vector_load %arg7[%swap3A] {strides = array<i32>} : memref<128xi32, #tpu.memory_space<vmem>>, vector<16xi32>,
    %swap3A_79 = vector.shape_cast %swap3A_78 : vector<16xi32> to vector<16xi32>
    %swap3A_80 = vector.shape_cast %add3A_77 : vector<16xi32> to vector<16xi32>
    tpu.vector_store %arg7[%swap3A], %swap3A_80 {strides = array<i32>} : memref<128xi32, #tpu.memory_space<vmem>>, vector<16xi32>,
    %add3A_81 = arith.constant 0 : i32
    %add3A_82 = arith.addi %add3A_68, %add3A_81 : i32
    %get3A_83 = arith.index_cast %add3A_82 : i32 to index
    %get3A_84 = tpu.vector_load %arg6[%get3A_83] {strides = array<i32>} : memref<1024xi32, #tpu.memory_space<vmem>>, vector<16xi32>,
    %get3A_85 = vector.shape_cast %get3A_84 : vector<16xi32> to vector<16xi32>
    %swap3A_86 = arith.constant 0 : index
    %swap3A_87 = tpu.vector_load %arg8[%swap3A_86] {strides = array<i32>} : memref<128xi32, #tpu.memory_space<vmem>>, vector<16xi32>,
    %swap3A_88 = vector.shape_cast %swap3A_87 : vector<16xi32> to vector<16xi32>
    %swap3A_89 = vector.shape_cast %get3A_85 : vector<16xi32> to vector<16xi32>
    tpu.vector_store %arg8[%swap3A_86], %swap3A_89 {strides = array<i32>} : memref<128xi32, #tpu.memory_space<vmem>>, vector<16xi32>,
    %add3A_90 = arith.constant 16 : i32
    %add3A_91 = arith.addi %add3A_68, %add3A_90 : i32
    %get3A_92 = arith.index_cast %add3A_91 : i32 to index
    %get3A_93 = tpu.vector_load %arg5[%get3A_92] {strides = array<i32>} : memref<1024xi32, #tpu.memory_space<vmem>>, vector<16xi32>,
    %get3A_94 = vector.shape_cast %get3A_93 : vector<16xi32> to vector<16xi32>
    %mul3A_95 = arith.constant 2 : i32
    %mul3A_96 = vector.broadcast %mul3A_95 : i32 to vector<16xi32>
    %mul3A_97 = arith.muli %get3A_94, %mul3A_96 : vector<16xi32>
    %add3A_98 = vector.broadcast %arg0 : i32 to vector<16xi32>
    %add3A_99 = arith.addi %mul3A_97, %add3A_98 : vector<16xi32>
    %swap3A_100 = arith.constant 16 : index
    %swap3A_101 = tpu.vector_load %arg7[%swap3A_100] {strides = array<i32>} : memref<128xi32, #tpu.memory_space<vmem>>, vector<16xi32>,
    %swap3A_102 = vector.shape_cast %swap3A_101 : vector<16xi32> to vector<16xi32>
    %swap3A_103 = vector.shape_cast %add3A_99 : vector<16xi32> to vector<16xi32>
    tpu.vector_store %arg7[%swap3A_100], %swap3A_103 {strides = array<i32>} : memref<128xi32, #tpu.memory_space<vmem>>, vector<16xi32>,
    %add3A_104 = arith.constant 16 : i32
    %add3A_105 = arith.addi %add3A_68, %add3A_104 : i32
    %get3A_106 = arith.index_cast %add3A_105 : i32 to index
    %get3A_107 = tpu.vector_load %arg6[%get3A_106] {strides = array<i32>} : memref<1024xi32, #tpu.memory_space<vmem>>, vector<16xi32>,
    %get3A_108 = vector.shape_cast %get3A_107 : vector<16xi32> to vector<16xi32>
    %swap3A_109 = arith.constant 16 : index
    %swap3A_110 = tpu.vector_load %arg8[%swap3A_109] {strides = array<i32>} : memref<128xi32, #tpu.memory_space<vmem>>, vector<16xi32>,
    %swap3A_111 = vector.shape_cast %swap3A_110 : vector<16xi32> to vector<16xi32>
    %swap3A_112 = vector.shape_cast %get3A_108 : vector<16xi32> to vector<16xi32>
    tpu.vector_store %arg8[%swap3A_109], %swap3A_112 {strides = array<i32>} : memref<128xi32, #tpu.memory_space<vmem>>, vector<16xi32>,
    %add3A_113 = arith.constant 32 : i32
    %add3A_114 = arith.addi %add3A_68, %add3A_113 : i32
    %get3A_115 = arith.index_cast %add3A_114 : i32 to index
    %get3A_116 = tpu.vector_load %arg5[%get3A_115] {strides = array<i32>} : memref<1024xi32, #tpu.memory_space<vmem>>, vector<16xi32>,
    %get3A_117 = vector.shape_cast %get3A_116 : vector<16xi32> to vector<16xi32>
    %mul3A_118 = arith.constant 2 : i32
    %mul3A_119 = vector.broadcast %mul3A_118 : i32 to vector<16xi32>
    %mul3A_120 = arith.muli %get3A_117, %mul3A_119 : vector<16xi32>
    %add3A_121 = vector.broadcast %arg0 : i32 to vector<16xi32>
    %add3A_122 = arith.addi %mul3A_120, %add3A_121 : vector<16xi32>
    %swap3A_123 = arith.constant 32 : index
    %swap3A_124 = tpu.vector_load %arg7[%swap3A_123] {strides = array<i32>} : memref<128xi32, #tpu.memory_space<vmem>>, vector<16xi32>,
    %swap3A_125 = vector.shape_cast %swap3A_124 : vector<16xi32> to vector<16xi32>
    %swap3A_126 = vector.shape_cast %add3A_122 : vector<16xi32> to vector<16xi32>
    tpu.vector_store %arg7[%swap3A_123], %swap3A_126 {strides = array<i32>} : memref<128xi32, #tpu.memory_space<vmem>>, vector<16xi32>,
    %add3A_127 = arith.constant 32 : i32
    %add3A_128 = arith.addi %add3A_68, %add3A_127 : i32
    %get3A_129 = arith.index_cast %add3A_128 : i32 to index
    %get3A_130 = tpu.vector_load %arg6[%get3A_129] {strides = array<i32>} : memref<1024xi32, #tpu.memory_space<vmem>>, vector<16xi32>,
    %get3A_131 = vector.shape_cast %get3A_130 : vector<16xi32> to vector<16xi32>
    %swap3A_132 = arith.constant 32 : index
    %swap3A_133 = tpu.vector_load %arg8[%swap3A_132] {strides = array<i32>} : memref<128xi32, #tpu.memory_space<vmem>>, vector<16xi32>,
    %swap3A_134 = vector.shape_cast %swap3A_133 : vector<16xi32> to vector<16xi32>
    %swap3A_135 = vector.shape_cast %get3A_131 : vector<16xi32> to vector<16xi32>
    tpu.vector_store %arg8[%swap3A_132], %swap3A_135 {strides = array<i32>} : memref<128xi32, #tpu.memory_space<vmem>>, vector<16xi32>,
    %add3A_136 = arith.constant 48 : i32
    %add3A_137 = arith.addi %add3A_68, %add3A_136 : i32
    %get3A_138 = arith.index_cast %add3A_137 : i32 to index
    %get3A_139 = tpu.vector_load %arg5[%get3A_138] {strides = array<i32>} : memref<1024xi32, #tpu.memory_space<vmem>>, vector<16xi32>,
    %get3A_140 = vector.shape_cast %get3A_139 : vector<16xi32> to vector<16xi32>
    %mul3A_141 = arith.constant 2 : i32
    %mul3A_142 = vector.broadcast %mul3A_141 : i32 to vector<16xi32>
    %mul3A_143 = arith.muli %get3A_140, %mul3A_142 : vector<16xi32>
    %add3A_144 = vector.broadcast %arg0 : i32 to vector<16xi32>
    %add3A_145 = arith.addi %mul3A_143, %add3A_144 : vector<16xi32>
    %swap3A_146 = arith.constant 48 : index
    %swap3A_147 = tpu.vector_load %arg7[%swap3A_146] {strides = array<i32>} : memref<128xi32, #tpu.memory_space<vmem>>, vector<16xi32>,
    %swap3A_148 = vector.shape_cast %swap3A_147 : vector<16xi32> to vector<16xi32>
    %swap3A_149 = vector.shape_cast %add3A_145 : vector<16xi32> to vector<16xi32>
    tpu.vector_store %arg7[%swap3A_146], %swap3A_149 {strides = array<i32>} : memref<128xi32, #tpu.memory_space<vmem>>, vector<16xi32>,
    %add3A_150 = arith.constant 48 : i32
    %add3A_151 = arith.addi %add3A_68, %add3A_150 : i32
    %get3A_152 = arith.index_cast %add3A_151 : i32 to index
    %get3A_153 = tpu.vector_load %arg6[%get3A_152] {strides = array<i32>} : memref<1024xi32, #tpu.memory_space<vmem>>, vector<16xi32>,
    %get3A_154 = vector.shape_cast %get3A_153 : vector<16xi32> to vector<16xi32>
    %swap3A_155 = arith.constant 48 : index
    %swap3A_156 = tpu.vector_load %arg8[%swap3A_155] {strides = array<i32>} : memref<128xi32, #tpu.memory_space<vmem>>, vector<16xi32>,
    %swap3A_157 = vector.shape_cast %swap3A_156 : vector<16xi32> to vector<16xi32>
    %swap3A_158 = vector.shape_cast %get3A_154 : vector<16xi32> to vector<16xi32>
    tpu.vector_store %arg8[%swap3A_155], %swap3A_158 {strides = array<i32>} : memref<128xi32, #tpu.memory_space<vmem>>, vector<16xi32>,
    %add3A_159 = arith.constant 64 : i32
    %add3A_160 = arith.addi %add3A_68, %add3A_159 : i32
    %get3A_161 = arith.index_cast %add3A_160 : i32 to index
    %get3A_162 = tpu.vector_load %arg5[%get3A_161] {strides = array<i32>} : memref<1024xi32, #tpu.memory_space<vmem>>, vector<16xi32>,
    %get3A_163 = vector.shape_cast %get3A_162 : vector<16xi32> to vector<16xi32>
    %mul3A_164 = arith.constant 2 : i32
    %mul3A_165 = vector.broadcast %mul3A_164 : i32 to vector<16xi32>
    %mul3A_166 = arith.muli %get3A_163, %mul3A_165 : vector<16xi32>
    %add3A_167 = vector.broadcast %arg0 : i32 to vector<16xi32>
    %add3A_168 = arith.addi %mul3A_166, %add3A_167 : vector<16xi32>
    %swap3A_169 = arith.constant 64 : index
    %swap3A_170 = tpu.vector_load %arg7[%swap3A_169] {strides = array<i32>} : memref<128xi32, #tpu.memory_space<vmem>>, vector<16xi32>,
    %swap3A_171 = vector.shape_cast %swap3A_170 : vector<16xi32> to vector<16xi32>
    %swap3A_172 = vector.shape_cast %add3A_168 : vector<16xi32> to vector<16xi32>
    tpu.vector_store %arg7[%swap3A_169], %swap3A_172 {strides = array<i32>} : memref<128xi32, #tpu.memory_space<vmem>>, vector<16xi32>,
    %add3A_173 = arith.constant 64 : i32
    %add3A_174 = arith.addi %add3A_68, %add3A_173 : i32
    %get3A_175 = arith.index_cast %add3A_174 : i32 to index
    %get3A_176 = tpu.vector_load %arg6[%get3A_175] {strides = array<i32>} : memref<1024xi32, #tpu.memory_space<vmem>>, vector<16xi32>,
    %get3A_177 = vector.shape_cast %get3A_176 : vector<16xi32> to vector<16xi32>
    %swap3A_178 = arith.constant 64 : index
    %swap3A_179 = tpu.vector_load %arg8[%swap3A_178] {strides = array<i32>} : memref<128xi32, #tpu.memory_space<vmem>>, vector<16xi32>,
    %swap3A_180 = vector.shape_cast %swap3A_179 : vector<16xi32> to vector<16xi32>
    %swap3A_181 = vector.shape_cast %get3A_177 : vector<16xi32> to vector<16xi32>
    tpu.vector_store %arg8[%swap3A_178], %swap3A_181 {strides = array<i32>} : memref<128xi32, #tpu.memory_space<vmem>>, vector<16xi32>,
    %add3A_182 = arith.constant 80 : i32
    %add3A_183 = arith.addi %add3A_68, %add3A_182 : i32
    %get3A_184 = arith.index_cast %add3A_183 : i32 to index
    %get3A_185 = tpu.vector_load %arg5[%get3A_184] {strides = array<i32>} : memref<1024xi32, #tpu.memory_space<vmem>>, vector<16xi32>,
    %get3A_186 = vector.shape_cast %get3A_185 : vector<16xi32> to vector<16xi32>
    %mul3A_187 = arith.constant 2 : i32
    %mul3A_188 = vector.broadcast %mul3A_187 : i32 to vector<16xi32>
    %mul3A_189 = arith.muli %get3A_186, %mul3A_188 : vector<16xi32>
    %add3A_190 = vector.broadcast %arg0 : i32 to vector<16xi32>
    %add3A_191 = arith.addi %mul3A_189, %add3A_190 : vector<16xi32>
    %swap3A_192 = arith.constant 80 : index
    %swap3A_193 = tpu.vector_load %arg7[%swap3A_192] {strides = array<i32>} : memref<128xi32, #tpu.memory_space<vmem>>, vector<16xi32>,
    %swap3A_194 = vector.shape_cast %swap3A_193 : vector<16xi32> to vector<16xi32>
    %swap3A_195 = vector.shape_cast %add3A_191 : vector<16xi32> to vector<16xi32>
    tpu.vector_store %arg7[%swap3A_192], %swap3A_195 {strides = array<i32>} : memref<128xi32, #tpu.memory_space<vmem>>, vector<16xi32>,
    %add3A_196 = arith.constant 80 : i32
    %add3A_197 = arith.addi %add3A_68, %add3A_196 : i32
    %get3A_198 = arith.index_cast %add3A_197 : i32 to index
    %get3A_199 = tpu.vector_load %arg6[%get3A_198] {strides = array<i32>} : memref<1024xi32, #tpu.memory_space<vmem>>, vector<16xi32>,
    %get3A_200 = vector.shape_cast %get3A_199 : vector<16xi32> to vector<16xi32>
    %swap3A_201 = arith.constant 80 : index
    %swap3A_202 = tpu.vector_load %arg8[%swap3A_201] {strides = array<i32>} : memref<128xi32, #tpu.memory_space<vmem>>, vector<16xi32>,
    %swap3A_203 = vector.shape_cast %swap3A_202 : vector<16xi32> to vector<16xi32>
    %swap3A_204 = vector.shape_cast %get3A_200 : vector<16xi32> to vector<16xi32>
    tpu.vector_store %arg8[%swap3A_201], %swap3A_204 {strides = array<i32>} : memref<128xi32, #tpu.memory_space<vmem>>, vector<16xi32>,
    %add3A_205 = arith.constant 96 : i32
    %add3A_206 = arith.addi %add3A_68, %add3A_205 : i32
    %get3A_207 = arith.index_cast %add3A_206 : i32 to index
    %get3A_208 = tpu.vector_load %arg5[%get3A_207] {strides = array<i32>} : memref<1024xi32, #tpu.memory_space<vmem>>, vector<16xi32>,
    %get3A_209 = vector.shape_cast %get3A_208 : vector<16xi32> to vector<16xi32>
    %mul3A_210 = arith.constant 2 : i32
    %mul3A_211 = vector.broadcast %mul3A_210 : i32 to vector<16xi32>
    %mul3A_212 = arith.muli %get3A_209, %mul3A_211 : vector<16xi32>
    %add3A_213 = vector.broadcast %arg0 : i32 to vector<16xi32>
    %add3A_214 = arith.addi %mul3A_212, %add3A_213 : vector<16xi32>
    %swap3A_215 = arith.constant 96 : index
    %swap3A_216 = tpu.vector_load %arg7[%swap3A_215] {strides = array<i32>} : memref<128xi32, #tpu.memory_space<vmem>>, vector<16xi32>,
    %swap3A_217 = vector.shape_cast %swap3A_216 : vector<16xi32> to vector<16xi32>
    %swap3A_218 = vector.shape_cast %add3A_214 : vector<16xi32> to vector<16xi32>
    tpu.vector_store %arg7[%swap3A_215], %swap3A_218 {strides = array<i32>} : memref<128xi32, #tpu.memory_space<vmem>>, vector<16xi32>,
    %add3A_219 = arith.constant 96 : i32
    %add3A_220 = arith.addi %add3A_68, %add3A_219 : i32
    %get3A_221 = arith.index_cast %add3A_220 : i32 to index
    %get3A_222 = tpu.vector_load %arg6[%get3A_221] {strides = array<i32>} : memref<1024xi32, #tpu.memory_space<vmem>>, vector<16xi32>,
    %get3A_223 = vector.shape_cast %get3A_222 : vector<16xi32> to vector<16xi32>
    %swap3A_224 = arith.constant 96 : index
    %swap3A_225 = tpu.vector_load %arg8[%swap3A_224] {strides = array<i32>} : memref<128xi32, #tpu.memory_space<vmem>>, vector<16xi32>,
    %swap3A_226 = vector.shape_cast %swap3A_225 : vector<16xi32> to vector<16xi32>
    %swap3A_227 = vector.shape_cast %get3A_223 : vector<16xi32> to vector<16xi32>
    tpu.vector_store %arg8[%swap3A_224], %swap3A_227 {strides = array<i32>} : memref<128xi32, #tpu.memory_space<vmem>>, vector<16xi32>,
    %add3A_228 = arith.constant 112 : i32
    %add3A_229 = arith.addi %add3A_68, %add3A_228 : i32
    %get3A_230 = arith.index_cast %add3A_229 : i32 to index
    %get3A_231 = tpu.vector_load %arg5[%get3A_230] {strides = array<i32>} : memref<1024xi32, #tpu.memory_space<vmem>>, vector<16xi32>,
    %get3A_232 = vector.shape_cast %get3A_231 : vector<16xi32> to vector<16xi32>
    %mul3A_233 = arith.constant 2 : i32
    %mul3A_234 = vector.broadcast %mul3A_233 : i32 to vector<16xi32>
    %mul3A_235 = arith.muli %get3A_232, %mul3A_234 : vector<16xi32>
    %add3A_236 = vector.broadcast %arg0 : i32 to vector<16xi32>
    %add3A_237 = arith.addi %mul3A_235, %add3A_236 : vector<16xi32>
    %swap3A_238 = arith.constant 112 : index
    %swap3A_239 = tpu.vector_load %arg7[%swap3A_238] {strides = array<i32>} : memref<128xi32, #tpu.memory_space<vmem>>, vector<16xi32>,
    %swap3A_240 = vector.shape_cast %swap3A_239 : vector<16xi32> to vector<16xi32>
    %swap3A_241 = vector.shape_cast %add3A_237 : vector<16xi32> to vector<16xi32>
    tpu.vector_store %arg7[%swap3A_238], %swap3A_241 {strides = array<i32>} : memref<128xi32, #tpu.memory_space<vmem>>, vector<16xi32>,
    %add3A_242 = arith.constant 112 : i32
    %add3A_243 = arith.addi %add3A_68, %add3A_242 : i32
    %get3A_244 = arith.index_cast %add3A_243 : i32 to index
    %get3A_245 = tpu.vector_load %arg6[%get3A_244] {strides = array<i32>} : memref<1024xi32, #tpu.memory_space<vmem>>, vector<16xi32>,
    %get3A_246 = vector.shape_cast %get3A_245 : vector<16xi32> to vector<16xi32>
    %swap3A_247 = arith.constant 112 : index
    %swap3A_248 = tpu.vector_load %arg8[%swap3A_247] {strides = array<i32>} : memref<128xi32, #tpu.memory_space<vmem>>, vector<16xi32>,
    %swap3A_249 = vector.shape_cast %swap3A_248 : vector<16xi32> to vector<16xi32>
    %swap3A_250 = vector.shape_cast %get3A_246 : vector<16xi32> to vector<16xi32>
    tpu.vector_store %arg8[%swap3A_247], %swap3A_250 {strides = array<i32>} : memref<128xi32, #tpu.memory_space<vmem>>, vector<16xi32>,
    %dma_start3A = arith.constant 0 : i32
    %dma_start3A_251 = arith.constant 0 : i32
    %dma_start3A_252 = tpu.memref_slice %arg2[%dma_start3A, %dma_start3A_251] : memref<20000x128xf32, #tpu.memory_space<hbm>> -> memref<20000x128xf32, #tpu.memory_space<hbm>>
    tpu.enqueue_indirect_dma source(%dma_start3A_252 : memref<20000x128xf32, #tpu.memory_space<hbm>>) target(%arg11 : memref<128x128xf32, #tpu.memory_space<vmem>>) offsets(%arg7 : memref<128xi32, #tpu.memory_space<vmem>>) semaphore(%arg15 : memref<!tpu.dma_semaphore, #tpu.memory_space<semaphore_mem>>)
    %jit3A_253 = arith.constant 1 : i32
    %jit3A_254 = arith.constant 8 : i32
    %eq3A_255 = arith.constant 0 : i32
    %eq3A_256 = arith.cmpi eq, %jit3A_254, %eq3A_255 : i32
    %jit3A_257 = arith.constant 1 : i32
    %select_n3A_258 = arith.select %eq3A_256, %jit3A_257, %jit3A_254 : i32
    %rem3A_259 = arith.remsi %jit3A_253, %select_n3A_258 : i32
    %ne3A_260 = arith.constant 0 : i32
    %ne3A_261 = arith.cmpi ne, %rem3A_259, %ne3A_260 : i32
    %lt3A_262 = arith.constant 0 : i32
    %lt3A_263 = arith.cmpi slt, %rem3A_259, %lt3A_262 : i32
    %lt3A_264 = arith.constant 0 : i32
    %lt3A_265 = arith.cmpi slt, %select_n3A_258, %lt3A_264 : i32
    %ne3A_266 = arith.xori %lt3A_263, %lt3A_265 : i1
    %and3A_267 = arith.andi %ne3A_266, %ne3A_261 : i1
    %add3A_268 = arith.addi %rem3A_259, %select_n3A_258 : i32
    %select_n3A_269 = arith.select %and3A_267, %add3A_268, %rem3A_259 : i32
    %sub3A_270 = arith.constant 1 : i32
    %sub3A_271 = arith.subi %sub3A_270, %select_n3A_269 : i32
    %mul3A_272 = arith.constant 128 : i32
    %mul3A_273 = arith.muli %sub3A_271, %mul3A_272 : i32
    %add3A_274 = arith.addi %mul3A_9, %mul3A_273 : i32
    %sub3A_275 = arith.constant 158976 : i32
    %sub3A_276 = arith.subi %add3A_274, %sub3A_275 : i32
    %max3A_277 = arith.constant 0 : i32
    %max3A_278 = arith.maxsi %sub3A_276, %max3A_277 : i32
    %jit3A_279 = arith.constant 1 : i32
    %jit3A_280 = arith.constant 8 : i32
    %eq3A_281 = arith.constant 0 : i32
    %eq3A_282 = arith.cmpi eq, %jit3A_280, %eq3A_281 : i32
    %jit3A_283 = arith.constant 1 : i32
    %select_n3A_284 = arith.select %eq3A_282, %jit3A_283, %jit3A_280 : i32
    %rem3A_285 = arith.remsi %jit3A_279, %select_n3A_284 : i32
    %ne3A_286 = arith.constant 0 : i32
    %ne3A_287 = arith.cmpi ne, %rem3A_285, %ne3A_286 : i32
    %lt3A_288 = arith.constant 0 : i32
    %lt3A_289 = arith.cmpi slt, %rem3A_285, %lt3A_288 : i32
    %lt3A_290 = arith.constant 0 : i32
    %lt3A_291 = arith.cmpi slt, %select_n3A_284, %lt3A_290 : i32
    %ne3A_292 = arith.xori %lt3A_289, %lt3A_291 : i1
    %and3A_293 = arith.andi %ne3A_292, %ne3A_287 : i1
    %add3A_294 = arith.addi %rem3A_285, %select_n3A_284 : i32
    %select_n3A_295 = arith.select %and3A_293, %add3A_294, %rem3A_285 : i32
    %eq3A_296 = arith.constant 0 : i32
    %eq3A_297 = arith.cmpi eq, %select_n3A_295, %eq3A_296 : i32
    %convert_element_type3A_298 = arith.extui %eq3A_297 : i1 to i32
    %cond3A_299 = arith.constant 0 : i32
    %cond3A_300 = arith.cmpi ne, %convert_element_type3A_298, %cond3A_299 : i32
    scf.if %cond3A_300 {
      %sub3A_562 = arith.subi %add3A_274, %max3A_278 : i32
      %multiple_of3A = tpu.assume_multiple %sub3A_562, 8 : i32
      "tpu.region"() ({
        %run_scoped3A = tpu.sem_alloc : memref<!tpu.dma_semaphore, #tpu.memory_space<semaphore_mem>>
        %dma_start3A_565 = tpu.memref_slice %arg3[%multiple_of3A] : memref<320000xi32, #tpu.memory_space<hbm>> -> memref<1024xi32, #tpu.memory_space<hbm>>
        %dma_start3A_566 = tpu.memref_slice %arg3[%multiple_of3A] : memref<320000xi32, #tpu.memory_space<hbm>> -> memref<1024xi32, #tpu.memory_space<hbm>>
        tpu.enqueue_dma source(%dma_start3A_566 : memref<1024xi32, #tpu.memory_space<hbm>>) target(%arg5 : memref<1024xi32, #tpu.memory_space<vmem>>) target_semaphore(%run_scoped3A : memref<!tpu.dma_semaphore, #tpu.memory_space<semaphore_mem>>)
        %dma_wait3A_567 = tpu.memref_slice %arg3[%multiple_of3A] : memref<320000xi32, #tpu.memory_space<hbm>> -> memref<1024xi32, #tpu.memory_space<hbm>>
        %dma_wait3A_568 = tpu.memref_slice %arg3[%multiple_of3A] : memref<320000xi32, #tpu.memory_space<hbm>> -> memref<1024xi32, #tpu.memory_space<hbm>>
        tpu.wait_dma2 semaphore(%run_scoped3A : memref<!tpu.dma_semaphore, #tpu.memory_space<semaphore_mem>>) src(%dma_wait3A_568 : memref<1024xi32, #tpu.memory_space<hbm>>) dst(%arg5 : memref<1024xi32, #tpu.memory_space<vmem>>)
        tpu.yield
      }) : () -> ()
      %add3A_563 = arith.constant 160000 : i32
      %add3A_564 = arith.addi %add3A_563, %multiple_of3A : i32
      "tpu.region"() ({
        %run_scoped3A = tpu.sem_alloc : memref<!tpu.dma_semaphore, #tpu.memory_space<semaphore_mem>>
        %dma_start3A_565 = tpu.memref_slice %arg3[%add3A_564] : memref<320000xi32, #tpu.memory_space<hbm>> -> memref<1024xi32, #tpu.memory_space<hbm>>
        %dma_start3A_566 = tpu.memref_slice %arg3[%add3A_564] : memref<320000xi32, #tpu.memory_space<hbm>> -> memref<1024xi32, #tpu.memory_space<hbm>>
        tpu.enqueue_dma source(%dma_start3A_566 : memref<1024xi32, #tpu.memory_space<hbm>>) target(%arg6 : memref<1024xi32, #tpu.memory_space<vmem>>) target_semaphore(%run_scoped3A : memref<!tpu.dma_semaphore, #tpu.memory_space<semaphore_mem>>)
        %dma_wait3A_567 = tpu.memref_slice %arg3[%add3A_564] : memref<320000xi32, #tpu.memory_space<hbm>> -> memref<1024xi32, #tpu.memory_space<hbm>>
        %dma_wait3A_568 = tpu.memref_slice %arg3[%add3A_564] : memref<320000xi32, #tpu.memory_space<hbm>> -> memref<1024xi32, #tpu.memory_space<hbm>>
        tpu.wait_dma2 semaphore(%run_scoped3A : memref<!tpu.dma_semaphore, #tpu.memory_space<semaphore_mem>>) src(%dma_wait3A_568 : memref<1024xi32, #tpu.memory_space<hbm>>) dst(%arg6 : memref<1024xi32, #tpu.memory_space<vmem>>)
        tpu.yield
      }) : () -> ()
    } else {
    }
    %jit3A_301 = arith.constant 1 : i32
    %jit3A_302 = arith.constant 8 : i32
    %eq3A_303 = arith.constant 0 : i32
    %eq3A_304 = arith.cmpi eq, %jit3A_302, %eq3A_303 : i32
    %jit3A_305 = arith.constant 1 : i32
    %select_n3A_306 = arith.select %eq3A_304, %jit3A_305, %jit3A_302 : i32
    %rem3A_307 = arith.remsi %jit3A_301, %select_n3A_306 : i32
    %ne3A_308 = arith.constant 0 : i32
    %ne3A_309 = arith.cmpi ne, %rem3A_307, %ne3A_308 : i32
    %lt3A_310 = arith.constant 0 : i32
    %lt3A_311 = arith.cmpi slt, %rem3A_307, %lt3A_310 : i32
    %lt3A_312 = arith.constant 0 : i32
    %lt3A_313 = arith.cmpi slt, %select_n3A_306, %lt3A_312 : i32
    %ne3A_314 = arith.xori %lt3A_311, %lt3A_313 : i1
    %and3A_315 = arith.andi %ne3A_314, %ne3A_309 : i1
    %add3A_316 = arith.addi %rem3A_307, %select_n3A_306 : i32
    %select_n3A_317 = arith.select %and3A_315, %add3A_316, %rem3A_307 : i32
    %mul3A_318 = arith.constant 128 : i32
    %mul3A_319 = arith.muli %select_n3A_317, %mul3A_318 : i32
    %add3A_320 = arith.addi %max3A_278, %mul3A_319 : i32
    %add3A_321 = arith.constant 0 : i32
    %add3A_322 = arith.addi %add3A_320, %add3A_321 : i32
    %get3A_323 = arith.index_cast %add3A_322 : i32 to index
    %get3A_324 = tpu.vector_load %arg5[%get3A_323] {strides = array<i32>} : memref<1024xi32, #tpu.memory_space<vmem>>, vector<16xi32>,
    %get3A_325 = vector.shape_cast %get3A_324 : vector<16xi32> to vector<16xi32>
    %mul3A_326 = arith.constant 2 : i32
    %mul3A_327 = vector.broadcast %mul3A_326 : i32 to vector<16xi32>
    %mul3A_328 = arith.muli %get3A_325, %mul3A_327 : vector<16xi32>
    %add3A_329 = vector.broadcast %arg0 : i32 to vector<16xi32>
    %add3A_330 = arith.addi %mul3A_328, %add3A_329 : vector<16xi32>
    %swap3A_331 = arith.constant 0 : index
    %swap3A_332 = tpu.vector_load %arg9[%swap3A_331] {strides = array<i32>} : memref<128xi32, #tpu.memory_space<vmem>>, vector<16xi32>,
    %swap3A_333 = vector.shape_cast %swap3A_332 : vector<16xi32> to vector<16xi32>
    %swap3A_334 = vector.shape_cast %add3A_330 : vector<16xi32> to vector<16xi32>
    tpu.vector_store %arg9[%swap3A_331], %swap3A_334 {strides = array<i32>} : memref<128xi32, #tpu.memory_space<vmem>>, vector<16xi32>,
    %add3A_335 = arith.constant 0 : i32
    %add3A_336 = arith.addi %add3A_320, %add3A_335 : i32
    %get3A_337 = arith.index_cast %add3A_336 : i32 to index
    %get3A_338 = tpu.vector_load %arg6[%get3A_337] {strides = array<i32>} : memref<1024xi32, #tpu.memory_space<vmem>>, vector<16xi32>,
    %get3A_339 = vector.shape_cast %get3A_338 : vector<16xi32> to vector<16xi32>
    %swap3A_340 = arith.constant 0 : index
    %swap3A_341 = tpu.vector_load %arg10[%swap3A_340] {strides = array<i32>} : memref<128xi32, #tpu.memory_space<vmem>>, vector<16xi32>,
    %swap3A_342 = vector.shape_cast %swap3A_341 : vector<16xi32> to vector<16xi32>
    %swap3A_343 = vector.shape_cast %get3A_339 : vector<16xi32> to vector<16xi32>
    tpu.vector_store %arg10[%swap3A_340], %swap3A_343 {strides = array<i32>} : memref<128xi32, #tpu.memory_space<vmem>>, vector<16xi32>,
    %add3A_344 = arith.constant 16 : i32
    %add3A_345 = arith.addi %add3A_320, %add3A_344 : i32
    %get3A_346 = arith.index_cast %add3A_345 : i32 to index
    %get3A_347 = tpu.vector_load %arg5[%get3A_346] {strides = array<i32>} : memref<1024xi32, #tpu.memory_space<vmem>>, vector<16xi32>,
    %get3A_348 = vector.shape_cast %get3A_347 : vector<16xi32> to vector<16xi32>
    %mul3A_349 = arith.constant 2 : i32
    %mul3A_350 = vector.broadcast %mul3A_349 : i32 to vector<16xi32>
    %mul3A_351 = arith.muli %get3A_348, %mul3A_350 : vector<16xi32>
    %add3A_352 = vector.broadcast %arg0 : i32 to vector<16xi32>
    %add3A_353 = arith.addi %mul3A_351, %add3A_352 : vector<16xi32>
    %swap3A_354 = arith.constant 16 : index
    %swap3A_355 = tpu.vector_load %arg9[%swap3A_354] {strides = array<i32>} : memref<128xi32, #tpu.memory_space<vmem>>, vector<16xi32>,
    %swap3A_356 = vector.shape_cast %swap3A_355 : vector<16xi32> to vector<16xi32>
    %swap3A_357 = vector.shape_cast %add3A_353 : vector<16xi32> to vector<16xi32>
    tpu.vector_store %arg9[%swap3A_354], %swap3A_357 {strides = array<i32>} : memref<128xi32, #tpu.memory_space<vmem>>, vector<16xi32>,
    %add3A_358 = arith.constant 16 : i32
    %add3A_359 = arith.addi %add3A_320, %add3A_358 : i32
    %get3A_360 = arith.index_cast %add3A_359 : i32 to index
    %get3A_361 = tpu.vector_load %arg6[%get3A_360] {strides = array<i32>} : memref<1024xi32, #tpu.memory_space<vmem>>, vector<16xi32>,
    %get3A_362 = vector.shape_cast %get3A_361 : vector<16xi32> to vector<16xi32>
    %swap3A_363 = arith.constant 16 : index
    %swap3A_364 = tpu.vector_load %arg10[%swap3A_363] {strides = array<i32>} : memref<128xi32, #tpu.memory_space<vmem>>, vector<16xi32>,
    %swap3A_365 = vector.shape_cast %swap3A_364 : vector<16xi32> to vector<16xi32>
    %swap3A_366 = vector.shape_cast %get3A_362 : vector<16xi32> to vector<16xi32>
    tpu.vector_store %arg10[%swap3A_363], %swap3A_366 {strides = array<i32>} : memref<128xi32, #tpu.memory_space<vmem>>, vector<16xi32>,
    %add3A_367 = arith.constant 32 : i32
    %add3A_368 = arith.addi %add3A_320, %add3A_367 : i32
    %get3A_369 = arith.index_cast %add3A_368 : i32 to index
    %get3A_370 = tpu.vector_load %arg5[%get3A_369] {strides = array<i32>} : memref<1024xi32, #tpu.memory_space<vmem>>, vector<16xi32>,
    %get3A_371 = vector.shape_cast %get3A_370 : vector<16xi32> to vector<16xi32>
    %mul3A_372 = arith.constant 2 : i32
    %mul3A_373 = vector.broadcast %mul3A_372 : i32 to vector<16xi32>
    %mul3A_374 = arith.muli %get3A_371, %mul3A_373 : vector<16xi32>
    %add3A_375 = vector.broadcast %arg0 : i32 to vector<16xi32>
    %add3A_376 = arith.addi %mul3A_374, %add3A_375 : vector<16xi32>
    %swap3A_377 = arith.constant 32 : index
    %swap3A_378 = tpu.vector_load %arg9[%swap3A_377] {strides = array<i32>} : memref<128xi32, #tpu.memory_space<vmem>>, vector<16xi32>,
    %swap3A_379 = vector.shape_cast %swap3A_378 : vector<16xi32> to vector<16xi32>
    %swap3A_380 = vector.shape_cast %add3A_376 : vector<16xi32> to vector<16xi32>
    tpu.vector_store %arg9[%swap3A_377], %swap3A_380 {strides = array<i32>} : memref<128xi32, #tpu.memory_space<vmem>>, vector<16xi32>,
    %add3A_381 = arith.constant 32 : i32
    %add3A_382 = arith.addi %add3A_320, %add3A_381 : i32
    %get3A_383 = arith.index_cast %add3A_382 : i32 to index
    %get3A_384 = tpu.vector_load %arg6[%get3A_383] {strides = array<i32>} : memref<1024xi32, #tpu.memory_space<vmem>>, vector<16xi32>,
    %get3A_385 = vector.shape_cast %get3A_384 : vector<16xi32> to vector<16xi32>
    %swap3A_386 = arith.constant 32 : index
    %swap3A_387 = tpu.vector_load %arg10[%swap3A_386] {strides = array<i32>} : memref<128xi32, #tpu.memory_space<vmem>>, vector<16xi32>,
    %swap3A_388 = vector.shape_cast %swap3A_387 : vector<16xi32> to vector<16xi32>
    %swap3A_389 = vector.shape_cast %get3A_385 : vector<16xi32> to vector<16xi32>
    tpu.vector_store %arg10[%swap3A_386], %swap3A_389 {strides = array<i32>} : memref<128xi32, #tpu.memory_space<vmem>>, vector<16xi32>,
    %add3A_390 = arith.constant 48 : i32
    %add3A_391 = arith.addi %add3A_320, %add3A_390 : i32
    %get3A_392 = arith.index_cast %add3A_391 : i32 to index
    %get3A_393 = tpu.vector_load %arg5[%get3A_392] {strides = array<i32>} : memref<1024xi32, #tpu.memory_space<vmem>>, vector<16xi32>,
    %get3A_394 = vector.shape_cast %get3A_393 : vector<16xi32> to vector<16xi32>
    %mul3A_395 = arith.constant 2 : i32
    %mul3A_396 = vector.broadcast %mul3A_395 : i32 to vector<16xi32>
    %mul3A_397 = arith.muli %get3A_394, %mul3A_396 : vector<16xi32>
    %add3A_398 = vector.broadcast %arg0 : i32 to vector<16xi32>
    %add3A_399 = arith.addi %mul3A_397, %add3A_398 : vector<16xi32>
    %swap3A_400 = arith.constant 48 : index
    %swap3A_401 = tpu.vector_load %arg9[%swap3A_400] {strides = array<i32>} : memref<128xi32, #tpu.memory_space<vmem>>, vector<16xi32>,
    %swap3A_402 = vector.shape_cast %swap3A_401 : vector<16xi32> to vector<16xi32>
    %swap3A_403 = vector.shape_cast %add3A_399 : vector<16xi32> to vector<16xi32>
    tpu.vector_store %arg9[%swap3A_400], %swap3A_403 {strides = array<i32>} : memref<128xi32, #tpu.memory_space<vmem>>, vector<16xi32>,
    %add3A_404 = arith.constant 48 : i32
    %add3A_405 = arith.addi %add3A_320, %add3A_404 : i32
    %get3A_406 = arith.index_cast %add3A_405 : i32 to index
    %get3A_407 = tpu.vector_load %arg6[%get3A_406] {strides = array<i32>} : memref<1024xi32, #tpu.memory_space<vmem>>, vector<16xi32>,
    %get3A_408 = vector.shape_cast %get3A_407 : vector<16xi32> to vector<16xi32>
    %swap3A_409 = arith.constant 48 : index
    %swap3A_410 = tpu.vector_load %arg10[%swap3A_409] {strides = array<i32>} : memref<128xi32, #tpu.memory_space<vmem>>, vector<16xi32>,
    %swap3A_411 = vector.shape_cast %swap3A_410 : vector<16xi32> to vector<16xi32>
    %swap3A_412 = vector.shape_cast %get3A_408 : vector<16xi32> to vector<16xi32>
    tpu.vector_store %arg10[%swap3A_409], %swap3A_412 {strides = array<i32>} : memref<128xi32, #tpu.memory_space<vmem>>, vector<16xi32>,
    %add3A_413 = arith.constant 64 : i32
    %add3A_414 = arith.addi %add3A_320, %add3A_413 : i32
    %get3A_415 = arith.index_cast %add3A_414 : i32 to index
    %get3A_416 = tpu.vector_load %arg5[%get3A_415] {strides = array<i32>} : memref<1024xi32, #tpu.memory_space<vmem>>, vector<16xi32>,
    %get3A_417 = vector.shape_cast %get3A_416 : vector<16xi32> to vector<16xi32>
    %mul3A_418 = arith.constant 2 : i32
    %mul3A_419 = vector.broadcast %mul3A_418 : i32 to vector<16xi32>
    %mul3A_420 = arith.muli %get3A_417, %mul3A_419 : vector<16xi32>
    %add3A_421 = vector.broadcast %arg0 : i32 to vector<16xi32>
    %add3A_422 = arith.addi %mul3A_420, %add3A_421 : vector<16xi32>
    %swap3A_423 = arith.constant 64 : index
    %swap3A_424 = tpu.vector_load %arg9[%swap3A_423] {strides = array<i32>} : memref<128xi32, #tpu.memory_space<vmem>>, vector<16xi32>,
    %swap3A_425 = vector.shape_cast %swap3A_424 : vector<16xi32> to vector<16xi32>
    %swap3A_426 = vector.shape_cast %add3A_422 : vector<16xi32> to vector<16xi32>
    tpu.vector_store %arg9[%swap3A_423], %swap3A_426 {strides = array<i32>} : memref<128xi32, #tpu.memory_space<vmem>>, vector<16xi32>,
    %add3A_427 = arith.constant 64 : i32
    %add3A_428 = arith.addi %add3A_320, %add3A_427 : i32
    %get3A_429 = arith.index_cast %add3A_428 : i32 to index
    %get3A_430 = tpu.vector_load %arg6[%get3A_429] {strides = array<i32>} : memref<1024xi32, #tpu.memory_space<vmem>>, vector<16xi32>,
    %get3A_431 = vector.shape_cast %get3A_430 : vector<16xi32> to vector<16xi32>
    %swap3A_432 = arith.constant 64 : index
    %swap3A_433 = tpu.vector_load %arg10[%swap3A_432] {strides = array<i32>} : memref<128xi32, #tpu.memory_space<vmem>>, vector<16xi32>,
    %swap3A_434 = vector.shape_cast %swap3A_433 : vector<16xi32> to vector<16xi32>
    %swap3A_435 = vector.shape_cast %get3A_431 : vector<16xi32> to vector<16xi32>
    tpu.vector_store %arg10[%swap3A_432], %swap3A_435 {strides = array<i32>} : memref<128xi32, #tpu.memory_space<vmem>>, vector<16xi32>,
    %add3A_436 = arith.constant 80 : i32
    %add3A_437 = arith.addi %add3A_320, %add3A_436 : i32
    %get3A_438 = arith.index_cast %add3A_437 : i32 to index
    %get3A_439 = tpu.vector_load %arg5[%get3A_438] {strides = array<i32>} : memref<1024xi32, #tpu.memory_space<vmem>>, vector<16xi32>,
    %get3A_440 = vector.shape_cast %get3A_439 : vector<16xi32> to vector<16xi32>
    %mul3A_441 = arith.constant 2 : i32
    %mul3A_442 = vector.broadcast %mul3A_441 : i32 to vector<16xi32>
    %mul3A_443 = arith.muli %get3A_440, %mul3A_442 : vector<16xi32>
    %add3A_444 = vector.broadcast %arg0 : i32 to vector<16xi32>
    %add3A_445 = arith.addi %mul3A_443, %add3A_444 : vector<16xi32>
    %swap3A_446 = arith.constant 80 : index
    %swap3A_447 = tpu.vector_load %arg9[%swap3A_446] {strides = array<i32>} : memref<128xi32, #tpu.memory_space<vmem>>, vector<16xi32>,
    %swap3A_448 = vector.shape_cast %swap3A_447 : vector<16xi32> to vector<16xi32>
    %swap3A_449 = vector.shape_cast %add3A_445 : vector<16xi32> to vector<16xi32>
    tpu.vector_store %arg9[%swap3A_446], %swap3A_449 {strides = array<i32>} : memref<128xi32, #tpu.memory_space<vmem>>, vector<16xi32>,
    %add3A_450 = arith.constant 80 : i32
    %add3A_451 = arith.addi %add3A_320, %add3A_450 : i32
    %get3A_452 = arith.index_cast %add3A_451 : i32 to index
    %get3A_453 = tpu.vector_load %arg6[%get3A_452] {strides = array<i32>} : memref<1024xi32, #tpu.memory_space<vmem>>, vector<16xi32>,
    %get3A_454 = vector.shape_cast %get3A_453 : vector<16xi32> to vector<16xi32>
    %swap3A_455 = arith.constant 80 : index
    %swap3A_456 = tpu.vector_load %arg10[%swap3A_455] {strides = array<i32>} : memref<128xi32, #tpu.memory_space<vmem>>, vector<16xi32>,
    %swap3A_457 = vector.shape_cast %swap3A_456 : vector<16xi32> to vector<16xi32>
    %swap3A_458 = vector.shape_cast %get3A_454 : vector<16xi32> to vector<16xi32>
    tpu.vector_store %arg10[%swap3A_455], %swap3A_458 {strides = array<i32>} : memref<128xi32, #tpu.memory_space<vmem>>, vector<16xi32>,
    %add3A_459 = arith.constant 96 : i32
    %add3A_460 = arith.addi %add3A_320, %add3A_459 : i32
    %get3A_461 = arith.index_cast %add3A_460 : i32 to index
    %get3A_462 = tpu.vector_load %arg5[%get3A_461] {strides = array<i32>} : memref<1024xi32, #tpu.memory_space<vmem>>, vector<16xi32>,
    %get3A_463 = vector.shape_cast %get3A_462 : vector<16xi32> to vector<16xi32>
    %mul3A_464 = arith.constant 2 : i32
    %mul3A_465 = vector.broadcast %mul3A_464 : i32 to vector<16xi32>
    %mul3A_466 = arith.muli %get3A_463, %mul3A_465 : vector<16xi32>
    %add3A_467 = vector.broadcast %arg0 : i32 to vector<16xi32>
    %add3A_468 = arith.addi %mul3A_466, %add3A_467 : vector<16xi32>
    %swap3A_469 = arith.constant 96 : index
    %swap3A_470 = tpu.vector_load %arg9[%swap3A_469] {strides = array<i32>} : memref<128xi32, #tpu.memory_space<vmem>>, vector<16xi32>,
    %swap3A_471 = vector.shape_cast %swap3A_470 : vector<16xi32> to vector<16xi32>
    %swap3A_472 = vector.shape_cast %add3A_468 : vector<16xi32> to vector<16xi32>
    tpu.vector_store %arg9[%swap3A_469], %swap3A_472 {strides = array<i32>} : memref<128xi32, #tpu.memory_space<vmem>>, vector<16xi32>,
    %add3A_473 = arith.constant 96 : i32
    %add3A_474 = arith.addi %add3A_320, %add3A_473 : i32
    %get3A_475 = arith.index_cast %add3A_474 : i32 to index
    %get3A_476 = tpu.vector_load %arg6[%get3A_475] {strides = array<i32>} : memref<1024xi32, #tpu.memory_space<vmem>>, vector<16xi32>,
    %get3A_477 = vector.shape_cast %get3A_476 : vector<16xi32> to vector<16xi32>
    %swap3A_478 = arith.constant 96 : index
    %swap3A_479 = tpu.vector_load %arg10[%swap3A_478] {strides = array<i32>} : memref<128xi32, #tpu.memory_space<vmem>>, vector<16xi32>,
    %swap3A_480 = vector.shape_cast %swap3A_479 : vector<16xi32> to vector<16xi32>
    %swap3A_481 = vector.shape_cast %get3A_477 : vector<16xi32> to vector<16xi32>
    tpu.vector_store %arg10[%swap3A_478], %swap3A_481 {strides = array<i32>} : memref<128xi32, #tpu.memory_space<vmem>>, vector<16xi32>,
    %add3A_482 = arith.constant 112 : i32
    %add3A_483 = arith.addi %add3A_320, %add3A_482 : i32
    %get3A_484 = arith.index_cast %add3A_483 : i32 to index
    %get3A_485 = tpu.vector_load %arg5[%get3A_484] {strides = array<i32>} : memref<1024xi32, #tpu.memory_space<vmem>>, vector<16xi32>,
    %get3A_486 = vector.shape_cast %get3A_485 : vector<16xi32> to vector<16xi32>
    %mul3A_487 = arith.constant 2 : i32
    %mul3A_488 = vector.broadcast %mul3A_487 : i32 to vector<16xi32>
    %mul3A_489 = arith.muli %get3A_486, %mul3A_488 : vector<16xi32>
    %add3A_490 = vector.broadcast %arg0 : i32 to vector<16xi32>
    %add3A_491 = arith.addi %mul3A_489, %add3A_490 : vector<16xi32>
    %swap3A_492 = arith.constant 112 : index
    %swap3A_493 = tpu.vector_load %arg9[%swap3A_492] {strides = array<i32>} : memref<128xi32, #tpu.memory_space<vmem>>, vector<16xi32>,
    %swap3A_494 = vector.shape_cast %swap3A_493 : vector<16xi32> to vector<16xi32>
    %swap3A_495 = vector.shape_cast %add3A_491 : vector<16xi32> to vector<16xi32>
    tpu.vector_store %arg9[%swap3A_492], %swap3A_495 {strides = array<i32>} : memref<128xi32, #tpu.memory_space<vmem>>, vector<16xi32>,
    %add3A_496 = arith.constant 112 : i32
    %add3A_497 = arith.addi %add3A_320, %add3A_496 : i32
    %get3A_498 = arith.index_cast %add3A_497 : i32 to index
    %get3A_499 = tpu.vector_load %arg6[%get3A_498] {strides = array<i32>} : memref<1024xi32, #tpu.memory_space<vmem>>, vector<16xi32>,
    %get3A_500 = vector.shape_cast %get3A_499 : vector<16xi32> to vector<16xi32>
    %swap3A_501 = arith.constant 112 : index
    %swap3A_502 = tpu.vector_load %arg10[%swap3A_501] {strides = array<i32>} : memref<128xi32, #tpu.memory_space<vmem>>, vector<16xi32>,
    %swap3A_503 = vector.shape_cast %swap3A_502 : vector<16xi32> to vector<16xi32>
    %swap3A_504 = vector.shape_cast %get3A_500 : vector<16xi32> to vector<16xi32>
    tpu.vector_store %arg10[%swap3A_501], %swap3A_504 {strides = array<i32>} : memref<128xi32, #tpu.memory_space<vmem>>, vector<16xi32>,
    %dma_start3A_505 = arith.constant 0 : i32
    %dma_start3A_506 = arith.constant 0 : i32
    %dma_start3A_507 = tpu.memref_slice %arg2[%dma_start3A_505, %dma_start3A_506] : memref<20000x128xf32, #tpu.memory_space<hbm>> -> memref<20000x128xf32, #tpu.memory_space<hbm>>
    tpu.enqueue_indirect_dma source(%dma_start3A_507 : memref<20000x128xf32, #tpu.memory_space<hbm>>) target(%arg12 : memref<128x128xf32, #tpu.memory_space<vmem>>) offsets(%arg9 : memref<128xi32, #tpu.memory_space<vmem>>) semaphore(%arg16 : memref<!tpu.dma_semaphore, #tpu.memory_space<semaphore_mem>>)
    %scan3A_508 = arith.constant 0 : i32
    %scan3A_509 = arith.constant 0 : i32
    %scan3A_510 = arith.constant 38 : i32
    %scan3A_511 = arith.addi %scan3A_509, %scan3A_510 : i32
    %scan3A_512 = arith.constant 1 : i32
    scf.for %scan3A_562 = %scan3A_509 to %scan3A_511 step %scan3A_512  : i32 {
      %dma_wait3A_563 = arith.constant 0 : i32
      %dma_wait3A_564 = arith.constant 0 : i32
      %dma_wait3A_565 = tpu.memref_slice %arg2[%dma_wait3A_563, %dma_wait3A_564] : memref<20000x128xf32, #tpu.memory_space<hbm>> -> memref<20000x128xf32, #tpu.memory_space<hbm>>
      tpu.wait_indirect_dma semaphore(%arg15 : memref<!tpu.dma_semaphore, #tpu.memory_space<semaphore_mem>>) src(%dma_wait3A_565 : memref<20000x128xf32, #tpu.memory_space<hbm>>) dst(%arg11 : memref<128x128xf32, #tpu.memory_space<vmem>>)
      "tpu.region"() ({
        %run_scoped3A = tpu.sem_alloc : memref<!tpu.dma_semaphore, #tpu.memory_space<semaphore_mem>>
        %dma_start3A_1079 = arith.constant 0 : i32
        %dma_start3A_1080 = arith.constant 0 : i32
        %dma_start3A_1081 = tpu.memref_slice %arg14[%dma_start3A_1079, %dma_start3A_1080] : memref<10000x128xf32, #tpu.memory_space<vmem_shared>> -> memref<10000x128xf32, #tpu.memory_space<vmem_shared>>
        tpu.enqueue_indirect_dma source(%arg11 : memref<128x128xf32, #tpu.memory_space<vmem>>) target(%dma_start3A_1081 : memref<10000x128xf32, #tpu.memory_space<vmem_shared>>) offsets(%arg8 : memref<128xi32, #tpu.memory_space<vmem>>) semaphore(%run_scoped3A : memref<!tpu.dma_semaphore, #tpu.memory_space<semaphore_mem>>) {add = true}
        %dma_wait3A_1082 = arith.constant 0 : i32
        %dma_wait3A_1083 = arith.constant 0 : i32
        %dma_wait3A_1084 = tpu.memref_slice %arg14[%dma_wait3A_1082, %dma_wait3A_1083] : memref<10000x128xf32, #tpu.memory_space<vmem_shared>> -> memref<10000x128xf32, #tpu.memory_space<vmem_shared>>
        tpu.wait_indirect_dma semaphore(%run_scoped3A : memref<!tpu.dma_semaphore, #tpu.memory_space<semaphore_mem>>) src(%arg11 : memref<128x128xf32, #tpu.memory_space<vmem>>) dst(%dma_wait3A_1084 : memref<10000x128xf32, #tpu.memory_space<vmem_shared>>)
        tpu.yield
      }) : () -> ()
      %mul3A_566 = arith.constant 2 : i32
      %mul3A_567 = arith.muli %mul3A_566, %scan3A_562 : i32
      %add3A_568 = arith.constant 2 : i32
      %add3A_569 = arith.addi %mul3A_567, %add3A_568 : i32
      %jit3A_570 = arith.constant 8 : i32
      %eq3A_571 = arith.constant 0 : i32
      %eq3A_572 = arith.cmpi eq, %jit3A_570, %eq3A_571 : i32
      %jit3A_573 = arith.constant 1 : i32
      %select_n3A_574 = arith.select %eq3A_572, %jit3A_573, %jit3A_570 : i32
      %rem3A_575 = arith.remsi %add3A_569, %select_n3A_574 : i32
      %ne3A_576 = arith.constant 0 : i32
      %ne3A_577 = arith.cmpi ne, %rem3A_575, %ne3A_576 : i32
      %lt3A_578 = arith.constant 0 : i32
      %lt3A_579 = arith.cmpi slt, %rem3A_575, %lt3A_578 : i32
      %lt3A_580 = arith.constant 0 : i32
      %lt3A_581 = arith.cmpi slt, %select_n3A_574, %lt3A_580 : i32
      %ne3A_582 = arith.xori %lt3A_579, %lt3A_581 : i1
      %and3A_583 = arith.andi %ne3A_582, %ne3A_577 : i1
      %add3A_584 = arith.addi %rem3A_575, %select_n3A_574 : i32
      %select_n3A_585 = arith.select %and3A_583, %add3A_584, %rem3A_575 : i32
      %sub3A_586 = arith.subi %add3A_569, %select_n3A_585 : i32
      %mul3A_587 = arith.constant 128 : i32
      %mul3A_588 = arith.muli %sub3A_586, %mul3A_587 : i32
      %add3A_589 = arith.addi %mul3A_9, %mul3A_588 : i32
      %sub3A_590 = arith.constant 158976 : i32
      %sub3A_591 = arith.subi %add3A_589, %sub3A_590 : i32
      %max3A_592 = arith.constant 0 : i32
      %max3A_593 = arith.maxsi %sub3A_591, %max3A_592 : i32
      %jit3A_594 = arith.constant 8 : i32
      %eq3A_595 = arith.constant 0 : i32
      %eq3A_596 = arith.cmpi eq, %jit3A_594, %eq3A_595 : i32
      %jit3A_597 = arith.constant 1 : i32
      %select_n3A_598 = arith.select %eq3A_596, %jit3A_597, %jit3A_594 : i32
      %rem3A_599 = arith.remsi %add3A_569, %select_n3A_598 : i32
      %ne3A_600 = arith.constant 0 : i32
      %ne3A_601 = arith.cmpi ne, %rem3A_599, %ne3A_600 : i32
      %lt3A_602 = arith.constant 0 : i32
      %lt3A_603 = arith.cmpi slt, %rem3A_599, %lt3A_602 : i32
      %lt3A_604 = arith.constant 0 : i32
      %lt3A_605 = arith.cmpi slt, %select_n3A_598, %lt3A_604 : i32
      %ne3A_606 = arith.xori %lt3A_603, %lt3A_605 : i1
      %and3A_607 = arith.andi %ne3A_606, %ne3A_601 : i1
      %add3A_608 = arith.addi %rem3A_599, %select_n3A_598 : i32
      %select_n3A_609 = arith.select %and3A_607, %add3A_608, %rem3A_599 : i32
      %eq3A_610 = arith.constant 0 : i32
      %eq3A_611 = arith.cmpi eq, %select_n3A_609, %eq3A_610 : i32
      %convert_element_type3A_612 = arith.extui %eq3A_611 : i1 to i32
      %cond3A_613 = arith.constant 0 : i32
      %cond3A_614 = arith.cmpi ne, %convert_element_type3A_612, %cond3A_613 : i32
      scf.if %cond3A_614 {
        %sub3A_1079 = arith.subi %add3A_589, %max3A_593 : i32
        %multiple_of3A = tpu.assume_multiple %sub3A_1079, 8 : i32
        "tpu.region"() ({
          %run_scoped3A = tpu.sem_alloc : memref<!tpu.dma_semaphore, #tpu.memory_space<semaphore_mem>>
          %dma_start3A_1082 = tpu.memref_slice %arg3[%multiple_of3A] : memref<320000xi32, #tpu.memory_space<hbm>> -> memref<1024xi32, #tpu.memory_space<hbm>>
          %dma_start3A_1083 = tpu.memref_slice %arg3[%multiple_of3A] : memref<320000xi32, #tpu.memory_space<hbm>> -> memref<1024xi32, #tpu.memory_space<hbm>>
          tpu.enqueue_dma source(%dma_start3A_1083 : memref<1024xi32, #tpu.memory_space<hbm>>) target(%arg5 : memref<1024xi32, #tpu.memory_space<vmem>>) target_semaphore(%run_scoped3A : memref<!tpu.dma_semaphore, #tpu.memory_space<semaphore_mem>>)
          %dma_wait3A_1084 = tpu.memref_slice %arg3[%multiple_of3A] : memref<320000xi32, #tpu.memory_space<hbm>> -> memref<1024xi32, #tpu.memory_space<hbm>>
          %dma_wait3A_1085 = tpu.memref_slice %arg3[%multiple_of3A] : memref<320000xi32, #tpu.memory_space<hbm>> -> memref<1024xi32, #tpu.memory_space<hbm>>
          tpu.wait_dma2 semaphore(%run_scoped3A : memref<!tpu.dma_semaphore, #tpu.memory_space<semaphore_mem>>) src(%dma_wait3A_1085 : memref<1024xi32, #tpu.memory_space<hbm>>) dst(%arg5 : memref<1024xi32, #tpu.memory_space<vmem>>)
          tpu.yield
        }) : () -> ()
        %add3A_1080 = arith.constant 160000 : i32
        %add3A_1081 = arith.addi %add3A_1080, %multiple_of3A : i32
        "tpu.region"() ({
          %run_scoped3A = tpu.sem_alloc : memref<!tpu.dma_semaphore, #tpu.memory_space<semaphore_mem>>
          %dma_start3A_1082 = tpu.memref_slice %arg3[%add3A_1081] : memref<320000xi32, #tpu.memory_space<hbm>> -> memref<1024xi32, #tpu.memory_space<hbm>>
          %dma_start3A_1083 = tpu.memref_slice %arg3[%add3A_1081] : memref<320000xi32, #tpu.memory_space<hbm>> -> memref<1024xi32, #tpu.memory_space<hbm>>
          tpu.enqueue_dma source(%dma_start3A_1083 : memref<1024xi32, #tpu.memory_space<hbm>>) target(%arg6 : memref<1024xi32, #tpu.memory_space<vmem>>) target_semaphore(%run_scoped3A : memref<!tpu.dma_semaphore, #tpu.memory_space<semaphore_mem>>)
          %dma_wait3A_1084 = tpu.memref_slice %arg3[%add3A_1081] : memref<320000xi32, #tpu.memory_space<hbm>> -> memref<1024xi32, #tpu.memory_space<hbm>>
          %dma_wait3A_1085 = tpu.memref_slice %arg3[%add3A_1081] : memref<320000xi32, #tpu.memory_space<hbm>> -> memref<1024xi32, #tpu.memory_space<hbm>>
          tpu.wait_dma2 semaphore(%run_scoped3A : memref<!tpu.dma_semaphore, #tpu.memory_space<semaphore_mem>>) src(%dma_wait3A_1085 : memref<1024xi32, #tpu.memory_space<hbm>>) dst(%arg6 : memref<1024xi32, #tpu.memory_space<vmem>>)
          tpu.yield
        }) : () -> ()
      } else {
      }
      %jit3A_615 = arith.constant 8 : i32
      %eq3A_616 = arith.constant 0 : i32
      %eq3A_617 = arith.cmpi eq, %jit3A_615, %eq3A_616 : i32
      %jit3A_618 = arith.constant 1 : i32
      %select_n3A_619 = arith.select %eq3A_617, %jit3A_618, %jit3A_615 : i32
      %rem3A_620 = arith.remsi %add3A_569, %select_n3A_619 : i32
      %ne3A_621 = arith.constant 0 : i32
      %ne3A_622 = arith.cmpi ne, %rem3A_620, %ne3A_621 : i32
      %lt3A_623 = arith.constant 0 : i32
      %lt3A_624 = arith.cmpi slt, %rem3A_620, %lt3A_623 : i32
      %lt3A_625 = arith.constant 0 : i32
      %lt3A_626 = arith.cmpi slt, %select_n3A_619, %lt3A_625 : i32
      %ne3A_627 = arith.xori %lt3A_624, %lt3A_626 : i1
      %and3A_628 = arith.andi %ne3A_627, %ne3A_622 : i1
      %add3A_629 = arith.addi %rem3A_620, %select_n3A_619 : i32
      %select_n3A_630 = arith.select %and3A_628, %add3A_629, %rem3A_620 : i32
      %mul3A_631 = arith.constant 128 : i32
      %mul3A_632 = arith.muli %select_n3A_630, %mul3A_631 : i32
      %add3A_633 = arith.addi %max3A_593, %mul3A_632 : i32
      %add3A_634 = arith.constant 0 : i32
      %add3A_635 = arith.addi %add3A_633, %add3A_634 : i32
      %get3A_636 = arith.index_cast %add3A_635 : i32 to index
      %get3A_637 = tpu.vector_load %arg5[%get3A_636] {strides = array<i32>} : memref<1024xi32, #tpu.memory_space<vmem>>, vector<16xi32>,
      %get3A_638 = vector.shape_cast %get3A_637 : vector<16xi32> to vector<16xi32>
      %mul3A_639 = arith.constant 2 : i32
      %mul3A_640 = vector.broadcast %mul3A_639 : i32 to vector<16xi32>
      %mul3A_641 = arith.muli %get3A_638, %mul3A_640 : vector<16xi32>
      %add3A_642 = vector.broadcast %arg0 : i32 to vector<16xi32>
      %add3A_643 = arith.addi %mul3A_641, %add3A_642 : vector<16xi32>
      %swap3A_644 = arith.constant 0 : index
      %swap3A_645 = tpu.vector_load %arg7[%swap3A_644] {strides = array<i32>} : memref<128xi32, #tpu.memory_space<vmem>>, vector<16xi32>,
      %swap3A_646 = vector.shape_cast %swap3A_645 : vector<16xi32> to vector<16xi32>
      %swap3A_647 = vector.shape_cast %add3A_643 : vector<16xi32> to vector<16xi32>
      tpu.vector_store %arg7[%swap3A_644], %swap3A_647 {strides = array<i32>} : memref<128xi32, #tpu.memory_space<vmem>>, vector<16xi32>,
      %add3A_648 = arith.constant 0 : i32
      %add3A_649 = arith.addi %add3A_633, %add3A_648 : i32
      %get3A_650 = arith.index_cast %add3A_649 : i32 to index
      %get3A_651 = tpu.vector_load %arg6[%get3A_650] {strides = array<i32>} : memref<1024xi32, #tpu.memory_space<vmem>>, vector<16xi32>,
      %get3A_652 = vector.shape_cast %get3A_651 : vector<16xi32> to vector<16xi32>
      %swap3A_653 = arith.constant 0 : index
      %swap3A_654 = tpu.vector_load %arg8[%swap3A_653] {strides = array<i32>} : memref<128xi32, #tpu.memory_space<vmem>>, vector<16xi32>,
      %swap3A_655 = vector.shape_cast %swap3A_654 : vector<16xi32> to vector<16xi32>
      %swap3A_656 = vector.shape_cast %get3A_652 : vector<16xi32> to vector<16xi32>
      tpu.vector_store %arg8[%swap3A_653], %swap3A_656 {strides = array<i32>} : memref<128xi32, #tpu.memory_space<vmem>>, vector<16xi32>,
      %add3A_657 = arith.constant 16 : i32
      %add3A_658 = arith.addi %add3A_633, %add3A_657 : i32
      %get3A_659 = arith.index_cast %add3A_658 : i32 to index
      %get3A_660 = tpu.vector_load %arg5[%get3A_659] {strides = array<i32>} : memref<1024xi32, #tpu.memory_space<vmem>>, vector<16xi32>,
      %get3A_661 = vector.shape_cast %get3A_660 : vector<16xi32> to vector<16xi32>
      %mul3A_662 = arith.constant 2 : i32
      %mul3A_663 = vector.broadcast %mul3A_662 : i32 to vector<16xi32>
      %mul3A_664 = arith.muli %get3A_661, %mul3A_663 : vector<16xi32>
      %add3A_665 = vector.broadcast %arg0 : i32 to vector<16xi32>
      %add3A_666 = arith.addi %mul3A_664, %add3A_665 : vector<16xi32>
      %swap3A_667 = arith.constant 16 : index
      %swap3A_668 = tpu.vector_load %arg7[%swap3A_667] {strides = array<i32>} : memref<128xi32, #tpu.memory_space<vmem>>, vector<16xi32>,
      %swap3A_669 = vector.shape_cast %swap3A_668 : vector<16xi32> to vector<16xi32>
      %swap3A_670 = vector.shape_cast %add3A_666 : vector<16xi32> to vector<16xi32>
      tpu.vector_store %arg7[%swap3A_667], %swap3A_670 {strides = array<i32>} : memref<128xi32, #tpu.memory_space<vmem>>, vector<16xi32>,
      %add3A_671 = arith.constant 16 : i32
      %add3A_672 = arith.addi %add3A_633, %add3A_671 : i32
      %get3A_673 = arith.index_cast %add3A_672 : i32 to index
      %get3A_674 = tpu.vector_load %arg6[%get3A_673] {strides = array<i32>} : memref<1024xi32, #tpu.memory_space<vmem>>, vector<16xi32>,
      %get3A_675 = vector.shape_cast %get3A_674 : vector<16xi32> to vector<16xi32>
      %swap3A_676 = arith.constant 16 : index
      %swap3A_677 = tpu.vector_load %arg8[%swap3A_676] {strides = array<i32>} : memref<128xi32, #tpu.memory_space<vmem>>, vector<16xi32>,
      %swap3A_678 = vector.shape_cast %swap3A_677 : vector<16xi32> to vector<16xi32>
      %swap3A_679 = vector.shape_cast %get3A_675 : vector<16xi32> to vector<16xi32>
      tpu.vector_store %arg8[%swap3A_676], %swap3A_679 {strides = array<i32>} : memref<128xi32, #tpu.memory_space<vmem>>, vector<16xi32>,
      %add3A_680 = arith.constant 32 : i32
      %add3A_681 = arith.addi %add3A_633, %add3A_680 : i32
      %get3A_682 = arith.index_cast %add3A_681 : i32 to index
      %get3A_683 = tpu.vector_load %arg5[%get3A_682] {strides = array<i32>} : memref<1024xi32, #tpu.memory_space<vmem>>, vector<16xi32>,
      %get3A_684 = vector.shape_cast %get3A_683 : vector<16xi32> to vector<16xi32>
      %mul3A_685 = arith.constant 2 : i32
      %mul3A_686 = vector.broadcast %mul3A_685 : i32 to vector<16xi32>
      %mul3A_687 = arith.muli %get3A_684, %mul3A_686 : vector<16xi32>
      %add3A_688 = vector.broadcast %arg0 : i32 to vector<16xi32>
      %add3A_689 = arith.addi %mul3A_687, %add3A_688 : vector<16xi32>
      %swap3A_690 = arith.constant 32 : index
      %swap3A_691 = tpu.vector_load %arg7[%swap3A_690] {strides = array<i32>} : memref<128xi32, #tpu.memory_space<vmem>>, vector<16xi32>,
      %swap3A_692 = vector.shape_cast %swap3A_691 : vector<16xi32> to vector<16xi32>
      %swap3A_693 = vector.shape_cast %add3A_689 : vector<16xi32> to vector<16xi32>
      tpu.vector_store %arg7[%swap3A_690], %swap3A_693 {strides = array<i32>} : memref<128xi32, #tpu.memory_space<vmem>>, vector<16xi32>,
      %add3A_694 = arith.constant 32 : i32
      %add3A_695 = arith.addi %add3A_633, %add3A_694 : i32
      %get3A_696 = arith.index_cast %add3A_695 : i32 to index
      %get3A_697 = tpu.vector_load %arg6[%get3A_696] {strides = array<i32>} : memref<1024xi32, #tpu.memory_space<vmem>>, vector<16xi32>,
      %get3A_698 = vector.shape_cast %get3A_697 : vector<16xi32> to vector<16xi32>
      %swap3A_699 = arith.constant 32 : index
      %swap3A_700 = tpu.vector_load %arg8[%swap3A_699] {strides = array<i32>} : memref<128xi32, #tpu.memory_space<vmem>>, vector<16xi32>,
      %swap3A_701 = vector.shape_cast %swap3A_700 : vector<16xi32> to vector<16xi32>
      %swap3A_702 = vector.shape_cast %get3A_698 : vector<16xi32> to vector<16xi32>
      tpu.vector_store %arg8[%swap3A_699], %swap3A_702 {strides = array<i32>} : memref<128xi32, #tpu.memory_space<vmem>>, vector<16xi32>,
      %add3A_703 = arith.constant 48 : i32
      %add3A_704 = arith.addi %add3A_633, %add3A_703 : i32
      %get3A_705 = arith.index_cast %add3A_704 : i32 to index
      %get3A_706 = tpu.vector_load %arg5[%get3A_705] {strides = array<i32>} : memref<1024xi32, #tpu.memory_space<vmem>>, vector<16xi32>,
      %get3A_707 = vector.shape_cast %get3A_706 : vector<16xi32> to vector<16xi32>
      %mul3A_708 = arith.constant 2 : i32
      %mul3A_709 = vector.broadcast %mul3A_708 : i32 to vector<16xi32>
      %mul3A_710 = arith.muli %get3A_707, %mul3A_709 : vector<16xi32>
      %add3A_711 = vector.broadcast %arg0 : i32 to vector<16xi32>
      %add3A_712 = arith.addi %mul3A_710, %add3A_711 : vector<16xi32>
      %swap3A_713 = arith.constant 48 : index
      %swap3A_714 = tpu.vector_load %arg7[%swap3A_713] {strides = array<i32>} : memref<128xi32, #tpu.memory_space<vmem>>, vector<16xi32>,
      %swap3A_715 = vector.shape_cast %swap3A_714 : vector<16xi32> to vector<16xi32>
      %swap3A_716 = vector.shape_cast %add3A_712 : vector<16xi32> to vector<16xi32>
      tpu.vector_store %arg7[%swap3A_713], %swap3A_716 {strides = array<i32>} : memref<128xi32, #tpu.memory_space<vmem>>, vector<16xi32>,
      %add3A_717 = arith.constant 48 : i32
      %add3A_718 = arith.addi %add3A_633, %add3A_717 : i32
      %get3A_719 = arith.index_cast %add3A_718 : i32 to index
      %get3A_720 = tpu.vector_load %arg6[%get3A_719] {strides = array<i32>} : memref<1024xi32, #tpu.memory_space<vmem>>, vector<16xi32>,
      %get3A_721 = vector.shape_cast %get3A_720 : vector<16xi32> to vector<16xi32>
      %swap3A_722 = arith.constant 48 : index
      %swap3A_723 = tpu.vector_load %arg8[%swap3A_722] {strides = array<i32>} : memref<128xi32, #tpu.memory_space<vmem>>, vector<16xi32>,
      %swap3A_724 = vector.shape_cast %swap3A_723 : vector<16xi32> to vector<16xi32>
      %swap3A_725 = vector.shape_cast %get3A_721 : vector<16xi32> to vector<16xi32>
      tpu.vector_store %arg8[%swap3A_722], %swap3A_725 {strides = array<i32>} : memref<128xi32, #tpu.memory_space<vmem>>, vector<16xi32>,
      %add3A_726 = arith.constant 64 : i32
      %add3A_727 = arith.addi %add3A_633, %add3A_726 : i32
      %get3A_728 = arith.index_cast %add3A_727 : i32 to index
      %get3A_729 = tpu.vector_load %arg5[%get3A_728] {strides = array<i32>} : memref<1024xi32, #tpu.memory_space<vmem>>, vector<16xi32>,
      %get3A_730 = vector.shape_cast %get3A_729 : vector<16xi32> to vector<16xi32>
      %mul3A_731 = arith.constant 2 : i32
      %mul3A_732 = vector.broadcast %mul3A_731 : i32 to vector<16xi32>
      %mul3A_733 = arith.muli %get3A_730, %mul3A_732 : vector<16xi32>
      %add3A_734 = vector.broadcast %arg0 : i32 to vector<16xi32>
      %add3A_735 = arith.addi %mul3A_733, %add3A_734 : vector<16xi32>
      %swap3A_736 = arith.constant 64 : index
      %swap3A_737 = tpu.vector_load %arg7[%swap3A_736] {strides = array<i32>} : memref<128xi32, #tpu.memory_space<vmem>>, vector<16xi32>,
      %swap3A_738 = vector.shape_cast %swap3A_737 : vector<16xi32> to vector<16xi32>
      %swap3A_739 = vector.shape_cast %add3A_735 : vector<16xi32> to vector<16xi32>
      tpu.vector_store %arg7[%swap3A_736], %swap3A_739 {strides = array<i32>} : memref<128xi32, #tpu.memory_space<vmem>>, vector<16xi32>,
      %add3A_740 = arith.constant 64 : i32
      %add3A_741 = arith.addi %add3A_633, %add3A_740 : i32
      %get3A_742 = arith.index_cast %add3A_741 : i32 to index
      %get3A_743 = tpu.vector_load %arg6[%get3A_742] {strides = array<i32>} : memref<1024xi32, #tpu.memory_space<vmem>>, vector<16xi32>,
      %get3A_744 = vector.shape_cast %get3A_743 : vector<16xi32> to vector<16xi32>
      %swap3A_745 = arith.constant 64 : index
      %swap3A_746 = tpu.vector_load %arg8[%swap3A_745] {strides = array<i32>} : memref<128xi32, #tpu.memory_space<vmem>>, vector<16xi32>,
      %swap3A_747 = vector.shape_cast %swap3A_746 : vector<16xi32> to vector<16xi32>
      %swap3A_748 = vector.shape_cast %get3A_744 : vector<16xi32> to vector<16xi32>
      tpu.vector_store %arg8[%swap3A_745], %swap3A_748 {strides = array<i32>} : memref<128xi32, #tpu.memory_space<vmem>>, vector<16xi32>,
      %add3A_749 = arith.constant 80 : i32
      %add3A_750 = arith.addi %add3A_633, %add3A_749 : i32
      %get3A_751 = arith.index_cast %add3A_750 : i32 to index
      %get3A_752 = tpu.vector_load %arg5[%get3A_751] {strides = array<i32>} : memref<1024xi32, #tpu.memory_space<vmem>>, vector<16xi32>,
      %get3A_753 = vector.shape_cast %get3A_752 : vector<16xi32> to vector<16xi32>
      %mul3A_754 = arith.constant 2 : i32
      %mul3A_755 = vector.broadcast %mul3A_754 : i32 to vector<16xi32>
      %mul3A_756 = arith.muli %get3A_753, %mul3A_755 : vector<16xi32>
      %add3A_757 = vector.broadcast %arg0 : i32 to vector<16xi32>
      %add3A_758 = arith.addi %mul3A_756, %add3A_757 : vector<16xi32>
      %swap3A_759 = arith.constant 80 : index
      %swap3A_760 = tpu.vector_load %arg7[%swap3A_759] {strides = array<i32>} : memref<128xi32, #tpu.memory_space<vmem>>, vector<16xi32>,
      %swap3A_761 = vector.shape_cast %swap3A_760 : vector<16xi32> to vector<16xi32>
      %swap3A_762 = vector.shape_cast %add3A_758 : vector<16xi32> to vector<16xi32>
      tpu.vector_store %arg7[%swap3A_759], %swap3A_762 {strides = array<i32>} : memref<128xi32, #tpu.memory_space<vmem>>, vector<16xi32>,
      %add3A_763 = arith.constant 80 : i32
      %add3A_764 = arith.addi %add3A_633, %add3A_763 : i32
      %get3A_765 = arith.index_cast %add3A_764 : i32 to index
      %get3A_766 = tpu.vector_load %arg6[%get3A_765] {strides = array<i32>} : memref<1024xi32, #tpu.memory_space<vmem>>, vector<16xi32>,
      %get3A_767 = vector.shape_cast %get3A_766 : vector<16xi32> to vector<16xi32>
      %swap3A_768 = arith.constant 80 : index
      %swap3A_769 = tpu.vector_load %arg8[%swap3A_768] {strides = array<i32>} : memref<128xi32, #tpu.memory_space<vmem>>, vector<16xi32>,
      %swap3A_770 = vector.shape_cast %swap3A_769 : vector<16xi32> to vector<16xi32>
      %swap3A_771 = vector.shape_cast %get3A_767 : vector<16xi32> to vector<16xi32>
      tpu.vector_store %arg8[%swap3A_768], %swap3A_771 {strides = array<i32>} : memref<128xi32, #tpu.memory_space<vmem>>, vector<16xi32>,
      %add3A_772 = arith.constant 96 : i32
      %add3A_773 = arith.addi %add3A_633, %add3A_772 : i32
      %get3A_774 = arith.index_cast %add3A_773 : i32 to index
      %get3A_775 = tpu.vector_load %arg5[%get3A_774] {strides = array<i32>} : memref<1024xi32, #tpu.memory_space<vmem>>, vector<16xi32>,
      %get3A_776 = vector.shape_cast %get3A_775 : vector<16xi32> to vector<16xi32>
      %mul3A_777 = arith.constant 2 : i32
      %mul3A_778 = vector.broadcast %mul3A_777 : i32 to vector<16xi32>
      %mul3A_779 = arith.muli %get3A_776, %mul3A_778 : vector<16xi32>
      %add3A_780 = vector.broadcast %arg0 : i32 to vector<16xi32>
      %add3A_781 = arith.addi %mul3A_779, %add3A_780 : vector<16xi32>
      %swap3A_782 = arith.constant 96 : index
      %swap3A_783 = tpu.vector_load %arg7[%swap3A_782] {strides = array<i32>} : memref<128xi32, #tpu.memory_space<vmem>>, vector<16xi32>,
      %swap3A_784 = vector.shape_cast %swap3A_783 : vector<16xi32> to vector<16xi32>
      %swap3A_785 = vector.shape_cast %add3A_781 : vector<16xi32> to vector<16xi32>
      tpu.vector_store %arg7[%swap3A_782], %swap3A_785 {strides = array<i32>} : memref<128xi32, #tpu.memory_space<vmem>>, vector<16xi32>,
      %add3A_786 = arith.constant 96 : i32
      %add3A_787 = arith.addi %add3A_633, %add3A_786 : i32
      %get3A_788 = arith.index_cast %add3A_787 : i32 to index
      %get3A_789 = tpu.vector_load %arg6[%get3A_788] {strides = array<i32>} : memref<1024xi32, #tpu.memory_space<vmem>>, vector<16xi32>,
      %get3A_790 = vector.shape_cast %get3A_789 : vector<16xi32> to vector<16xi32>
      %swap3A_791 = arith.constant 96 : index
      %swap3A_792 = tpu.vector_load %arg8[%swap3A_791] {strides = array<i32>} : memref<128xi32, #tpu.memory_space<vmem>>, vector<16xi32>,
      %swap3A_793 = vector.shape_cast %swap3A_792 : vector<16xi32> to vector<16xi32>
      %swap3A_794 = vector.shape_cast %get3A_790 : vector<16xi32> to vector<16xi32>
      tpu.vector_store %arg8[%swap3A_791], %swap3A_794 {strides = array<i32>} : memref<128xi32, #tpu.memory_space<vmem>>, vector<16xi32>,
      %add3A_795 = arith.constant 112 : i32
      %add3A_796 = arith.addi %add3A_633, %add3A_795 : i32
      %get3A_797 = arith.index_cast %add3A_796 : i32 to index
      %get3A_798 = tpu.vector_load %arg5[%get3A_797] {strides = array<i32>} : memref<1024xi32, #tpu.memory_space<vmem>>, vector<16xi32>,
      %get3A_799 = vector.shape_cast %get3A_798 : vector<16xi32> to vector<16xi32>
      %mul3A_800 = arith.constant 2 : i32
      %mul3A_801 = vector.broadcast %mul3A_800 : i32 to vector<16xi32>
      %mul3A_802 = arith.muli %get3A_799, %mul3A_801 : vector<16xi32>
      %add3A_803 = vector.broadcast %arg0 : i32 to vector<16xi32>
      %add3A_804 = arith.addi %mul3A_802, %add3A_803 : vector<16xi32>
      %swap3A_805 = arith.constant 112 : index
      %swap3A_806 = tpu.vector_load %arg7[%swap3A_805] {strides = array<i32>} : memref<128xi32, #tpu.memory_space<vmem>>, vector<16xi32>,
      %swap3A_807 = vector.shape_cast %swap3A_806 : vector<16xi32> to vector<16xi32>
      %swap3A_808 = vector.shape_cast %add3A_804 : vector<16xi32> to vector<16xi32>
      tpu.vector_store %arg7[%swap3A_805], %swap3A_808 {strides = array<i32>} : memref<128xi32, #tpu.memory_space<vmem>>, vector<16xi32>,
      %add3A_809 = arith.constant 112 : i32
      %add3A_810 = arith.addi %add3A_633, %add3A_809 : i32
      %get3A_811 = arith.index_cast %add3A_810 : i32 to index
      %get3A_812 = tpu.vector_load %arg6[%get3A_811] {strides = array<i32>} : memref<1024xi32, #tpu.memory_space<vmem>>, vector<16xi32>,
      %get3A_813 = vector.shape_cast %get3A_812 : vector<16xi32> to vector<16xi32>
      %swap3A_814 = arith.constant 112 : index
      %swap3A_815 = tpu.vector_load %arg8[%swap3A_814] {strides = array<i32>} : memref<128xi32, #tpu.memory_space<vmem>>, vector<16xi32>,
      %swap3A_816 = vector.shape_cast %swap3A_815 : vector<16xi32> to vector<16xi32>
      %swap3A_817 = vector.shape_cast %get3A_813 : vector<16xi32> to vector<16xi32>
      tpu.vector_store %arg8[%swap3A_814], %swap3A_817 {strides = array<i32>} : memref<128xi32, #tpu.memory_space<vmem>>, vector<16xi32>,
      %dma_start3A_818 = arith.constant 0 : i32
      %dma_start3A_819 = arith.constant 0 : i32
      %dma_start3A_820 = tpu.memref_slice %arg2[%dma_start3A_818, %dma_start3A_819] : memref<20000x128xf32, #tpu.memory_space<hbm>> -> memref<20000x128xf32, #tpu.memory_space<hbm>>
      tpu.enqueue_indirect_dma source(%dma_start3A_820 : memref<20000x128xf32, #tpu.memory_space<hbm>>) target(%arg11 : memref<128x128xf32, #tpu.memory_space<vmem>>) offsets(%arg7 : memref<128xi32, #tpu.memory_space<vmem>>) semaphore(%arg15 : memref<!tpu.dma_semaphore, #tpu.memory_space<semaphore_mem>>)
      %dma_wait3A_821 = arith.constant 0 : i32
      %dma_wait3A_822 = arith.constant 0 : i32
      %dma_wait3A_823 = tpu.memref_slice %arg2[%dma_wait3A_821, %dma_wait3A_822] : memref<20000x128xf32, #tpu.memory_space<hbm>> -> memref<20000x128xf32, #tpu.memory_space<hbm>>
      tpu.wait_indirect_dma semaphore(%arg16 : memref<!tpu.dma_semaphore, #tpu.memory_space<semaphore_mem>>) src(%dma_wait3A_823 : memref<20000x128xf32, #tpu.memory_space<hbm>>) dst(%arg12 : memref<128x128xf32, #tpu.memory_space<vmem>>)
      "tpu.region"() ({
        %run_scoped3A = tpu.sem_alloc : memref<!tpu.dma_semaphore, #tpu.memory_space<semaphore_mem>>
        %dma_start3A_1079 = arith.constant 0 : i32
        %dma_start3A_1080 = arith.constant 0 : i32
        %dma_start3A_1081 = tpu.memref_slice %arg14[%dma_start3A_1079, %dma_start3A_1080] : memref<10000x128xf32, #tpu.memory_space<vmem_shared>> -> memref<10000x128xf32, #tpu.memory_space<vmem_shared>>
        tpu.enqueue_indirect_dma source(%arg12 : memref<128x128xf32, #tpu.memory_space<vmem>>) target(%dma_start3A_1081 : memref<10000x128xf32, #tpu.memory_space<vmem_shared>>) offsets(%arg10 : memref<128xi32, #tpu.memory_space<vmem>>) semaphore(%run_scoped3A : memref<!tpu.dma_semaphore, #tpu.memory_space<semaphore_mem>>) {add = true}
        %dma_wait3A_1082 = arith.constant 0 : i32
        %dma_wait3A_1083 = arith.constant 0 : i32
        %dma_wait3A_1084 = tpu.memref_slice %arg14[%dma_wait3A_1082, %dma_wait3A_1083] : memref<10000x128xf32, #tpu.memory_space<vmem_shared>> -> memref<10000x128xf32, #tpu.memory_space<vmem_shared>>
        tpu.wait_indirect_dma semaphore(%run_scoped3A : memref<!tpu.dma_semaphore, #tpu.memory_space<semaphore_mem>>) src(%arg12 : memref<128x128xf32, #tpu.memory_space<vmem>>) dst(%dma_wait3A_1084 : memref<10000x128xf32, #tpu.memory_space<vmem_shared>>)
        tpu.yield
      }) : () -> ()
      %mul3A_824 = arith.constant 2 : i32
      %mul3A_825 = arith.muli %mul3A_824, %scan3A_562 : i32
      %add3A_826 = arith.constant 3 : i32
      %add3A_827 = arith.addi %mul3A_825, %add3A_826 : i32
      %jit3A_828 = arith.constant 8 : i32
      %eq3A_829 = arith.constant 0 : i32
      %eq3A_830 = arith.cmpi eq, %jit3A_828, %eq3A_829 : i32
      %jit3A_831 = arith.constant 1 : i32
      %select_n3A_832 = arith.select %eq3A_830, %jit3A_831, %jit3A_828 : i32
      %rem3A_833 = arith.remsi %add3A_827, %select_n3A_832 : i32
      %ne3A_834 = arith.constant 0 : i32
      %ne3A_835 = arith.cmpi ne, %rem3A_833, %ne3A_834 : i32
      %lt3A_836 = arith.constant 0 : i32
      %lt3A_837 = arith.cmpi slt, %rem3A_833, %lt3A_836 : i32
      %lt3A_838 = arith.constant 0 : i32
      %lt3A_839 = arith.cmpi slt, %select_n3A_832, %lt3A_838 : i32
      %ne3A_840 = arith.xori %lt3A_837, %lt3A_839 : i1
      %and3A_841 = arith.andi %ne3A_840, %ne3A_835 : i1
      %add3A_842 = arith.addi %rem3A_833, %select_n3A_832 : i32
      %select_n3A_843 = arith.select %and3A_841, %add3A_842, %rem3A_833 : i32
      %sub3A_844 = arith.subi %add3A_827, %select_n3A_843 : i32
      %mul3A_845 = arith.constant 128 : i32
      %mul3A_846 = arith.muli %sub3A_844, %mul3A_845 : i32
      %add3A_847 = arith.addi %mul3A_9, %mul3A_846 : i32
      %sub3A_848 = arith.constant 158976 : i32
      %sub3A_849 = arith.subi %add3A_847, %sub3A_848 : i32
      %max3A_850 = arith.constant 0 : i32
      %max3A_851 = arith.maxsi %sub3A_849, %max3A_850 : i32
      %jit3A_852 = arith.constant 8 : i32
      %eq3A_853 = arith.constant 0 : i32
      %eq3A_854 = arith.cmpi eq, %jit3A_852, %eq3A_853 : i32
      %jit3A_855 = arith.constant 1 : i32
      %select_n3A_856 = arith.select %eq3A_854, %jit3A_855, %jit3A_852 : i32
      %rem3A_857 = arith.remsi %add3A_827, %select_n3A_856 : i32
      %ne3A_858 = arith.constant 0 : i32
      %ne3A_859 = arith.cmpi ne, %rem3A_857, %ne3A_858 : i32
      %lt3A_860 = arith.constant 0 : i32
      %lt3A_861 = arith.cmpi slt, %rem3A_857, %lt3A_860 : i32
      %lt3A_862 = arith.constant 0 : i32
      %lt3A_863 = arith.cmpi slt, %select_n3A_856, %lt3A_862 : i32
      %ne3A_864 = arith.xori %lt3A_861, %lt3A_863 : i1
      %and3A_865 = arith.andi %ne3A_864, %ne3A_859 : i1
      %add3A_866 = arith.addi %rem3A_857, %select_n3A_856 : i32
      %select_n3A_867 = arith.select %and3A_865, %add3A_866, %rem3A_857 : i32
      %eq3A_868 = arith.constant 0 : i32
      %eq3A_869 = arith.cmpi eq, %select_n3A_867, %eq3A_868 : i32
      %convert_element_type3A_870 = arith.extui %eq3A_869 : i1 to i32
      %cond3A_871 = arith.constant 0 : i32
      %cond3A_872 = arith.cmpi ne, %convert_element_type3A_870, %cond3A_871 : i32
      scf.if %cond3A_872 {
        %sub3A_1079 = arith.subi %add3A_847, %max3A_851 : i32
        %multiple_of3A = tpu.assume_multiple %sub3A_1079, 8 : i32
        "tpu.region"() ({
          %run_scoped3A = tpu.sem_alloc : memref<!tpu.dma_semaphore, #tpu.memory_space<semaphore_mem>>
          %dma_start3A_1082 = tpu.memref_slice %arg3[%multiple_of3A] : memref<320000xi32, #tpu.memory_space<hbm>> -> memref<1024xi32, #tpu.memory_space<hbm>>
          %dma_start3A_1083 = tpu.memref_slice %arg3[%multiple_of3A] : memref<320000xi32, #tpu.memory_space<hbm>> -> memref<1024xi32, #tpu.memory_space<hbm>>
          tpu.enqueue_dma source(%dma_start3A_1083 : memref<1024xi32, #tpu.memory_space<hbm>>) target(%arg5 : memref<1024xi32, #tpu.memory_space<vmem>>) target_semaphore(%run_scoped3A : memref<!tpu.dma_semaphore, #tpu.memory_space<semaphore_mem>>)
          %dma_wait3A_1084 = tpu.memref_slice %arg3[%multiple_of3A] : memref<320000xi32, #tpu.memory_space<hbm>> -> memref<1024xi32, #tpu.memory_space<hbm>>
          %dma_wait3A_1085 = tpu.memref_slice %arg3[%multiple_of3A] : memref<320000xi32, #tpu.memory_space<hbm>> -> memref<1024xi32, #tpu.memory_space<hbm>>
          tpu.wait_dma2 semaphore(%run_scoped3A : memref<!tpu.dma_semaphore, #tpu.memory_space<semaphore_mem>>) src(%dma_wait3A_1085 : memref<1024xi32, #tpu.memory_space<hbm>>) dst(%arg5 : memref<1024xi32, #tpu.memory_space<vmem>>)
          tpu.yield
        }) : () -> ()
        %add3A_1080 = arith.constant 160000 : i32
        %add3A_1081 = arith.addi %add3A_1080, %multiple_of3A : i32
        "tpu.region"() ({
          %run_scoped3A = tpu.sem_alloc : memref<!tpu.dma_semaphore, #tpu.memory_space<semaphore_mem>>
          %dma_start3A_1082 = tpu.memref_slice %arg3[%add3A_1081] : memref<320000xi32, #tpu.memory_space<hbm>> -> memref<1024xi32, #tpu.memory_space<hbm>>
          %dma_start3A_1083 = tpu.memref_slice %arg3[%add3A_1081] : memref<320000xi32, #tpu.memory_space<hbm>> -> memref<1024xi32, #tpu.memory_space<hbm>>
          tpu.enqueue_dma source(%dma_start3A_1083 : memref<1024xi32, #tpu.memory_space<hbm>>) target(%arg6 : memref<1024xi32, #tpu.memory_space<vmem>>) target_semaphore(%run_scoped3A : memref<!tpu.dma_semaphore, #tpu.memory_space<semaphore_mem>>)
          %dma_wait3A_1084 = tpu.memref_slice %arg3[%add3A_1081] : memref<320000xi32, #tpu.memory_space<hbm>> -> memref<1024xi32, #tpu.memory_space<hbm>>
          %dma_wait3A_1085 = tpu.memref_slice %arg3[%add3A_1081] : memref<320000xi32, #tpu.memory_space<hbm>> -> memref<1024xi32, #tpu.memory_space<hbm>>
          tpu.wait_dma2 semaphore(%run_scoped3A : memref<!tpu.dma_semaphore, #tpu.memory_space<semaphore_mem>>) src(%dma_wait3A_1085 : memref<1024xi32, #tpu.memory_space<hbm>>) dst(%arg6 : memref<1024xi32, #tpu.memory_space<vmem>>)
          tpu.yield
        }) : () -> ()
      } else {
      }
      %jit3A_873 = arith.constant 8 : i32
      %eq3A_874 = arith.constant 0 : i32
      %eq3A_875 = arith.cmpi eq, %jit3A_873, %eq3A_874 : i32
      %jit3A_876 = arith.constant 1 : i32
      %select_n3A_877 = arith.select %eq3A_875, %jit3A_876, %jit3A_873 : i32
      %rem3A_878 = arith.remsi %add3A_827, %select_n3A_877 : i32
      %ne3A_879 = arith.constant 0 : i32
      %ne3A_880 = arith.cmpi ne, %rem3A_878, %ne3A_879 : i32
      %lt3A_881 = arith.constant 0 : i32
      %lt3A_882 = arith.cmpi slt, %rem3A_878, %lt3A_881 : i32
      %lt3A_883 = arith.constant 0 : i32
      %lt3A_884 = arith.cmpi slt, %select_n3A_877, %lt3A_883 : i32
      %ne3A_885 = arith.xori %lt3A_882, %lt3A_884 : i1
      %and3A_886 = arith.andi %ne3A_885, %ne3A_880 : i1
      %add3A_887 = arith.addi %rem3A_878, %select_n3A_877 : i32
      %select_n3A_888 = arith.select %and3A_886, %add3A_887, %rem3A_878 : i32
      %mul3A_889 = arith.constant 128 : i32
      %mul3A_890 = arith.muli %select_n3A_888, %mul3A_889 : i32
      %add3A_891 = arith.addi %max3A_851, %mul3A_890 : i32
      %add3A_892 = arith.constant 0 : i32
      %add3A_893 = arith.addi %add3A_891, %add3A_892 : i32
      %get3A_894 = arith.index_cast %add3A_893 : i32 to index
      %get3A_895 = tpu.vector_load %arg5[%get3A_894] {strides = array<i32>} : memref<1024xi32, #tpu.memory_space<vmem>>, vector<16xi32>,
      %get3A_896 = vector.shape_cast %get3A_895 : vector<16xi32> to vector<16xi32>
      %mul3A_897 = arith.constant 2 : i32
      %mul3A_898 = vector.broadcast %mul3A_897 : i32 to vector<16xi32>
      %mul3A_899 = arith.muli %get3A_896, %mul3A_898 : vector<16xi32>
      %add3A_900 = vector.broadcast %arg0 : i32 to vector<16xi32>
      %add3A_901 = arith.addi %mul3A_899, %add3A_900 : vector<16xi32>
      %swap3A_902 = arith.constant 0 : index
      %swap3A_903 = tpu.vector_load %arg9[%swap3A_902] {strides = array<i32>} : memref<128xi32, #tpu.memory_space<vmem>>, vector<16xi32>,
      %swap3A_904 = vector.shape_cast %swap3A_903 : vector<16xi32> to vector<16xi32>
      %swap3A_905 = vector.shape_cast %add3A_901 : vector<16xi32> to vector<16xi32>
      tpu.vector_store %arg9[%swap3A_902], %swap3A_905 {strides = array<i32>} : memref<128xi32, #tpu.memory_space<vmem>>, vector<16xi32>,
      %add3A_906 = arith.constant 0 : i32
      %add3A_907 = arith.addi %add3A_891, %add3A_906 : i32
      %get3A_908 = arith.index_cast %add3A_907 : i32 to index
      %get3A_909 = tpu.vector_load %arg6[%get3A_908] {strides = array<i32>} : memref<1024xi32, #tpu.memory_space<vmem>>, vector<16xi32>,
      %get3A_910 = vector.shape_cast %get3A_909 : vector<16xi32> to vector<16xi32>
      %swap3A_911 = arith.constant 0 : index
      %swap3A_912 = tpu.vector_load %arg10[%swap3A_911] {strides = array<i32>} : memref<128xi32, #tpu.memory_space<vmem>>, vector<16xi32>,
      %swap3A_913 = vector.shape_cast %swap3A_912 : vector<16xi32> to vector<16xi32>
      %swap3A_914 = vector.shape_cast %get3A_910 : vector<16xi32> to vector<16xi32>
      tpu.vector_store %arg10[%swap3A_911], %swap3A_914 {strides = array<i32>} : memref<128xi32, #tpu.memory_space<vmem>>, vector<16xi32>,
      %add3A_915 = arith.constant 16 : i32
      %add3A_916 = arith.addi %add3A_891, %add3A_915 : i32
      %get3A_917 = arith.index_cast %add3A_916 : i32 to index
      %get3A_918 = tpu.vector_load %arg5[%get3A_917] {strides = array<i32>} : memref<1024xi32, #tpu.memory_space<vmem>>, vector<16xi32>,
      %get3A_919 = vector.shape_cast %get3A_918 : vector<16xi32> to vector<16xi32>
      %mul3A_920 = arith.constant 2 : i32
      %mul3A_921 = vector.broadcast %mul3A_920 : i32 to vector<16xi32>
      %mul3A_922 = arith.muli %get3A_919, %mul3A_921 : vector<16xi32>
      %add3A_923 = vector.broadcast %arg0 : i32 to vector<16xi32>
      %add3A_924 = arith.addi %mul3A_922, %add3A_923 : vector<16xi32>
      %swap3A_925 = arith.constant 16 : index
      %swap3A_926 = tpu.vector_load %arg9[%swap3A_925] {strides = array<i32>} : memref<128xi32, #tpu.memory_space<vmem>>, vector<16xi32>,
      %swap3A_927 = vector.shape_cast %swap3A_926 : vector<16xi32> to vector<16xi32>
      %swap3A_928 = vector.shape_cast %add3A_924 : vector<16xi32> to vector<16xi32>
      tpu.vector_store %arg9[%swap3A_925], %swap3A_928 {strides = array<i32>} : memref<128xi32, #tpu.memory_space<vmem>>, vector<16xi32>,
      %add3A_929 = arith.constant 16 : i32
      %add3A_930 = arith.addi %add3A_891, %add3A_929 : i32
      %get3A_931 = arith.index_cast %add3A_930 : i32 to index
      %get3A_932 = tpu.vector_load %arg6[%get3A_931] {strides = array<i32>} : memref<1024xi32, #tpu.memory_space<vmem>>, vector<16xi32>,
      %get3A_933 = vector.shape_cast %get3A_932 : vector<16xi32> to vector<16xi32>
      %swap3A_934 = arith.constant 16 : index
      %swap3A_935 = tpu.vector_load %arg10[%swap3A_934] {strides = array<i32>} : memref<128xi32, #tpu.memory_space<vmem>>, vector<16xi32>,
      %swap3A_936 = vector.shape_cast %swap3A_935 : vector<16xi32> to vector<16xi32>
      %swap3A_937 = vector.shape_cast %get3A_933 : vector<16xi32> to vector<16xi32>
      tpu.vector_store %arg10[%swap3A_934], %swap3A_937 {strides = array<i32>} : memref<128xi32, #tpu.memory_space<vmem>>, vector<16xi32>,
      %add3A_938 = arith.constant 32 : i32
      %add3A_939 = arith.addi %add3A_891, %add3A_938 : i32
      %get3A_940 = arith.index_cast %add3A_939 : i32 to index
      %get3A_941 = tpu.vector_load %arg5[%get3A_940] {strides = array<i32>} : memref<1024xi32, #tpu.memory_space<vmem>>, vector<16xi32>,
      %get3A_942 = vector.shape_cast %get3A_941 : vector<16xi32> to vector<16xi32>
      %mul3A_943 = arith.constant 2 : i32
      %mul3A_944 = vector.broadcast %mul3A_943 : i32 to vector<16xi32>
      %mul3A_945 = arith.muli %get3A_942, %mul3A_944 : vector<16xi32>
      %add3A_946 = vector.broadcast %arg0 : i32 to vector<16xi32>
      %add3A_947 = arith.addi %mul3A_945, %add3A_946 : vector<16xi32>
      %swap3A_948 = arith.constant 32 : index
      %swap3A_949 = tpu.vector_load %arg9[%swap3A_948] {strides = array<i32>} : memref<128xi32, #tpu.memory_space<vmem>>, vector<16xi32>,
      %swap3A_950 = vector.shape_cast %swap3A_949 : vector<16xi32> to vector<16xi32>
      %swap3A_951 = vector.shape_cast %add3A_947 : vector<16xi32> to vector<16xi32>
      tpu.vector_store %arg9[%swap3A_948], %swap3A_951 {strides = array<i32>} : memref<128xi32, #tpu.memory_space<vmem>>, vector<16xi32>,
      %add3A_952 = arith.constant 32 : i32
      %add3A_953 = arith.addi %add3A_891, %add3A_952 : i32
      %get3A_954 = arith.index_cast %add3A_953 : i32 to index
      %get3A_955 = tpu.vector_load %arg6[%get3A_954] {strides = array<i32>} : memref<1024xi32, #tpu.memory_space<vmem>>, vector<16xi32>,
      %get3A_956 = vector.shape_cast %get3A_955 : vector<16xi32> to vector<16xi32>
      %swap3A_957 = arith.constant 32 : index
      %swap3A_958 = tpu.vector_load %arg10[%swap3A_957] {strides = array<i32>} : memref<128xi32, #tpu.memory_space<vmem>>, vector<16xi32>,
      %swap3A_959 = vector.shape_cast %swap3A_958 : vector<16xi32> to vector<16xi32>
      %swap3A_960 = vector.shape_cast %get3A_956 : vector<16xi32> to vector<16xi32>
      tpu.vector_store %arg10[%swap3A_957], %swap3A_960 {strides = array<i32>} : memref<128xi32, #tpu.memory_space<vmem>>, vector<16xi32>,
      %add3A_961 = arith.constant 48 : i32
      %add3A_962 = arith.addi %add3A_891, %add3A_961 : i32
      %get3A_963 = arith.index_cast %add3A_962 : i32 to index
      %get3A_964 = tpu.vector_load %arg5[%get3A_963] {strides = array<i32>} : memref<1024xi32, #tpu.memory_space<vmem>>, vector<16xi32>,
      %get3A_965 = vector.shape_cast %get3A_964 : vector<16xi32> to vector<16xi32>
      %mul3A_966 = arith.constant 2 : i32
      %mul3A_967 = vector.broadcast %mul3A_966 : i32 to vector<16xi32>
      %mul3A_968 = arith.muli %get3A_965, %mul3A_967 : vector<16xi32>
      %add3A_969 = vector.broadcast %arg0 : i32 to vector<16xi32>
      %add3A_970 = arith.addi %mul3A_968, %add3A_969 : vector<16xi32>
      %swap3A_971 = arith.constant 48 : index
      %swap3A_972 = tpu.vector_load %arg9[%swap3A_971] {strides = array<i32>} : memref<128xi32, #tpu.memory_space<vmem>>, vector<16xi32>,
      %swap3A_973 = vector.shape_cast %swap3A_972 : vector<16xi32> to vector<16xi32>
      %swap3A_974 = vector.shape_cast %add3A_970 : vector<16xi32> to vector<16xi32>
      tpu.vector_store %arg9[%swap3A_971], %swap3A_974 {strides = array<i32>} : memref<128xi32, #tpu.memory_space<vmem>>, vector<16xi32>,
      %add3A_975 = arith.constant 48 : i32
      %add3A_976 = arith.addi %add3A_891, %add3A_975 : i32
      %get3A_977 = arith.index_cast %add3A_976 : i32 to index
      %get3A_978 = tpu.vector_load %arg6[%get3A_977] {strides = array<i32>} : memref<1024xi32, #tpu.memory_space<vmem>>, vector<16xi32>,
      %get3A_979 = vector.shape_cast %get3A_978 : vector<16xi32> to vector<16xi32>
      %swap3A_980 = arith.constant 48 : index
      %swap3A_981 = tpu.vector_load %arg10[%swap3A_980] {strides = array<i32>} : memref<128xi32, #tpu.memory_space<vmem>>, vector<16xi32>,
      %swap3A_982 = vector.shape_cast %swap3A_981 : vector<16xi32> to vector<16xi32>
      %swap3A_983 = vector.shape_cast %get3A_979 : vector<16xi32> to vector<16xi32>
      tpu.vector_store %arg10[%swap3A_980], %swap3A_983 {strides = array<i32>} : memref<128xi32, #tpu.memory_space<vmem>>, vector<16xi32>,
      %add3A_984 = arith.constant 64 : i32
      %add3A_985 = arith.addi %add3A_891, %add3A_984 : i32
      %get3A_986 = arith.index_cast %add3A_985 : i32 to index
      %get3A_987 = tpu.vector_load %arg5[%get3A_986] {strides = array<i32>} : memref<1024xi32, #tpu.memory_space<vmem>>, vector<16xi32>,
      %get3A_988 = vector.shape_cast %get3A_987 : vector<16xi32> to vector<16xi32>
      %mul3A_989 = arith.constant 2 : i32
      %mul3A_990 = vector.broadcast %mul3A_989 : i32 to vector<16xi32>
      %mul3A_991 = arith.muli %get3A_988, %mul3A_990 : vector<16xi32>
      %add3A_992 = vector.broadcast %arg0 : i32 to vector<16xi32>
      %add3A_993 = arith.addi %mul3A_991, %add3A_992 : vector<16xi32>
      %swap3A_994 = arith.constant 64 : index
      %swap3A_995 = tpu.vector_load %arg9[%swap3A_994] {strides = array<i32>} : memref<128xi32, #tpu.memory_space<vmem>>, vector<16xi32>,
      %swap3A_996 = vector.shape_cast %swap3A_995 : vector<16xi32> to vector<16xi32>
      %swap3A_997 = vector.shape_cast %add3A_993 : vector<16xi32> to vector<16xi32>
      tpu.vector_store %arg9[%swap3A_994], %swap3A_997 {strides = array<i32>} : memref<128xi32, #tpu.memory_space<vmem>>, vector<16xi32>,
      %add3A_998 = arith.constant 64 : i32
      %add3A_999 = arith.addi %add3A_891, %add3A_998 : i32
      %get3A_1000 = arith.index_cast %add3A_999 : i32 to index
      %get3A_1001 = tpu.vector_load %arg6[%get3A_1000] {strides = array<i32>} : memref<1024xi32, #tpu.memory_space<vmem>>, vector<16xi32>,
      %get3A_1002 = vector.shape_cast %get3A_1001 : vector<16xi32> to vector<16xi32>
      %swap3A_1003 = arith.constant 64 : index
      %swap3A_1004 = tpu.vector_load %arg10[%swap3A_1003] {strides = array<i32>} : memref<128xi32, #tpu.memory_space<vmem>>, vector<16xi32>,
      %swap3A_1005 = vector.shape_cast %swap3A_1004 : vector<16xi32> to vector<16xi32>
      %swap3A_1006 = vector.shape_cast %get3A_1002 : vector<16xi32> to vector<16xi32>
      tpu.vector_store %arg10[%swap3A_1003], %swap3A_1006 {strides = array<i32>} : memref<128xi32, #tpu.memory_space<vmem>>, vector<16xi32>,
      %add3A_1007 = arith.constant 80 : i32
      %add3A_1008 = arith.addi %add3A_891, %add3A_1007 : i32
      %get3A_1009 = arith.index_cast %add3A_1008 : i32 to index
      %get3A_1010 = tpu.vector_load %arg5[%get3A_1009] {strides = array<i32>} : memref<1024xi32, #tpu.memory_space<vmem>>, vector<16xi32>,
      %get3A_1011 = vector.shape_cast %get3A_1010 : vector<16xi32> to vector<16xi32>
      %mul3A_1012 = arith.constant 2 : i32
      %mul3A_1013 = vector.broadcast %mul3A_1012 : i32 to vector<16xi32>
      %mul3A_1014 = arith.muli %get3A_1011, %mul3A_1013 : vector<16xi32>
      %add3A_1015 = vector.broadcast %arg0 : i32 to vector<16xi32>
      %add3A_1016 = arith.addi %mul3A_1014, %add3A_1015 : vector<16xi32>
      %swap3A_1017 = arith.constant 80 : index
      %swap3A_1018 = tpu.vector_load %arg9[%swap3A_1017] {strides = array<i32>} : memref<128xi32, #tpu.memory_space<vmem>>, vector<16xi32>,
      %swap3A_1019 = vector.shape_cast %swap3A_1018 : vector<16xi32> to vector<16xi32>
      %swap3A_1020 = vector.shape_cast %add3A_1016 : vector<16xi32> to vector<16xi32>
      tpu.vector_store %arg9[%swap3A_1017], %swap3A_1020 {strides = array<i32>} : memref<128xi32, #tpu.memory_space<vmem>>, vector<16xi32>,
      %add3A_1021 = arith.constant 80 : i32
      %add3A_1022 = arith.addi %add3A_891, %add3A_1021 : i32
      %get3A_1023 = arith.index_cast %add3A_1022 : i32 to index
      %get3A_1024 = tpu.vector_load %arg6[%get3A_1023] {strides = array<i32>} : memref<1024xi32, #tpu.memory_space<vmem>>, vector<16xi32>,
      %get3A_1025 = vector.shape_cast %get3A_1024 : vector<16xi32> to vector<16xi32>
      %swap3A_1026 = arith.constant 80 : index
      %swap3A_1027 = tpu.vector_load %arg10[%swap3A_1026] {strides = array<i32>} : memref<128xi32, #tpu.memory_space<vmem>>, vector<16xi32>,
      %swap3A_1028 = vector.shape_cast %swap3A_1027 : vector<16xi32> to vector<16xi32>
      %swap3A_1029 = vector.shape_cast %get3A_1025 : vector<16xi32> to vector<16xi32>
      tpu.vector_store %arg10[%swap3A_1026], %swap3A_1029 {strides = array<i32>} : memref<128xi32, #tpu.memory_space<vmem>>, vector<16xi32>,
      %add3A_1030 = arith.constant 96 : i32
      %add3A_1031 = arith.addi %add3A_891, %add3A_1030 : i32
      %get3A_1032 = arith.index_cast %add3A_1031 : i32 to index
      %get3A_1033 = tpu.vector_load %arg5[%get3A_1032] {strides = array<i32>} : memref<1024xi32, #tpu.memory_space<vmem>>, vector<16xi32>,
      %get3A_1034 = vector.shape_cast %get3A_1033 : vector<16xi32> to vector<16xi32>
      %mul3A_1035 = arith.constant 2 : i32
      %mul3A_1036 = vector.broadcast %mul3A_1035 : i32 to vector<16xi32>
      %mul3A_1037 = arith.muli %get3A_1034, %mul3A_1036 : vector<16xi32>
      %add3A_1038 = vector.broadcast %arg0 : i32 to vector<16xi32>
      %add3A_1039 = arith.addi %mul3A_1037, %add3A_1038 : vector<16xi32>
      %swap3A_1040 = arith.constant 96 : index
      %swap3A_1041 = tpu.vector_load %arg9[%swap3A_1040] {strides = array<i32>} : memref<128xi32, #tpu.memory_space<vmem>>, vector<16xi32>,
      %swap3A_1042 = vector.shape_cast %swap3A_1041 : vector<16xi32> to vector<16xi32>
      %swap3A_1043 = vector.shape_cast %add3A_1039 : vector<16xi32> to vector<16xi32>
      tpu.vector_store %arg9[%swap3A_1040], %swap3A_1043 {strides = array<i32>} : memref<128xi32, #tpu.memory_space<vmem>>, vector<16xi32>,
      %add3A_1044 = arith.constant 96 : i32
      %add3A_1045 = arith.addi %add3A_891, %add3A_1044 : i32
      %get3A_1046 = arith.index_cast %add3A_1045 : i32 to index
      %get3A_1047 = tpu.vector_load %arg6[%get3A_1046] {strides = array<i32>} : memref<1024xi32, #tpu.memory_space<vmem>>, vector<16xi32>,
      %get3A_1048 = vector.shape_cast %get3A_1047 : vector<16xi32> to vector<16xi32>
      %swap3A_1049 = arith.constant 96 : index
      %swap3A_1050 = tpu.vector_load %arg10[%swap3A_1049] {strides = array<i32>} : memref<128xi32, #tpu.memory_space<vmem>>, vector<16xi32>,
      %swap3A_1051 = vector.shape_cast %swap3A_1050 : vector<16xi32> to vector<16xi32>
      %swap3A_1052 = vector.shape_cast %get3A_1048 : vector<16xi32> to vector<16xi32>
      tpu.vector_store %arg10[%swap3A_1049], %swap3A_1052 {strides = array<i32>} : memref<128xi32, #tpu.memory_space<vmem>>, vector<16xi32>,
      %add3A_1053 = arith.constant 112 : i32
      %add3A_1054 = arith.addi %add3A_891, %add3A_1053 : i32
      %get3A_1055 = arith.index_cast %add3A_1054 : i32 to index
      %get3A_1056 = tpu.vector_load %arg5[%get3A_1055] {strides = array<i32>} : memref<1024xi32, #tpu.memory_space<vmem>>, vector<16xi32>,
      %get3A_1057 = vector.shape_cast %get3A_1056 : vector<16xi32> to vector<16xi32>
      %mul3A_1058 = arith.constant 2 : i32
      %mul3A_1059 = vector.broadcast %mul3A_1058 : i32 to vector<16xi32>
      %mul3A_1060 = arith.muli %get3A_1057, %mul3A_1059 : vector<16xi32>
      %add3A_1061 = vector.broadcast %arg0 : i32 to vector<16xi32>
      %add3A_1062 = arith.addi %mul3A_1060, %add3A_1061 : vector<16xi32>
      %swap3A_1063 = arith.constant 112 : index
      %swap3A_1064 = tpu.vector_load %arg9[%swap3A_1063] {strides = array<i32>} : memref<128xi32, #tpu.memory_space<vmem>>, vector<16xi32>,
      %swap3A_1065 = vector.shape_cast %swap3A_1064 : vector<16xi32> to vector<16xi32>
      %swap3A_1066 = vector.shape_cast %add3A_1062 : vector<16xi32> to vector<16xi32>
      tpu.vector_store %arg9[%swap3A_1063], %swap3A_1066 {strides = array<i32>} : memref<128xi32, #tpu.memory_space<vmem>>, vector<16xi32>,
      %add3A_1067 = arith.constant 112 : i32
      %add3A_1068 = arith.addi %add3A_891, %add3A_1067 : i32
      %get3A_1069 = arith.index_cast %add3A_1068 : i32 to index
      %get3A_1070 = tpu.vector_load %arg6[%get3A_1069] {strides = array<i32>} : memref<1024xi32, #tpu.memory_space<vmem>>, vector<16xi32>,
      %get3A_1071 = vector.shape_cast %get3A_1070 : vector<16xi32> to vector<16xi32>
      %swap3A_1072 = arith.constant 112 : index
      %swap3A_1073 = tpu.vector_load %arg10[%swap3A_1072] {strides = array<i32>} : memref<128xi32, #tpu.memory_space<vmem>>, vector<16xi32>,
      %swap3A_1074 = vector.shape_cast %swap3A_1073 : vector<16xi32> to vector<16xi32>
      %swap3A_1075 = vector.shape_cast %get3A_1071 : vector<16xi32> to vector<16xi32>
      tpu.vector_store %arg10[%swap3A_1072], %swap3A_1075 {strides = array<i32>} : memref<128xi32, #tpu.memory_space<vmem>>, vector<16xi32>,
      %dma_start3A_1076 = arith.constant 0 : i32
      %dma_start3A_1077 = arith.constant 0 : i32
      %dma_start3A_1078 = tpu.memref_slice %arg2[%dma_start3A_1076, %dma_start3A_1077] : memref<20000x128xf32, #tpu.memory_space<hbm>> -> memref<20000x128xf32, #tpu.memory_space<hbm>>
      tpu.enqueue_indirect_dma source(%dma_start3A_1078 : memref<20000x128xf32, #tpu.memory_space<hbm>>) target(%arg12 : memref<128x128xf32, #tpu.memory_space<vmem>>) offsets(%arg9 : memref<128xi32, #tpu.memory_space<vmem>>) semaphore(%arg16 : memref<!tpu.dma_semaphore, #tpu.memory_space<semaphore_mem>>)
    }
    %scan3A_513 = arith.constant 38 : i32
    %dma_wait3A = arith.constant 0 : i32
    %dma_wait3A_514 = arith.constant 0 : i32
    %dma_wait3A_515 = tpu.memref_slice %arg2[%dma_wait3A, %dma_wait3A_514] : memref<20000x128xf32, #tpu.memory_space<hbm>> -> memref<20000x128xf32, #tpu.memory_space<hbm>>
    tpu.wait_indirect_dma semaphore(%arg15 : memref<!tpu.dma_semaphore, #tpu.memory_space<semaphore_mem>>) src(%dma_wait3A_515 : memref<20000x128xf32, #tpu.memory_space<hbm>>) dst(%arg11 : memref<128x128xf32, #tpu.memory_space<vmem>>)
    "tpu.region"() ({
      %run_scoped3A = tpu.sem_alloc : memref<!tpu.dma_semaphore, #tpu.memory_space<semaphore_mem>>
      %dma_start3A_562 = arith.constant 0 : i32
      %dma_start3A_563 = arith.constant 0 : i32
      %dma_start3A_564 = tpu.memref_slice %arg14[%dma_start3A_562, %dma_start3A_563] : memref<10000x128xf32, #tpu.memory_space<vmem_shared>> -> memref<10000x128xf32, #tpu.memory_space<vmem_shared>>
      tpu.enqueue_indirect_dma source(%arg11 : memref<128x128xf32, #tpu.memory_space<vmem>>) target(%dma_start3A_564 : memref<10000x128xf32, #tpu.memory_space<vmem_shared>>) offsets(%arg8 : memref<128xi32, #tpu.memory_space<vmem>>) semaphore(%run_scoped3A : memref<!tpu.dma_semaphore, #tpu.memory_space<semaphore_mem>>) {add = true}
      %dma_wait3A_565 = arith.constant 0 : i32
      %dma_wait3A_566 = arith.constant 0 : i32
      %dma_wait3A_567 = tpu.memref_slice %arg14[%dma_wait3A_565, %dma_wait3A_566] : memref<10000x128xf32, #tpu.memory_space<vmem_shared>> -> memref<10000x128xf32, #tpu.memory_space<vmem_shared>>
      tpu.wait_indirect_dma semaphore(%run_scoped3A : memref<!tpu.dma_semaphore, #tpu.memory_space<semaphore_mem>>) src(%arg11 : memref<128x128xf32, #tpu.memory_space<vmem>>) dst(%dma_wait3A_567 : memref<10000x128xf32, #tpu.memory_space<vmem_shared>>)
      tpu.yield
    }) : () -> ()
    %dma_wait3A_516 = arith.constant 0 : i32
    %dma_wait3A_517 = arith.constant 0 : i32
    %dma_wait3A_518 = tpu.memref_slice %arg2[%dma_wait3A_516, %dma_wait3A_517] : memref<20000x128xf32, #tpu.memory_space<hbm>> -> memref<20000x128xf32, #tpu.memory_space<hbm>>
    tpu.wait_indirect_dma semaphore(%arg16 : memref<!tpu.dma_semaphore, #tpu.memory_space<semaphore_mem>>) src(%dma_wait3A_518 : memref<20000x128xf32, #tpu.memory_space<hbm>>) dst(%arg12 : memref<128x128xf32, #tpu.memory_space<vmem>>)
    "tpu.region"() ({
      %run_scoped3A = tpu.sem_alloc : memref<!tpu.dma_semaphore, #tpu.memory_space<semaphore_mem>>
      %dma_start3A_562 = arith.constant 0 : i32
      %dma_start3A_563 = arith.constant 0 : i32
      %dma_start3A_564 = tpu.memref_slice %arg14[%dma_start3A_562, %dma_start3A_563] : memref<10000x128xf32, #tpu.memory_space<vmem_shared>> -> memref<10000x128xf32, #tpu.memory_space<vmem_shared>>
      tpu.enqueue_indirect_dma source(%arg12 : memref<128x128xf32, #tpu.memory_space<vmem>>) target(%dma_start3A_564 : memref<10000x128xf32, #tpu.memory_space<vmem_shared>>) offsets(%arg10 : memref<128xi32, #tpu.memory_space<vmem>>) semaphore(%run_scoped3A : memref<!tpu.dma_semaphore, #tpu.memory_space<semaphore_mem>>) {add = true}
      %dma_wait3A_565 = arith.constant 0 : i32
      %dma_wait3A_566 = arith.constant 0 : i32
      %dma_wait3A_567 = tpu.memref_slice %arg14[%dma_wait3A_565, %dma_wait3A_566] : memref<10000x128xf32, #tpu.memory_space<vmem_shared>> -> memref<10000x128xf32, #tpu.memory_space<vmem_shared>>
      tpu.wait_indirect_dma semaphore(%run_scoped3A : memref<!tpu.dma_semaphore, #tpu.memory_space<semaphore_mem>>) src(%arg12 : memref<128x128xf32, #tpu.memory_space<vmem>>) dst(%dma_wait3A_567 : memref<10000x128xf32, #tpu.memory_space<vmem_shared>>)
      tpu.yield
    }) : () -> ()
    %add3A_519 = arith.constant 9216 : i32
    %add3A_520 = arith.addi %mul3A_9, %add3A_519 : i32
    %sub3A_521 = arith.constant 158976 : i32
    %sub3A_522 = arith.subi %add3A_520, %sub3A_521 : i32
    %max3A_523 = arith.constant 0 : i32
    %max3A_524 = arith.maxsi %sub3A_522, %max3A_523 : i32
    %add3A_525 = arith.constant 768 : i32
    %add3A_526 = arith.addi %max3A_524, %add3A_525 : i32
    %add3A_527 = arith.constant 0 : i32
    %add3A_528 = arith.addi %add3A_526, %add3A_527 : i32
    %get3A_529 = arith.index_cast %add3A_528 : i32 to index
    %get3A_530 = tpu.vector_load %arg5[%get3A_529] {strides = array<i32>} : memref<1024xi32, #tpu.memory_space<vmem>>, vector<16xi32>,
    %get3A_531 = vector.shape_cast %get3A_530 : vector<16xi32> to vector<16xi32>
    %mul3A_532 = arith.constant 2 : i32
    %mul3A_533 = vector.broadcast %mul3A_532 : i32 to vector<16xi32>
    %mul3A_534 = arith.muli %get3A_531, %mul3A_533 : vector<16xi32>
    %add3A_535 = vector.broadcast %arg0 : i32 to vector<16xi32>
    %add3A_536 = arith.addi %mul3A_534, %add3A_535 : vector<16xi32>
    %swap3A_537 = arith.constant 0 : index
    %swap3A_538 = tpu.vector_load %arg18[%swap3A_537] {strides = array<i32>} : memref<16xi32, #tpu.memory_space<vmem>>, vector<16xi32>,
    %swap3A_539 = vector.shape_cast %swap3A_538 : vector<16xi32> to vector<16xi32>
    %swap3A_540 = vector.shape_cast %add3A_536 : vector<16xi32> to vector<16xi32>
    tpu.vector_store %arg18[%swap3A_537], %swap3A_540 {strides = array<i32>} : memref<16xi32, #tpu.memory_space<vmem>>, vector<16xi32>,
    %add3A_541 = arith.constant 0 : i32
    %add3A_542 = arith.addi %add3A_526, %add3A_541 : i32
    %get3A_543 = arith.index_cast %add3A_542 : i32 to index
    %get3A_544 = tpu.vector_load %arg6[%get3A_543] {strides = array<i32>} : memref<1024xi32, #tpu.memory_space<vmem>>, vector<16xi32>,
    %get3A_545 = vector.shape_cast %get3A_544 : vector<16xi32> to vector<16xi32>
    %swap3A_546 = arith.constant 0 : index
    %swap3A_547 = tpu.vector_load %arg19[%swap3A_546] {strides = array<i32>} : memref<16xi32, #tpu.memory_space<vmem>>, vector<16xi32>,
    %swap3A_548 = vector.shape_cast %swap3A_547 : vector<16xi32> to vector<16xi32>
    %swap3A_549 = vector.shape_cast %get3A_545 : vector<16xi32> to vector<16xi32>
    tpu.vector_store %arg19[%swap3A_546], %swap3A_549 {strides = array<i32>} : memref<16xi32, #tpu.memory_space<vmem>>, vector<16xi32>,
    %dma_start3A_550 = arith.constant 0 : i32
    %dma_start3A_551 = arith.constant 0 : i32
    %dma_start3A_552 = tpu.memref_slice %arg2[%dma_start3A_550, %dma_start3A_551] : memref<20000x128xf32, #tpu.memory_space<hbm>> -> memref<20000x128xf32, #tpu.memory_space<hbm>>
    tpu.enqueue_indirect_dma source(%dma_start3A_552 : memref<20000x128xf32, #tpu.memory_space<hbm>>) target(%arg20 : memref<16x128xf32, #tpu.memory_space<vmem>>) offsets(%arg18 : memref<16xi32, #tpu.memory_space<vmem>>) semaphore(%arg15 : memref<!tpu.dma_semaphore, #tpu.memory_space<semaphore_mem>>)
    %dma_wait3A_553 = arith.constant 0 : i32
    %dma_wait3A_554 = arith.constant 0 : i32
    %dma_wait3A_555 = tpu.memref_slice %arg2[%dma_wait3A_553, %dma_wait3A_554] : memref<20000x128xf32, #tpu.memory_space<hbm>> -> memref<20000x128xf32, #tpu.memory_space<hbm>>
    tpu.wait_indirect_dma semaphore(%arg15 : memref<!tpu.dma_semaphore, #tpu.memory_space<semaphore_mem>>) src(%dma_wait3A_555 : memref<20000x128xf32, #tpu.memory_space<hbm>>) dst(%arg20 : memref<16x128xf32, #tpu.memory_space<vmem>>)
    "tpu.region"() ({
      %run_scoped3A = tpu.sem_alloc : memref<!tpu.dma_semaphore, #tpu.memory_space<semaphore_mem>>
      %dma_start3A_562 = arith.constant 0 : i32
      %dma_start3A_563 = arith.constant 0 : i32
      %dma_start3A_564 = tpu.memref_slice %arg14[%dma_start3A_562, %dma_start3A_563] : memref<10000x128xf32, #tpu.memory_space<vmem_shared>> -> memref<10000x128xf32, #tpu.memory_space<vmem_shared>>
      tpu.enqueue_indirect_dma source(%arg20 : memref<16x128xf32, #tpu.memory_space<vmem>>) target(%dma_start3A_564 : memref<10000x128xf32, #tpu.memory_space<vmem_shared>>) offsets(%arg19 : memref<16xi32, #tpu.memory_space<vmem>>) semaphore(%run_scoped3A : memref<!tpu.dma_semaphore, #tpu.memory_space<semaphore_mem>>) {add = true}
      %dma_wait3A_565 = arith.constant 0 : i32
      %dma_wait3A_566 = arith.constant 0 : i32
      %dma_wait3A_567 = tpu.memref_slice %arg14[%dma_wait3A_565, %dma_wait3A_566] : memref<10000x128xf32, #tpu.memory_space<vmem_shared>> -> memref<10000x128xf32, #tpu.memory_space<vmem_shared>>
      tpu.wait_indirect_dma semaphore(%run_scoped3A : memref<!tpu.dma_semaphore, #tpu.memory_space<semaphore_mem>>) src(%arg20 : memref<16x128xf32, #tpu.memory_space<vmem>>) dst(%dma_wait3A_567 : memref<10000x128xf32, #tpu.memory_space<vmem_shared>>)
      tpu.yield
    }) : () -> ()
    %barrier3A_556 = arith.constant 0 : index
    tpu.barrier barrier_id(%barrier3A_556)
    %lt3A_557 = arith.constant 10 : i32
    %lt3A_558 = arith.cmpi slt, %arg1, %lt3A_557 : i32
    %convert_element_type3A_559 = arith.extui %lt3A_558 : i1 to i32
    %cond3A_560 = arith.constant 0 : i32
    %cond3A_561 = arith.cmpi ne, %convert_element_type3A_559, %cond3A_560 : i32
    scf.if %cond3A_561 {
      "tpu.region"() ({
        %run_scoped3A = tpu.sem_alloc : memref<!tpu.dma_semaphore, #tpu.memory_space<semaphore_mem>>
        %dma_start3A_562 = arith.constant 0 : i32
        %dma_start3A_563 = tpu.memref_slice %arg4[%arg0, %mul3A_5, %dma_start3A_562] : memref<2x10000x128xf32, #tpu.memory_space<hbm>> -> memref<1x1000x128xf32, #tpu.memory_space<hbm>>
        %dma_start3A_564 = tpu.memref_squeeze %dma_start3A_563 : memref<1x1000x128xf32, #tpu.memory_space<hbm>> -> memref<1000x128xf32, #tpu.memory_space<hbm>>
        %dma_start3A_565 = arith.constant 0 : i32
        %dma_start3A_566 = tpu.memref_slice %arg14[%mul3A_5, %dma_start3A_565] : memref<10000x128xf32, #tpu.memory_space<vmem_shared>> -> memref<1000x128xf32, #tpu.memory_space<vmem_shared>>
        tpu.enqueue_dma source(%dma_start3A_566 : memref<1000x128xf32, #tpu.memory_space<vmem_shared>>) target(%dma_start3A_564 : memref<1000x128xf32, #tpu.memory_space<hbm>>) target_semaphore(%run_scoped3A : memref<!tpu.dma_semaphore, #tpu.memory_space<semaphore_mem>>)
        %dma_wait3A_567 = arith.constant 0 : i32
        %dma_wait3A_568 = tpu.memref_slice %arg4[%arg0, %mul3A_5, %dma_wait3A_567] : memref<2x10000x128xf32, #tpu.memory_space<hbm>> -> memref<1x1000x128xf32, #tpu.memory_space<hbm>>
        %dma_wait3A_569 = tpu.memref_squeeze %dma_wait3A_568 : memref<1x1000x128xf32, #tpu.memory_space<hbm>> -> memref<1000x128xf32, #tpu.memory_space<hbm>>
        %dma_wait3A_570 = arith.constant 0 : i32
        %dma_wait3A_571 = tpu.memref_slice %arg14[%mul3A_5, %dma_wait3A_570] : memref<10000x128xf32, #tpu.memory_space<vmem_shared>> -> memref<1000x128xf32, #tpu.memory_space<vmem_shared>>
        tpu.wait_dma2 semaphore(%run_scoped3A : memref<!tpu.dma_semaphore, #tpu.memory_space<semaphore_mem>>) src(%dma_wait3A_571 : memref<1000x128xf32, #tpu.memory_space<vmem_shared>>) dst(%dma_wait3A_569 : memref<1000x128xf32, #tpu.memory_space<hbm>>)
        tpu.yield
      }) : () -> ()
    } else {
    }
    return
  }
}

#map = affine_map<(d0, d1) -> (0, 0)>
#map1 = affine_map<(d0, d1) -> (0)>
#map2 = affine_map<(d0, d1) -> (0, 0, 0)>
module attributes {stable_mosaic.version = 14 : i64} {
  func.func @k(%arg0: i32, %arg1: i32, %arg2: memref<20000x128xf32, #tpu.memory_space<hbm>>, %arg3: memref<320000xi32, #tpu.memory_space<hbm>>, %arg4: memref<2x10000x128xf32, #tpu.memory_space<hbm>>, %arg5: memref<1024xi32, #tpu.memory_space<vmem>>, %arg6: memref<1024xi32, #tpu.memory_space<vmem>>, %arg7: memref<128xi32, #tpu.memory_space<vmem>>, %arg8: memref<128xi32, #tpu.memory_space<vmem>>, %arg9: memref<128xi32, #tpu.memory_space<vmem>>, %arg10: memref<128xi32, #tpu.memory_space<vmem>>, %arg11: memref<128x128xf32, #tpu.memory_space<vmem>>, %arg12: memref<128x128xf32, #tpu.memory_space<vmem>>, %arg13: memref<40x128xf32, #tpu.memory_space<vmem>>, %arg14: memref<10000x128xf32, #tpu.memory_space<vmem_shared>>, %arg15: memref<!tpu.dma_semaphore, #tpu.memory_space<semaphore_mem>>, %arg16: memref<!tpu.dma_semaphore, #tpu.memory_space<semaphore_mem>>, %arg17: memref<!tpu.dma_semaphore, #tpu.memory_space<semaphore_mem>>, %arg18: memref<16xi32, #tpu.memory_space<vmem>>, %arg19: memref<16xi32, #tpu.memory_space<vmem>>, %arg20: memref<16x128xf32, #tpu.memory_space<vmem>>) attributes {dimension_semantics = [#tpu.dimension_semantics<core_parallel>, #tpu.dimension_semantics<subcore_parallel>], iteration_bounds = array<i64: 2, 16>, scalar_prefetch = 0 : i64, scratch_operands = 16 : i64, tpu.core_type = #tpu.core_type<sc_vector_subcore>, window_params = [{transform_indices = #map}, {transform_indices = #map1}, {transform_indices = #map2}]} {
    %scan3A = arith.constant 0 : i32
    %scan3A_0 = arith.constant 0 : i32
    %scan3A_1 = arith.constant 40 : i32
    %scan3A_2 = arith.addi %scan3A_0, %scan3A_1 : i32
    %scan3A_3 = arith.constant 1 : i32
    scf.for %scan3A_562 = %scan3A_0 to %scan3A_2 step %scan3A_3  : i32 {
      %broadcast_in_dim3A = arith.constant 0.000000e+00 : f32
      %broadcast_in_dim3A_563 = vector.broadcast %broadcast_in_dim3A : f32 to vector<16xf32>
      %swap3A_564 = arith.index_cast %scan3A_562 : i32 to index
      %swap3A_565 = arith.constant 0 : index
      %swap3A_566 = tpu.vector_load %arg13[%swap3A_564, %swap3A_565] {strides = array<i32>} : memref<40x128xf32, #tpu.memory_space<vmem>>, vector<1x16xf32>,
      %swap3A_567 = vector.shape_cast %swap3A_566 : vector<1x16xf32> to vector<16xf32>
      %swap3A_568 = vector.shape_cast %broadcast_in_dim3A_563 : vector<16xf32> to vector<1x16xf32>
      tpu.vector_store %arg13[%swap3A_564, %swap3A_565], %swap3A_568 {strides = array<i32>} : memref<40x128xf32, #tpu.memory_space<vmem>>, vector<1x16xf32>,
      %broadcast_in_dim3A_569 = arith.constant 0.000000e+00 : f32
      %broadcast_in_dim3A_570 = vector.broadcast %broadcast_in_dim3A_569 : f32 to vector<16xf32>
      %swap3A_571 = arith.index_cast %scan3A_562 : i32 to index
      %swap3A_572 = arith.constant 16 : index
      %swap3A_573 = tpu.vector_load %arg13[%swap3A_571, %swap3A_572] {strides = array<i32>} : memref<40x128xf32, #tpu.memory_space<vmem>>, vector<1x16xf32>,
      %swap3A_574 = vector.shape_cast %swap3A_573 : vector<1x16xf32> to vector<16xf32>
      %swap3A_575 = vector.shape_cast %broadcast_in_dim3A_570 : vector<16xf32> to vector<1x16xf32>
      tpu.vector_store %arg13[%swap3A_571, %swap3A_572], %swap3A_575 {strides = array<i32>} : memref<40x128xf32, #tpu.memory_space<vmem>>, vector<1x16xf32>,
      %broadcast_in_dim3A_576 = arith.constant 0.000000e+00 : f32
      %broadcast_in_dim3A_577 = vector.broadcast %broadcast_in_dim3A_576 : f32 to vector<16xf32>
      %swap3A_578 = arith.index_cast %scan3A_562 : i32 to index
      %swap3A_579 = arith.constant 32 : index
      %swap3A_580 = tpu.vector_load %arg13[%swap3A_578, %swap3A_579] {strides = array<i32>} : memref<40x128xf32, #tpu.memory_space<vmem>>, vector<1x16xf32>,
      %swap3A_581 = vector.shape_cast %swap3A_580 : vector<1x16xf32> to vector<16xf32>
      %swap3A_582 = vector.shape_cast %broadcast_in_dim3A_577 : vector<16xf32> to vector<1x16xf32>
      tpu.vector_store %arg13[%swap3A_578, %swap3A_579], %swap3A_582 {strides = array<i32>} : memref<40x128xf32, #tpu.memory_space<vmem>>, vector<1x16xf32>,
      %broadcast_in_dim3A_583 = arith.constant 0.000000e+00 : f32
      %broadcast_in_dim3A_584 = vector.broadcast %broadcast_in_dim3A_583 : f32 to vector<16xf32>
      %swap3A_585 = arith.index_cast %scan3A_562 : i32 to index
      %swap3A_586 = arith.constant 48 : index
      %swap3A_587 = tpu.vector_load %arg13[%swap3A_585, %swap3A_586] {strides = array<i32>} : memref<40x128xf32, #tpu.memory_space<vmem>>, vector<1x16xf32>,
      %swap3A_588 = vector.shape_cast %swap3A_587 : vector<1x16xf32> to vector<16xf32>
      %swap3A_589 = vector.shape_cast %broadcast_in_dim3A_584 : vector<16xf32> to vector<1x16xf32>
      tpu.vector_store %arg13[%swap3A_585, %swap3A_586], %swap3A_589 {strides = array<i32>} : memref<40x128xf32, #tpu.memory_space<vmem>>, vector<1x16xf32>,
      %broadcast_in_dim3A_590 = arith.constant 0.000000e+00 : f32
      %broadcast_in_dim3A_591 = vector.broadcast %broadcast_in_dim3A_590 : f32 to vector<16xf32>
      %swap3A_592 = arith.index_cast %scan3A_562 : i32 to index
      %swap3A_593 = arith.constant 64 : index
      %swap3A_594 = tpu.vector_load %arg13[%swap3A_592, %swap3A_593] {strides = array<i32>} : memref<40x128xf32, #tpu.memory_space<vmem>>, vector<1x16xf32>,
      %swap3A_595 = vector.shape_cast %swap3A_594 : vector<1x16xf32> to vector<16xf32>
      %swap3A_596 = vector.shape_cast %broadcast_in_dim3A_591 : vector<16xf32> to vector<1x16xf32>
      tpu.vector_store %arg13[%swap3A_592, %swap3A_593], %swap3A_596 {strides = array<i32>} : memref<40x128xf32, #tpu.memory_space<vmem>>, vector<1x16xf32>,
      %broadcast_in_dim3A_597 = arith.constant 0.000000e+00 : f32
      %broadcast_in_dim3A_598 = vector.broadcast %broadcast_in_dim3A_597 : f32 to vector<16xf32>
      %swap3A_599 = arith.index_cast %scan3A_562 : i32 to index
      %swap3A_600 = arith.constant 80 : index
      %swap3A_601 = tpu.vector_load %arg13[%swap3A_599, %swap3A_600] {strides = array<i32>} : memref<40x128xf32, #tpu.memory_space<vmem>>, vector<1x16xf32>,
      %swap3A_602 = vector.shape_cast %swap3A_601 : vector<1x16xf32> to vector<16xf32>
      %swap3A_603 = vector.shape_cast %broadcast_in_dim3A_598 : vector<16xf32> to vector<1x16xf32>
      tpu.vector_store %arg13[%swap3A_599, %swap3A_600], %swap3A_603 {strides = array<i32>} : memref<40x128xf32, #tpu.memory_space<vmem>>, vector<1x16xf32>,
      %broadcast_in_dim3A_604 = arith.constant 0.000000e+00 : f32
      %broadcast_in_dim3A_605 = vector.broadcast %broadcast_in_dim3A_604 : f32 to vector<16xf32>
      %swap3A_606 = arith.index_cast %scan3A_562 : i32 to index
      %swap3A_607 = arith.constant 96 : index
      %swap3A_608 = tpu.vector_load %arg13[%swap3A_606, %swap3A_607] {strides = array<i32>} : memref<40x128xf32, #tpu.memory_space<vmem>>, vector<1x16xf32>,
      %swap3A_609 = vector.shape_cast %swap3A_608 : vector<1x16xf32> to vector<16xf32>
      %swap3A_610 = vector.shape_cast %broadcast_in_dim3A_605 : vector<16xf32> to vector<1x16xf32>
      tpu.vector_store %arg13[%swap3A_606, %swap3A_607], %swap3A_610 {strides = array<i32>} : memref<40x128xf32, #tpu.memory_space<vmem>>, vector<1x16xf32>,
      %broadcast_in_dim3A_611 = arith.constant 0.000000e+00 : f32
      %broadcast_in_dim3A_612 = vector.broadcast %broadcast_in_dim3A_611 : f32 to vector<16xf32>
      %swap3A_613 = arith.index_cast %scan3A_562 : i32 to index
      %swap3A_614 = arith.constant 112 : index
      %swap3A_615 = tpu.vector_load %arg13[%swap3A_613, %swap3A_614] {strides = array<i32>} : memref<40x128xf32, #tpu.memory_space<vmem>>, vector<1x16xf32>,
      %swap3A_616 = vector.shape_cast %swap3A_615 : vector<1x16xf32> to vector<16xf32>
      %swap3A_617 = vector.shape_cast %broadcast_in_dim3A_612 : vector<16xf32> to vector<1x16xf32>
      tpu.vector_store %arg13[%swap3A_613, %swap3A_614], %swap3A_617 {strides = array<i32>} : memref<40x128xf32, #tpu.memory_space<vmem>>, vector<1x16xf32>,
    }
    %scan3A_4 = arith.constant 40 : i32
    %mul3A = arith.constant 1000 : i32
    %mul3A_5 = arith.muli %arg1, %mul3A : i32
    %lt3A = arith.constant 10 : i32
    %lt3A_6 = arith.cmpi slt, %arg1, %lt3A : i32
    %convert_element_type3A = arith.extui %lt3A_6 : i1 to i32
    %cond3A = arith.constant 0 : i32
    %cond3A_7 = arith.cmpi ne, %convert_element_type3A, %cond3A : i32
    scf.if %cond3A_7 {
      %scan3A_562 = arith.constant 0 : i32
      %scan3A_563 = arith.constant 0 : i32
      %scan3A_564 = arith.constant 25 : i32
      %scan3A_565 = arith.addi %scan3A_563, %scan3A_564 : i32
      %scan3A_566 = arith.constant 1 : i32
      scf.for %scan3A_574 = %scan3A_563 to %scan3A_565 step %scan3A_566  : i32 {
        %mul3A_575 = arith.constant 40 : i32
        %mul3A_576 = arith.muli %scan3A_574, %mul3A_575 : i32
        %add3A_577 = arith.addi %mul3A_5, %mul3A_576 : i32
        %dma_start3A_578 = arith.constant 0 : i32
        %dma_start3A_579 = tpu.memref_slice %arg14[%add3A_577, %dma_start3A_578] : memref<10000x128xf32, #tpu.memory_space<vmem_shared>> -> memref<40x128xf32, #tpu.memory_space<vmem_shared>>
        %dma_start3A_580 = arith.constant 0 : i32
        %dma_start3A_581 = tpu.memref_slice %arg14[%add3A_577, %dma_start3A_580] : memref<10000x128xf32, #tpu.memory_space<vmem_shared>> -> memref<40x128xf32, #tpu.memory_space<vmem_shared>>
        tpu.enqueue_dma source(%arg13 : memref<40x128xf32, #tpu.memory_space<vmem>>) target(%dma_start3A_581 : memref<40x128xf32, #tpu.memory_space<vmem_shared>>) target_semaphore(%arg17 : memref<!tpu.dma_semaphore, #tpu.memory_space<semaphore_mem>>)
      }
      %scan3A_567 = arith.constant 25 : i32
      %scan3A_568 = arith.constant 0 : i32
      %scan3A_569 = arith.constant 0 : i32
      %scan3A_570 = arith.constant 25 : i32
      %scan3A_571 = arith.addi %scan3A_569, %scan3A_570 : i32
      %scan3A_572 = arith.constant 1 : i32
      scf.for %scan3A_574 = %scan3A_569 to %scan3A_571 step %scan3A_572  : i32 {
        %mul3A_575 = arith.constant 40 : i32
        %mul3A_576 = arith.muli %scan3A_574, %mul3A_575 : i32
        %add3A_577 = arith.addi %mul3A_5, %mul3A_576 : i32
        %dma_wait3A_578 = arith.constant 0 : i32
        %dma_wait3A_579 = tpu.memref_slice %arg14[%add3A_577, %dma_wait3A_578] : memref<10000x128xf32, #tpu.memory_space<vmem_shared>> -> memref<40x128xf32, #tpu.memory_space<vmem_shared>>
        %dma_wait3A_580 = arith.constant 0 : i32
        %dma_wait3A_581 = tpu.memref_slice %arg14[%add3A_577, %dma_wait3A_580] : memref<10000x128xf32, #tpu.memory_space<vmem_shared>> -> memref<40x128xf32, #tpu.memory_space<vmem_shared>>
        tpu.wait_dma2 semaphore(%arg17 : memref<!tpu.dma_semaphore, #tpu.memory_space<semaphore_mem>>) src(%arg13 : memref<40x128xf32, #tpu.memory_space<vmem>>) dst(%dma_wait3A_581 : memref<40x128xf32, #tpu.memory_space<vmem_shared>>)
      }
      %scan3A_573 = arith.constant 25 : i32
    } else {
    }
    %mul3A_8 = arith.constant 10000 : i32
    %mul3A_9 = arith.muli %arg1, %mul3A_8 : i32
    %barrier3A = arith.constant 0 : index
    tpu.barrier barrier_id(%barrier3A)
    %jit3A = arith.constant 0 : i32
    %jit3A_10 = arith.constant 8 : i32
    %eq3A = arith.constant 0 : i32
    %eq3A_11 = arith.cmpi eq, %jit3A_10, %eq3A : i32
    %jit3A_12 = arith.constant 1 : i32
    %select_n3A = arith.select %eq3A_11, %jit3A_12, %jit3A_10 : i32
    %rem3A = arith.remsi %jit3A, %select_n3A : i32
    %ne3A = arith.constant 0 : i32
    %ne3A_13 = arith.cmpi ne, %rem3A, %ne3A : i32
    %lt3A_14 = arith.constant 0 : i32
    %lt3A_15 = arith.cmpi slt, %rem3A, %lt3A_14 : i32
    %lt3A_16 = arith.constant 0 : i32
    %lt3A_17 = arith.cmpi slt, %select_n3A, %lt3A_16 : i32
    %ne3A_18 = arith.xori %lt3A_15, %lt3A_17 : i1
    %and3A = arith.andi %ne3A_18, %ne3A_13 : i1
    %add3A = arith.addi %rem3A, %select_n3A : i32
    %select_n3A_19 = arith.select %and3A, %add3A, %rem3A : i32
    %sub3A = arith.constant 0 : i32
    %sub3A_20 = arith.subi %sub3A, %select_n3A_19 : i32
    %mul3A_21 = arith.constant 128 : i32
    %mul3A_22 = arith.muli %sub3A_20, %mul3A_21 : i32
    %add3A_23 = arith.addi %mul3A_9, %mul3A_22 : i32
    %sub3A_24 = arith.constant 158976 : i32
    %sub3A_25 = arith.subi %add3A_23, %sub3A_24 : i32
    %max3A = arith.constant 0 : i32
    %max3A_26 = arith.maxsi %sub3A_25, %max3A : i32
    %jit3A_27 = arith.constant 0 : i32
    %jit3A_28 = arith.constant 8 : i32
    %eq3A_29 = arith.constant 0 : i32
    %eq3A_30 = arith.cmpi eq, %jit3A_28, %eq3A_29 : i32
    %jit3A_31 = arith.constant 1 : i32
    %select_n3A_32 = arith.select %eq3A_30, %jit3A_31, %jit3A_28 : i32
    %rem3A_33 = arith.remsi %jit3A_27, %select_n3A_32 : i32
    %ne3A_34 = arith.constant 0 : i32
    %ne3A_35 = arith.cmpi ne, %rem3A_33, %ne3A_34 : i32
    %lt3A_36 = arith.constant 0 : i32
    %lt3A_37 = arith.cmpi slt, %rem3A_33, %lt3A_36 : i32
    %lt3A_38 = arith.constant 0 : i32
    %lt3A_39 = arith.cmpi slt, %select_n3A_32, %lt3A_38 : i32
    %ne3A_40 = arith.xori %lt3A_37, %lt3A_39 : i1
    %and3A_41 = arith.andi %ne3A_40, %ne3A_35 : i1
    %add3A_42 = arith.addi %rem3A_33, %select_n3A_32 : i32
    %select_n3A_43 = arith.select %and3A_41, %add3A_42, %rem3A_33 : i32
    %eq3A_44 = arith.constant 0 : i32
    %eq3A_45 = arith.cmpi eq, %select_n3A_43, %eq3A_44 : i32
    %convert_element_type3A_46 = arith.extui %eq3A_45 : i1 to i32
    %cond3A_47 = arith.constant 0 : i32
    %cond3A_48 = arith.cmpi ne, %convert_element_type3A_46, %cond3A_47 : i32
    scf.if %cond3A_48 {
      %sub3A_562 = arith.subi %add3A_23, %max3A_26 : i32
      %multiple_of3A = tpu.assume_multiple %sub3A_562, 8 : i32
      "tpu.region"() ({
        %run_scoped3A = tpu.sem_alloc : memref<!tpu.dma_semaphore, #tpu.memory_space<semaphore_mem>>
        %dma_start3A_565 = tpu.memref_slice %arg3[%multiple_of3A] : memref<320000xi32, #tpu.memory_space<hbm>> -> memref<1024xi32, #tpu.memory_space<hbm>>
        %dma_start3A_566 = tpu.memref_slice %arg3[%multiple_of3A] : memref<320000xi32, #tpu.memory_space<hbm>> -> memref<1024xi32, #tpu.memory_space<hbm>>
        tpu.enqueue_dma source(%dma_start3A_566 : memref<1024xi32, #tpu.memory_space<hbm>>) target(%arg5 : memref<1024xi32, #tpu.memory_space<vmem>>) target_semaphore(%run_scoped3A : memref<!tpu.dma_semaphore, #tpu.memory_space<semaphore_mem>>)
        %dma_wait3A_567 = tpu.memref_slice %arg3[%multiple_of3A] : memref<320000xi32, #tpu.memory_space<hbm>> -> memref<1024xi32, #tpu.memory_space<hbm>>
        %dma_wait3A_568 = tpu.memref_slice %arg3[%multiple_of3A] : memref<320000xi32, #tpu.memory_space<hbm>> -> memref<1024xi32, #tpu.memory_space<hbm>>
        tpu.wait_dma2 semaphore(%run_scoped3A : memref<!tpu.dma_semaphore, #tpu.memory_space<semaphore_mem>>) src(%dma_wait3A_568 : memref<1024xi32, #tpu.memory_space<hbm>>) dst(%arg5 : memref<1024xi32, #tpu.memory_space<vmem>>)
        tpu.yield
      }) : () -> ()
      %add3A_563 = arith.constant 160000 : i32
      %add3A_564 = arith.addi %add3A_563, %multiple_of3A : i32
      "tpu.region"() ({
        %run_scoped3A = tpu.sem_alloc : memref<!tpu.dma_semaphore, #tpu.memory_space<semaphore_mem>>
        %dma_start3A_565 = tpu.memref_slice %arg3[%add3A_564] : memref<320000xi32, #tpu.memory_space<hbm>> -> memref<1024xi32, #tpu.memory_space<hbm>>
        %dma_start3A_566 = tpu.memref_slice %arg3[%add3A_564] : memref<320000xi32, #tpu.memory_space<hbm>> -> memref<1024xi32, #tpu.memory_space<hbm>>
        tpu.enqueue_dma source(%dma_start3A_566 : memref<1024xi32, #tpu.memory_space<hbm>>) target(%arg6 : memref<1024xi32, #tpu.memory_space<vmem>>) target_semaphore(%run_scoped3A : memref<!tpu.dma_semaphore, #tpu.memory_space<semaphore_mem>>)
        %dma_wait3A_567 = tpu.memref_slice %arg3[%add3A_564] : memref<320000xi32, #tpu.memory_space<hbm>> -> memref<1024xi32, #tpu.memory_space<hbm>>
        %dma_wait3A_568 = tpu.memref_slice %arg3[%add3A_564] : memref<320000xi32, #tpu.memory_space<hbm>> -> memref<1024xi32, #tpu.memory_space<hbm>>
        tpu.wait_dma2 semaphore(%run_scoped3A : memref<!tpu.dma_semaphore, #tpu.memory_space<semaphore_mem>>) src(%dma_wait3A_568 : memref<1024xi32, #tpu.memory_space<hbm>>) dst(%arg6 : memref<1024xi32, #tpu.memory_space<vmem>>)
        tpu.yield
      }) : () -> ()
    } else {
    }
    %jit3A_49 = arith.constant 0 : i32
    %jit3A_50 = arith.constant 8 : i32
    %eq3A_51 = arith.constant 0 : i32
    %eq3A_52 = arith.cmpi eq, %jit3A_50, %eq3A_51 : i32
    %jit3A_53 = arith.constant 1 : i32
    %select_n3A_54 = arith.select %eq3A_52, %jit3A_53, %jit3A_50 : i32
    %rem3A_55 = arith.remsi %jit3A_49, %select_n3A_54 : i32
    %ne3A_56 = arith.constant 0 : i32
    %ne3A_57 = arith.cmpi ne, %rem3A_55, %ne3A_56 : i32
    %lt3A_58 = arith.constant 0 : i32
    %lt3A_59 = arith.cmpi slt, %rem3A_55, %lt3A_58 : i32
    %lt3A_60 = arith.constant 0 : i32
    %lt3A_61 = arith.cmpi slt, %select_n3A_54, %lt3A_60 : i32
    %ne3A_62 = arith.xori %lt3A_59, %lt3A_61 : i1
    %and3A_63 = arith.andi %ne3A_62, %ne3A_57 : i1
    %add3A_64 = arith.addi %rem3A_55, %select_n3A_54 : i32
    %select_n3A_65 = arith.select %and3A_63, %add3A_64, %rem3A_55 : i32
    %mul3A_66 = arith.constant 128 : i32
    %mul3A_67 = arith.muli %select_n3A_65, %mul3A_66 : i32
    %add3A_68 = arith.addi %max3A_26, %mul3A_67 : i32
    %add3A_69 = arith.constant 0 : i32
    %add3A_70 = arith.addi %add3A_68, %add3A_69 : i32
    %get3A = arith.index_cast %add3A_70 : i32 to index
    %get3A_71 = tpu.vector_load %arg5[%get3A] {strides = array<i32>} : memref<1024xi32, #tpu.memory_space<vmem>>, vector<16xi32>,
    %get3A_72 = vector.shape_cast %get3A_71 : vector<16xi32> to vector<16xi32>
    %mul3A_73 = arith.constant 2 : i32
    %mul3A_74 = vector.broadcast %mul3A_73 : i32 to vector<16xi32>
    %mul3A_75 = arith.muli %get3A_72, %mul3A_74 : vector<16xi32>
    %add3A_76 = vector.broadcast %arg0 : i32 to vector<16xi32>
    %add3A_77 = arith.addi %mul3A_75, %add3A_76 : vector<16xi32>
    %swap3A = arith.constant 0 : index
    %swap3A_78 = tpu.vector_load %arg7[%swap3A] {strides = array<i32>} : memref<128xi32, #tpu.memory_space<vmem>>, vector<16xi32>,
    %swap3A_79 = vector.shape_cast %swap3A_78 : vector<16xi32> to vector<16xi32>
    %swap3A_80 = vector.shape_cast %add3A_77 : vector<16xi32> to vector<16xi32>
    tpu.vector_store %arg7[%swap3A], %swap3A_80 {strides = array<i32>} : memref<128xi32, #tpu.memory_space<vmem>>, vector<16xi32>,
    %add3A_81 = arith.constant 0 : i32
    %add3A_82 = arith.addi %add3A_68, %add3A_81 : i32
    %get3A_83 = arith.index_cast %add3A_82 : i32 to index
    %get3A_84 = tpu.vector_load %arg6[%get3A_83] {strides = array<i32>} : memref<1024xi32, #tpu.memory_space<vmem>>, vector<16xi32>,
    %get3A_85 = vector.shape_cast %get3A_84 : vector<16xi32> to vector<16xi32>
    %swap3A_86 = arith.constant 0 : index
    %swap3A_87 = tpu.vector_load %arg8[%swap3A_86] {strides = array<i32>} : memref<128xi32, #tpu.memory_space<vmem>>, vector<16xi32>,
    %swap3A_88 = vector.shape_cast %swap3A_87 : vector<16xi32> to vector<16xi32>
    %swap3A_89 = vector.shape_cast %get3A_85 : vector<16xi32> to vector<16xi32>
    tpu.vector_store %arg8[%swap3A_86], %swap3A_89 {strides = array<i32>} : memref<128xi32, #tpu.memory_space<vmem>>, vector<16xi32>,
    %add3A_90 = arith.constant 16 : i32
    %add3A_91 = arith.addi %add3A_68, %add3A_90 : i32
    %get3A_92 = arith.index_cast %add3A_91 : i32 to index
    %get3A_93 = tpu.vector_load %arg5[%get3A_92] {strides = array<i32>} : memref<1024xi32, #tpu.memory_space<vmem>>, vector<16xi32>,
    %get3A_94 = vector.shape_cast %get3A_93 : vector<16xi32> to vector<16xi32>
    %mul3A_95 = arith.constant 2 : i32
    %mul3A_96 = vector.broadcast %mul3A_95 : i32 to vector<16xi32>
    %mul3A_97 = arith.muli %get3A_94, %mul3A_96 : vector<16xi32>
    %add3A_98 = vector.broadcast %arg0 : i32 to vector<16xi32>
    %add3A_99 = arith.addi %mul3A_97, %add3A_98 : vector<16xi32>
    %swap3A_100 = arith.constant 16 : index
    %swap3A_101 = tpu.vector_load %arg7[%swap3A_100] {strides = array<i32>} : memref<128xi32, #tpu.memory_space<vmem>>, vector<16xi32>,
    %swap3A_102 = vector.shape_cast %swap3A_101 : vector<16xi32> to vector<16xi32>
    %swap3A_103 = vector.shape_cast %add3A_99 : vector<16xi32> to vector<16xi32>
    tpu.vector_store %arg7[%swap3A_100], %swap3A_103 {strides = array<i32>} : memref<128xi32, #tpu.memory_space<vmem>>, vector<16xi32>,
    %add3A_104 = arith.constant 16 : i32
    %add3A_105 = arith.addi %add3A_68, %add3A_104 : i32
    %get3A_106 = arith.index_cast %add3A_105 : i32 to index
    %get3A_107 = tpu.vector_load %arg6[%get3A_106] {strides = array<i32>} : memref<1024xi32, #tpu.memory_space<vmem>>, vector<16xi32>,
    %get3A_108 = vector.shape_cast %get3A_107 : vector<16xi32> to vector<16xi32>
    %swap3A_109 = arith.constant 16 : index
    %swap3A_110 = tpu.vector_load %arg8[%swap3A_109] {strides = array<i32>} : memref<128xi32, #tpu.memory_space<vmem>>, vector<16xi32>,
    %swap3A_111 = vector.shape_cast %swap3A_110 : vector<16xi32> to vector<16xi32>
    %swap3A_112 = vector.shape_cast %get3A_108 : vector<16xi32> to vector<16xi32>
    tpu.vector_store %arg8[%swap3A_109], %swap3A_112 {strides = array<i32>} : memref<128xi32, #tpu.memory_space<vmem>>, vector<16xi32>,
    %add3A_113 = arith.constant 32 : i32
    %add3A_114 = arith.addi %add3A_68, %add3A_113 : i32
    %get3A_115 = arith.index_cast %add3A_114 : i32 to index
    %get3A_116 = tpu.vector_load %arg5[%get3A_115] {strides = array<i32>} : memref<1024xi32, #tpu.memory_space<vmem>>, vector<16xi32>,
    %get3A_117 = vector.shape_cast %get3A_116 : vector<16xi32> to vector<16xi32>
    %mul3A_118 = arith.constant 2 : i32
    %mul3A_119 = vector.broadcast %mul3A_118 : i32 to vector<16xi32>
    %mul3A_120 = arith.muli %get3A_117, %mul3A_119 : vector<16xi32>
    %add3A_121 = vector.broadcast %arg0 : i32 to vector<16xi32>
    %add3A_122 = arith.addi %mul3A_120, %add3A_121 : vector<16xi32>
    %swap3A_123 = arith.constant 32 : index
    %swap3A_124 = tpu.vector_load %arg7[%swap3A_123] {strides = array<i32>} : memref<128xi32, #tpu.memory_space<vmem>>, vector<16xi32>,
    %swap3A_125 = vector.shape_cast %swap3A_124 : vector<16xi32> to vector<16xi32>
    %swap3A_126 = vector.shape_cast %add3A_122 : vector<16xi32> to vector<16xi32>
    tpu.vector_store %arg7[%swap3A_123], %swap3A_126 {strides = array<i32>} : memref<128xi32, #tpu.memory_space<vmem>>, vector<16xi32>,
    %add3A_127 = arith.constant 32 : i32
    %add3A_128 = arith.addi %add3A_68, %add3A_127 : i32
    %get3A_129 = arith.index_cast %add3A_128 : i32 to index
    %get3A_130 = tpu.vector_load %arg6[%get3A_129] {strides = array<i32>} : memref<1024xi32, #tpu.memory_space<vmem>>, vector<16xi32>,
    %get3A_131 = vector.shape_cast %get3A_130 : vector<16xi32> to vector<16xi32>
    %swap3A_132 = arith.constant 32 : index
    %swap3A_133 = tpu.vector_load %arg8[%swap3A_132] {strides = array<i32>} : memref<128xi32, #tpu.memory_space<vmem>>, vector<16xi32>,
    %swap3A_134 = vector.shape_cast %swap3A_133 : vector<16xi32> to vector<16xi32>
    %swap3A_135 = vector.shape_cast %get3A_131 : vector<16xi32> to vector<16xi32>
    tpu.vector_store %arg8[%swap3A_132], %swap3A_135 {strides = array<i32>} : memref<128xi32, #tpu.memory_space<vmem>>, vector<16xi32>,
    %add3A_136 = arith.constant 48 : i32
    %add3A_137 = arith.addi %add3A_68, %add3A_136 : i32
    %get3A_138 = arith.index_cast %add3A_137 : i32 to index
    %get3A_139 = tpu.vector_load %arg5[%get3A_138] {strides = array<i32>} : memref<1024xi32, #tpu.memory_space<vmem>>, vector<16xi32>,
    %get3A_140 = vector.shape_cast %get3A_139 : vector<16xi32> to vector<16xi32>
    %mul3A_141 = arith.constant 2 : i32
    %mul3A_142 = vector.broadcast %mul3A_141 : i32 to vector<16xi32>
    %mul3A_143 = arith.muli %get3A_140, %mul3A_142 : vector<16xi32>
    %add3A_144 = vector.broadcast %arg0 : i32 to vector<16xi32>
    %add3A_145 = arith.addi %mul3A_143, %add3A_144 : vector<16xi32>
    %swap3A_146 = arith.constant 48 : index
    %swap3A_147 = tpu.vector_load %arg7[%swap3A_146] {strides = array<i32>} : memref<128xi32, #tpu.memory_space<vmem>>, vector<16xi32>,
    %swap3A_148 = vector.shape_cast %swap3A_147 : vector<16xi32> to vector<16xi32>
    %swap3A_149 = vector.shape_cast %add3A_145 : vector<16xi32> to vector<16xi32>
    tpu.vector_store %arg7[%swap3A_146], %swap3A_149 {strides = array<i32>} : memref<128xi32, #tpu.memory_space<vmem>>, vector<16xi32>,
    %add3A_150 = arith.constant 48 : i32
    %add3A_151 = arith.addi %add3A_68, %add3A_150 : i32
    %get3A_152 = arith.index_cast %add3A_151 : i32 to index
    %get3A_153 = tpu.vector_load %arg6[%get3A_152] {strides = array<i32>} : memref<1024xi32, #tpu.memory_space<vmem>>, vector<16xi32>,
    %get3A_154 = vector.shape_cast %get3A_153 : vector<16xi32> to vector<16xi32>
    %swap3A_155 = arith.constant 48 : index
    %swap3A_156 = tpu.vector_load %arg8[%swap3A_155] {strides = array<i32>} : memref<128xi32, #tpu.memory_space<vmem>>, vector<16xi32>,
    %swap3A_157 = vector.shape_cast %swap3A_156 : vector<16xi32> to vector<16xi32>
    %swap3A_158 = vector.shape_cast %get3A_154 : vector<16xi32> to vector<16xi32>
    tpu.vector_store %arg8[%swap3A_155], %swap3A_158 {strides = array<i32>} : memref<128xi32, #tpu.memory_space<vmem>>, vector<16xi32>,
    %add3A_159 = arith.constant 64 : i32
    %add3A_160 = arith.addi %add3A_68, %add3A_159 : i32
    %get3A_161 = arith.index_cast %add3A_160 : i32 to index
    %get3A_162 = tpu.vector_load %arg5[%get3A_161] {strides = array<i32>} : memref<1024xi32, #tpu.memory_space<vmem>>, vector<16xi32>,
    %get3A_163 = vector.shape_cast %get3A_162 : vector<16xi32> to vector<16xi32>
    %mul3A_164 = arith.constant 2 : i32
    %mul3A_165 = vector.broadcast %mul3A_164 : i32 to vector<16xi32>
    %mul3A_166 = arith.muli %get3A_163, %mul3A_165 : vector<16xi32>
    %add3A_167 = vector.broadcast %arg0 : i32 to vector<16xi32>
    %add3A_168 = arith.addi %mul3A_166, %add3A_167 : vector<16xi32>
    %swap3A_169 = arith.constant 64 : index
    %swap3A_170 = tpu.vector_load %arg7[%swap3A_169] {strides = array<i32>} : memref<128xi32, #tpu.memory_space<vmem>>, vector<16xi32>,
    %swap3A_171 = vector.shape_cast %swap3A_170 : vector<16xi32> to vector<16xi32>
    %swap3A_172 = vector.shape_cast %add3A_168 : vector<16xi32> to vector<16xi32>
    tpu.vector_store %arg7[%swap3A_169], %swap3A_172 {strides = array<i32>} : memref<128xi32, #tpu.memory_space<vmem>>, vector<16xi32>,
    %add3A_173 = arith.constant 64 : i32
    %add3A_174 = arith.addi %add3A_68, %add3A_173 : i32
    %get3A_175 = arith.index_cast %add3A_174 : i32 to index
    %get3A_176 = tpu.vector_load %arg6[%get3A_175] {strides = array<i32>} : memref<1024xi32, #tpu.memory_space<vmem>>, vector<16xi32>,
    %get3A_177 = vector.shape_cast %get3A_176 : vector<16xi32> to vector<16xi32>
    %swap3A_178 = arith.constant 64 : index
    %swap3A_179 = tpu.vector_load %arg8[%swap3A_178] {strides = array<i32>} : memref<128xi32, #tpu.memory_space<vmem>>, vector<16xi32>,
    %swap3A_180 = vector.shape_cast %swap3A_179 : vector<16xi32> to vector<16xi32>
    %swap3A_181 = vector.shape_cast %get3A_177 : vector<16xi32> to vector<16xi32>
    tpu.vector_store %arg8[%swap3A_178], %swap3A_181 {strides = array<i32>} : memref<128xi32, #tpu.memory_space<vmem>>, vector<16xi32>,
    %add3A_182 = arith.constant 80 : i32
    %add3A_183 = arith.addi %add3A_68, %add3A_182 : i32
    %get3A_184 = arith.index_cast %add3A_183 : i32 to index
    %get3A_185 = tpu.vector_load %arg5[%get3A_184] {strides = array<i32>} : memref<1024xi32, #tpu.memory_space<vmem>>, vector<16xi32>,
    %get3A_186 = vector.shape_cast %get3A_185 : vector<16xi32> to vector<16xi32>
    %mul3A_187 = arith.constant 2 : i32
    %mul3A_188 = vector.broadcast %mul3A_187 : i32 to vector<16xi32>
    %mul3A_189 = arith.muli %get3A_186, %mul3A_188 : vector<16xi32>
    %add3A_190 = vector.broadcast %arg0 : i32 to vector<16xi32>
    %add3A_191 = arith.addi %mul3A_189, %add3A_190 : vector<16xi32>
    %swap3A_192 = arith.constant 80 : index
    %swap3A_193 = tpu.vector_load %arg7[%swap3A_192] {strides = array<i32>} : memref<128xi32, #tpu.memory_space<vmem>>, vector<16xi32>,
    %swap3A_194 = vector.shape_cast %swap3A_193 : vector<16xi32> to vector<16xi32>
    %swap3A_195 = vector.shape_cast %add3A_191 : vector<16xi32> to vector<16xi32>
    tpu.vector_store %arg7[%swap3A_192], %swap3A_195 {strides = array<i32>} : memref<128xi32, #tpu.memory_space<vmem>>, vector<16xi32>,
    %add3A_196 = arith.constant 80 : i32
    %add3A_197 = arith.addi %add3A_68, %add3A_196 : i32
    %get3A_198 = arith.index_cast %add3A_197 : i32 to index
    %get3A_199 = tpu.vector_load %arg6[%get3A_198] {strides = array<i32>} : memref<1024xi32, #tpu.memory_space<vmem>>, vector<16xi32>,
    %get3A_200 = vector.shape_cast %get3A_199 : vector<16xi32> to vector<16xi32>
    %swap3A_201 = arith.constant 80 : index
    %swap3A_202 = tpu.vector_load %arg8[%swap3A_201] {strides = array<i32>} : memref<128xi32, #tpu.memory_space<vmem>>, vector<16xi32>,
    %swap3A_203 = vector.shape_cast %swap3A_202 : vector<16xi32> to vector<16xi32>
    %swap3A_204 = vector.shape_cast %get3A_200 : vector<16xi32> to vector<16xi32>
    tpu.vector_store %arg8[%swap3A_201], %swap3A_204 {strides = array<i32>} : memref<128xi32, #tpu.memory_space<vmem>>, vector<16xi32>,
    %add3A_205 = arith.constant 96 : i32
    %add3A_206 = arith.addi %add3A_68, %add3A_205 : i32
    %get3A_207 = arith.index_cast %add3A_206 : i32 to index
    %get3A_208 = tpu.vector_load %arg5[%get3A_207] {strides = array<i32>} : memref<1024xi32, #tpu.memory_space<vmem>>, vector<16xi32>,
    %get3A_209 = vector.shape_cast %get3A_208 : vector<16xi32> to vector<16xi32>
    %mul3A_210 = arith.constant 2 : i32
    %mul3A_211 = vector.broadcast %mul3A_210 : i32 to vector<16xi32>
    %mul3A_212 = arith.muli %get3A_209, %mul3A_211 : vector<16xi32>
    %add3A_213 = vector.broadcast %arg0 : i32 to vector<16xi32>
    %add3A_214 = arith.addi %mul3A_212, %add3A_213 : vector<16xi32>
    %swap3A_215 = arith.constant 96 : index
    %swap3A_216 = tpu.vector_load %arg7[%swap3A_215] {strides = array<i32>} : memref<128xi32, #tpu.memory_space<vmem>>, vector<16xi32>,
    %swap3A_217 = vector.shape_cast %swap3A_216 : vector<16xi32> to vector<16xi32>
    %swap3A_218 = vector.shape_cast %add3A_214 : vector<16xi32> to vector<16xi32>
    tpu.vector_store %arg7[%swap3A_215], %swap3A_218 {strides = array<i32>} : memref<128xi32, #tpu.memory_space<vmem>>, vector<16xi32>,
    %add3A_219 = arith.constant 96 : i32
    %add3A_220 = arith.addi %add3A_68, %add3A_219 : i32
    %get3A_221 = arith.index_cast %add3A_220 : i32 to index
    %get3A_222 = tpu.vector_load %arg6[%get3A_221] {strides = array<i32>} : memref<1024xi32, #tpu.memory_space<vmem>>, vector<16xi32>,
    %get3A_223 = vector.shape_cast %get3A_222 : vector<16xi32> to vector<16xi32>
    %swap3A_224 = arith.constant 96 : index
    %swap3A_225 = tpu.vector_load %arg8[%swap3A_224] {strides = array<i32>} : memref<128xi32, #tpu.memory_space<vmem>>, vector<16xi32>,
    %swap3A_226 = vector.shape_cast %swap3A_225 : vector<16xi32> to vector<16xi32>
    %swap3A_227 = vector.shape_cast %get3A_223 : vector<16xi32> to vector<16xi32>
    tpu.vector_store %arg8[%swap3A_224], %swap3A_227 {strides = array<i32>} : memref<128xi32, #tpu.memory_space<vmem>>, vector<16xi32>,
    %add3A_228 = arith.constant 112 : i32
    %add3A_229 = arith.addi %add3A_68, %add3A_228 : i32
    %get3A_230 = arith.index_cast %add3A_229 : i32 to index
    %get3A_231 = tpu.vector_load %arg5[%get3A_230] {strides = array<i32>} : memref<1024xi32, #tpu.memory_space<vmem>>, vector<16xi32>,
    %get3A_232 = vector.shape_cast %get3A_231 : vector<16xi32> to vector<16xi32>
    %mul3A_233 = arith.constant 2 : i32
    %mul3A_234 = vector.broadcast %mul3A_233 : i32 to vector<16xi32>
    %mul3A_235 = arith.muli %get3A_232, %mul3A_234 : vector<16xi32>
    %add3A_236 = vector.broadcast %arg0 : i32 to vector<16xi32>
    %add3A_237 = arith.addi %mul3A_235, %add3A_236 : vector<16xi32>
    %swap3A_238 = arith.constant 112 : index
    %swap3A_239 = tpu.vector_load %arg7[%swap3A_238] {strides = array<i32>} : memref<128xi32, #tpu.memory_space<vmem>>, vector<16xi32>,
    %swap3A_240 = vector.shape_cast %swap3A_239 : vector<16xi32> to vector<16xi32>
    %swap3A_241 = vector.shape_cast %add3A_237 : vector<16xi32> to vector<16xi32>
    tpu.vector_store %arg7[%swap3A_238], %swap3A_241 {strides = array<i32>} : memref<128xi32, #tpu.memory_space<vmem>>, vector<16xi32>,
    %add3A_242 = arith.constant 112 : i32
    %add3A_243 = arith.addi %add3A_68, %add3A_242 : i32
    %get3A_244 = arith.index_cast %add3A_243 : i32 to index
    %get3A_245 = tpu.vector_load %arg6[%get3A_244] {strides = array<i32>} : memref<1024xi32, #tpu.memory_space<vmem>>, vector<16xi32>,
    %get3A_246 = vector.shape_cast %get3A_245 : vector<16xi32> to vector<16xi32>
    %swap3A_247 = arith.constant 112 : index
    %swap3A_248 = tpu.vector_load %arg8[%swap3A_247] {strides = array<i32>} : memref<128xi32, #tpu.memory_space<vmem>>, vector<16xi32>,
    %swap3A_249 = vector.shape_cast %swap3A_248 : vector<16xi32> to vector<16xi32>
    %swap3A_250 = vector.shape_cast %get3A_246 : vector<16xi32> to vector<16xi32>
    tpu.vector_store %arg8[%swap3A_247], %swap3A_250 {strides = array<i32>} : memref<128xi32, #tpu.memory_space<vmem>>, vector<16xi32>,
    %dma_start3A = arith.constant 0 : i32
    %dma_start3A_251 = arith.constant 0 : i32
    %dma_start3A_252 = tpu.memref_slice %arg2[%dma_start3A, %dma_start3A_251] : memref<20000x128xf32, #tpu.memory_space<hbm>> -> memref<20000x128xf32, #tpu.memory_space<hbm>>
    tpu.enqueue_indirect_dma source(%dma_start3A_252 : memref<20000x128xf32, #tpu.memory_space<hbm>>) target(%arg11 : memref<128x128xf32, #tpu.memory_space<vmem>>) offsets(%arg7 : memref<128xi32, #tpu.memory_space<vmem>>) semaphore(%arg15 : memref<!tpu.dma_semaphore, #tpu.memory_space<semaphore_mem>>)
    %jit3A_253 = arith.constant 1 : i32
    %jit3A_254 = arith.constant 8 : i32
    %eq3A_255 = arith.constant 0 : i32
    %eq3A_256 = arith.cmpi eq, %jit3A_254, %eq3A_255 : i32
    %jit3A_257 = arith.constant 1 : i32
    %select_n3A_258 = arith.select %eq3A_256, %jit3A_257, %jit3A_254 : i32
    %rem3A_259 = arith.remsi %jit3A_253, %select_n3A_258 : i32
    %ne3A_260 = arith.constant 0 : i32
    %ne3A_261 = arith.cmpi ne, %rem3A_259, %ne3A_260 : i32
    %lt3A_262 = arith.constant 0 : i32
    %lt3A_263 = arith.cmpi slt, %rem3A_259, %lt3A_262 : i32
    %lt3A_264 = arith.constant 0 : i32
    %lt3A_265 = arith.cmpi slt, %select_n3A_258, %lt3A_264 : i32
    %ne3A_266 = arith.xori %lt3A_263, %lt3A_265 : i1
    %and3A_267 = arith.andi %ne3A_266, %ne3A_261 : i1
    %add3A_268 = arith.addi %rem3A_259, %select_n3A_258 : i32
    %select_n3A_269 = arith.select %and3A_267, %add3A_268, %rem3A_259 : i32
    %sub3A_270 = arith.constant 1 : i32
    %sub3A_271 = arith.subi %sub3A_270, %select_n3A_269 : i32
    %mul3A_272 = arith.constant 128 : i32
    %mul3A_273 = arith.muli %sub3A_271, %mul3A_272 : i32
    %add3A_274 = arith.addi %mul3A_9, %mul3A_273 : i32
    %sub3A_275 = arith.constant 158976 : i32
    %sub3A_276 = arith.subi %add3A_274, %sub3A_275 : i32
    %max3A_277 = arith.constant 0 : i32
    %max3A_278 = arith.maxsi %sub3A_276, %max3A_277 : i32
    %jit3A_279 = arith.constant 1 : i32
    %jit3A_280 = arith.constant 8 : i32
    %eq3A_281 = arith.constant 0 : i32
    %eq3A_282 = arith.cmpi eq, %jit3A_280, %eq3A_281 : i32
    %jit3A_283 = arith.constant 1 : i32
    %select_n3A_284 = arith.select %eq3A_282, %jit3A_283, %jit3A_280 : i32
    %rem3A_285 = arith.remsi %jit3A_279, %select_n3A_284 : i32
    %ne3A_286 = arith.constant 0 : i32
    %ne3A_287 = arith.cmpi ne, %rem3A_285, %ne3A_286 : i32
    %lt3A_288 = arith.constant 0 : i32
    %lt3A_289 = arith.cmpi slt, %rem3A_285, %lt3A_288 : i32
    %lt3A_290 = arith.constant 0 : i32
    %lt3A_291 = arith.cmpi slt, %select_n3A_284, %lt3A_290 : i32
    %ne3A_292 = arith.xori %lt3A_289, %lt3A_291 : i1
    %and3A_293 = arith.andi %ne3A_292, %ne3A_287 : i1
    %add3A_294 = arith.addi %rem3A_285, %select_n3A_284 : i32
    %select_n3A_295 = arith.select %and3A_293, %add3A_294, %rem3A_285 : i32
    %eq3A_296 = arith.constant 0 : i32
    %eq3A_297 = arith.cmpi eq, %select_n3A_295, %eq3A_296 : i32
    %convert_element_type3A_298 = arith.extui %eq3A_297 : i1 to i32
    %cond3A_299 = arith.constant 0 : i32
    %cond3A_300 = arith.cmpi ne, %convert_element_type3A_298, %cond3A_299 : i32
    scf.if %cond3A_300 {
      %sub3A_562 = arith.subi %add3A_274, %max3A_278 : i32
      %multiple_of3A = tpu.assume_multiple %sub3A_562, 8 : i32
      "tpu.region"() ({
        %run_scoped3A = tpu.sem_alloc : memref<!tpu.dma_semaphore, #tpu.memory_space<semaphore_mem>>
        %dma_start3A_565 = tpu.memref_slice %arg3[%multiple_of3A] : memref<320000xi32, #tpu.memory_space<hbm>> -> memref<1024xi32, #tpu.memory_space<hbm>>
        %dma_start3A_566 = tpu.memref_slice %arg3[%multiple_of3A] : memref<320000xi32, #tpu.memory_space<hbm>> -> memref<1024xi32, #tpu.memory_space<hbm>>
        tpu.enqueue_dma source(%dma_start3A_566 : memref<1024xi32, #tpu.memory_space<hbm>>) target(%arg5 : memref<1024xi32, #tpu.memory_space<vmem>>) target_semaphore(%run_scoped3A : memref<!tpu.dma_semaphore, #tpu.memory_space<semaphore_mem>>)
        %dma_wait3A_567 = tpu.memref_slice %arg3[%multiple_of3A] : memref<320000xi32, #tpu.memory_space<hbm>> -> memref<1024xi32, #tpu.memory_space<hbm>>
        %dma_wait3A_568 = tpu.memref_slice %arg3[%multiple_of3A] : memref<320000xi32, #tpu.memory_space<hbm>> -> memref<1024xi32, #tpu.memory_space<hbm>>
        tpu.wait_dma2 semaphore(%run_scoped3A : memref<!tpu.dma_semaphore, #tpu.memory_space<semaphore_mem>>) src(%dma_wait3A_568 : memref<1024xi32, #tpu.memory_space<hbm>>) dst(%arg5 : memref<1024xi32, #tpu.memory_space<vmem>>)
        tpu.yield
      }) : () -> ()
      %add3A_563 = arith.constant 160000 : i32
      %add3A_564 = arith.addi %add3A_563, %multiple_of3A : i32
      "tpu.region"() ({
        %run_scoped3A = tpu.sem_alloc : memref<!tpu.dma_semaphore, #tpu.memory_space<semaphore_mem>>
        %dma_start3A_565 = tpu.memref_slice %arg3[%add3A_564] : memref<320000xi32, #tpu.memory_space<hbm>> -> memref<1024xi32, #tpu.memory_space<hbm>>
        %dma_start3A_566 = tpu.memref_slice %arg3[%add3A_564] : memref<320000xi32, #tpu.memory_space<hbm>> -> memref<1024xi32, #tpu.memory_space<hbm>>
        tpu.enqueue_dma source(%dma_start3A_566 : memref<1024xi32, #tpu.memory_space<hbm>>) target(%arg6 : memref<1024xi32, #tpu.memory_space<vmem>>) target_semaphore(%run_scoped3A : memref<!tpu.dma_semaphore, #tpu.memory_space<semaphore_mem>>)
        %dma_wait3A_567 = tpu.memref_slice %arg3[%add3A_564] : memref<320000xi32, #tpu.memory_space<hbm>> -> memref<1024xi32, #tpu.memory_space<hbm>>
        %dma_wait3A_568 = tpu.memref_slice %arg3[%add3A_564] : memref<320000xi32, #tpu.memory_space<hbm>> -> memref<1024xi32, #tpu.memory_space<hbm>>
        tpu.wait_dma2 semaphore(%run_scoped3A : memref<!tpu.dma_semaphore, #tpu.memory_space<semaphore_mem>>) src(%dma_wait3A_568 : memref<1024xi32, #tpu.memory_space<hbm>>) dst(%arg6 : memref<1024xi32, #tpu.memory_space<vmem>>)
        tpu.yield
      }) : () -> ()
    } else {
    }
    %jit3A_301 = arith.constant 1 : i32
    %jit3A_302 = arith.constant 8 : i32
    %eq3A_303 = arith.constant 0 : i32
    %eq3A_304 = arith.cmpi eq, %jit3A_302, %eq3A_303 : i32
    %jit3A_305 = arith.constant 1 : i32
    %select_n3A_306 = arith.select %eq3A_304, %jit3A_305, %jit3A_302 : i32
    %rem3A_307 = arith.remsi %jit3A_301, %select_n3A_306 : i32
    %ne3A_308 = arith.constant 0 : i32
    %ne3A_309 = arith.cmpi ne, %rem3A_307, %ne3A_308 : i32
    %lt3A_310 = arith.constant 0 : i32
    %lt3A_311 = arith.cmpi slt, %rem3A_307, %lt3A_310 : i32
    %lt3A_312 = arith.constant 0 : i32
    %lt3A_313 = arith.cmpi slt, %select_n3A_306, %lt3A_312 : i32
    %ne3A_314 = arith.xori %lt3A_311, %lt3A_313 : i1
    %and3A_315 = arith.andi %ne3A_314, %ne3A_309 : i1
    %add3A_316 = arith.addi %rem3A_307, %select_n3A_306 : i32
    %select_n3A_317 = arith.select %and3A_315, %add3A_316, %rem3A_307 : i32
    %mul3A_318 = arith.constant 128 : i32
    %mul3A_319 = arith.muli %select_n3A_317, %mul3A_318 : i32
    %add3A_320 = arith.addi %max3A_278, %mul3A_319 : i32
    %add3A_321 = arith.constant 0 : i32
    %add3A_322 = arith.addi %add3A_320, %add3A_321 : i32
    %get3A_323 = arith.index_cast %add3A_322 : i32 to index
    %get3A_324 = tpu.vector_load %arg5[%get3A_323] {strides = array<i32>} : memref<1024xi32, #tpu.memory_space<vmem>>, vector<16xi32>,
    %get3A_325 = vector.shape_cast %get3A_324 : vector<16xi32> to vector<16xi32>
    %mul3A_326 = arith.constant 2 : i32
    %mul3A_327 = vector.broadcast %mul3A_326 : i32 to vector<16xi32>
    %mul3A_328 = arith.muli %get3A_325, %mul3A_327 : vector<16xi32>
    %add3A_329 = vector.broadcast %arg0 : i32 to vector<16xi32>
    %add3A_330 = arith.addi %mul3A_328, %add3A_329 : vector<16xi32>
    %swap3A_331 = arith.constant 0 : index
    %swap3A_332 = tpu.vector_load %arg9[%swap3A_331] {strides = array<i32>} : memref<128xi32, #tpu.memory_space<vmem>>, vector<16xi32>,
    %swap3A_333 = vector.shape_cast %swap3A_332 : vector<16xi32> to vector<16xi32>
    %swap3A_334 = vector.shape_cast %add3A_330 : vector<16xi32> to vector<16xi32>
    tpu.vector_store %arg9[%swap3A_331], %swap3A_334 {strides = array<i32>} : memref<128xi32, #tpu.memory_space<vmem>>, vector<16xi32>,
    %add3A_335 = arith.constant 0 : i32
    %add3A_336 = arith.addi %add3A_320, %add3A_335 : i32
    %get3A_337 = arith.index_cast %add3A_336 : i32 to index
    %get3A_338 = tpu.vector_load %arg6[%get3A_337] {strides = array<i32>} : memref<1024xi32, #tpu.memory_space<vmem>>, vector<16xi32>,
    %get3A_339 = vector.shape_cast %get3A_338 : vector<16xi32> to vector<16xi32>
    %swap3A_340 = arith.constant 0 : index
    %swap3A_341 = tpu.vector_load %arg10[%swap3A_340] {strides = array<i32>} : memref<128xi32, #tpu.memory_space<vmem>>, vector<16xi32>,
    %swap3A_342 = vector.shape_cast %swap3A_341 : vector<16xi32> to vector<16xi32>
    %swap3A_343 = vector.shape_cast %get3A_339 : vector<16xi32> to vector<16xi32>
    tpu.vector_store %arg10[%swap3A_340], %swap3A_343 {strides = array<i32>} : memref<128xi32, #tpu.memory_space<vmem>>, vector<16xi32>,
    %add3A_344 = arith.constant 16 : i32
    %add3A_345 = arith.addi %add3A_320, %add3A_344 : i32
    %get3A_346 = arith.index_cast %add3A_345 : i32 to index
    %get3A_347 = tpu.vector_load %arg5[%get3A_346] {strides = array<i32>} : memref<1024xi32, #tpu.memory_space<vmem>>, vector<16xi32>,
    %get3A_348 = vector.shape_cast %get3A_347 : vector<16xi32> to vector<16xi32>
    %mul3A_349 = arith.constant 2 : i32
    %mul3A_350 = vector.broadcast %mul3A_349 : i32 to vector<16xi32>
    %mul3A_351 = arith.muli %get3A_348, %mul3A_350 : vector<16xi32>
    %add3A_352 = vector.broadcast %arg0 : i32 to vector<16xi32>
    %add3A_353 = arith.addi %mul3A_351, %add3A_352 : vector<16xi32>
    %swap3A_354 = arith.constant 16 : index
    %swap3A_355 = tpu.vector_load %arg9[%swap3A_354] {strides = array<i32>} : memref<128xi32, #tpu.memory_space<vmem>>, vector<16xi32>,
    %swap3A_356 = vector.shape_cast %swap3A_355 : vector<16xi32> to vector<16xi32>
    %swap3A_357 = vector.shape_cast %add3A_353 : vector<16xi32> to vector<16xi32>
    tpu.vector_store %arg9[%swap3A_354], %swap3A_357 {strides = array<i32>} : memref<128xi32, #tpu.memory_space<vmem>>, vector<16xi32>,
    %add3A_358 = arith.constant 16 : i32
    %add3A_359 = arith.addi %add3A_320, %add3A_358 : i32
    %get3A_360 = arith.index_cast %add3A_359 : i32 to index
    %get3A_361 = tpu.vector_load %arg6[%get3A_360] {strides = array<i32>} : memref<1024xi32, #tpu.memory_space<vmem>>, vector<16xi32>,
    %get3A_362 = vector.shape_cast %get3A_361 : vector<16xi32> to vector<16xi32>
    %swap3A_363 = arith.constant 16 : index
    %swap3A_364 = tpu.vector_load %arg10[%swap3A_363] {strides = array<i32>} : memref<128xi32, #tpu.memory_space<vmem>>, vector<16xi32>,
    %swap3A_365 = vector.shape_cast %swap3A_364 : vector<16xi32> to vector<16xi32>
    %swap3A_366 = vector.shape_cast %get3A_362 : vector<16xi32> to vector<16xi32>
    tpu.vector_store %arg10[%swap3A_363], %swap3A_366 {strides = array<i32>} : memref<128xi32, #tpu.memory_space<vmem>>, vector<16xi32>,
    %add3A_367 = arith.constant 32 : i32
    %add3A_368 = arith.addi %add3A_320, %add3A_367 : i32
    %get3A_369 = arith.index_cast %add3A_368 : i32 to index
    %get3A_370 = tpu.vector_load %arg5[%get3A_369] {strides = array<i32>} : memref<1024xi32, #tpu.memory_space<vmem>>, vector<16xi32>,
    %get3A_371 = vector.shape_cast %get3A_370 : vector<16xi32> to vector<16xi32>
    %mul3A_372 = arith.constant 2 : i32
    %mul3A_373 = vector.broadcast %mul3A_372 : i32 to vector<16xi32>
    %mul3A_374 = arith.muli %get3A_371, %mul3A_373 : vector<16xi32>
    %add3A_375 = vector.broadcast %arg0 : i32 to vector<16xi32>
    %add3A_376 = arith.addi %mul3A_374, %add3A_375 : vector<16xi32>
    %swap3A_377 = arith.constant 32 : index
    %swap3A_378 = tpu.vector_load %arg9[%swap3A_377] {strides = array<i32>} : memref<128xi32, #tpu.memory_space<vmem>>, vector<16xi32>,
    %swap3A_379 = vector.shape_cast %swap3A_378 : vector<16xi32> to vector<16xi32>
    %swap3A_380 = vector.shape_cast %add3A_376 : vector<16xi32> to vector<16xi32>
    tpu.vector_store %arg9[%swap3A_377], %swap3A_380 {strides = array<i32>} : memref<128xi32, #tpu.memory_space<vmem>>, vector<16xi32>,
    %add3A_381 = arith.constant 32 : i32
    %add3A_382 = arith.addi %add3A_320, %add3A_381 : i32
    %get3A_383 = arith.index_cast %add3A_382 : i32 to index
    %get3A_384 = tpu.vector_load %arg6[%get3A_383] {strides = array<i32>} : memref<1024xi32, #tpu.memory_space<vmem>>, vector<16xi32>,
    %get3A_385 = vector.shape_cast %get3A_384 : vector<16xi32> to vector<16xi32>
    %swap3A_386 = arith.constant 32 : index
    %swap3A_387 = tpu.vector_load %arg10[%swap3A_386] {strides = array<i32>} : memref<128xi32, #tpu.memory_space<vmem>>, vector<16xi32>,
    %swap3A_388 = vector.shape_cast %swap3A_387 : vector<16xi32> to vector<16xi32>
    %swap3A_389 = vector.shape_cast %get3A_385 : vector<16xi32> to vector<16xi32>
    tpu.vector_store %arg10[%swap3A_386], %swap3A_389 {strides = array<i32>} : memref<128xi32, #tpu.memory_space<vmem>>, vector<16xi32>,
    %add3A_390 = arith.constant 48 : i32
    %add3A_391 = arith.addi %add3A_320, %add3A_390 : i32
    %get3A_392 = arith.index_cast %add3A_391 : i32 to index
    %get3A_393 = tpu.vector_load %arg5[%get3A_392] {strides = array<i32>} : memref<1024xi32, #tpu.memory_space<vmem>>, vector<16xi32>,
    %get3A_394 = vector.shape_cast %get3A_393 : vector<16xi32> to vector<16xi32>
    %mul3A_395 = arith.constant 2 : i32
    %mul3A_396 = vector.broadcast %mul3A_395 : i32 to vector<16xi32>
    %mul3A_397 = arith.muli %get3A_394, %mul3A_396 : vector<16xi32>
    %add3A_398 = vector.broadcast %arg0 : i32 to vector<16xi32>
    %add3A_399 = arith.addi %mul3A_397, %add3A_398 : vector<16xi32>
    %swap3A_400 = arith.constant 48 : index
    %swap3A_401 = tpu.vector_load %arg9[%swap3A_400] {strides = array<i32>} : memref<128xi32, #tpu.memory_space<vmem>>, vector<16xi32>,
    %swap3A_402 = vector.shape_cast %swap3A_401 : vector<16xi32> to vector<16xi32>
    %swap3A_403 = vector.shape_cast %add3A_399 : vector<16xi32> to vector<16xi32>
    tpu.vector_store %arg9[%swap3A_400], %swap3A_403 {strides = array<i32>} : memref<128xi32, #tpu.memory_space<vmem>>, vector<16xi32>,
    %add3A_404 = arith.constant 48 : i32
    %add3A_405 = arith.addi %add3A_320, %add3A_404 : i32
    %get3A_406 = arith.index_cast %add3A_405 : i32 to index
    %get3A_407 = tpu.vector_load %arg6[%get3A_406] {strides = array<i32>} : memref<1024xi32, #tpu.memory_space<vmem>>, vector<16xi32>,
    %get3A_408 = vector.shape_cast %get3A_407 : vector<16xi32> to vector<16xi32>
    %swap3A_409 = arith.constant 48 : index
    %swap3A_410 = tpu.vector_load %arg10[%swap3A_409] {strides = array<i32>} : memref<128xi32, #tpu.memory_space<vmem>>, vector<16xi32>,
    %swap3A_411 = vector.shape_cast %swap3A_410 : vector<16xi32> to vector<16xi32>
    %swap3A_412 = vector.shape_cast %get3A_408 : vector<16xi32> to vector<16xi32>
    tpu.vector_store %arg10[%swap3A_409], %swap3A_412 {strides = array<i32>} : memref<128xi32, #tpu.memory_space<vmem>>, vector<16xi32>,
    %add3A_413 = arith.constant 64 : i32
    %add3A_414 = arith.addi %add3A_320, %add3A_413 : i32
    %get3A_415 = arith.index_cast %add3A_414 : i32 to index
    %get3A_416 = tpu.vector_load %arg5[%get3A_415] {strides = array<i32>} : memref<1024xi32, #tpu.memory_space<vmem>>, vector<16xi32>,
    %get3A_417 = vector.shape_cast %get3A_416 : vector<16xi32> to vector<16xi32>
    %mul3A_418 = arith.constant 2 : i32
    %mul3A_419 = vector.broadcast %mul3A_418 : i32 to vector<16xi32>
    %mul3A_420 = arith.muli %get3A_417, %mul3A_419 : vector<16xi32>
    %add3A_421 = vector.broadcast %arg0 : i32 to vector<16xi32>
    %add3A_422 = arith.addi %mul3A_420, %add3A_421 : vector<16xi32>
    %swap3A_423 = arith.constant 64 : index
    %swap3A_424 = tpu.vector_load %arg9[%swap3A_423] {strides = array<i32>} : memref<128xi32, #tpu.memory_space<vmem>>, vector<16xi32>,
    %swap3A_425 = vector.shape_cast %swap3A_424 : vector<16xi32> to vector<16xi32>
    %swap3A_426 = vector.shape_cast %add3A_422 : vector<16xi32> to vector<16xi32>
    tpu.vector_store %arg9[%swap3A_423], %swap3A_426 {strides = array<i32>} : memref<128xi32, #tpu.memory_space<vmem>>, vector<16xi32>,
    %add3A_427 = arith.constant 64 : i32
    %add3A_428 = arith.addi %add3A_320, %add3A_427 : i32
    %get3A_429 = arith.index_cast %add3A_428 : i32 to index
    %get3A_430 = tpu.vector_load %arg6[%get3A_429] {strides = array<i32>} : memref<1024xi32, #tpu.memory_space<vmem>>, vector<16xi32>,
    %get3A_431 = vector.shape_cast %get3A_430 : vector<16xi32> to vector<16xi32>
    %swap3A_432 = arith.constant 64 : index
    %swap3A_433 = tpu.vector_load %arg10[%swap3A_432] {strides = array<i32>} : memref<128xi32, #tpu.memory_space<vmem>>, vector<16xi32>,
    %swap3A_434 = vector.shape_cast %swap3A_433 : vector<16xi32> to vector<16xi32>
    %swap3A_435 = vector.shape_cast %get3A_431 : vector<16xi32> to vector<16xi32>
    tpu.vector_store %arg10[%swap3A_432], %swap3A_435 {strides = array<i32>} : memref<128xi32, #tpu.memory_space<vmem>>, vector<16xi32>,
    %add3A_436 = arith.constant 80 : i32
    %add3A_437 = arith.addi %add3A_320, %add3A_436 : i32
    %get3A_438 = arith.index_cast %add3A_437 : i32 to index
    %get3A_439 = tpu.vector_load %arg5[%get3A_438] {strides = array<i32>} : memref<1024xi32, #tpu.memory_space<vmem>>, vector<16xi32>,
    %get3A_440 = vector.shape_cast %get3A_439 : vector<16xi32> to vector<16xi32>
    %mul3A_441 = arith.constant 2 : i32
    %mul3A_442 = vector.broadcast %mul3A_441 : i32 to vector<16xi32>
    %mul3A_443 = arith.muli %get3A_440, %mul3A_442 : vector<16xi32>
    %add3A_444 = vector.broadcast %arg0 : i32 to vector<16xi32>
    %add3A_445 = arith.addi %mul3A_443, %add3A_444 : vector<16xi32>
    %swap3A_446 = arith.constant 80 : index
    %swap3A_447 = tpu.vector_load %arg9[%swap3A_446] {strides = array<i32>} : memref<128xi32, #tpu.memory_space<vmem>>, vector<16xi32>,
    %swap3A_448 = vector.shape_cast %swap3A_447 : vector<16xi32> to vector<16xi32>
    %swap3A_449 = vector.shape_cast %add3A_445 : vector<16xi32> to vector<16xi32>
    tpu.vector_store %arg9[%swap3A_446], %swap3A_449 {strides = array<i32>} : memref<128xi32, #tpu.memory_space<vmem>>, vector<16xi32>,
    %add3A_450 = arith.constant 80 : i32
    %add3A_451 = arith.addi %add3A_320, %add3A_450 : i32
    %get3A_452 = arith.index_cast %add3A_451 : i32 to index
    %get3A_453 = tpu.vector_load %arg6[%get3A_452] {strides = array<i32>} : memref<1024xi32, #tpu.memory_space<vmem>>, vector<16xi32>,
    %get3A_454 = vector.shape_cast %get3A_453 : vector<16xi32> to vector<16xi32>
    %swap3A_455 = arith.constant 80 : index
    %swap3A_456 = tpu.vector_load %arg10[%swap3A_455] {strides = array<i32>} : memref<128xi32, #tpu.memory_space<vmem>>, vector<16xi32>,
    %swap3A_457 = vector.shape_cast %swap3A_456 : vector<16xi32> to vector<16xi32>
    %swap3A_458 = vector.shape_cast %get3A_454 : vector<16xi32> to vector<16xi32>
    tpu.vector_store %arg10[%swap3A_455], %swap3A_458 {strides = array<i32>} : memref<128xi32, #tpu.memory_space<vmem>>, vector<16xi32>,
    %add3A_459 = arith.constant 96 : i32
    %add3A_460 = arith.addi %add3A_320, %add3A_459 : i32
    %get3A_461 = arith.index_cast %add3A_460 : i32 to index
    %get3A_462 = tpu.vector_load %arg5[%get3A_461] {strides = array<i32>} : memref<1024xi32, #tpu.memory_space<vmem>>, vector<16xi32>,
    %get3A_463 = vector.shape_cast %get3A_462 : vector<16xi32> to vector<16xi32>
    %mul3A_464 = arith.constant 2 : i32
    %mul3A_465 = vector.broadcast %mul3A_464 : i32 to vector<16xi32>
    %mul3A_466 = arith.muli %get3A_463, %mul3A_465 : vector<16xi32>
    %add3A_467 = vector.broadcast %arg0 : i32 to vector<16xi32>
    %add3A_468 = arith.addi %mul3A_466, %add3A_467 : vector<16xi32>
    %swap3A_469 = arith.constant 96 : index
    %swap3A_470 = tpu.vector_load %arg9[%swap3A_469] {strides = array<i32>} : memref<128xi32, #tpu.memory_space<vmem>>, vector<16xi32>,
    %swap3A_471 = vector.shape_cast %swap3A_470 : vector<16xi32> to vector<16xi32>
    %swap3A_472 = vector.shape_cast %add3A_468 : vector<16xi32> to vector<16xi32>
    tpu.vector_store %arg9[%swap3A_469], %swap3A_472 {strides = array<i32>} : memref<128xi32, #tpu.memory_space<vmem>>, vector<16xi32>,
    %add3A_473 = arith.constant 96 : i32
    %add3A_474 = arith.addi %add3A_320, %add3A_473 : i32
    %get3A_475 = arith.index_cast %add3A_474 : i32 to index
    %get3A_476 = tpu.vector_load %arg6[%get3A_475] {strides = array<i32>} : memref<1024xi32, #tpu.memory_space<vmem>>, vector<16xi32>,
    %get3A_477 = vector.shape_cast %get3A_476 : vector<16xi32> to vector<16xi32>
    %swap3A_478 = arith.constant 96 : index
    %swap3A_479 = tpu.vector_load %arg10[%swap3A_478] {strides = array<i32>} : memref<128xi32, #tpu.memory_space<vmem>>, vector<16xi32>,
    %swap3A_480 = vector.shape_cast %swap3A_479 : vector<16xi32> to vector<16xi32>
    %swap3A_481 = vector.shape_cast %get3A_477 : vector<16xi32> to vector<16xi32>
    tpu.vector_store %arg10[%swap3A_478], %swap3A_481 {strides = array<i32>} : memref<128xi32, #tpu.memory_space<vmem>>, vector<16xi32>,
    %add3A_482 = arith.constant 112 : i32
    %add3A_483 = arith.addi %add3A_320, %add3A_482 : i32
    %get3A_484 = arith.index_cast %add3A_483 : i32 to index
    %get3A_485 = tpu.vector_load %arg5[%get3A_484] {strides = array<i32>} : memref<1024xi32, #tpu.memory_space<vmem>>, vector<16xi32>,
    %get3A_486 = vector.shape_cast %get3A_485 : vector<16xi32> to vector<16xi32>
    %mul3A_487 = arith.constant 2 : i32
    %mul3A_488 = vector.broadcast %mul3A_487 : i32 to vector<16xi32>
    %mul3A_489 = arith.muli %get3A_486, %mul3A_488 : vector<16xi32>
    %add3A_490 = vector.broadcast %arg0 : i32 to vector<16xi32>
    %add3A_491 = arith.addi %mul3A_489, %add3A_490 : vector<16xi32>
    %swap3A_492 = arith.constant 112 : index
    %swap3A_493 = tpu.vector_load %arg9[%swap3A_492] {strides = array<i32>} : memref<128xi32, #tpu.memory_space<vmem>>, vector<16xi32>,
    %swap3A_494 = vector.shape_cast %swap3A_493 : vector<16xi32> to vector<16xi32>
    %swap3A_495 = vector.shape_cast %add3A_491 : vector<16xi32> to vector<16xi32>
    tpu.vector_store %arg9[%swap3A_492], %swap3A_495 {strides = array<i32>} : memref<128xi32, #tpu.memory_space<vmem>>, vector<16xi32>,
    %add3A_496 = arith.constant 112 : i32
    %add3A_497 = arith.addi %add3A_320, %add3A_496 : i32
    %get3A_498 = arith.index_cast %add3A_497 : i32 to index
    %get3A_499 = tpu.vector_load %arg6[%get3A_498] {strides = array<i32>} : memref<1024xi32, #tpu.memory_space<vmem>>, vector<16xi32>,
    %get3A_500 = vector.shape_cast %get3A_499 : vector<16xi32> to vector<16xi32>
    %swap3A_501 = arith.constant 112 : index
    %swap3A_502 = tpu.vector_load %arg10[%swap3A_501] {strides = array<i32>} : memref<128xi32, #tpu.memory_space<vmem>>, vector<16xi32>,
    %swap3A_503 = vector.shape_cast %swap3A_502 : vector<16xi32> to vector<16xi32>
    %swap3A_504 = vector.shape_cast %get3A_500 : vector<16xi32> to vector<16xi32>
    tpu.vector_store %arg10[%swap3A_501], %swap3A_504 {strides = array<i32>} : memref<128xi32, #tpu.memory_space<vmem>>, vector<16xi32>,
    %dma_start3A_505 = arith.constant 0 : i32
    %dma_start3A_506 = arith.constant 0 : i32
    %dma_start3A_507 = tpu.memref_slice %arg2[%dma_start3A_505, %dma_start3A_506] : memref<20000x128xf32, #tpu.memory_space<hbm>> -> memref<20000x128xf32, #tpu.memory_space<hbm>>
    tpu.enqueue_indirect_dma source(%dma_start3A_507 : memref<20000x128xf32, #tpu.memory_space<hbm>>) target(%arg12 : memref<128x128xf32, #tpu.memory_space<vmem>>) offsets(%arg9 : memref<128xi32, #tpu.memory_space<vmem>>) semaphore(%arg16 : memref<!tpu.dma_semaphore, #tpu.memory_space<semaphore_mem>>)
    %scan3A_508 = arith.constant 0 : i32
    %scan3A_509 = arith.constant 0 : i32
    %scan3A_510 = arith.constant 38 : i32
    %scan3A_511 = arith.addi %scan3A_509, %scan3A_510 : i32
    %scan3A_512 = arith.constant 1 : i32
    scf.for %scan3A_562 = %scan3A_509 to %scan3A_511 step %scan3A_512  : i32 {
      %dma_wait3A_563 = arith.constant 0 : i32
      %dma_wait3A_564 = arith.constant 0 : i32
      %dma_wait3A_565 = tpu.memref_slice %arg2[%dma_wait3A_563, %dma_wait3A_564] : memref<20000x128xf32, #tpu.memory_space<hbm>> -> memref<20000x128xf32, #tpu.memory_space<hbm>>
      tpu.wait_indirect_dma semaphore(%arg15 : memref<!tpu.dma_semaphore, #tpu.memory_space<semaphore_mem>>) src(%dma_wait3A_565 : memref<20000x128xf32, #tpu.memory_space<hbm>>) dst(%arg11 : memref<128x128xf32, #tpu.memory_space<vmem>>)
      "tpu.region"() ({
        %run_scoped3A = tpu.sem_alloc : memref<!tpu.dma_semaphore, #tpu.memory_space<semaphore_mem>>
        %dma_start3A_1079 = arith.constant 0 : i32
        %dma_start3A_1080 = arith.constant 0 : i32
        %dma_start3A_1081 = tpu.memref_slice %arg14[%dma_start3A_1079, %dma_start3A_1080] : memref<10000x128xf32, #tpu.memory_space<vmem_shared>> -> memref<10000x128xf32, #tpu.memory_space<vmem_shared>>
        tpu.enqueue_indirect_dma source(%arg11 : memref<128x128xf32, #tpu.memory_space<vmem>>) target(%dma_start3A_1081 : memref<10000x128xf32, #tpu.memory_space<vmem_shared>>) offsets(%arg8 : memref<128xi32, #tpu.memory_space<vmem>>) semaphore(%run_scoped3A : memref<!tpu.dma_semaphore, #tpu.memory_space<semaphore_mem>>) {add = true}
        %dma_wait3A_1082 = arith.constant 0 : i32
        %dma_wait3A_1083 = arith.constant 0 : i32
        %dma_wait3A_1084 = tpu.memref_slice %arg14[%dma_wait3A_1082, %dma_wait3A_1083] : memref<10000x128xf32, #tpu.memory_space<vmem_shared>> -> memref<10000x128xf32, #tpu.memory_space<vmem_shared>>
        tpu.wait_indirect_dma semaphore(%run_scoped3A : memref<!tpu.dma_semaphore, #tpu.memory_space<semaphore_mem>>) src(%arg11 : memref<128x128xf32, #tpu.memory_space<vmem>>) dst(%dma_wait3A_1084 : memref<10000x128xf32, #tpu.memory_space<vmem_shared>>)
        tpu.yield
      }) : () -> ()
      %mul3A_566 = arith.constant 2 : i32
      %mul3A_567 = arith.muli %mul3A_566, %scan3A_562 : i32
      %add3A_568 = arith.constant 2 : i32
      %add3A_569 = arith.addi %mul3A_567, %add3A_568 : i32
      %jit3A_570 = arith.constant 8 : i32
      %eq3A_571 = arith.constant 0 : i32
      %eq3A_572 = arith.cmpi eq, %jit3A_570, %eq3A_571 : i32
      %jit3A_573 = arith.constant 1 : i32
      %select_n3A_574 = arith.select %eq3A_572, %jit3A_573, %jit3A_570 : i32
      %rem3A_575 = arith.remsi %add3A_569, %select_n3A_574 : i32
      %ne3A_576 = arith.constant 0 : i32
      %ne3A_577 = arith.cmpi ne, %rem3A_575, %ne3A_576 : i32
      %lt3A_578 = arith.constant 0 : i32
      %lt3A_579 = arith.cmpi slt, %rem3A_575, %lt3A_578 : i32
      %lt3A_580 = arith.constant 0 : i32
      %lt3A_581 = arith.cmpi slt, %select_n3A_574, %lt3A_580 : i32
      %ne3A_582 = arith.xori %lt3A_579, %lt3A_581 : i1
      %and3A_583 = arith.andi %ne3A_582, %ne3A_577 : i1
      %add3A_584 = arith.addi %rem3A_575, %select_n3A_574 : i32
      %select_n3A_585 = arith.select %and3A_583, %add3A_584, %rem3A_575 : i32
      %sub3A_586 = arith.subi %add3A_569, %select_n3A_585 : i32
      %mul3A_587 = arith.constant 128 : i32
      %mul3A_588 = arith.muli %sub3A_586, %mul3A_587 : i32
      %add3A_589 = arith.addi %mul3A_9, %mul3A_588 : i32
      %sub3A_590 = arith.constant 158976 : i32
      %sub3A_591 = arith.subi %add3A_589, %sub3A_590 : i32
      %max3A_592 = arith.constant 0 : i32
      %max3A_593 = arith.maxsi %sub3A_591, %max3A_592 : i32
      %jit3A_594 = arith.constant 8 : i32
      %eq3A_595 = arith.constant 0 : i32
      %eq3A_596 = arith.cmpi eq, %jit3A_594, %eq3A_595 : i32
      %jit3A_597 = arith.constant 1 : i32
      %select_n3A_598 = arith.select %eq3A_596, %jit3A_597, %jit3A_594 : i32
      %rem3A_599 = arith.remsi %add3A_569, %select_n3A_598 : i32
      %ne3A_600 = arith.constant 0 : i32
      %ne3A_601 = arith.cmpi ne, %rem3A_599, %ne3A_600 : i32
      %lt3A_602 = arith.constant 0 : i32
      %lt3A_603 = arith.cmpi slt, %rem3A_599, %lt3A_602 : i32
      %lt3A_604 = arith.constant 0 : i32
      %lt3A_605 = arith.cmpi slt, %select_n3A_598, %lt3A_604 : i32
      %ne3A_606 = arith.xori %lt3A_603, %lt3A_605 : i1
      %and3A_607 = arith.andi %ne3A_606, %ne3A_601 : i1
      %add3A_608 = arith.addi %rem3A_599, %select_n3A_598 : i32
      %select_n3A_609 = arith.select %and3A_607, %add3A_608, %rem3A_599 : i32
      %eq3A_610 = arith.constant 0 : i32
      %eq3A_611 = arith.cmpi eq, %select_n3A_609, %eq3A_610 : i32
      %convert_element_type3A_612 = arith.extui %eq3A_611 : i1 to i32
      %cond3A_613 = arith.constant 0 : i32
      %cond3A_614 = arith.cmpi ne, %convert_element_type3A_612, %cond3A_613 : i32
      scf.if %cond3A_614 {
        %sub3A_1079 = arith.subi %add3A_589, %max3A_593 : i32
        %multiple_of3A = tpu.assume_multiple %sub3A_1079, 8 : i32
        "tpu.region"() ({
          %run_scoped3A = tpu.sem_alloc : memref<!tpu.dma_semaphore, #tpu.memory_space<semaphore_mem>>
          %dma_start3A_1082 = tpu.memref_slice %arg3[%multiple_of3A] : memref<320000xi32, #tpu.memory_space<hbm>> -> memref<1024xi32, #tpu.memory_space<hbm>>
          %dma_start3A_1083 = tpu.memref_slice %arg3[%multiple_of3A] : memref<320000xi32, #tpu.memory_space<hbm>> -> memref<1024xi32, #tpu.memory_space<hbm>>
          tpu.enqueue_dma source(%dma_start3A_1083 : memref<1024xi32, #tpu.memory_space<hbm>>) target(%arg5 : memref<1024xi32, #tpu.memory_space<vmem>>) target_semaphore(%run_scoped3A : memref<!tpu.dma_semaphore, #tpu.memory_space<semaphore_mem>>)
          %dma_wait3A_1084 = tpu.memref_slice %arg3[%multiple_of3A] : memref<320000xi32, #tpu.memory_space<hbm>> -> memref<1024xi32, #tpu.memory_space<hbm>>
          %dma_wait3A_1085 = tpu.memref_slice %arg3[%multiple_of3A] : memref<320000xi32, #tpu.memory_space<hbm>> -> memref<1024xi32, #tpu.memory_space<hbm>>
          tpu.wait_dma2 semaphore(%run_scoped3A : memref<!tpu.dma_semaphore, #tpu.memory_space<semaphore_mem>>) src(%dma_wait3A_1085 : memref<1024xi32, #tpu.memory_space<hbm>>) dst(%arg5 : memref<1024xi32, #tpu.memory_space<vmem>>)
          tpu.yield
        }) : () -> ()
        %add3A_1080 = arith.constant 160000 : i32
        %add3A_1081 = arith.addi %add3A_1080, %multiple_of3A : i32
        "tpu.region"() ({
          %run_scoped3A = tpu.sem_alloc : memref<!tpu.dma_semaphore, #tpu.memory_space<semaphore_mem>>
          %dma_start3A_1082 = tpu.memref_slice %arg3[%add3A_1081] : memref<320000xi32, #tpu.memory_space<hbm>> -> memref<1024xi32, #tpu.memory_space<hbm>>
          %dma_start3A_1083 = tpu.memref_slice %arg3[%add3A_1081] : memref<320000xi32, #tpu.memory_space<hbm>> -> memref<1024xi32, #tpu.memory_space<hbm>>
          tpu.enqueue_dma source(%dma_start3A_1083 : memref<1024xi32, #tpu.memory_space<hbm>>) target(%arg6 : memref<1024xi32, #tpu.memory_space<vmem>>) target_semaphore(%run_scoped3A : memref<!tpu.dma_semaphore, #tpu.memory_space<semaphore_mem>>)
          %dma_wait3A_1084 = tpu.memref_slice %arg3[%add3A_1081] : memref<320000xi32, #tpu.memory_space<hbm>> -> memref<1024xi32, #tpu.memory_space<hbm>>
          %dma_wait3A_1085 = tpu.memref_slice %arg3[%add3A_1081] : memref<320000xi32, #tpu.memory_space<hbm>> -> memref<1024xi32, #tpu.memory_space<hbm>>
          tpu.wait_dma2 semaphore(%run_scoped3A : memref<!tpu.dma_semaphore, #tpu.memory_space<semaphore_mem>>) src(%dma_wait3A_1085 : memref<1024xi32, #tpu.memory_space<hbm>>) dst(%arg6 : memref<1024xi32, #tpu.memory_space<vmem>>)
          tpu.yield
        }) : () -> ()
      } else {
      }
      %jit3A_615 = arith.constant 8 : i32
      %eq3A_616 = arith.constant 0 : i32
      %eq3A_617 = arith.cmpi eq, %jit3A_615, %eq3A_616 : i32
      %jit3A_618 = arith.constant 1 : i32
      %select_n3A_619 = arith.select %eq3A_617, %jit3A_618, %jit3A_615 : i32
      %rem3A_620 = arith.remsi %add3A_569, %select_n3A_619 : i32
      %ne3A_621 = arith.constant 0 : i32
      %ne3A_622 = arith.cmpi ne, %rem3A_620, %ne3A_621 : i32
      %lt3A_623 = arith.constant 0 : i32
      %lt3A_624 = arith.cmpi slt, %rem3A_620, %lt3A_623 : i32
      %lt3A_625 = arith.constant 0 : i32
      %lt3A_626 = arith.cmpi slt, %select_n3A_619, %lt3A_625 : i32
      %ne3A_627 = arith.xori %lt3A_624, %lt3A_626 : i1
      %and3A_628 = arith.andi %ne3A_627, %ne3A_622 : i1
      %add3A_629 = arith.addi %rem3A_620, %select_n3A_619 : i32
      %select_n3A_630 = arith.select %and3A_628, %add3A_629, %rem3A_620 : i32
      %mul3A_631 = arith.constant 128 : i32
      %mul3A_632 = arith.muli %select_n3A_630, %mul3A_631 : i32
      %add3A_633 = arith.addi %max3A_593, %mul3A_632 : i32
      %add3A_634 = arith.constant 0 : i32
      %add3A_635 = arith.addi %add3A_633, %add3A_634 : i32
      %get3A_636 = arith.index_cast %add3A_635 : i32 to index
      %get3A_637 = tpu.vector_load %arg5[%get3A_636] {strides = array<i32>} : memref<1024xi32, #tpu.memory_space<vmem>>, vector<16xi32>,
      %get3A_638 = vector.shape_cast %get3A_637 : vector<16xi32> to vector<16xi32>
      %mul3A_639 = arith.constant 2 : i32
      %mul3A_640 = vector.broadcast %mul3A_639 : i32 to vector<16xi32>
      %mul3A_641 = arith.muli %get3A_638, %mul3A_640 : vector<16xi32>
      %add3A_642 = vector.broadcast %arg0 : i32 to vector<16xi32>
      %add3A_643 = arith.addi %mul3A_641, %add3A_642 : vector<16xi32>
      %swap3A_644 = arith.constant 0 : index
      %swap3A_645 = tpu.vector_load %arg7[%swap3A_644] {strides = array<i32>} : memref<128xi32, #tpu.memory_space<vmem>>, vector<16xi32>,
      %swap3A_646 = vector.shape_cast %swap3A_645 : vector<16xi32> to vector<16xi32>
      %swap3A_647 = vector.shape_cast %add3A_643 : vector<16xi32> to vector<16xi32>
      tpu.vector_store %arg7[%swap3A_644], %swap3A_647 {strides = array<i32>} : memref<128xi32, #tpu.memory_space<vmem>>, vector<16xi32>,
      %add3A_648 = arith.constant 0 : i32
      %add3A_649 = arith.addi %add3A_633, %add3A_648 : i32
      %get3A_650 = arith.index_cast %add3A_649 : i32 to index
      %get3A_651 = tpu.vector_load %arg6[%get3A_650] {strides = array<i32>} : memref<1024xi32, #tpu.memory_space<vmem>>, vector<16xi32>,
      %get3A_652 = vector.shape_cast %get3A_651 : vector<16xi32> to vector<16xi32>
      %swap3A_653 = arith.constant 0 : index
      %swap3A_654 = tpu.vector_load %arg8[%swap3A_653] {strides = array<i32>} : memref<128xi32, #tpu.memory_space<vmem>>, vector<16xi32>,
      %swap3A_655 = vector.shape_cast %swap3A_654 : vector<16xi32> to vector<16xi32>
      %swap3A_656 = vector.shape_cast %get3A_652 : vector<16xi32> to vector<16xi32>
      tpu.vector_store %arg8[%swap3A_653], %swap3A_656 {strides = array<i32>} : memref<128xi32, #tpu.memory_space<vmem>>, vector<16xi32>,
      %add3A_657 = arith.constant 16 : i32
      %add3A_658 = arith.addi %add3A_633, %add3A_657 : i32
      %get3A_659 = arith.index_cast %add3A_658 : i32 to index
      %get3A_660 = tpu.vector_load %arg5[%get3A_659] {strides = array<i32>} : memref<1024xi32, #tpu.memory_space<vmem>>, vector<16xi32>,
      %get3A_661 = vector.shape_cast %get3A_660 : vector<16xi32> to vector<16xi32>
      %mul3A_662 = arith.constant 2 : i32
      %mul3A_663 = vector.broadcast %mul3A_662 : i32 to vector<16xi32>
      %mul3A_664 = arith.muli %get3A_661, %mul3A_663 : vector<16xi32>
      %add3A_665 = vector.broadcast %arg0 : i32 to vector<16xi32>
      %add3A_666 = arith.addi %mul3A_664, %add3A_665 : vector<16xi32>
      %swap3A_667 = arith.constant 16 : index
      %swap3A_668 = tpu.vector_load %arg7[%swap3A_667] {strides = array<i32>} : memref<128xi32, #tpu.memory_space<vmem>>, vector<16xi32>,
      %swap3A_669 = vector.shape_cast %swap3A_668 : vector<16xi32> to vector<16xi32>
      %swap3A_670 = vector.shape_cast %add3A_666 : vector<16xi32> to vector<16xi32>
      tpu.vector_store %arg7[%swap3A_667], %swap3A_670 {strides = array<i32>} : memref<128xi32, #tpu.memory_space<vmem>>, vector<16xi32>,
      %add3A_671 = arith.constant 16 : i32
      %add3A_672 = arith.addi %add3A_633, %add3A_671 : i32
      %get3A_673 = arith.index_cast %add3A_672 : i32 to index
      %get3A_674 = tpu.vector_load %arg6[%get3A_673] {strides = array<i32>} : memref<1024xi32, #tpu.memory_space<vmem>>, vector<16xi32>,
      %get3A_675 = vector.shape_cast %get3A_674 : vector<16xi32> to vector<16xi32>
      %swap3A_676 = arith.constant 16 : index
      %swap3A_677 = tpu.vector_load %arg8[%swap3A_676] {strides = array<i32>} : memref<128xi32, #tpu.memory_space<vmem>>, vector<16xi32>,
      %swap3A_678 = vector.shape_cast %swap3A_677 : vector<16xi32> to vector<16xi32>
      %swap3A_679 = vector.shape_cast %get3A_675 : vector<16xi32> to vector<16xi32>
      tpu.vector_store %arg8[%swap3A_676], %swap3A_679 {strides = array<i32>} : memref<128xi32, #tpu.memory_space<vmem>>, vector<16xi32>,
      %add3A_680 = arith.constant 32 : i32
      %add3A_681 = arith.addi %add3A_633, %add3A_680 : i32
      %get3A_682 = arith.index_cast %add3A_681 : i32 to index
      %get3A_683 = tpu.vector_load %arg5[%get3A_682] {strides = array<i32>} : memref<1024xi32, #tpu.memory_space<vmem>>, vector<16xi32>,
      %get3A_684 = vector.shape_cast %get3A_683 : vector<16xi32> to vector<16xi32>
      %mul3A_685 = arith.constant 2 : i32
      %mul3A_686 = vector.broadcast %mul3A_685 : i32 to vector<16xi32>
      %mul3A_687 = arith.muli %get3A_684, %mul3A_686 : vector<16xi32>
      %add3A_688 = vector.broadcast %arg0 : i32 to vector<16xi32>
      %add3A_689 = arith.addi %mul3A_687, %add3A_688 : vector<16xi32>
      %swap3A_690 = arith.constant 32 : index
      %swap3A_691 = tpu.vector_load %arg7[%swap3A_690] {strides = array<i32>} : memref<128xi32, #tpu.memory_space<vmem>>, vector<16xi32>,
      %swap3A_692 = vector.shape_cast %swap3A_691 : vector<16xi32> to vector<16xi32>
      %swap3A_693 = vector.shape_cast %add3A_689 : vector<16xi32> to vector<16xi32>
      tpu.vector_store %arg7[%swap3A_690], %swap3A_693 {strides = array<i32>} : memref<128xi32, #tpu.memory_space<vmem>>, vector<16xi32>,
      %add3A_694 = arith.constant 32 : i32
      %add3A_695 = arith.addi %add3A_633, %add3A_694 : i32
      %get3A_696 = arith.index_cast %add3A_695 : i32 to index
      %get3A_697 = tpu.vector_load %arg6[%get3A_696] {strides = array<i32>} : memref<1024xi32, #tpu.memory_space<vmem>>, vector<16xi32>,
      %get3A_698 = vector.shape_cast %get3A_697 : vector<16xi32> to vector<16xi32>
      %swap3A_699 = arith.constant 32 : index
      %swap3A_700 = tpu.vector_load %arg8[%swap3A_699] {strides = array<i32>} : memref<128xi32, #tpu.memory_space<vmem>>, vector<16xi32>,
      %swap3A_701 = vector.shape_cast %swap3A_700 : vector<16xi32> to vector<16xi32>
      %swap3A_702 = vector.shape_cast %get3A_698 : vector<16xi32> to vector<16xi32>
      tpu.vector_store %arg8[%swap3A_699], %swap3A_702 {strides = array<i32>} : memref<128xi32, #tpu.memory_space<vmem>>, vector<16xi32>,
      %add3A_703 = arith.constant 48 : i32
      %add3A_704 = arith.addi %add3A_633, %add3A_703 : i32
      %get3A_705 = arith.index_cast %add3A_704 : i32 to index
      %get3A_706 = tpu.vector_load %arg5[%get3A_705] {strides = array<i32>} : memref<1024xi32, #tpu.memory_space<vmem>>, vector<16xi32>,
      %get3A_707 = vector.shape_cast %get3A_706 : vector<16xi32> to vector<16xi32>
      %mul3A_708 = arith.constant 2 : i32
      %mul3A_709 = vector.broadcast %mul3A_708 : i32 to vector<16xi32>
      %mul3A_710 = arith.muli %get3A_707, %mul3A_709 : vector<16xi32>
      %add3A_711 = vector.broadcast %arg0 : i32 to vector<16xi32>
      %add3A_712 = arith.addi %mul3A_710, %add3A_711 : vector<16xi32>
      %swap3A_713 = arith.constant 48 : index
      %swap3A_714 = tpu.vector_load %arg7[%swap3A_713] {strides = array<i32>} : memref<128xi32, #tpu.memory_space<vmem>>, vector<16xi32>,
      %swap3A_715 = vector.shape_cast %swap3A_714 : vector<16xi32> to vector<16xi32>
      %swap3A_716 = vector.shape_cast %add3A_712 : vector<16xi32> to vector<16xi32>
      tpu.vector_store %arg7[%swap3A_713], %swap3A_716 {strides = array<i32>} : memref<128xi32, #tpu.memory_space<vmem>>, vector<16xi32>,
      %add3A_717 = arith.constant 48 : i32
      %add3A_718 = arith.addi %add3A_633, %add3A_717 : i32
      %get3A_719 = arith.index_cast %add3A_718 : i32 to index
      %get3A_720 = tpu.vector_load %arg6[%get3A_719] {strides = array<i32>} : memref<1024xi32, #tpu.memory_space<vmem>>, vector<16xi32>,
      %get3A_721 = vector.shape_cast %get3A_720 : vector<16xi32> to vector<16xi32>
      %swap3A_722 = arith.constant 48 : index
      %swap3A_723 = tpu.vector_load %arg8[%swap3A_722] {strides = array<i32>} : memref<128xi32, #tpu.memory_space<vmem>>, vector<16xi32>,
      %swap3A_724 = vector.shape_cast %swap3A_723 : vector<16xi32> to vector<16xi32>
      %swap3A_725 = vector.shape_cast %get3A_721 : vector<16xi32> to vector<16xi32>
      tpu.vector_store %arg8[%swap3A_722], %swap3A_725 {strides = array<i32>} : memref<128xi32, #tpu.memory_space<vmem>>, vector<16xi32>,
      %add3A_726 = arith.constant 64 : i32
      %add3A_727 = arith.addi %add3A_633, %add3A_726 : i32
      %get3A_728 = arith.index_cast %add3A_727 : i32 to index
      %get3A_729 = tpu.vector_load %arg5[%get3A_728] {strides = array<i32>} : memref<1024xi32, #tpu.memory_space<vmem>>, vector<16xi32>,
      %get3A_730 = vector.shape_cast %get3A_729 : vector<16xi32> to vector<16xi32>
      %mul3A_731 = arith.constant 2 : i32
      %mul3A_732 = vector.broadcast %mul3A_731 : i32 to vector<16xi32>
      %mul3A_733 = arith.muli %get3A_730, %mul3A_732 : vector<16xi32>
      %add3A_734 = vector.broadcast %arg0 : i32 to vector<16xi32>
      %add3A_735 = arith.addi %mul3A_733, %add3A_734 : vector<16xi32>
      %swap3A_736 = arith.constant 64 : index
      %swap3A_737 = tpu.vector_load %arg7[%swap3A_736] {strides = array<i32>} : memref<128xi32, #tpu.memory_space<vmem>>, vector<16xi32>,
      %swap3A_738 = vector.shape_cast %swap3A_737 : vector<16xi32> to vector<16xi32>
      %swap3A_739 = vector.shape_cast %add3A_735 : vector<16xi32> to vector<16xi32>
      tpu.vector_store %arg7[%swap3A_736], %swap3A_739 {strides = array<i32>} : memref<128xi32, #tpu.memory_space<vmem>>, vector<16xi32>,
      %add3A_740 = arith.constant 64 : i32
      %add3A_741 = arith.addi %add3A_633, %add3A_740 : i32
      %get3A_742 = arith.index_cast %add3A_741 : i32 to index
      %get3A_743 = tpu.vector_load %arg6[%get3A_742] {strides = array<i32>} : memref<1024xi32, #tpu.memory_space<vmem>>, vector<16xi32>,
      %get3A_744 = vector.shape_cast %get3A_743 : vector<16xi32> to vector<16xi32>
      %swap3A_745 = arith.constant 64 : index
      %swap3A_746 = tpu.vector_load %arg8[%swap3A_745] {strides = array<i32>} : memref<128xi32, #tpu.memory_space<vmem>>, vector<16xi32>,
      %swap3A_747 = vector.shape_cast %swap3A_746 : vector<16xi32> to vector<16xi32>
      %swap3A_748 = vector.shape_cast %get3A_744 : vector<16xi32> to vector<16xi32>
      tpu.vector_store %arg8[%swap3A_745], %swap3A_748 {strides = array<i32>} : memref<128xi32, #tpu.memory_space<vmem>>, vector<16xi32>,
      %add3A_749 = arith.constant 80 : i32
      %add3A_750 = arith.addi %add3A_633, %add3A_749 : i32
      %get3A_751 = arith.index_cast %add3A_750 : i32 to index
      %get3A_752 = tpu.vector_load %arg5[%get3A_751] {strides = array<i32>} : memref<1024xi32, #tpu.memory_space<vmem>>, vector<16xi32>,
      %get3A_753 = vector.shape_cast %get3A_752 : vector<16xi32> to vector<16xi32>
      %mul3A_754 = arith.constant 2 : i32
      %mul3A_755 = vector.broadcast %mul3A_754 : i32 to vector<16xi32>
      %mul3A_756 = arith.muli %get3A_753, %mul3A_755 : vector<16xi32>
      %add3A_757 = vector.broadcast %arg0 : i32 to vector<16xi32>
      %add3A_758 = arith.addi %mul3A_756, %add3A_757 : vector<16xi32>
      %swap3A_759 = arith.constant 80 : index
      %swap3A_760 = tpu.vector_load %arg7[%swap3A_759] {strides = array<i32>} : memref<128xi32, #tpu.memory_space<vmem>>, vector<16xi32>,
      %swap3A_761 = vector.shape_cast %swap3A_760 : vector<16xi32> to vector<16xi32>
      %swap3A_762 = vector.shape_cast %add3A_758 : vector<16xi32> to vector<16xi32>
      tpu.vector_store %arg7[%swap3A_759], %swap3A_762 {strides = array<i32>} : memref<128xi32, #tpu.memory_space<vmem>>, vector<16xi32>,
      %add3A_763 = arith.constant 80 : i32
      %add3A_764 = arith.addi %add3A_633, %add3A_763 : i32
      %get3A_765 = arith.index_cast %add3A_764 : i32 to index
      %get3A_766 = tpu.vector_load %arg6[%get3A_765] {strides = array<i32>} : memref<1024xi32, #tpu.memory_space<vmem>>, vector<16xi32>,
      %get3A_767 = vector.shape_cast %get3A_766 : vector<16xi32> to vector<16xi32>
      %swap3A_768 = arith.constant 80 : index
      %swap3A_769 = tpu.vector_load %arg8[%swap3A_768] {strides = array<i32>} : memref<128xi32, #tpu.memory_space<vmem>>, vector<16xi32>,
      %swap3A_770 = vector.shape_cast %swap3A_769 : vector<16xi32> to vector<16xi32>
      %swap3A_771 = vector.shape_cast %get3A_767 : vector<16xi32> to vector<16xi32>
      tpu.vector_store %arg8[%swap3A_768], %swap3A_771 {strides = array<i32>} : memref<128xi32, #tpu.memory_space<vmem>>, vector<16xi32>,
      %add3A_772 = arith.constant 96 : i32
      %add3A_773 = arith.addi %add3A_633, %add3A_772 : i32
      %get3A_774 = arith.index_cast %add3A_773 : i32 to index
      %get3A_775 = tpu.vector_load %arg5[%get3A_774] {strides = array<i32>} : memref<1024xi32, #tpu.memory_space<vmem>>, vector<16xi32>,
      %get3A_776 = vector.shape_cast %get3A_775 : vector<16xi32> to vector<16xi32>
      %mul3A_777 = arith.constant 2 : i32
      %mul3A_778 = vector.broadcast %mul3A_777 : i32 to vector<16xi32>
      %mul3A_779 = arith.muli %get3A_776, %mul3A_778 : vector<16xi32>
      %add3A_780 = vector.broadcast %arg0 : i32 to vector<16xi32>
      %add3A_781 = arith.addi %mul3A_779, %add3A_780 : vector<16xi32>
      %swap3A_782 = arith.constant 96 : index
      %swap3A_783 = tpu.vector_load %arg7[%swap3A_782] {strides = array<i32>} : memref<128xi32, #tpu.memory_space<vmem>>, vector<16xi32>,
      %swap3A_784 = vector.shape_cast %swap3A_783 : vector<16xi32> to vector<16xi32>
      %swap3A_785 = vector.shape_cast %add3A_781 : vector<16xi32> to vector<16xi32>
      tpu.vector_store %arg7[%swap3A_782], %swap3A_785 {strides = array<i32>} : memref<128xi32, #tpu.memory_space<vmem>>, vector<16xi32>,
      %add3A_786 = arith.constant 96 : i32
      %add3A_787 = arith.addi %add3A_633, %add3A_786 : i32
      %get3A_788 = arith.index_cast %add3A_787 : i32 to index
      %get3A_789 = tpu.vector_load %arg6[%get3A_788] {strides = array<i32>} : memref<1024xi32, #tpu.memory_space<vmem>>, vector<16xi32>,
      %get3A_790 = vector.shape_cast %get3A_789 : vector<16xi32> to vector<16xi32>
      %swap3A_791 = arith.constant 96 : index
      %swap3A_792 = tpu.vector_load %arg8[%swap3A_791] {strides = array<i32>} : memref<128xi32, #tpu.memory_space<vmem>>, vector<16xi32>,
      %swap3A_793 = vector.shape_cast %swap3A_792 : vector<16xi32> to vector<16xi32>
      %swap3A_794 = vector.shape_cast %get3A_790 : vector<16xi32> to vector<16xi32>
      tpu.vector_store %arg8[%swap3A_791], %swap3A_794 {strides = array<i32>} : memref<128xi32, #tpu.memory_space<vmem>>, vector<16xi32>,
      %add3A_795 = arith.constant 112 : i32
      %add3A_796 = arith.addi %add3A_633, %add3A_795 : i32
      %get3A_797 = arith.index_cast %add3A_796 : i32 to index
      %get3A_798 = tpu.vector_load %arg5[%get3A_797] {strides = array<i32>} : memref<1024xi32, #tpu.memory_space<vmem>>, vector<16xi32>,
      %get3A_799 = vector.shape_cast %get3A_798 : vector<16xi32> to vector<16xi32>
      %mul3A_800 = arith.constant 2 : i32
      %mul3A_801 = vector.broadcast %mul3A_800 : i32 to vector<16xi32>
      %mul3A_802 = arith.muli %get3A_799, %mul3A_801 : vector<16xi32>
      %add3A_803 = vector.broadcast %arg0 : i32 to vector<16xi32>
      %add3A_804 = arith.addi %mul3A_802, %add3A_803 : vector<16xi32>
      %swap3A_805 = arith.constant 112 : index
      %swap3A_806 = tpu.vector_load %arg7[%swap3A_805] {strides = array<i32>} : memref<128xi32, #tpu.memory_space<vmem>>, vector<16xi32>,
      %swap3A_807 = vector.shape_cast %swap3A_806 : vector<16xi32> to vector<16xi32>
      %swap3A_808 = vector.shape_cast %add3A_804 : vector<16xi32> to vector<16xi32>
      tpu.vector_store %arg7[%swap3A_805], %swap3A_808 {strides = array<i32>} : memref<128xi32, #tpu.memory_space<vmem>>, vector<16xi32>,
      %add3A_809 = arith.constant 112 : i32
      %add3A_810 = arith.addi %add3A_633, %add3A_809 : i32
      %get3A_811 = arith.index_cast %add3A_810 : i32 to index
      %get3A_812 = tpu.vector_load %arg6[%get3A_811] {strides = array<i32>} : memref<1024xi32, #tpu.memory_space<vmem>>, vector<16xi32>,
      %get3A_813 = vector.shape_cast %get3A_812 : vector<16xi32> to vector<16xi32>
      %swap3A_814 = arith.constant 112 : index
      %swap3A_815 = tpu.vector_load %arg8[%swap3A_814] {strides = array<i32>} : memref<128xi32, #tpu.memory_space<vmem>>, vector<16xi32>,
      %swap3A_816 = vector.shape_cast %swap3A_815 : vector<16xi32> to vector<16xi32>
      %swap3A_817 = vector.shape_cast %get3A_813 : vector<16xi32> to vector<16xi32>
      tpu.vector_store %arg8[%swap3A_814], %swap3A_817 {strides = array<i32>} : memref<128xi32, #tpu.memory_space<vmem>>, vector<16xi32>,
      %dma_start3A_818 = arith.constant 0 : i32
      %dma_start3A_819 = arith.constant 0 : i32
      %dma_start3A_820 = tpu.memref_slice %arg2[%dma_start3A_818, %dma_start3A_819] : memref<20000x128xf32, #tpu.memory_space<hbm>> -> memref<20000x128xf32, #tpu.memory_space<hbm>>
      tpu.enqueue_indirect_dma source(%dma_start3A_820 : memref<20000x128xf32, #tpu.memory_space<hbm>>) target(%arg11 : memref<128x128xf32, #tpu.memory_space<vmem>>) offsets(%arg7 : memref<128xi32, #tpu.memory_space<vmem>>) semaphore(%arg15 : memref<!tpu.dma_semaphore, #tpu.memory_space<semaphore_mem>>)
      %dma_wait3A_821 = arith.constant 0 : i32
      %dma_wait3A_822 = arith.constant 0 : i32
      %dma_wait3A_823 = tpu.memref_slice %arg2[%dma_wait3A_821, %dma_wait3A_822] : memref<20000x128xf32, #tpu.memory_space<hbm>> -> memref<20000x128xf32, #tpu.memory_space<hbm>>
      tpu.wait_indirect_dma semaphore(%arg16 : memref<!tpu.dma_semaphore, #tpu.memory_space<semaphore_mem>>) src(%dma_wait3A_823 : memref<20000x128xf32, #tpu.memory_space<hbm>>) dst(%arg12 : memref<128x128xf32, #tpu.memory_space<vmem>>)
      "tpu.region"() ({
        %run_scoped3A = tpu.sem_alloc : memref<!tpu.dma_semaphore, #tpu.memory_space<semaphore_mem>>
        %dma_start3A_1079 = arith.constant 0 : i32
        %dma_start3A_1080 = arith.constant 0 : i32
        %dma_start3A_1081 = tpu.memref_slice %arg14[%dma_start3A_1079, %dma_start3A_1080] : memref<10000x128xf32, #tpu.memory_space<vmem_shared>> -> memref<10000x128xf32, #tpu.memory_space<vmem_shared>>
        tpu.enqueue_indirect_dma source(%arg12 : memref<128x128xf32, #tpu.memory_space<vmem>>) target(%dma_start3A_1081 : memref<10000x128xf32, #tpu.memory_space<vmem_shared>>) offsets(%arg10 : memref<128xi32, #tpu.memory_space<vmem>>) semaphore(%run_scoped3A : memref<!tpu.dma_semaphore, #tpu.memory_space<semaphore_mem>>) {add = true}
        %dma_wait3A_1082 = arith.constant 0 : i32
        %dma_wait3A_1083 = arith.constant 0 : i32
        %dma_wait3A_1084 = tpu.memref_slice %arg14[%dma_wait3A_1082, %dma_wait3A_1083] : memref<10000x128xf32, #tpu.memory_space<vmem_shared>> -> memref<10000x128xf32, #tpu.memory_space<vmem_shared>>
        tpu.wait_indirect_dma semaphore(%run_scoped3A : memref<!tpu.dma_semaphore, #tpu.memory_space<semaphore_mem>>) src(%arg12 : memref<128x128xf32, #tpu.memory_space<vmem>>) dst(%dma_wait3A_1084 : memref<10000x128xf32, #tpu.memory_space<vmem_shared>>)
        tpu.yield
      }) : () -> ()
      %mul3A_824 = arith.constant 2 : i32
      %mul3A_825 = arith.muli %mul3A_824, %scan3A_562 : i32
      %add3A_826 = arith.constant 3 : i32
      %add3A_827 = arith.addi %mul3A_825, %add3A_826 : i32
      %jit3A_828 = arith.constant 8 : i32
      %eq3A_829 = arith.constant 0 : i32
      %eq3A_830 = arith.cmpi eq, %jit3A_828, %eq3A_829 : i32
      %jit3A_831 = arith.constant 1 : i32
      %select_n3A_832 = arith.select %eq3A_830, %jit3A_831, %jit3A_828 : i32
      %rem3A_833 = arith.remsi %add3A_827, %select_n3A_832 : i32
      %ne3A_834 = arith.constant 0 : i32
      %ne3A_835 = arith.cmpi ne, %rem3A_833, %ne3A_834 : i32
      %lt3A_836 = arith.constant 0 : i32
      %lt3A_837 = arith.cmpi slt, %rem3A_833, %lt3A_836 : i32
      %lt3A_838 = arith.constant 0 : i32
      %lt3A_839 = arith.cmpi slt, %select_n3A_832, %lt3A_838 : i32
      %ne3A_840 = arith.xori %lt3A_837, %lt3A_839 : i1
      %and3A_841 = arith.andi %ne3A_840, %ne3A_835 : i1
      %add3A_842 = arith.addi %rem3A_833, %select_n3A_832 : i32
      %select_n3A_843 = arith.select %and3A_841, %add3A_842, %rem3A_833 : i32
      %sub3A_844 = arith.subi %add3A_827, %select_n3A_843 : i32
      %mul3A_845 = arith.constant 128 : i32
      %mul3A_846 = arith.muli %sub3A_844, %mul3A_845 : i32
      %add3A_847 = arith.addi %mul3A_9, %mul3A_846 : i32
      %sub3A_848 = arith.constant 158976 : i32
      %sub3A_849 = arith.subi %add3A_847, %sub3A_848 : i32
      %max3A_850 = arith.constant 0 : i32
      %max3A_851 = arith.maxsi %sub3A_849, %max3A_850 : i32
      %jit3A_852 = arith.constant 8 : i32
      %eq3A_853 = arith.constant 0 : i32
      %eq3A_854 = arith.cmpi eq, %jit3A_852, %eq3A_853 : i32
      %jit3A_855 = arith.constant 1 : i32
      %select_n3A_856 = arith.select %eq3A_854, %jit3A_855, %jit3A_852 : i32
      %rem3A_857 = arith.remsi %add3A_827, %select_n3A_856 : i32
      %ne3A_858 = arith.constant 0 : i32
      %ne3A_859 = arith.cmpi ne, %rem3A_857, %ne3A_858 : i32
      %lt3A_860 = arith.constant 0 : i32
      %lt3A_861 = arith.cmpi slt, %rem3A_857, %lt3A_860 : i32
      %lt3A_862 = arith.constant 0 : i32
      %lt3A_863 = arith.cmpi slt, %select_n3A_856, %lt3A_862 : i32
      %ne3A_864 = arith.xori %lt3A_861, %lt3A_863 : i1
      %and3A_865 = arith.andi %ne3A_864, %ne3A_859 : i1
      %add3A_866 = arith.addi %rem3A_857, %select_n3A_856 : i32
      %select_n3A_867 = arith.select %and3A_865, %add3A_866, %rem3A_857 : i32
      %eq3A_868 = arith.constant 0 : i32
      %eq3A_869 = arith.cmpi eq, %select_n3A_867, %eq3A_868 : i32
      %convert_element_type3A_870 = arith.extui %eq3A_869 : i1 to i32
      %cond3A_871 = arith.constant 0 : i32
      %cond3A_872 = arith.cmpi ne, %convert_element_type3A_870, %cond3A_871 : i32
      scf.if %cond3A_872 {
        %sub3A_1079 = arith.subi %add3A_847, %max3A_851 : i32
        %multiple_of3A = tpu.assume_multiple %sub3A_1079, 8 : i32
        "tpu.region"() ({
          %run_scoped3A = tpu.sem_alloc : memref<!tpu.dma_semaphore, #tpu.memory_space<semaphore_mem>>
          %dma_start3A_1082 = tpu.memref_slice %arg3[%multiple_of3A] : memref<320000xi32, #tpu.memory_space<hbm>> -> memref<1024xi32, #tpu.memory_space<hbm>>
          %dma_start3A_1083 = tpu.memref_slice %arg3[%multiple_of3A] : memref<320000xi32, #tpu.memory_space<hbm>> -> memref<1024xi32, #tpu.memory_space<hbm>>
          tpu.enqueue_dma source(%dma_start3A_1083 : memref<1024xi32, #tpu.memory_space<hbm>>) target(%arg5 : memref<1024xi32, #tpu.memory_space<vmem>>) target_semaphore(%run_scoped3A : memref<!tpu.dma_semaphore, #tpu.memory_space<semaphore_mem>>)
          %dma_wait3A_1084 = tpu.memref_slice %arg3[%multiple_of3A] : memref<320000xi32, #tpu.memory_space<hbm>> -> memref<1024xi32, #tpu.memory_space<hbm>>
          %dma_wait3A_1085 = tpu.memref_slice %arg3[%multiple_of3A] : memref<320000xi32, #tpu.memory_space<hbm>> -> memref<1024xi32, #tpu.memory_space<hbm>>
          tpu.wait_dma2 semaphore(%run_scoped3A : memref<!tpu.dma_semaphore, #tpu.memory_space<semaphore_mem>>) src(%dma_wait3A_1085 : memref<1024xi32, #tpu.memory_space<hbm>>) dst(%arg5 : memref<1024xi32, #tpu.memory_space<vmem>>)
          tpu.yield
        }) : () -> ()
        %add3A_1080 = arith.constant 160000 : i32
        %add3A_1081 = arith.addi %add3A_1080, %multiple_of3A : i32
        "tpu.region"() ({
          %run_scoped3A = tpu.sem_alloc : memref<!tpu.dma_semaphore, #tpu.memory_space<semaphore_mem>>
          %dma_start3A_1082 = tpu.memref_slice %arg3[%add3A_1081] : memref<320000xi32, #tpu.memory_space<hbm>> -> memref<1024xi32, #tpu.memory_space<hbm>>
          %dma_start3A_1083 = tpu.memref_slice %arg3[%add3A_1081] : memref<320000xi32, #tpu.memory_space<hbm>> -> memref<1024xi32, #tpu.memory_space<hbm>>
          tpu.enqueue_dma source(%dma_start3A_1083 : memref<1024xi32, #tpu.memory_space<hbm>>) target(%arg6 : memref<1024xi32, #tpu.memory_space<vmem>>) target_semaphore(%run_scoped3A : memref<!tpu.dma_semaphore, #tpu.memory_space<semaphore_mem>>)
          %dma_wait3A_1084 = tpu.memref_slice %arg3[%add3A_1081] : memref<320000xi32, #tpu.memory_space<hbm>> -> memref<1024xi32, #tpu.memory_space<hbm>>
          %dma_wait3A_1085 = tpu.memref_slice %arg3[%add3A_1081] : memref<320000xi32, #tpu.memory_space<hbm>> -> memref<1024xi32, #tpu.memory_space<hbm>>
          tpu.wait_dma2 semaphore(%run_scoped3A : memref<!tpu.dma_semaphore, #tpu.memory_space<semaphore_mem>>) src(%dma_wait3A_1085 : memref<1024xi32, #tpu.memory_space<hbm>>) dst(%arg6 : memref<1024xi32, #tpu.memory_space<vmem>>)
          tpu.yield
        }) : () -> ()
      } else {
      }
      %jit3A_873 = arith.constant 8 : i32
      %eq3A_874 = arith.constant 0 : i32
      %eq3A_875 = arith.cmpi eq, %jit3A_873, %eq3A_874 : i32
      %jit3A_876 = arith.constant 1 : i32
      %select_n3A_877 = arith.select %eq3A_875, %jit3A_876, %jit3A_873 : i32
      %rem3A_878 = arith.remsi %add3A_827, %select_n3A_877 : i32
      %ne3A_879 = arith.constant 0 : i32
      %ne3A_880 = arith.cmpi ne, %rem3A_878, %ne3A_879 : i32
      %lt3A_881 = arith.constant 0 : i32
      %lt3A_882 = arith.cmpi slt, %rem3A_878, %lt3A_881 : i32
      %lt3A_883 = arith.constant 0 : i32
      %lt3A_884 = arith.cmpi slt, %select_n3A_877, %lt3A_883 : i32
      %ne3A_885 = arith.xori %lt3A_882, %lt3A_884 : i1
      %and3A_886 = arith.andi %ne3A_885, %ne3A_880 : i1
      %add3A_887 = arith.addi %rem3A_878, %select_n3A_877 : i32
      %select_n3A_888 = arith.select %and3A_886, %add3A_887, %rem3A_878 : i32
      %mul3A_889 = arith.constant 128 : i32
      %mul3A_890 = arith.muli %select_n3A_888, %mul3A_889 : i32
      %add3A_891 = arith.addi %max3A_851, %mul3A_890 : i32
      %add3A_892 = arith.constant 0 : i32
      %add3A_893 = arith.addi %add3A_891, %add3A_892 : i32
      %get3A_894 = arith.index_cast %add3A_893 : i32 to index
      %get3A_895 = tpu.vector_load %arg5[%get3A_894] {strides = array<i32>} : memref<1024xi32, #tpu.memory_space<vmem>>, vector<16xi32>,
      %get3A_896 = vector.shape_cast %get3A_895 : vector<16xi32> to vector<16xi32>
      %mul3A_897 = arith.constant 2 : i32
      %mul3A_898 = vector.broadcast %mul3A_897 : i32 to vector<16xi32>
      %mul3A_899 = arith.muli %get3A_896, %mul3A_898 : vector<16xi32>
      %add3A_900 = vector.broadcast %arg0 : i32 to vector<16xi32>
      %add3A_901 = arith.addi %mul3A_899, %add3A_900 : vector<16xi32>
      %swap3A_902 = arith.constant 0 : index
      %swap3A_903 = tpu.vector_load %arg9[%swap3A_902] {strides = array<i32>} : memref<128xi32, #tpu.memory_space<vmem>>, vector<16xi32>,
      %swap3A_904 = vector.shape_cast %swap3A_903 : vector<16xi32> to vector<16xi32>
      %swap3A_905 = vector.shape_cast %add3A_901 : vector<16xi32> to vector<16xi32>
      tpu.vector_store %arg9[%swap3A_902], %swap3A_905 {strides = array<i32>} : memref<128xi32, #tpu.memory_space<vmem>>, vector<16xi32>,
      %add3A_906 = arith.constant 0 : i32
      %add3A_907 = arith.addi %add3A_891, %add3A_906 : i32
      %get3A_908 = arith.index_cast %add3A_907 : i32 to index
      %get3A_909 = tpu.vector_load %arg6[%get3A_908] {strides = array<i32>} : memref<1024xi32, #tpu.memory_space<vmem>>, vector<16xi32>,
      %get3A_910 = vector.shape_cast %get3A_909 : vector<16xi32> to vector<16xi32>
      %swap3A_911 = arith.constant 0 : index
      %swap3A_912 = tpu.vector_load %arg10[%swap3A_911] {strides = array<i32>} : memref<128xi32, #tpu.memory_space<vmem>>, vector<16xi32>,
      %swap3A_913 = vector.shape_cast %swap3A_912 : vector<16xi32> to vector<16xi32>
      %swap3A_914 = vector.shape_cast %get3A_910 : vector<16xi32> to vector<16xi32>
      tpu.vector_store %arg10[%swap3A_911], %swap3A_914 {strides = array<i32>} : memref<128xi32, #tpu.memory_space<vmem>>, vector<16xi32>,
      %add3A_915 = arith.constant 16 : i32
      %add3A_916 = arith.addi %add3A_891, %add3A_915 : i32
      %get3A_917 = arith.index_cast %add3A_916 : i32 to index
      %get3A_918 = tpu.vector_load %arg5[%get3A_917] {strides = array<i32>} : memref<1024xi32, #tpu.memory_space<vmem>>, vector<16xi32>,
      %get3A_919 = vector.shape_cast %get3A_918 : vector<16xi32> to vector<16xi32>
      %mul3A_920 = arith.constant 2 : i32
      %mul3A_921 = vector.broadcast %mul3A_920 : i32 to vector<16xi32>
      %mul3A_922 = arith.muli %get3A_919, %mul3A_921 : vector<16xi32>
      %add3A_923 = vector.broadcast %arg0 : i32 to vector<16xi32>
      %add3A_924 = arith.addi %mul3A_922, %add3A_923 : vector<16xi32>
      %swap3A_925 = arith.constant 16 : index
      %swap3A_926 = tpu.vector_load %arg9[%swap3A_925] {strides = array<i32>} : memref<128xi32, #tpu.memory_space<vmem>>, vector<16xi32>,
      %swap3A_927 = vector.shape_cast %swap3A_926 : vector<16xi32> to vector<16xi32>
      %swap3A_928 = vector.shape_cast %add3A_924 : vector<16xi32> to vector<16xi32>
      tpu.vector_store %arg9[%swap3A_925], %swap3A_928 {strides = array<i32>} : memref<128xi32, #tpu.memory_space<vmem>>, vector<16xi32>,
      %add3A_929 = arith.constant 16 : i32
      %add3A_930 = arith.addi %add3A_891, %add3A_929 : i32
      %get3A_931 = arith.index_cast %add3A_930 : i32 to index
      %get3A_932 = tpu.vector_load %arg6[%get3A_931] {strides = array<i32>} : memref<1024xi32, #tpu.memory_space<vmem>>, vector<16xi32>,
      %get3A_933 = vector.shape_cast %get3A_932 : vector<16xi32> to vector<16xi32>
      %swap3A_934 = arith.constant 16 : index
      %swap3A_935 = tpu.vector_load %arg10[%swap3A_934] {strides = array<i32>} : memref<128xi32, #tpu.memory_space<vmem>>, vector<16xi32>,
      %swap3A_936 = vector.shape_cast %swap3A_935 : vector<16xi32> to vector<16xi32>
      %swap3A_937 = vector.shape_cast %get3A_933 : vector<16xi32> to vector<16xi32>
      tpu.vector_store %arg10[%swap3A_934], %swap3A_937 {strides = array<i32>} : memref<128xi32, #tpu.memory_space<vmem>>, vector<16xi32>,
      %add3A_938 = arith.constant 32 : i32
      %add3A_939 = arith.addi %add3A_891, %add3A_938 : i32
      %get3A_940 = arith.index_cast %add3A_939 : i32 to index
      %get3A_941 = tpu.vector_load %arg5[%get3A_940] {strides = array<i32>} : memref<1024xi32, #tpu.memory_space<vmem>>, vector<16xi32>,
      %get3A_942 = vector.shape_cast %get3A_941 : vector<16xi32> to vector<16xi32>
      %mul3A_943 = arith.constant 2 : i32
      %mul3A_944 = vector.broadcast %mul3A_943 : i32 to vector<16xi32>
      %mul3A_945 = arith.muli %get3A_942, %mul3A_944 : vector<16xi32>
      %add3A_946 = vector.broadcast %arg0 : i32 to vector<16xi32>
      %add3A_947 = arith.addi %mul3A_945, %add3A_946 : vector<16xi32>
      %swap3A_948 = arith.constant 32 : index
      %swap3A_949 = tpu.vector_load %arg9[%swap3A_948] {strides = array<i32>} : memref<128xi32, #tpu.memory_space<vmem>>, vector<16xi32>,
      %swap3A_950 = vector.shape_cast %swap3A_949 : vector<16xi32> to vector<16xi32>
      %swap3A_951 = vector.shape_cast %add3A_947 : vector<16xi32> to vector<16xi32>
      tpu.vector_store %arg9[%swap3A_948], %swap3A_951 {strides = array<i32>} : memref<128xi32, #tpu.memory_space<vmem>>, vector<16xi32>,
      %add3A_952 = arith.constant 32 : i32
      %add3A_953 = arith.addi %add3A_891, %add3A_952 : i32
      %get3A_954 = arith.index_cast %add3A_953 : i32 to index
      %get3A_955 = tpu.vector_load %arg6[%get3A_954] {strides = array<i32>} : memref<1024xi32, #tpu.memory_space<vmem>>, vector<16xi32>,
      %get3A_956 = vector.shape_cast %get3A_955 : vector<16xi32> to vector<16xi32>
      %swap3A_957 = arith.constant 32 : index
      %swap3A_958 = tpu.vector_load %arg10[%swap3A_957] {strides = array<i32>} : memref<128xi32, #tpu.memory_space<vmem>>, vector<16xi32>,
      %swap3A_959 = vector.shape_cast %swap3A_958 : vector<16xi32> to vector<16xi32>
      %swap3A_960 = vector.shape_cast %get3A_956 : vector<16xi32> to vector<16xi32>
      tpu.vector_store %arg10[%swap3A_957], %swap3A_960 {strides = array<i32>} : memref<128xi32, #tpu.memory_space<vmem>>, vector<16xi32>,
      %add3A_961 = arith.constant 48 : i32
      %add3A_962 = arith.addi %add3A_891, %add3A_961 : i32
      %get3A_963 = arith.index_cast %add3A_962 : i32 to index
      %get3A_964 = tpu.vector_load %arg5[%get3A_963] {strides = array<i32>} : memref<1024xi32, #tpu.memory_space<vmem>>, vector<16xi32>,
      %get3A_965 = vector.shape_cast %get3A_964 : vector<16xi32> to vector<16xi32>
      %mul3A_966 = arith.constant 2 : i32
      %mul3A_967 = vector.broadcast %mul3A_966 : i32 to vector<16xi32>
      %mul3A_968 = arith.muli %get3A_965, %mul3A_967 : vector<16xi32>
      %add3A_969 = vector.broadcast %arg0 : i32 to vector<16xi32>
      %add3A_970 = arith.addi %mul3A_968, %add3A_969 : vector<16xi32>
      %swap3A_971 = arith.constant 48 : index
      %swap3A_972 = tpu.vector_load %arg9[%swap3A_971] {strides = array<i32>} : memref<128xi32, #tpu.memory_space<vmem>>, vector<16xi32>,
      %swap3A_973 = vector.shape_cast %swap3A_972 : vector<16xi32> to vector<16xi32>
      %swap3A_974 = vector.shape_cast %add3A_970 : vector<16xi32> to vector<16xi32>
      tpu.vector_store %arg9[%swap3A_971], %swap3A_974 {strides = array<i32>} : memref<128xi32, #tpu.memory_space<vmem>>, vector<16xi32>,
      %add3A_975 = arith.constant 48 : i32
      %add3A_976 = arith.addi %add3A_891, %add3A_975 : i32
      %get3A_977 = arith.index_cast %add3A_976 : i32 to index
      %get3A_978 = tpu.vector_load %arg6[%get3A_977] {strides = array<i32>} : memref<1024xi32, #tpu.memory_space<vmem>>, vector<16xi32>,
      %get3A_979 = vector.shape_cast %get3A_978 : vector<16xi32> to vector<16xi32>
      %swap3A_980 = arith.constant 48 : index
      %swap3A_981 = tpu.vector_load %arg10[%swap3A_980] {strides = array<i32>} : memref<128xi32, #tpu.memory_space<vmem>>, vector<16xi32>,
      %swap3A_982 = vector.shape_cast %swap3A_981 : vector<16xi32> to vector<16xi32>
      %swap3A_983 = vector.shape_cast %get3A_979 : vector<16xi32> to vector<16xi32>
      tpu.vector_store %arg10[%swap3A_980], %swap3A_983 {strides = array<i32>} : memref<128xi32, #tpu.memory_space<vmem>>, vector<16xi32>,
      %add3A_984 = arith.constant 64 : i32
      %add3A_985 = arith.addi %add3A_891, %add3A_984 : i32
      %get3A_986 = arith.index_cast %add3A_985 : i32 to index
      %get3A_987 = tpu.vector_load %arg5[%get3A_986] {strides = array<i32>} : memref<1024xi32, #tpu.memory_space<vmem>>, vector<16xi32>,
      %get3A_988 = vector.shape_cast %get3A_987 : vector<16xi32> to vector<16xi32>
      %mul3A_989 = arith.constant 2 : i32
      %mul3A_990 = vector.broadcast %mul3A_989 : i32 to vector<16xi32>
      %mul3A_991 = arith.muli %get3A_988, %mul3A_990 : vector<16xi32>
      %add3A_992 = vector.broadcast %arg0 : i32 to vector<16xi32>
      %add3A_993 = arith.addi %mul3A_991, %add3A_992 : vector<16xi32>
      %swap3A_994 = arith.constant 64 : index
      %swap3A_995 = tpu.vector_load %arg9[%swap3A_994] {strides = array<i32>} : memref<128xi32, #tpu.memory_space<vmem>>, vector<16xi32>,
      %swap3A_996 = vector.shape_cast %swap3A_995 : vector<16xi32> to vector<16xi32>
      %swap3A_997 = vector.shape_cast %add3A_993 : vector<16xi32> to vector<16xi32>
      tpu.vector_store %arg9[%swap3A_994], %swap3A_997 {strides = array<i32>} : memref<128xi32, #tpu.memory_space<vmem>>, vector<16xi32>,
      %add3A_998 = arith.constant 64 : i32
      %add3A_999 = arith.addi %add3A_891, %add3A_998 : i32
      %get3A_1000 = arith.index_cast %add3A_999 : i32 to index
      %get3A_1001 = tpu.vector_load %arg6[%get3A_1000] {strides = array<i32>} : memref<1024xi32, #tpu.memory_space<vmem>>, vector<16xi32>,
      %get3A_1002 = vector.shape_cast %get3A_1001 : vector<16xi32> to vector<16xi32>
      %swap3A_1003 = arith.constant 64 : index
      %swap3A_1004 = tpu.vector_load %arg10[%swap3A_1003] {strides = array<i32>} : memref<128xi32, #tpu.memory_space<vmem>>, vector<16xi32>,
      %swap3A_1005 = vector.shape_cast %swap3A_1004 : vector<16xi32> to vector<16xi32>
      %swap3A_1006 = vector.shape_cast %get3A_1002 : vector<16xi32> to vector<16xi32>
      tpu.vector_store %arg10[%swap3A_1003], %swap3A_1006 {strides = array<i32>} : memref<128xi32, #tpu.memory_space<vmem>>, vector<16xi32>,
      %add3A_1007 = arith.constant 80 : i32
      %add3A_1008 = arith.addi %add3A_891, %add3A_1007 : i32
      %get3A_1009 = arith.index_cast %add3A_1008 : i32 to index
      %get3A_1010 = tpu.vector_load %arg5[%get3A_1009] {strides = array<i32>} : memref<1024xi32, #tpu.memory_space<vmem>>, vector<16xi32>,
      %get3A_1011 = vector.shape_cast %get3A_1010 : vector<16xi32> to vector<16xi32>
      %mul3A_1012 = arith.constant 2 : i32
      %mul3A_1013 = vector.broadcast %mul3A_1012 : i32 to vector<16xi32>
      %mul3A_1014 = arith.muli %get3A_1011, %mul3A_1013 : vector<16xi32>
      %add3A_1015 = vector.broadcast %arg0 : i32 to vector<16xi32>
      %add3A_1016 = arith.addi %mul3A_1014, %add3A_1015 : vector<16xi32>
      %swap3A_1017 = arith.constant 80 : index
      %swap3A_1018 = tpu.vector_load %arg9[%swap3A_1017] {strides = array<i32>} : memref<128xi32, #tpu.memory_space<vmem>>, vector<16xi32>,
      %swap3A_1019 = vector.shape_cast %swap3A_1018 : vector<16xi32> to vector<16xi32>
      %swap3A_1020 = vector.shape_cast %add3A_1016 : vector<16xi32> to vector<16xi32>
      tpu.vector_store %arg9[%swap3A_1017], %swap3A_1020 {strides = array<i32>} : memref<128xi32, #tpu.memory_space<vmem>>, vector<16xi32>,
      %add3A_1021 = arith.constant 80 : i32
      %add3A_1022 = arith.addi %add3A_891, %add3A_1021 : i32
      %get3A_1023 = arith.index_cast %add3A_1022 : i32 to index
      %get3A_1024 = tpu.vector_load %arg6[%get3A_1023] {strides = array<i32>} : memref<1024xi32, #tpu.memory_space<vmem>>, vector<16xi32>,
      %get3A_1025 = vector.shape_cast %get3A_1024 : vector<16xi32> to vector<16xi32>
      %swap3A_1026 = arith.constant 80 : index
      %swap3A_1027 = tpu.vector_load %arg10[%swap3A_1026] {strides = array<i32>} : memref<128xi32, #tpu.memory_space<vmem>>, vector<16xi32>,
      %swap3A_1028 = vector.shape_cast %swap3A_1027 : vector<16xi32> to vector<16xi32>
      %swap3A_1029 = vector.shape_cast %get3A_1025 : vector<16xi32> to vector<16xi32>
      tpu.vector_store %arg10[%swap3A_1026], %swap3A_1029 {strides = array<i32>} : memref<128xi32, #tpu.memory_space<vmem>>, vector<16xi32>,
      %add3A_1030 = arith.constant 96 : i32
      %add3A_1031 = arith.addi %add3A_891, %add3A_1030 : i32
      %get3A_1032 = arith.index_cast %add3A_1031 : i32 to index
      %get3A_1033 = tpu.vector_load %arg5[%get3A_1032] {strides = array<i32>} : memref<1024xi32, #tpu.memory_space<vmem>>, vector<16xi32>,
      %get3A_1034 = vector.shape_cast %get3A_1033 : vector<16xi32> to vector<16xi32>
      %mul3A_1035 = arith.constant 2 : i32
      %mul3A_1036 = vector.broadcast %mul3A_1035 : i32 to vector<16xi32>
      %mul3A_1037 = arith.muli %get3A_1034, %mul3A_1036 : vector<16xi32>
      %add3A_1038 = vector.broadcast %arg0 : i32 to vector<16xi32>
      %add3A_1039 = arith.addi %mul3A_1037, %add3A_1038 : vector<16xi32>
      %swap3A_1040 = arith.constant 96 : index
      %swap3A_1041 = tpu.vector_load %arg9[%swap3A_1040] {strides = array<i32>} : memref<128xi32, #tpu.memory_space<vmem>>, vector<16xi32>,
      %swap3A_1042 = vector.shape_cast %swap3A_1041 : vector<16xi32> to vector<16xi32>
      %swap3A_1043 = vector.shape_cast %add3A_1039 : vector<16xi32> to vector<16xi32>
      tpu.vector_store %arg9[%swap3A_1040], %swap3A_1043 {strides = array<i32>} : memref<128xi32, #tpu.memory_space<vmem>>, vector<16xi32>,
      %add3A_1044 = arith.constant 96 : i32
      %add3A_1045 = arith.addi %add3A_891, %add3A_1044 : i32
      %get3A_1046 = arith.index_cast %add3A_1045 : i32 to index
      %get3A_1047 = tpu.vector_load %arg6[%get3A_1046] {strides = array<i32>} : memref<1024xi32, #tpu.memory_space<vmem>>, vector<16xi32>,
      %get3A_1048 = vector.shape_cast %get3A_1047 : vector<16xi32> to vector<16xi32>
      %swap3A_1049 = arith.constant 96 : index
      %swap3A_1050 = tpu.vector_load %arg10[%swap3A_1049] {strides = array<i32>} : memref<128xi32, #tpu.memory_space<vmem>>, vector<16xi32>,
      %swap3A_1051 = vector.shape_cast %swap3A_1050 : vector<16xi32> to vector<16xi32>
      %swap3A_1052 = vector.shape_cast %get3A_1048 : vector<16xi32> to vector<16xi32>
      tpu.vector_store %arg10[%swap3A_1049], %swap3A_1052 {strides = array<i32>} : memref<128xi32, #tpu.memory_space<vmem>>, vector<16xi32>,
      %add3A_1053 = arith.constant 112 : i32
      %add3A_1054 = arith.addi %add3A_891, %add3A_1053 : i32
      %get3A_1055 = arith.index_cast %add3A_1054 : i32 to index
      %get3A_1056 = tpu.vector_load %arg5[%get3A_1055] {strides = array<i32>} : memref<1024xi32, #tpu.memory_space<vmem>>, vector<16xi32>,
      %get3A_1057 = vector.shape_cast %get3A_1056 : vector<16xi32> to vector<16xi32>
      %mul3A_1058 = arith.constant 2 : i32
      %mul3A_1059 = vector.broadcast %mul3A_1058 : i32 to vector<16xi32>
      %mul3A_1060 = arith.muli %get3A_1057, %mul3A_1059 : vector<16xi32>
      %add3A_1061 = vector.broadcast %arg0 : i32 to vector<16xi32>
      %add3A_1062 = arith.addi %mul3A_1060, %add3A_1061 : vector<16xi32>
      %swap3A_1063 = arith.constant 112 : index
      %swap3A_1064 = tpu.vector_load %arg9[%swap3A_1063] {strides = array<i32>} : memref<128xi32, #tpu.memory_space<vmem>>, vector<16xi32>,
      %swap3A_1065 = vector.shape_cast %swap3A_1064 : vector<16xi32> to vector<16xi32>
      %swap3A_1066 = vector.shape_cast %add3A_1062 : vector<16xi32> to vector<16xi32>
      tpu.vector_store %arg9[%swap3A_1063], %swap3A_1066 {strides = array<i32>} : memref<128xi32, #tpu.memory_space<vmem>>, vector<16xi32>,
      %add3A_1067 = arith.constant 112 : i32
      %add3A_1068 = arith.addi %add3A_891, %add3A_1067 : i32
      %get3A_1069 = arith.index_cast %add3A_1068 : i32 to index
      %get3A_1070 = tpu.vector_load %arg6[%get3A_1069] {strides = array<i32>} : memref<1024xi32, #tpu.memory_space<vmem>>, vector<16xi32>,
      %get3A_1071 = vector.shape_cast %get3A_1070 : vector<16xi32> to vector<16xi32>
      %swap3A_1072 = arith.constant 112 : index
      %swap3A_1073 = tpu.vector_load %arg10[%swap3A_1072] {strides = array<i32>} : memref<128xi32, #tpu.memory_space<vmem>>, vector<16xi32>,
      %swap3A_1074 = vector.shape_cast %swap3A_1073 : vector<16xi32> to vector<16xi32>
      %swap3A_1075 = vector.shape_cast %get3A_1071 : vector<16xi32> to vector<16xi32>
      tpu.vector_store %arg10[%swap3A_1072], %swap3A_1075 {strides = array<i32>} : memref<128xi32, #tpu.memory_space<vmem>>, vector<16xi32>,
      %dma_start3A_1076 = arith.constant 0 : i32
      %dma_start3A_1077 = arith.constant 0 : i32
      %dma_start3A_1078 = tpu.memref_slice %arg2[%dma_start3A_1076, %dma_start3A_1077] : memref<20000x128xf32, #tpu.memory_space<hbm>> -> memref<20000x128xf32, #tpu.memory_space<hbm>>
      tpu.enqueue_indirect_dma source(%dma_start3A_1078 : memref<20000x128xf32, #tpu.memory_space<hbm>>) target(%arg12 : memref<128x128xf32, #tpu.memory_space<vmem>>) offsets(%arg9 : memref<128xi32, #tpu.memory_space<vmem>>) semaphore(%arg16 : memref<!tpu.dma_semaphore, #tpu.memory_space<semaphore_mem>>)
    }
    %scan3A_513 = arith.constant 38 : i32
    %dma_wait3A = arith.constant 0 : i32
    %dma_wait3A_514 = arith.constant 0 : i32
    %dma_wait3A_515 = tpu.memref_slice %arg2[%dma_wait3A, %dma_wait3A_514] : memref<20000x128xf32, #tpu.memory_space<hbm>> -> memref<20000x128xf32, #tpu.memory_space<hbm>>
    tpu.wait_indirect_dma semaphore(%arg15 : memref<!tpu.dma_semaphore, #tpu.memory_space<semaphore_mem>>) src(%dma_wait3A_515 : memref<20000x128xf32, #tpu.memory_space<hbm>>) dst(%arg11 : memref<128x128xf32, #tpu.memory_space<vmem>>)
    "tpu.region"() ({
      %run_scoped3A = tpu.sem_alloc : memref<!tpu.dma_semaphore, #tpu.memory_space<semaphore_mem>>
      %dma_start3A_562 = arith.constant 0 : i32
      %dma_start3A_563 = arith.constant 0 : i32
      %dma_start3A_564 = tpu.memref_slice %arg14[%dma_start3A_562, %dma_start3A_563] : memref<10000x128xf32, #tpu.memory_space<vmem_shared>> -> memref<10000x128xf32, #tpu.memory_space<vmem_shared>>
      tpu.enqueue_indirect_dma source(%arg11 : memref<128x128xf32, #tpu.memory_space<vmem>>) target(%dma_start3A_564 : memref<10000x128xf32, #tpu.memory_space<vmem_shared>>) offsets(%arg8 : memref<128xi32, #tpu.memory_space<vmem>>) semaphore(%run_scoped3A : memref<!tpu.dma_semaphore, #tpu.memory_space<semaphore_mem>>) {add = true}
      %dma_wait3A_565 = arith.constant 0 : i32
      %dma_wait3A_566 = arith.constant 0 : i32
      %dma_wait3A_567 = tpu.memref_slice %arg14[%dma_wait3A_565, %dma_wait3A_566] : memref<10000x128xf32, #tpu.memory_space<vmem_shared>> -> memref<10000x128xf32, #tpu.memory_space<vmem_shared>>
      tpu.wait_indirect_dma semaphore(%run_scoped3A : memref<!tpu.dma_semaphore, #tpu.memory_space<semaphore_mem>>) src(%arg11 : memref<128x128xf32, #tpu.memory_space<vmem>>) dst(%dma_wait3A_567 : memref<10000x128xf32, #tpu.memory_space<vmem_shared>>)
      tpu.yield
    }) : () -> ()
    %dma_wait3A_516 = arith.constant 0 : i32
    %dma_wait3A_517 = arith.constant 0 : i32
    %dma_wait3A_518 = tpu.memref_slice %arg2[%dma_wait3A_516, %dma_wait3A_517] : memref<20000x128xf32, #tpu.memory_space<hbm>> -> memref<20000x128xf32, #tpu.memory_space<hbm>>
    tpu.wait_indirect_dma semaphore(%arg16 : memref<!tpu.dma_semaphore, #tpu.memory_space<semaphore_mem>>) src(%dma_wait3A_518 : memref<20000x128xf32, #tpu.memory_space<hbm>>) dst(%arg12 : memref<128x128xf32, #tpu.memory_space<vmem>>)
    "tpu.region"() ({
      %run_scoped3A = tpu.sem_alloc : memref<!tpu.dma_semaphore, #tpu.memory_space<semaphore_mem>>
      %dma_start3A_562 = arith.constant 0 : i32
      %dma_start3A_563 = arith.constant 0 : i32
      %dma_start3A_564 = tpu.memref_slice %arg14[%dma_start3A_562, %dma_start3A_563] : memref<10000x128xf32, #tpu.memory_space<vmem_shared>> -> memref<10000x128xf32, #tpu.memory_space<vmem_shared>>
      tpu.enqueue_indirect_dma source(%arg12 : memref<128x128xf32, #tpu.memory_space<vmem>>) target(%dma_start3A_564 : memref<10000x128xf32, #tpu.memory_space<vmem_shared>>) offsets(%arg10 : memref<128xi32, #tpu.memory_space<vmem>>) semaphore(%run_scoped3A : memref<!tpu.dma_semaphore, #tpu.memory_space<semaphore_mem>>) {add = true}
      %dma_wait3A_565 = arith.constant 0 : i32
      %dma_wait3A_566 = arith.constant 0 : i32
      %dma_wait3A_567 = tpu.memref_slice %arg14[%dma_wait3A_565, %dma_wait3A_566] : memref<10000x128xf32, #tpu.memory_space<vmem_shared>> -> memref<10000x128xf32, #tpu.memory_space<vmem_shared>>
      tpu.wait_indirect_dma semaphore(%run_scoped3A : memref<!tpu.dma_semaphore, #tpu.memory_space<semaphore_mem>>) src(%arg12 : memref<128x128xf32, #tpu.memory_space<vmem>>) dst(%dma_wait3A_567 : memref<10000x128xf32, #tpu.memory_space<vmem_shared>>)
      tpu.yield
    }) : () -> ()
    %add3A_519 = arith.constant 9216 : i32
    %add3A_520 = arith.addi %mul3A_9, %add3A_519 : i32
    %sub3A_521 = arith.constant 158976 : i32
    %sub3A_522 = arith.subi %add3A_520, %sub3A_521 : i32
    %max3A_523 = arith.constant 0 : i32
    %max3A_524 = arith.maxsi %sub3A_522, %max3A_523 : i32
    %add3A_525 = arith.constant 768 : i32
    %add3A_526 = arith.addi %max3A_524, %add3A_525 : i32
    %add3A_527 = arith.constant 0 : i32
    %add3A_528 = arith.addi %add3A_526, %add3A_527 : i32
    %get3A_529 = arith.index_cast %add3A_528 : i32 to index
    %get3A_530 = tpu.vector_load %arg5[%get3A_529] {strides = array<i32>} : memref<1024xi32, #tpu.memory_space<vmem>>, vector<16xi32>,
    %get3A_531 = vector.shape_cast %get3A_530 : vector<16xi32> to vector<16xi32>
    %mul3A_532 = arith.constant 2 : i32
    %mul3A_533 = vector.broadcast %mul3A_532 : i32 to vector<16xi32>
    %mul3A_534 = arith.muli %get3A_531, %mul3A_533 : vector<16xi32>
    %add3A_535 = vector.broadcast %arg0 : i32 to vector<16xi32>
    %add3A_536 = arith.addi %mul3A_534, %add3A_535 : vector<16xi32>
    %swap3A_537 = arith.constant 0 : index
    %swap3A_538 = tpu.vector_load %arg18[%swap3A_537] {strides = array<i32>} : memref<16xi32, #tpu.memory_space<vmem>>, vector<16xi32>,
    %swap3A_539 = vector.shape_cast %swap3A_538 : vector<16xi32> to vector<16xi32>
    %swap3A_540 = vector.shape_cast %add3A_536 : vector<16xi32> to vector<16xi32>
    tpu.vector_store %arg18[%swap3A_537], %swap3A_540 {strides = array<i32>} : memref<16xi32, #tpu.memory_space<vmem>>, vector<16xi32>,
    %add3A_541 = arith.constant 0 : i32
    %add3A_542 = arith.addi %add3A_526, %add3A_541 : i32
    %get3A_543 = arith.index_cast %add3A_542 : i32 to index
    %get3A_544 = tpu.vector_load %arg6[%get3A_543] {strides = array<i32>} : memref<1024xi32, #tpu.memory_space<vmem>>, vector<16xi32>,
    %get3A_545 = vector.shape_cast %get3A_544 : vector<16xi32> to vector<16xi32>
    %swap3A_546 = arith.constant 0 : index
    %swap3A_547 = tpu.vector_load %arg19[%swap3A_546] {strides = array<i32>} : memref<16xi32, #tpu.memory_space<vmem>>, vector<16xi32>,
    %swap3A_548 = vector.shape_cast %swap3A_547 : vector<16xi32> to vector<16xi32>
    %swap3A_549 = vector.shape_cast %get3A_545 : vector<16xi32> to vector<16xi32>
    tpu.vector_store %arg19[%swap3A_546], %swap3A_549 {strides = array<i32>} : memref<16xi32, #tpu.memory_space<vmem>>, vector<16xi32>,
    %dma_start3A_550 = arith.constant 0 : i32
    %dma_start3A_551 = arith.constant 0 : i32
    %dma_start3A_552 = tpu.memref_slice %arg2[%dma_start3A_550, %dma_start3A_551] : memref<20000x128xf32, #tpu.memory_space<hbm>> -> memref<20000x128xf32, #tpu.memory_space<hbm>>
    tpu.enqueue_indirect_dma source(%dma_start3A_552 : memref<20000x128xf32, #tpu.memory_space<hbm>>) target(%arg20 : memref<16x128xf32, #tpu.memory_space<vmem>>) offsets(%arg18 : memref<16xi32, #tpu.memory_space<vmem>>) semaphore(%arg15 : memref<!tpu.dma_semaphore, #tpu.memory_space<semaphore_mem>>)
    %dma_wait3A_553 = arith.constant 0 : i32
    %dma_wait3A_554 = arith.constant 0 : i32
    %dma_wait3A_555 = tpu.memref_slice %arg2[%dma_wait3A_553, %dma_wait3A_554] : memref<20000x128xf32, #tpu.memory_space<hbm>> -> memref<20000x128xf32, #tpu.memory_space<hbm>>
    tpu.wait_indirect_dma semaphore(%arg15 : memref<!tpu.dma_semaphore, #tpu.memory_space<semaphore_mem>>) src(%dma_wait3A_555 : memref<20000x128xf32, #tpu.memory_space<hbm>>) dst(%arg20 : memref<16x128xf32, #tpu.memory_space<vmem>>)
    "tpu.region"() ({
      %run_scoped3A = tpu.sem_alloc : memref<!tpu.dma_semaphore, #tpu.memory_space<semaphore_mem>>
      %dma_start3A_562 = arith.constant 0 : i32
      %dma_start3A_563 = arith.constant 0 : i32
      %dma_start3A_564 = tpu.memref_slice %arg14[%dma_start3A_562, %dma_start3A_563] : memref<10000x128xf32, #tpu.memory_space<vmem_shared>> -> memref<10000x128xf32, #tpu.memory_space<vmem_shared>>
      tpu.enqueue_indirect_dma source(%arg20 : memref<16x128xf32, #tpu.memory_space<vmem>>) target(%dma_start3A_564 : memref<10000x128xf32, #tpu.memory_space<vmem_shared>>) offsets(%arg19 : memref<16xi32, #tpu.memory_space<vmem>>) semaphore(%run_scoped3A : memref<!tpu.dma_semaphore, #tpu.memory_space<semaphore_mem>>) {add = true}
      %dma_wait3A_565 = arith.constant 0 : i32
      %dma_wait3A_566 = arith.constant 0 : i32
      %dma_wait3A_567 = tpu.memref_slice %arg14[%dma_wait3A_565, %dma_wait3A_566] : memref<10000x128xf32, #tpu.memory_space<vmem_shared>> -> memref<10000x128xf32, #tpu.memory_space<vmem_shared>>
      tpu.wait_indirect_dma semaphore(%run_scoped3A : memref<!tpu.dma_semaphore, #tpu.memory_space<semaphore_mem>>) src(%arg20 : memref<16x128xf32, #tpu.memory_space<vmem>>) dst(%dma_wait3A_567 : memref<10000x128xf32, #tpu.memory_space<vmem_shared>>)
      tpu.yield
    }) : () -> ()
    %barrier3A_556 = arith.constant 0 : index
    tpu.barrier barrier_id(%barrier3A_556)
    %lt3A_557 = arith.constant 10 : i32
    %lt3A_558 = arith.cmpi slt, %arg1, %lt3A_557 : i32
    %convert_element_type3A_559 = arith.extui %lt3A_558 : i1 to i32
    %cond3A_560 = arith.constant 0 : i32
    %cond3A_561 = arith.cmpi ne, %convert_element_type3A_559, %cond3A_560 : i32
    scf.if %cond3A_561 {
      "tpu.region"() ({
        %run_scoped3A = tpu.sem_alloc : memref<!tpu.dma_semaphore, #tpu.memory_space<semaphore_mem>>
        %dma_start3A_562 = arith.constant 0 : i32
        %dma_start3A_563 = tpu.memref_slice %arg4[%arg0, %mul3A_5, %dma_start3A_562] : memref<2x10000x128xf32, #tpu.memory_space<hbm>> -> memref<1x1000x128xf32, #tpu.memory_space<hbm>>
        %dma_start3A_564 = tpu.memref_squeeze %dma_start3A_563 : memref<1x1000x128xf32, #tpu.memory_space<hbm>> -> memref<1000x128xf32, #tpu.memory_space<hbm>>
        %dma_start3A_565 = arith.constant 0 : i32
        %dma_start3A_566 = tpu.memref_slice %arg14[%mul3A_5, %dma_start3A_565] : memref<10000x128xf32, #tpu.memory_space<vmem_shared>> -> memref<1000x128xf32, #tpu.memory_space<vmem_shared>>
        tpu.enqueue_dma source(%dma_start3A_566 : memref<1000x128xf32, #tpu.memory_space<vmem_shared>>) target(%dma_start3A_564 : memref<1000x128xf32, #tpu.memory_space<hbm>>) target_semaphore(%run_scoped3A : memref<!tpu.dma_semaphore, #tpu.memory_space<semaphore_mem>>)
        %dma_wait3A_567 = arith.constant 0 : i32
        %dma_wait3A_568 = tpu.memref_slice %arg4[%arg0, %mul3A_5, %dma_wait3A_567] : memref<2x10000x128xf32, #tpu.memory_space<hbm>> -> memref<1x1000x128xf32, #tpu.memory_space<hbm>>
        %dma_wait3A_569 = tpu.memref_squeeze %dma_wait3A_568 : memref<1x1000x128xf32, #tpu.memory_space<hbm>> -> memref<1000x128xf32, #tpu.memory_space<hbm>>
        %dma_wait3A_570 = arith.constant 0 : i32
        %dma_wait3A_571 = tpu.memref_slice %arg14[%mul3A_5, %dma_wait3A_570] : memref<10000x128xf32, #tpu.memory_space<vmem_shared>> -> memref<1000x128xf32, #tpu.memory_space<vmem_shared>>
        tpu.wait_dma2 semaphore(%run_scoped3A : memref<!tpu.dma_semaphore, #tpu.memory_space<semaphore_mem>>) src(%dma_wait3A_571 : memref<1000x128xf32, #tpu.memory_space<vmem_shared>>) dst(%dma_wait3A_569 : memref<1000x128xf32, #tpu.memory_space<hbm>>)
        tpu.yield
      }) : () -> ()
    } else {
    }
    return
  }
}

module attributes {stable_mosaic.version = 14 : i64} {
  func.func @body(%arg0: i32, %arg1: memref<2000x128xf32, #tpu.memory_space<vmem>>, %arg2: memref<2x1000x128xf32, #tpu.memory_space<vmem>>, %arg3: memref<256x256xf32, #tpu.memory_space<vmem>>, %arg4: memref<1x256xf32, #tpu.memory_space<vmem>>, %arg5: memref<256x256xf32, #tpu.memory_space<vmem>>, %arg6: memref<1x256xf32, #tpu.memory_space<vmem>>, %arg7: memref<1000x256xf32, #tpu.memory_space<vmem>>) attributes {dimension_semantics = [#tpu.dimension_semantics<arbitrary>], iteration_bounds = array<i64: 10>, scalar_prefetch = 0 : i64, scratch_operands = 0 : i64, tpu.core_type = #tpu.core_type<tc>, window_params = [{transform_indices = @transform_0, window_bounds = array<i64: 2000, 128>}, {transform_indices = @transform_1, window_bounds = array<i64: 2, 1000, 128>}, {pipeline_mode = #tpu.pipeline_mode<synchronous>, transform_indices = @transform_2, window_bounds = array<i64: 256, 256>}, {pipeline_mode = #tpu.pipeline_mode<synchronous>, transform_indices = @transform_3, window_bounds = array<i64: 1, 256>}, {pipeline_mode = #tpu.pipeline_mode<synchronous>, transform_indices = @transform_4, window_bounds = array<i64: 256, 256>}, {pipeline_mode = #tpu.pipeline_mode<synchronous>, transform_indices = @transform_5, window_bounds = array<i64: 1, 256>}, {transform_indices = @transform_6, window_bounds = array<i64: 1000, 256>}]} {
    %get3A = arith.constant 0 : index
    %get3A_0 = arith.constant 0 : index
    %get3A_1 = vector.load %arg1[%get3A, %get3A_0] : memref<2000x128xf32, #tpu.memory_space<vmem>>, vector<2000x128xf32>
    %reshape3A = vector.shape_cast %get3A_1 : vector<2000x128xf32> to vector<1000x2x128xf32>
    %slice3A = vector.extract_strided_slice %reshape3A {offsets = [0, 0, 0], sizes = [1000, 1, 128], strides = [1, 1, 1]} : vector<1000x2x128xf32> to vector<1000x1x128xf32>
    %squeeze3A = vector.shape_cast %slice3A : vector<1000x1x128xf32> to vector<1000x128xf32>
    %get3A_2 = arith.constant 0 : index
    %get3A_3 = arith.constant 0 : index
    %get3A_4 = arith.constant 0 : index
    %get3A_5 = vector.load %arg2[%get3A_2, %get3A_3, %get3A_4] : memref<2x1000x128xf32, #tpu.memory_space<vmem>>, vector<1x1000x128xf32>
    %get3A_6 = vector.shape_cast %get3A_5 : vector<1x1000x128xf32> to vector<1000x128xf32>
    %add3A = arith.addf %squeeze3A, %get3A_6 : vector<1000x128xf32>
    %slice3A_7 = vector.extract_strided_slice %reshape3A {offsets = [0, 1, 0], sizes = [1000, 1, 128], strides = [1, 1, 1]} : vector<1000x2x128xf32> to vector<1000x1x128xf32>
    %squeeze3A_8 = vector.shape_cast %slice3A_7 : vector<1000x1x128xf32> to vector<1000x128xf32>
    %get3A_9 = arith.constant 1 : index
    %get3A_10 = arith.constant 0 : index
    %get3A_11 = arith.constant 0 : index
    %get3A_12 = vector.load %arg2[%get3A_9, %get3A_10, %get3A_11] : memref<2x1000x128xf32, #tpu.memory_space<vmem>>, vector<1x1000x128xf32>
    %get3A_13 = vector.shape_cast %get3A_12 : vector<1x1000x128xf32> to vector<1000x128xf32>
    %add3A_14 = arith.addf %squeeze3A_8, %get3A_13 : vector<1000x128xf32>
    %concatenate3A = tpu.concatenate %add3A, %add3A_14 in 1 : vector<1000x128xf32>, vector<1000x128xf32> -> vector<1000x256xf32>
    %get3A_15 = arith.constant 0 : index
    %get3A_16 = arith.constant 0 : index
    %get3A_17 = vector.load %arg3[%get3A_15, %get3A_16] : memref<256x256xf32, #tpu.memory_space<vmem>>, vector<256x256xf32>
    %dot_general3A = arith.constant dense<0.000000e+00> : vector<1000x256xf32>
    %dot_general3A_18 = tpu.matmul %concatenate3A, %get3A_17, %dot_general3A {dimension_numbers = #tpu.dot_dimension_numbers<[1], [0], [0], [1], [0, 0, 1, 1], [], []>, transpose_lhs_hint = false} : vector<1000x256xf32>, vector<256x256xf32>, vector<1000x256xf32> -> vector<1000x256xf32>
    %get3A_19 = arith.constant 0 : index
    %get3A_20 = arith.constant 0 : index
    %get3A_21 = vector.load %arg4[%get3A_19, %get3A_20] : memref<1x256xf32, #tpu.memory_space<vmem>>, vector<1x256xf32>
    %add3A_22 = vector.broadcast %get3A_21 : vector<1x256xf32> to vector<1000x256xf32>
    %add3A_23 = arith.addf %dot_general3A_18, %add3A_22 : vector<1000x256xf32>
    %max3A = arith.constant 0.000000e+00 : f32
    %max3A_24 = vector.broadcast %max3A : f32 to vector<1000x256xf32>
    %max3A_25 = arith.maximumf %add3A_23, %max3A_24 : vector<1000x256xf32>
    %get3A_26 = arith.constant 0 : index
    %get3A_27 = arith.constant 0 : index
    %get3A_28 = vector.load %arg5[%get3A_26, %get3A_27] : memref<256x256xf32, #tpu.memory_space<vmem>>, vector<256x256xf32>
    %dot_general3A_29 = arith.constant dense<0.000000e+00> : vector<1000x256xf32>
    %dot_general3A_30 = tpu.matmul %max3A_25, %get3A_28, %dot_general3A_29 {dimension_numbers = #tpu.dot_dimension_numbers<[1], [0], [0], [1], [0, 0, 1, 1], [], []>, transpose_lhs_hint = false} : vector<1000x256xf32>, vector<256x256xf32>, vector<1000x256xf32> -> vector<1000x256xf32>
    %get3A_31 = arith.constant 0 : index
    %get3A_32 = arith.constant 0 : index
    %get3A_33 = vector.load %arg6[%get3A_31, %get3A_32] : memref<1x256xf32, #tpu.memory_space<vmem>>, vector<1x256xf32>
    %add3A_34 = vector.broadcast %get3A_33 : vector<1x256xf32> to vector<1000x256xf32>
    %add3A_35 = arith.addf %dot_general3A_30, %add3A_34 : vector<1000x256xf32>
    %swap3A = arith.constant 0 : index
    %swap3A_36 = arith.constant 0 : index
    %swap3A_37 = vector.load %arg7[%swap3A, %swap3A_36] : memref<1000x256xf32, #tpu.memory_space<vmem>>, vector<1000x256xf32>
    tpu.vector_store %arg7[%swap3A, %swap3A_36], %add3A_35 {strides = array<i32>} : memref<1000x256xf32, #tpu.memory_space<vmem>>, vector<1000x256xf32>,
    return
  }
  func.func @transform_0(%arg0: i32) -> (i32, i32) {
    %c0_i32 = arith.constant 0 : i32
    %c0_i32_0 = arith.constant 0 : i32
    return %arg0, %c0_i32 : i32, i32
  }
  func.func @transform_1(%arg0: i32) -> (i32, i32, i32) {
    %c0_i32 = arith.constant 0 : i32
    %c0_i32_0 = arith.constant 0 : i32
    %c0_i32_1 = arith.constant 0 : i32
    return %c0_i32, %arg0, %c0_i32_0 : i32, i32, i32
  }
  func.func @transform_2(%arg0: i32) -> (i32, i32) {
    %c0_i32 = arith.constant 0 : i32
    %c0_i32_0 = arith.constant 0 : i32
    %c0_i32_1 = arith.constant 0 : i32
    return %c0_i32, %c0_i32_0 : i32, i32
  }
  func.func @transform_3(%arg0: i32) -> (i32, i32) {
    %c0_i32 = arith.constant 0 : i32
    %c0_i32_0 = arith.constant 0 : i32
    %c0_i32_1 = arith.constant 0 : i32
    return %c0_i32, %c0_i32_0 : i32, i32
  }
  func.func @transform_4(%arg0: i32) -> (i32, i32) {
    %c0_i32 = arith.constant 0 : i32
    %c0_i32_0 = arith.constant 0 : i32
    %c0_i32_1 = arith.constant 0 : i32
    return %c0_i32, %c0_i32_0 : i32, i32
  }
  func.func @transform_5(%arg0: i32) -> (i32, i32) {
    %c0_i32 = arith.constant 0 : i32
    %c0_i32_0 = arith.constant 0 : i32
    %c0_i32_1 = arith.constant 0 : i32
    return %c0_i32, %c0_i32_0 : i32, i32
  }
  func.func @transform_6(%arg0: i32) -> (i32, i32) {
    %c0_i32 = arith.constant 0 : i32
    %c0_i32_0 = arith.constant 0 : i32
    return %arg0, %c0_i32 : i32, i32
  }
}

module attributes {stable_mosaic.version = 14 : i64} {
  func.func @body(%arg0: i32, %arg1: memref<1000x256xf32, #tpu.memory_space<vmem>>, %arg2: memref<2x1000x128xf32, #tpu.memory_space<vmem>>, %arg3: memref<256x256xf32, #tpu.memory_space<vmem>>, %arg4: memref<1x256xf32, #tpu.memory_space<vmem>>, %arg5: memref<256x256xf32, #tpu.memory_space<vmem>>, %arg6: memref<1x256xf32, #tpu.memory_space<vmem>>, %arg7: memref<2000x128xf32, #tpu.memory_space<vmem>>) attributes {dimension_semantics = [#tpu.dimension_semantics<arbitrary>], iteration_bounds = array<i64: 10>, scalar_prefetch = 0 : i64, scratch_operands = 0 : i64, tpu.core_type = #tpu.core_type<tc>, window_params = [{transform_indices = @transform_0, window_bounds = array<i64: 1000, 256>}, {transform_indices = @transform_1, window_bounds = array<i64: 2, 1000, 128>}, {pipeline_mode = #tpu.pipeline_mode<synchronous>, transform_indices = @transform_2, window_bounds = array<i64: 256, 256>}, {pipeline_mode = #tpu.pipeline_mode<synchronous>, transform_indices = @transform_3, window_bounds = array<i64: 1, 256>}, {pipeline_mode = #tpu.pipeline_mode<synchronous>, transform_indices = @transform_4, window_bounds = array<i64: 256, 256>}, {pipeline_mode = #tpu.pipeline_mode<synchronous>, transform_indices = @transform_5, window_bounds = array<i64: 1, 256>}, {transform_indices = @transform_6, window_bounds = array<i64: 2000, 128>}]} {
    %get3A = arith.constant 0 : index
    %get3A_0 = arith.constant 0 : index
    %get3A_1 = vector.load %arg1[%get3A, %get3A_0] : memref<1000x256xf32, #tpu.memory_space<vmem>>, vector<1000x256xf32>
    %get3A_2 = arith.constant 0 : index
    %get3A_3 = arith.constant 0 : index
    %get3A_4 = arith.constant 0 : index
    %get3A_5 = vector.load %arg2[%get3A_2, %get3A_3, %get3A_4] : memref<2x1000x128xf32, #tpu.memory_space<vmem>>, vector<1x1000x128xf32>
    %get3A_6 = vector.shape_cast %get3A_5 : vector<1x1000x128xf32> to vector<1000x128xf32>
    %get3A_7 = arith.constant 1 : index
    %get3A_8 = arith.constant 0 : index
    %get3A_9 = arith.constant 0 : index
    %get3A_10 = vector.load %arg2[%get3A_7, %get3A_8, %get3A_9] : memref<2x1000x128xf32, #tpu.memory_space<vmem>>, vector<1x1000x128xf32>
    %get3A_11 = vector.shape_cast %get3A_10 : vector<1x1000x128xf32> to vector<1000x128xf32>
    %concatenate3A = tpu.concatenate %get3A_6, %get3A_11 in 1 : vector<1000x128xf32>, vector<1000x128xf32> -> vector<1000x256xf32>
    %add3A = arith.addf %get3A_1, %concatenate3A : vector<1000x256xf32>
    %get3A_12 = arith.constant 0 : index
    %get3A_13 = arith.constant 0 : index
    %get3A_14 = vector.load %arg3[%get3A_12, %get3A_13] : memref<256x256xf32, #tpu.memory_space<vmem>>, vector<256x256xf32>
    %dot_general3A = arith.constant dense<0.000000e+00> : vector<1000x256xf32>
    %dot_general3A_15 = tpu.matmul %add3A, %get3A_14, %dot_general3A {dimension_numbers = #tpu.dot_dimension_numbers<[1], [0], [0], [1], [0, 0, 1, 1], [], []>, transpose_lhs_hint = false} : vector<1000x256xf32>, vector<256x256xf32>, vector<1000x256xf32> -> vector<1000x256xf32>
    %get3A_16 = arith.constant 0 : index
    %get3A_17 = arith.constant 0 : index
    %get3A_18 = vector.load %arg4[%get3A_16, %get3A_17] : memref<1x256xf32, #tpu.memory_space<vmem>>, vector<1x256xf32>
    %add3A_19 = vector.broadcast %get3A_18 : vector<1x256xf32> to vector<1000x256xf32>
    %add3A_20 = arith.addf %dot_general3A_15, %add3A_19 : vector<1000x256xf32>
    %max3A = arith.constant 0.000000e+00 : f32
    %max3A_21 = vector.broadcast %max3A : f32 to vector<1000x256xf32>
    %max3A_22 = arith.maximumf %add3A_20, %max3A_21 : vector<1000x256xf32>
    %get3A_23 = arith.constant 0 : index
    %get3A_24 = arith.constant 0 : index
    %get3A_25 = vector.load %arg5[%get3A_23, %get3A_24] : memref<256x256xf32, #tpu.memory_space<vmem>>, vector<256x256xf32>
    %dot_general3A_26 = arith.constant dense<0.000000e+00> : vector<1000x256xf32>
    %dot_general3A_27 = tpu.matmul %max3A_22, %get3A_25, %dot_general3A_26 {dimension_numbers = #tpu.dot_dimension_numbers<[1], [0], [0], [1], [0, 0, 1, 1], [], []>, transpose_lhs_hint = false} : vector<1000x256xf32>, vector<256x256xf32>, vector<1000x256xf32> -> vector<1000x256xf32>
    %get3A_28 = arith.constant 0 : index
    %get3A_29 = arith.constant 0 : index
    %get3A_30 = vector.load %arg6[%get3A_28, %get3A_29] : memref<1x256xf32, #tpu.memory_space<vmem>>, vector<1x256xf32>
    %add3A_31 = vector.broadcast %get3A_30 : vector<1x256xf32> to vector<1000x256xf32>
    %add3A_32 = arith.addf %dot_general3A_27, %add3A_31 : vector<1000x256xf32>
    %max3A_33 = arith.constant 0.000000e+00 : f32
    %max3A_34 = vector.broadcast %max3A_33 : f32 to vector<1000x256xf32>
    %max3A_35 = arith.maximumf %add3A_32, %max3A_34 : vector<1000x256xf32>
    %reshape3A = vector.shape_cast %max3A_35 : vector<1000x256xf32> to vector<2000x128xf32>
    %swap3A = arith.constant 0 : index
    %swap3A_36 = arith.constant 0 : index
    %swap3A_37 = vector.load %arg7[%swap3A, %swap3A_36] : memref<2000x128xf32, #tpu.memory_space<vmem>>, vector<2000x128xf32>
    tpu.vector_store %arg7[%swap3A, %swap3A_36], %reshape3A {strides = array<i32>} : memref<2000x128xf32, #tpu.memory_space<vmem>>, vector<2000x128xf32>,
    return
  }
  func.func @transform_0(%arg0: i32) -> (i32, i32) {
    %c0_i32 = arith.constant 0 : i32
    %c0_i32_0 = arith.constant 0 : i32
    return %arg0, %c0_i32 : i32, i32
  }
  func.func @transform_1(%arg0: i32) -> (i32, i32, i32) {
    %c0_i32 = arith.constant 0 : i32
    %c0_i32_0 = arith.constant 0 : i32
    %c0_i32_1 = arith.constant 0 : i32
    return %c0_i32, %arg0, %c0_i32_0 : i32, i32, i32
  }
  func.func @transform_2(%arg0: i32) -> (i32, i32) {
    %c0_i32 = arith.constant 0 : i32
    %c0_i32_0 = arith.constant 0 : i32
    %c0_i32_1 = arith.constant 0 : i32
    return %c0_i32, %c0_i32_0 : i32, i32
  }
  func.func @transform_3(%arg0: i32) -> (i32, i32) {
    %c0_i32 = arith.constant 0 : i32
    %c0_i32_0 = arith.constant 0 : i32
    %c0_i32_1 = arith.constant 0 : i32
    return %c0_i32, %c0_i32_0 : i32, i32
  }
  func.func @transform_4(%arg0: i32) -> (i32, i32) {
    %c0_i32 = arith.constant 0 : i32
    %c0_i32_0 = arith.constant 0 : i32
    %c0_i32_1 = arith.constant 0 : i32
    return %c0_i32, %c0_i32_0 : i32, i32
  }
  func.func @transform_5(%arg0: i32) -> (i32, i32) {
    %c0_i32 = arith.constant 0 : i32
    %c0_i32_0 = arith.constant 0 : i32
    %c0_i32_1 = arith.constant 0 : i32
    return %c0_i32, %c0_i32_0 : i32, i32
  }
  func.func @transform_6(%arg0: i32) -> (i32, i32) {
    %c0_i32 = arith.constant 0 : i32
    %c0_i32_0 = arith.constant 0 : i32
    return %arg0, %c0_i32 : i32, i32
  }
}

</mosaic_0001>

<sc_bundles>
// kernel: kernel.6.cloned.1.call-start
scs
__scs_entry_jumppad:
0x0: {  	(pc) =	sbr.rel $0x88, $3  }
0x1: {  	(tag) =	ssettag $0x0;
	lr =	simm.s32 $0x1  }
0x2: {  	[smem:$0x3F97] =	sst lr;
	_ =	strace $0xD0000000  }
0x3: {  	_ = 	snop  }
0x4: {  	_ = 	snop  }
0x5: {  	_ = 	snop  }
0x6: {  	_ = 	snop  }
0x7: {  	_ = 	snop  }
__scs_overlays_trampoline_lowered:
0x8: {  	[smem:$0x3FA6] =	sst s0  }
0x9: {  	[smem:$0x3FA7] =	sst s1  }
0xa: {  	[smem:$0x3FA8] =	sst s2  }
0xb: {  	[smem:$0x3FA9] =	sst s3  }
0xc: {  	[smem:$0x3FAA] =	sst s4  }
0xd: {  	[smem:$0x3FAB] =	sst s5  }
0xe: {  	[smem:$0x3FAC] =	sst s6  }
0xf: {  	[smem:$0x3FAD] =	sst s7  }
0x10: {  	[smem:$0x3FAE] =	sst s8  }
0x11: {  	[smem:$0x3FAF] =	sst s9;
	s0 =	simm.s32 @!p0 $0x0  }
0x12: {  	s1 =	sld [smem:$0x3F95];
	s0 =	simm.s32 @p0 $0x1  }
0x13: {  	[smem:$0x3FB0] =	sst s0;
	s0 =	simm.s32 @!p1 $0x0  }
0x14: {  	s2 =	sld [smem:$0x3F94];
	s0 =	simm.s32 @p1 $0x1  }
0x15: {  	[smem:$0x3FB1] =	sst s0;
	s0 =	simm.s32 @!p2 $0x0  }
0x16: {  	s3 =	sld [smem:$0x3FDB];
	s0 =	simm.s32 @p2 $0x1  }
0x17: {  	s4 =	simm.s32 $0x1BF5;
	[smem:$0x3FB3] =	sst s0  }
0x18: {  	s0 =	sld [smem:$0x3F96];
	_ =	swait.ge [sflag:s4], $0x0  }
0x19: {  	s7 =	sld [smem:$0x3F97]  }
0x1a: {  	s8 =	sadd.s32 $0xFFFFE003, lr  }
0x1b: {  	s9 =	sadd.s32 $0xFFFFFEF7, lr;
	s5 =	simm.s32 $0xFFFFFFFF;
	p2 =	slt.u32 s8, $0xFFFFF086  }
0x1c: {  	p1 =	slt.u32 s9, $0xF7A;
	s5 =	simm.s32 @!p2 $0x0  }
0x1d: {  	s5 =	simm.s32 @p1 $0x1;
	p0 =	seq.s32 s7, s2  }
0x1e: {  	s7 =	smul.u32 @!p0 $0xF7A, s2;
	p2 =	seq.s32 @!p0 s5, $0x0  }
0x1f: {  	s9 =	smul.u32 $0xF7A, s1;
	s8 =	simm.s32 @!p0 $0x1BF5;
	p2 =	por !p2, p0  }
0x20: {  	[sflag:s8] =	ssyncset.s32 @!p0 $0xFFFFF086;
	s6 =	sadd.s32 @!p0 s3, s7;
	s7 =	simm.s32 @!p0 $0x108  }
0x21: {  	s3 =	sadd.s32 s3, s9;
	s6 =	sadd.s32 @!p0 $0x88, s6;
	s7 =	simm.s32 @p2 $0x1082  }
0x22: {  	[simem:s7], [sflag:s8] =	dma.local @!p0 [hbm:s6], $0xF7A  }
0x23: {  	s9 =	sor.u32 $0xD0000000, s2;
	s6 =	simm.s32 $0x108;
	_ =	swait.ge @!p0 [sflag:s8], $0x0  }
0x24: {  	s3 =	sadd.s32 $0x88, s3;
	s6 =	simm.s32 @!p1 $0x1082;
	[sflag:s4] =	ssyncset.s32 $0xFFFFF086  }
0x25: {  	[simem:s6], [sflag:s4] =	dma.local [hbm:s3], $0xF7A  }
0x26: {  	[smem:$0x3F97] =	sst s1;
	(tag) =	ssettag s2;
	_ =	strace s9  }
0x27: {  	s1 =	sld [smem:$0x3FA7]  }
0x28: {  	s2 =	sld [smem:$0x3FA8]  }
0x29: {  	s4 =	sld [smem:$0x3FAA]  }
0x2a: {  	p0 =	seq.s32 s5, $0x0;
	s5 =	sld [smem:$0x3FAB]  }
0x2b: {  	s6 =	sld [smem:$0x3FAC]  }
0x2c: {  	s7 =	sld [smem:$0x3FAD]  }
0x2d: {  	s3 =	simm.s32 $0x108;
	s8 =	sld [smem:$0x3FAE]  }
0x2e: {  	s3 =	simm.s32 @!p0 $0x1082;
	s9 =	sld [smem:$0x3FAF]  }
0x2f: {  	lr =	sadd.s32 s0, s3;
	s0 =	sld [smem:$0x3FA6]  }
0x30: {  	s3 =	sld [smem:$0x3FA9]  }
0x31: {  	[smem:$0x3FB2] =	sst s10  }
0x32: {  	s10 =	sld [smem:$0x3FB0];
	_ =	sdelay $0x3  }
0x33: {  	p0 =	seq.s32 s10, $0x1;
	s10 =	sld [smem:$0x3FB2];
	_ =	sdelay $0x3  }
0x34: {  	[smem:$0x3FB2] =	sst s10  }
0x35: {  	s10 =	sld [smem:$0x3FB1];
	_ =	sdelay $0x3  }
0x36: {  	p1 =	seq.s32 s10, $0x1;
	s10 =	sld [smem:$0x3FB2];
	_ =	sdelay $0x3  }
0x37: {  	[smem:$0x3FB2] =	sst s10  }
0x38: {  	s10 =	sld [smem:$0x3FB3]  }
0x39: {  	_ = 	snop;
	(pc) =	sbr.ind lr, $3  }
0x3a: {  	_ = 	snop  }
0x3b: {  	_ = 	snop  }
0x3c: {  	p2 =	seq.s32 s10, $0x1;
	s10 =	sld [smem:$0x3FB2]  }
0x3d: {  	_ =	shalt  }
0x3e: {  	_ =	shalt  }
0x3f: {  	_ =	shalt  }
0x40: {  	_ =	shalt  }
0x41: {  	_ =	shalt  }
0x42: {  	_ =	shalt  }
0x43: {  	_ =	shalt  }
0x44: {  	_ =	shalt  }
0x45: {  	_ =	shalt  }
0x46: {  	_ =	shalt  }
0x47: {  	_ =	shalt  }
0x48: {  	_ =	shalt  }
0x49: {  	_ =	shalt  }
0x4a: {  	_ =	shalt  }
0x4b: {  	_ =	shalt  }
0x4c: {  	_ =	shalt  }
0x4d: {  	_ =	shalt  }
0x4e: {  	_ =	shalt  }
0x4f: {  	_ =	shalt  }
0x50: {  	_ =	shalt  }
0x51: {  	_ =	shalt  }
0x52: {  	_ =	shalt  }
0x53: {  	_ =	shalt  }
0x54: {  	_ =	shalt  }
0x55: {  	_ =	shalt  }
0x56: {  	_ =	shalt  }
0x57: {  	_ =	shalt  }
0x58: {  	_ =	shalt  }
0x59: {  	_ =	shalt  }
0x5a: {  	_ =	shalt  }
0x5b: {  	_ =	shalt  }
0x5c: {  	_ =	shalt  }
0x5d: {  	_ =	shalt  }
0x5e: {  	_ =	shalt  }
0x5f: {  	_ =	shalt  }
0x60: {  	_ =	shalt  }
0x61: {  	_ =	shalt  }
0x62: {  	_ =	shalt  }
0x63: {  	_ =	shalt  }
0x64: {  	_ =	shalt  }
0x65: {  	_ =	shalt  }
0x66: {  	_ =	shalt  }
0x67: {  	_ =	shalt  }
0x68: {  	_ =	shalt  }
0x69: {  	_ =	shalt  }
0x6a: {  	_ =	shalt  }
0x6b: {  	_ =	shalt  }
0x6c: {  	_ =	shalt  }
0x6d: {  	_ =	shalt  }
0x6e: {  	_ =	shalt  }
0x6f: {  	_ =	shalt  }
0x70: {  	_ =	shalt  }
0x71: {  	_ =	shalt  }
0x72: {  	_ =	shalt  }
0x73: {  	_ =	shalt  }
0x74: {  	_ =	shalt  }
0x75: {  	_ =	shalt  }
0x76: {  	_ =	shalt  }
0x77: {  	_ =	shalt  }
0x78: {  	_ =	shalt  }
0x79: {  	_ =	shalt  }
0x7a: {  	_ =	shalt  }
0x7b: {  	_ =	shalt  }
0x7c: {  	_ =	shalt  }
0x7d: {  	_ =	shalt  }
0x7e: {  	_ =	shalt  }
0x7f: {  	_ =	shalt  }
0x80: {  	_ =	shalt  }
0x81: {  	_ =	shalt  }
0x82: {  	_ =	shalt  }
0x83: {  	_ =	shalt  }
0x84: {  	_ =	shalt  }
0x85: {  	_ =	shalt  }
0x86: {  	_ =	shalt  }
0x87: {  	_ =	shalt  }
.Lfunc_end0:
.L_simem_size_0:
called_computation_lowered:
.L_overlay_start_0:
0x88: {  	s2 =	sld [smem:$0x3FD9]  }
0x89: {  	s3 =	sld [smem:$0x3FFE];
	_ =	sdelay $0x1  }
0x8a: {  	s1 =	srdreg.scid  }
0x8b: {  	s0 =	sand.u32 $0x1, s1  }
0x8c: {  	s17 =	sshll.u32 s0, $0xA;
	s2 =	sadd.s32 s3, s2  }
0x8d: {  	s2 =	sadd.s32 s2, s17  }
0x8e: {  	[smem:$0x3FBE] =	sst s2  }
0x8f: {  	_ = 	snop  }
0x90: {  	s2 =	sld [smem:$0x3FD0];
	(tm) =	ssettm $0x1  }
0x91: {  	s18 =	sld [smem:$0x3FFB];
	_ =	sdelay $0x3  }
0x92: {  	_ =	strace s18  }
0x93: {  	s3 =	sld [smem:$0x3FFC];
	_ =	sdelay $0x3  }
0x94: {  	_ =	strace s3  }
0x95: {  	s3 =	sld [smem:$0x3FFD];
	_ =	sdelay $0x3  }
0x96: {  	_ =	strace s3  }
0x97: {  	_ =	strace $0x8FFFFFFF  }
0x98: {  	s19 =	sld [smem:$0x3FDB];
	_ =	sdelay $0x1  }
0x99: {  	s4 =	simm.s32 $_scs_section_size  }
0x9a: {  	s5 =	simm.s32 $_size__tile_overlayer_lowered;
	s6 =	simm.s32 $_tile_overlayer_lowered  }
0x9b: {  	s22 =	simm.s32 $0x1BFF;
	s21 =	sshll.u32 s6, $0x1;
	s3 =	sadd.s32 s4, s19  }
0x9c: {  	s7 =	simm.s32 $0x0;
	s20 =	sshll.u32 s5, $0x1;
	s5 =	sadd.s32 s21, s3  }
0x9d: {  	[timem:s7], [sflag:s22] =	dma.local [hbm:s5], s20  }
0x9e: {  	_ =	swait.ge [sflag:s22], s20  }
0x9f: {  	s4 =	ssub.s32 $0x0, s20;
	[sflag:s22] =	ssyncset.done $0x0  }
0xa0: {  	[sflag:s22] =	ssyncadd.s32 s4;
	_ =	sdelay $0x1  }
0xa1: {  	s23 =	simm.s32 $0x1B8B  }
0xa2: {  	_ =	swait.ge [sflag:s23], $0x1  }
0xa3: {  	[sflag:s23] =	ssyncset.done $0x0  }
0xa4: {  	s25 =	simm.s32 $0x1B8E;
	s24 =	sld [smem:$0x3FFE];
	[sflag:s23] =	ssyncadd.s32 $0xFFFFFFFF  }
0xa5: {  	s26 =	simm.s32 $execute0_lowered;
	[smem:$0x3FD2] =	sst s25  }
0xa6: {  	s5 =	sshll.u32 s26, $0x1;
	_ =	strace $0x80000046;
	[dreg:$0x1] =	wrdreg $0xFFFFFFFF  }
0xa7: {  	s28 =	simm.s32 $_size_execute0_lowered;
	s3 =	sadd.s32 s3, s5;
	[dreg:$0x0] =	wrdreg $0x0  }
0xa8: {  	s5 =	sshll.u32 s28, $0x1;
	[dreg:$0x2] =	wrdreg s3  }
0xa9: {  	[dreg:$0x3] =	wrdreg s5  }
0xaa: {  	[dreg:$0x4] =	wrdreg $0xC0  }
0xab: {  	_ =	task [dreg:s7], $0x5FFFF  }
0xac: {  	[dreg:$0x1] =	wrdreg $0xFFFFFFFF  }
0xad: {  	[dreg:$0x0] =	wrdreg $0x60  }
0xae: {  	[dreg:$0x2] =	wrdreg s2  }
0xaf: {  	[dreg:$0x3] =	wrdreg s24  }
0xb0: {  	[dreg:$0x4] =	wrdreg $0x9E000  }
0xb1: {  	[dreg:$0x5] =	wrdreg $0x9  }
0xb2: {  	_ =	task.clear_ibuf [dreg:s7], $0x6FFFF;
	_ =	strace $0x90000046  }
0xb3: {  	s29 =	simm.s32 $0x9;
	_ =	strace $0x80000048  }
0xb4: {  	_ =	swait.ge [sflag:s29], $0x1  }
0xb5: {  	[sflag:s29] =	ssyncadd.s32 $0xFFFFFFFF  }
0xb6: {  	_ =	strace $0x90000048  }
0xb7: {  	_ =	sfence  }
0xb8: {  	s30 =	sld [smem:$0x0];
	_ =	sdelay $0x2  }
0xb9: {  	s31 =	sshll.u32 s1, $0xD;
	s1 =	sshrl.u32 s1, $0x2  }
0xba: {  	s3 =	sand.u32 $0x4000, s31;
	s1 =	sadd.s32 s1, s30  }
0xbb: {  	s0 =	sor.u32 s3, s0;
	s1 =	sshll.u32 s1, $0x11  }
0xbc: {  	s0 =	sor.u32 s1, s0  }
0xbd: {  	s0 =	sadd.s32 $0x8F2B, s0  }
0xbe: {  	[sflag:s0] =	ssyncadd.remote.s32 $0x1  }
0xbf: {  	_ =	sfence.sel $0xFFFF  }
0xc0: {  	[dreg:$0x0] =	wrdreg $0xFFFFFFFF;
	(pc) =	sbr.abs _section_cstart, $3  }
0xc1: {  	[dreg:$0x1] =	wrdreg $0xFFFFFFFF  }
0xc2: {  	_ =	task.clear_ibuf [dreg:s7], $0x2FFFF;
	_ =	strace $0x9FFFFFFF  }
0xc3: {  	(tm) =	ssettm $0x7FFFFFFF  }
tec
execute0_lowered:
.L_overlay_start_1:
0x0: {  	(tag) =	ssettag $0x1  }
0x1: {  	s0 =	rddreg [dreg:$0x0]  }
0x2: {  	s1 =	rddreg [dreg:$0x1];
	s2 =	srdreg.scid  }
0x3: {  	s3 =	rddreg [dreg:$0x2];
	s4 =	stileid.u32  }
0x4: {  	s7 =	simm.s32 $0x0;
	s2 =	sand.u32 $0x1, s2;
	s6 =	smul.u32 $0x1F400, s4  }
0x5: {  	[smem:$0x7FF] =	sst s7;
	s5 =	smul.u32 $0x138800, s2  }
0x6: {  	s10 =	smul.u32 $0x7D000, s4;
	_ =	strace $0x80000047;
	s8 =	ssub.s32 $0x2, s2  }
0x7: {  	s14 =	sshrl.u32 s8, $0x1;
	s13 =	sadd.s32 s6, s5;
	s5 =	smul.u32 $0x2710, s4  }
0x8: {  	s18 =	sshrl.u32 s10, $0x2;
	s6 =	sadd.s32 $0x2A00, s1;
	s7 =	sshrl.u32 s13, $0x3  }
0x9: {  	s13 =	ssub.s32 s8, s14;
	s1 =	sadd.s32 s7, s1;
	s9 =	smax.u32 s5, $0x24900  }
0xa: {  	s16 =	sshrl.u32 s5, $0x3;
	s20 =	smax.u32 s13, $0x1;
	s15 =	sadd.s32 $0x7FFDB700, s9  }
0xb: {  	s9 =	sand.u32 $0x70, s9;
	s17 =	sadd.s32 s6, s16;
	[dreg:$0x8] =	wrdreg s20  }
0xc: {  	s1 =	sadd.s32 $0xC800, s1;
	s11 =	sand.u32 $0x7FFFFF80, s15;
	[dreg:$0x4] =	wrdreg s17  }
0xd: {  	s7 =	sadd.s32 $0x4E20, s17;
	[dreg:$0x7] =	wrdreg s1;
	s8 =	sor.u32 s9, s11  }
0xe: {  	[dreg:$0x5] =	wrdreg s7;
	s11 =	sadd.s32 s18, s3;
	s19 =	sadd.s32 $0x300, s8  }
0xf: {  	s21 =	sadd.s32 $0x1400, s11;
	[dreg:$0x6] =	wrdreg s19  }
0x10: {  	s22 =	sadd.s32 $0x2800, s11;
	[dreg:$0x9] =	wrdreg s21  }
0x11: {  	s23 =	sadd.s32 $0x3C00, s11;
	[dreg:$0xa] =	wrdreg s22  }
0x12: {  	s24 =	sadd.s32 $0x5000, s11;
	[dreg:$0xb] =	wrdreg s23  }
0x13: {  	s25 =	sadd.s32 $0x6400, s11;
	[dreg:$0xc] =	wrdreg s24  }
0x14: {  	s26 =	sadd.s32 $0x7800, s11;
	[dreg:$0xd] =	wrdreg s25  }
0x15: {  	s7 =	sadd.s32 $0x8C00, s11;
	[dreg:$0xe] =	wrdreg s26  }
0x16: {  	s9 =	sadd.s32 $0xA000, s11;
	[dreg:$0xf] =	wrdreg s7  }
0x17: {  	s10 =	sadd.s32 $0xB400, s11;
	[dreg:$0x10] =	wrdreg s9  }
0x18: {  	s12 =	sadd.s32 $0xC800, s11;
	[dreg:$0x11] =	wrdreg s10  }
0x19: {  	s13 =	sadd.s32 $0xDC00, s11;
	[dreg:$0x12] =	wrdreg s12  }
0x1a: {  	s14 =	sadd.s32 $0xF000, s11;
	[dreg:$0x13] =	wrdreg s13  }
0x1b: {  	s15 =	sadd.s32 $0x10400, s11;
	[dreg:$0x14] =	wrdreg s14  }
0x1c: {  	s16 =	sadd.s32 $0x11800, s11;
	[dreg:$0x15] =	wrdreg s15  }
0x1d: {  	s17 =	sadd.s32 $0x12C00, s11;
	[dreg:$0x16] =	wrdreg s16  }
0x1e: {  	s18 =	sadd.s32 $0x14000, s11;
	[dreg:$0x17] =	wrdreg s17  }
0x1f: {  	s20 =	sadd.s32 $0x16800, s11;
	[dreg:$0x18] =	wrdreg s18  }
0x20: {  	s28 =	simm.s32 $0x4A00;
	s19 =	sadd.s32 $0x15400, s11;
	[dreg:$0x1a] =	wrdreg s20  }
0x21: {  	s29 =	simm.s32 $0x1;
	s21 =	sadd.s32 $0x17C00, s11;
	[dreg:$0x19] =	wrdreg s19  }
0x22: {  	s30 =	simm.s32 $0x880;
	s22 =	sadd.s32 $0x19000, s11;
	[dreg:$0x1b] =	wrdreg s21  }
0x23: {  	s31 =	simm.s32 $0x2;
	s23 =	sadd.s32 $0x1A400, s11;
	[dreg:$0x1c] =	wrdreg s22  }
0x24: {  	p0 =	sgt.u32 s4, $0x9;
	s24 =	sadd.s32 $0x1B800, s11;
	[dreg:$0x1d] =	wrdreg s23  }
0x25: {  	s1 =	simm.s32 $0x980;
	s25 =	sadd.s32 $0x1CC00, s11;
	[dreg:$0x1e] =	wrdreg s24  }
0x26: {  	s26 =	sadd.s32 $0x1E000, s11;
	s20 =	simm.s32 $0x8A00;
	[dreg:$0x1f] =	wrdreg s25  }
0x27: {  	s15 =	simm.s32 $0x1D780;
	s16 =	simm.s32 $0x0;
	[smem:$0x7FD] =	sst s26  }
0x28: {  	s21 =	simm.s32 $0x3;
	s22 =	simm.s32 $0x4;
	s23 =	simm.s32 $0x80  }
0x29: {  	v1 =	vimm.f32 $0.0e+00;
	v0 =	vmov s2;
	s24 =	simm.s32 $0x800;
	s25 =	simm.s32 $0xA00;
	s26 =	simm.s32 $0x900  }
.LBB2_1:
0x2a: {  	s2 =	simm.s32 $0x0;
	s17 =	simm.s32 $0x200  }
.LBB2_2:
0x2b: {  	p1 =	sne.s32 s17, $0x4E00;
	[tilespmem:s2+$0x8A70] =	vst v1  }
0x2c: {  	[tilespmem:s2+$0x8A00] =	vst v1  }
0x2d: {  	[tilespmem:s2+$0x8A10] =	vst v1  }
.Ltmp0:
0x2e: {  	[tilespmem:s2+$0x8A20] =	vst v1;
	(pc) =	sbr.rel @p1 .LBB2_2-.Ltmp0, $4  }
0x2f: {  	[tilespmem:s2+$0x8A30] =	vst v1  }
0x30: {  	[tilespmem:s2+$0x8A40] =	vst v1  }
0x31: {  	[tilespmem:s2+$0x8A50] =	vst v1  }
0x32: {  	[tilespmem:s2+$0x8A60] =	vst v1;
	s2 =	sshra.s32 s17, $0x2;
	s17 =	sadd.s32 $0x200, s17  }
0x33: {  	[tilespmem:s2+$0x8A70] =	vst v1  }
0x34: {  	[tilespmem:s2+$0x8A00] =	vst v1  }
0x35: {  	[tilespmem:s2+$0x8A10] =	vst v1  }
.Ltmp1:
0x36: {  	[tilespmem:s2+$0x8A20] =	vst v1;
	(pc) =	sbr.rel @p0 .LBB2_5-.Ltmp1, $4  }
0x37: {  	[tilespmem:s2+$0x8A30] =	vst v1  }
0x38: {  	[tilespmem:s2+$0x8A40] =	vst v1  }
0x39: {  	[tilespmem:s2+$0x8A50] =	vst v1  }
0x3a: {  	[tilespmem:s2+$0x8A60] =	vst v1  }
0x3b: {  	[spmem:s11] =	stream.linear.scatter [tilespmem:s20], [sflag:$0x3], $0x1400, $0x38;
	[tilespmem:$0x1DF80] =	vst v63  }
0x3c: {  	s2 =	rddreg [dreg:$0x9]  }
0x3d: {  	s17 =	rddreg [dreg:$0xa]  }
0x3e: {  	[spmem:s2] =	stream.linear.scatter [tilespmem:s20], [sflag:$0x3], $0x1400, $0x38;
	[tilespmem:$0x1DF80] =	vst v63  }
0x3f: {  	s18 =	rddreg [dreg:$0xb]  }
0x40: {  	[spmem:s17] =	stream.linear.scatter [tilespmem:s20], [sflag:$0x3], $0x1400, $0x38;
	[tilespmem:$0x1DF80] =	vst v63  }
0x41: {  	s19 =	rddreg [dreg:$0xc]  }
0x42: {  	[spmem:s18] =	stream.linear.scatter [tilespmem:s20], [sflag:$0x3], $0x1400, $0x38;
	[tilespmem:$0x1DF80] =	vst v63  }
0x43: {  	s4 =	rddreg [dreg:$0xd]  }
0x44: {  	[spmem:s19] =	stream.linear.scatter [tilespmem:s20], [sflag:$0x3], $0x1400, $0x38;
	[tilespmem:$0x1DF80] =	vst v63  }
0x45: {  	s7 =	rddreg [dreg:$0xe]  }
0x46: {  	[spmem:s4] =	stream.linear.scatter [tilespmem:s20], [sflag:$0x3], $0x1400, $0x38;
	[tilespmem:$0x1DF80] =	vst v63  }
0x47: {  	s9 =	rddreg [dreg:$0xf]  }
0x48: {  	[spmem:s7] =	stream.linear.scatter [tilespmem:s20], [sflag:$0x3], $0x1400, $0x38;
	[tilespmem:$0x1DF80] =	vst v63  }
0x49: {  	s10 =	rddreg [dreg:$0x10]  }
0x4a: {  	[spmem:s9] =	stream.linear.scatter [tilespmem:s20], [sflag:$0x3], $0x1400, $0x38;
	[tilespmem:$0x1DF80] =	vst v63  }
0x4b: {  	s12 =	rddreg [dreg:$0x11]  }
0x4c: {  	[spmem:s10] =	stream.linear.scatter [tilespmem:s20], [sflag:$0x3], $0x1400, $0x38;
	[tilespmem:$0x1DF80] =	vst v63  }
0x4d: {  	s13 =	rddreg [dreg:$0x12]  }
0x4e: {  	[spmem:s12] =	stream.linear.scatter [tilespmem:s20], [sflag:$0x3], $0x1400, $0x38;
	[tilespmem:$0x1DF80] =	vst v63  }
0x4f: {  	s14 =	rddreg [dreg:$0x13]  }
0x50: {  	[spmem:s13] =	stream.linear.scatter [tilespmem:s20], [sflag:$0x3], $0x1400, $0x38;
	[tilespmem:$0x1DF80] =	vst v63  }
0x51: {  	s17 =	rddreg [dreg:$0x14]  }
0x52: {  	[spmem:s14] =	stream.linear.scatter [tilespmem:s20], [sflag:$0x3], $0x1400, $0x38;
	[tilespmem:$0x1DF80] =	vst v63  }
0x53: {  	s18 =	rddreg [dreg:$0x15]  }
0x54: {  	[spmem:s17] =	stream.linear.scatter [tilespmem:s20], [sflag:$0x3], $0x1400, $0x38;
	[tilespmem:$0x1DF80] =	vst v63  }
0x55: {  	s19 =	rddreg [dreg:$0x16]  }
0x56: {  	[spmem:s18] =	stream.linear.scatter [tilespmem:s20], [sflag:$0x3], $0x1400, $0x38;
	[tilespmem:$0x1DF80] =	vst v63  }
0x57: {  	s4 =	rddreg [dreg:$0x17]  }
0x58: {  	[spmem:s19] =	stream.linear.scatter [tilespmem:s20], [sflag:$0x3], $0x1400, $0x38;
	[tilespmem:$0x1DF80] =	vst v63  }
0x59: {  	s7 =	rddreg [dreg:$0x18]  }
0x5a: {  	[spmem:s4] =	stream.linear.scatter [tilespmem:s20], [sflag:$0x3], $0x1400, $0x38;
	[tilespmem:$0x1DF80] =	vst v63  }
0x5b: {  	s9 =	rddreg [dreg:$0x19]  }
0x5c: {  	[spmem:s7] =	stream.linear.scatter [tilespmem:s20], [sflag:$0x3], $0x1400, $0x38;
	[tilespmem:$0x1DF80] =	vst v63  }
0x5d: {  	s10 =	rddreg [dreg:$0x1a]  }
0x5e: {  	[spmem:s9] =	stream.linear.scatter [tilespmem:s20], [sflag:$0x3], $0x1400, $0x38;
	[tilespmem:$0x1DF80] =	vst v63  }
0x5f: {  	s12 =	rddreg [dreg:$0x1b]  }
0x60: {  	[spmem:s10] =	stream.linear.scatter [tilespmem:s20], [sflag:$0x3], $0x1400, $0x38;
	[tilespmem:$0x1DF80] =	vst v63  }
0x61: {  	s13 =	rddreg [dreg:$0x1c]  }
0x62: {  	[spmem:s12] =	stream.linear.scatter [tilespmem:s20], [sflag:$0x3], $0x1400, $0x38;
	[tilespmem:$0x1DF80] =	vst v63  }
0x63: {  	s14 =	rddreg [dreg:$0x1d]  }
0x64: {  	[spmem:s13] =	stream.linear.scatter [tilespmem:s20], [sflag:$0x3], $0x1400, $0x38;
	[tilespmem:$0x1DF80] =	vst v63  }
0x65: {  	s17 =	rddreg [dreg:$0x1e]  }
0x66: {  	[spmem:s14] =	stream.linear.scatter [tilespmem:s20], [sflag:$0x3], $0x1400, $0x38;
	[tilespmem:$0x1DF80] =	vst v63  }
0x67: {  	s18 =	rddreg [dreg:$0x1f]  }
0x68: {  	[spmem:s17] =	stream.linear.scatter [tilespmem:s20], [sflag:$0x3], $0x1400, $0x38;
	[tilespmem:$0x1DF80] =	vst v63  }
0x69: {  	s19 =	sld [smem:$0x7FD]  }
0x6a: {  	[spmem:s18] =	stream.linear.scatter [tilespmem:s20], [sflag:$0x3], $0x1400, $0x38;
	[tilespmem:$0x1DF80] =	vst v63  }
0x6b: {  	_ = 	snop  }
0x6c: {  	[spmem:s19] =	stream.linear.scatter [tilespmem:s20], [sflag:$0x3], $0x1400, $0x38;
	[tilespmem:$0x1DF80] =	vst v63  }
0x6d: {  	_ =	swait.ge [sflag:s21], $0x1400  }
0x6e: {  	[sflag:s21] =	ssyncset.done $0x0  }
0x6f: {  	[sflag:s21] =	ssyncadd.s32 $0xFFFFEC00  }
0x70: {  	_ =	swait.ge [sflag:s21], $0x1400  }
0x71: {  	[sflag:s21] =	ssyncset.done $0x0  }
0x72: {  	[sflag:s21] =	ssyncadd.s32 $0xFFFFEC00  }
0x73: {  	_ =	swait.ge [sflag:s21], $0x1400  }
0x74: {  	[sflag:s21] =	ssyncset.done $0x0  }
0x75: {  	[sflag:s21] =	ssyncadd.s32 $0xFFFFEC00  }
0x76: {  	_ =	swait.ge [sflag:s21], $0x1400  }
0x77: {  	[sflag:s21] =	ssyncset.done $0x0  }
0x78: {  	[sflag:s21] =	ssyncadd.s32 $0xFFFFEC00  }
0x79: {  	_ =	swait.ge [sflag:s21], $0x1400  }
0x7a: {  	[sflag:s21] =	ssyncset.done $0x0  }
0x7b: {  	[sflag:s21] =	ssyncadd.s32 $0xFFFFEC00  }
0x7c: {  	_ =	swait.ge [sflag:s21], $0x1400  }
0x7d: {  	[sflag:s21] =	ssyncset.done $0x0  }
0x7e: {  	[sflag:s21] =	ssyncadd.s32 $0xFFFFEC00  }
0x7f: {  	_ =	swait.ge [sflag:s21], $0x1400  }
0x80: {  	[sflag:s21] =	ssyncset.done $0x0  }
0x81: {  	[sflag:s21] =	ssyncadd.s32 $0xFFFFEC00  }
0x82: {  	_ =	swait.ge [sflag:s21], $0x1400  }
0x83: {  	[sflag:s21] =	ssyncset.done $0x0  }
0x84: {  	[sflag:s21] =	ssyncadd.s32 $0xFFFFEC00  }
0x85: {  	_ =	swait.ge [sflag:s21], $0x1400  }
0x86: {  	[sflag:s21] =	ssyncset.done $0x0  }
0x87: {  	[sflag:s21] =	ssyncadd.s32 $0xFFFFEC00  }
0x88: {  	_ =	swait.ge [sflag:s21], $0x1400  }
0x89: {  	[sflag:s21] =	ssyncset.done $0x0  }
0x8a: {  	[sflag:s21] =	ssyncadd.s32 $0xFFFFEC00  }
0x8b: {  	_ =	swait.ge [sflag:s21], $0x1400  }
0x8c: {  	[sflag:s21] =	ssyncset.done $0x0  }
0x8d: {  	[sflag:s21] =	ssyncadd.s32 $0xFFFFEC00  }
0x8e: {  	_ =	swait.ge [sflag:s21], $0x1400  }
0x8f: {  	[sflag:s21] =	ssyncset.done $0x0  }
0x90: {  	[sflag:s21] =	ssyncadd.s32 $0xFFFFEC00  }
0x91: {  	_ =	swait.ge [sflag:s21], $0x1400  }
0x92: {  	[sflag:s21] =	ssyncset.done $0x0  }
0x93: {  	[sflag:s21] =	ssyncadd.s32 $0xFFFFEC00  }
0x94: {  	_ =	swait.ge [sflag:s21], $0x1400  }
0x95: {  	[sflag:s21] =	ssyncset.done $0x0  }
0x96: {  	[sflag:s21] =	ssyncadd.s32 $0xFFFFEC00  }
0x97: {  	_ =	swait.ge [sflag:s21], $0x1400  }
0x98: {  	[sflag:s21] =	ssyncset.done $0x0  }
0x99: {  	[sflag:s21] =	ssyncadd.s32 $0xFFFFEC00  }
0x9a: {  	_ =	swait.ge [sflag:s21], $0x1400  }
0x9b: {  	[sflag:s21] =	ssyncset.done $0x0  }
0x9c: {  	[sflag:s21] =	ssyncadd.s32 $0xFFFFEC00  }
0x9d: {  	_ =	swait.ge [sflag:s21], $0x1400  }
0x9e: {  	[sflag:s21] =	ssyncset.done $0x0  }
0x9f: {  	[sflag:s21] =	ssyncadd.s32 $0xFFFFEC00  }
0xa0: {  	_ =	swait.ge [sflag:s21], $0x1400  }
0xa1: {  	[sflag:s21] =	ssyncset.done $0x0  }
0xa2: {  	[sflag:s21] =	ssyncadd.s32 $0xFFFFEC00  }
0xa3: {  	_ =	swait.ge [sflag:s21], $0x1400  }
0xa4: {  	[sflag:s21] =	ssyncset.done $0x0  }
0xa5: {  	[sflag:s21] =	ssyncadd.s32 $0xFFFFEC00  }
0xa6: {  	_ =	swait.ge [sflag:s21], $0x1400  }
0xa7: {  	[sflag:s21] =	ssyncset.done $0x0  }
0xa8: {  	[sflag:s21] =	ssyncadd.s32 $0xFFFFEC00  }
0xa9: {  	_ =	swait.ge [sflag:s21], $0x1400  }
0xaa: {  	[sflag:s21] =	ssyncset.done $0x0  }
0xab: {  	[sflag:s21] =	ssyncadd.s32 $0xFFFFEC00  }
0xac: {  	_ =	swait.ge [sflag:s21], $0x1400  }
0xad: {  	[sflag:s21] =	ssyncset.done $0x0  }
0xae: {  	[sflag:s21] =	ssyncadd.s32 $0xFFFFEC00  }
0xaf: {  	_ =	swait.ge [sflag:s21], $0x1400  }
0xb0: {  	[sflag:s21] =	ssyncset.done $0x0  }
0xb1: {  	[sflag:s21] =	ssyncadd.s32 $0xFFFFEC00  }
0xb2: {  	_ =	swait.ge [sflag:s21], $0x1400  }
0xb3: {  	[sflag:s21] =	ssyncset.done $0x0  }
0xb4: {  	[sflag:s21] =	ssyncadd.s32 $0xFFFFEC00  }
0xb5: {  	_ =	swait.ge [sflag:s21], $0x1400  }
0xb6: {  	[sflag:s21] =	ssyncset.done $0x0  }
0xb7: {  	[sflag:s21] =	ssyncadd.s32 $0xFFFFEC00  }
.LBB2_5:
0xb8: {  	[bflag:$0x0] =	sbarrier.arrive $0xFFFF  }
0xb9: {  	s2 =	simm.s32 $0x0;
	s4 =	rddreg [dreg:$0x4]  }
0xba: {  	[tilespmem:s2], [sflag:$0x4] =	stream.linear.gather [hbm4b:s4+s2], $0x400, $0x38;
	[tilespmem:$0x1DF80] =	vst v63  }
0xbb: {  	_ =	swait.ge [sflag:s22], $0x400  }
0xbc: {  	[sflag:s22] =	ssyncset.done $0x0  }
0xbd: {  	s7 =	simm.s32 $0x400;
	s9 =	rddreg [dreg:$0x5];
	[sflag:s22] =	ssyncadd.s32 $0xFFFFFC00  }
0xbe: {  	[tilespmem:s7], [sflag:$0x4] =	stream.linear.gather [hbm4b:s9+s2], $0x400, $0x38;
	[tilespmem:$0x1DF80] =	vst v63  }
0xbf: {  	_ =	swait.ge [sflag:s22], $0x400  }
0xc0: {  	[sflag:s22] =	ssyncset.done $0x0  }
0xc1: {  	[sflag:s22] =	ssyncadd.s32 $0xFFFFFC00  }
0xc2: {  	v2 =	vld [tilespmem:$0x0];
	_ =	sdelay $0x1  }
0xc3: {  	v3 =	vld [tilespmem:$0x10]  }
0xc4: {  	v4 =	vld [tilespmem:$0x400]  }
0xc5: {  	v5 =	vld [tilespmem:$0x20]  }
0xc6: {  	v6 =	vld [tilespmem:$0x410];
	v2 =	vshll.u32 v2, $0x1  }
0xc7: {  	v7 =	vld [tilespmem:$0x30];
	v2 =	vor.u32 v0, v2  }
0xc8: {  	[tilespmem:$0x800] =	vst v2;
	v2 =	vshll.u32 v3, $0x1;
	v3 =	vld [tilespmem:$0x420]  }
0xc9: {  	v46 =	vld [tilespmem:$0x40];
	[tilespmem:$0x880] =	vst v4;
	v2 =	vor.u32 v0, v2  }
0xca: {  	v47 =	vld [tilespmem:$0x430];
	[tilespmem:$0x810] =	vst v2;
	v2 =	vshll.u32 v5, $0x1  }
0xcb: {  	v48 =	vld [tilespmem:$0x50];
	[tilespmem:$0x890] =	vst v6;
	v2 =	vor.u32 v0, v2  }
0xcc: {  	v49 =	vld [tilespmem:$0x440];
	[tilespmem:$0x820] =	vst v2;
	v2 =	vshll.u32 v7, $0x1  }
0xcd: {  	[tilespmem:$0x8A0] =	vst v3;
	v2 =	vor.u32 v0, v2;
	v3 =	vld [tilespmem:$0x60]  }
0xce: {  	v50 =	vld [tilespmem:$0x450];
	[tilespmem:$0x830] =	vst v2;
	v2 =	vshll.u32 v46, $0x1  }
0xcf: {  	v51 =	vld [tilespmem:$0x70];
	[tilespmem:$0x8B0] =	vst v47;
	v2 =	vor.u32 v0, v2  }
0xd0: {  	v52 =	vld [tilespmem:$0x460];
	[tilespmem:$0x840] =	vst v2;
	v2 =	vshll.u32 v48, $0x1  }
0xd1: {  	[tilespmem:$0x8C0] =	vst v49;
	v2 =	vor.u32 v0, v2  }
0xd2: {  	[tilespmem:$0x850] =	vst v2;
	v2 =	vshll.u32 v3, $0x1;
	v3 =	vld [tilespmem:$0x470]  }
0xd3: {  	[tilespmem:$0x8D0] =	vst v50;
	v2 =	vor.u32 v0, v2  }
0xd4: {  	[tilespmem:$0x860] =	vst v2;
	v2 =	vshll.u32 v51, $0x1  }
0xd5: {  	[tilespmem:$0x8E0] =	vst v52;
	v2 =	vor.u32 v0, v2  }
0xd6: {  	[tilespmem:$0x870] =	vst v2  }
0xd7: {  	[tilespmem:$0x8F0] =	vst v3  }
0xd8: {  	[tilespmem:s25], [sflag:$0x1] =	stream.indirect.gather [hbm4b:s0+s23], $0x80, s24, s23, $0xb8;
	[tilespmem:$0x1DF80] =	vst v63  }
0xd9: {  	v2 =	vld [tilespmem:$0x80];
	_ =	sdelay $0x1  }
0xda: {  	v3 =	vld [tilespmem:$0x90]  }
0xdb: {  	v53 =	vld [tilespmem:$0x480]  }
0xdc: {  	v54 =	vld [tilespmem:$0xA0]  }
0xdd: {  	v55 =	vld [tilespmem:$0x490];
	v2 =	vshll.u32 v2, $0x1  }
0xde: {  	v56 =	vld [tilespmem:$0xB0];
	v2 =	vor.u32 v0, v2  }
0xdf: {  	[tilespmem:$0x900] =	vst v2;
	v2 =	vshll.u32 v3, $0x1;
	v3 =	vld [tilespmem:$0x4A0]  }
0xe0: {  	v57 =	vld [tilespmem:$0xC0];
	[tilespmem:$0x980] =	vst v53;
	v2 =	vor.u32 v0, v2  }
0xe1: {  	v58 =	vld [tilespmem:$0x4B0];
	[tilespmem:$0x910] =	vst v2;
	v2 =	vshll.u32 v54, $0x1  }
0xe2: {  	v59 =	vld [tilespmem:$0xD0];
	[tilespmem:$0x990] =	vst v55;
	v2 =	vor.u32 v0, v2  }
0xe3: {  	v60 =	vld [tilespmem:$0x4C0];
	[tilespmem:$0x920] =	vst v2;
	v2 =	vshll.u32 v56, $0x1  }
0xe4: {  	[tilespmem:$0x9A0] =	vst v3;
	v2 =	vor.u32 v0, v2;
	v3 =	vld [tilespmem:$0xE0]  }
0xe5: {  	v61 =	vld [tilespmem:$0x4D0];
	[tilespmem:$0x930] =	vst v2;
	v2 =	vshll.u32 v57, $0x1  }
0xe6: {  	v62 =	vld [tilespmem:$0xF0];
	[tilespmem:$0x9B0] =	vst v58;
	v2 =	vor.u32 v0, v2  }
0xe7: {  	v63 =	vld [tilespmem:$0x4E0];
	[tilespmem:$0x940] =	vst v2;
	v2 =	vshll.u32 v59, $0x1  }
0xe8: {  	[tilespmem:$0x9C0] =	vst v60;
	v2 =	vor.u32 v0, v2  }
0xe9: {  	[tilespmem:$0x950] =	vst v2;
	v2 =	vshll.u32 v3, $0x1;
	v3 =	vld [tilespmem:$0x4F0]  }
0xea: {  	[tilespmem:$0x9D0] =	vst v61;
	v2 =	vor.u32 v0, v2  }
0xeb: {  	[tilespmem:$0x960] =	vst v2;
	v2 =	vshll.u32 v62, $0x1  }
0xec: {  	[tilespmem:$0x9E0] =	vst v63;
	v2 =	vor.u32 v0, v2  }
0xed: {  	s10 =	simm.s32 $0x100;
	[tilespmem:$0x970] =	vst v2  }
0xee: {  	s2 =	sand.u32 $0x7C00, s10;
	[tilespmem:$0x9F0] =	vst v3  }
0xef: {  	[tilespmem:s28], [sflag:$0x2] =	stream.indirect.gather [hbm4b:s0+s23], $0x80, s26, s23, $0xb8;
	[tilespmem:$0x1DF80] =	vst v63  }
0xf0: {  	s17 =	simm.s32 $0x2;
	s2 =	sadd.s32 s5, s2;
	_ =	swait.ge [sflag:s29], $0x4000  }
0xf1: {  	s17 =	sand.u32 $0x6, s17;
	s18 =	smax.u32 s2, $0x26D00;
	[sflag:s29] =	ssyncset.done $0x0  }
0xf2: {  	p1 =	sne.s32 s17, $0x0;
	s19 =	sadd.s32 $0xFFFD9300, s18;
	[sflag:s29] =	ssyncadd.s32 $0xFFFFC000  }
0xf3: {  	[spmem:s3] =	stream.indirect.scatter.add.f32 [tilespmem:s25], [sflag:$0x4], $0x80, s30, s23, $0xb8;
	[tilespmem:$0x1DF80] =	vst v63  }
0xf4: {  	s2 =	ssub.s32 @!p1 s2, s19;
	_ =	swait.ge [sflag:s22], $0x4000  }
0xf5: {  	s9 =	simm.s32 @!p1 $0x4;
	s4 =	sshrl.u32 @!p1 s2, $0x3;
	[sflag:s22] =	ssyncset.done $0x0  }
0xf6: {  	s10 =	simm.s32 @!p1 $0x0;
	s4 =	sadd.s32 @!p1 s6, s4;
	[sflag:s22] =	ssyncadd.s32 $0xFFFFC000  }
0xf7: {  	[tilespmem:s10], [sflag:$0x4] =	stream.linear.gather @!p1 [hbm4b:s4+s10], $0x400, $0x38;
	[tilespmem:$0x1DF80] =	vst v63  }
0xf8: {  	s2 =	sadd.s32 @!p1 $0x27100, s2;
	_ =	swait.ge @!p1 [sflag:s9], $0x400  }
0xf9: {  	s12 =	sshll.u32 s17, $0x7;
	s2 =	sshrl.u32 @!p1 s2, $0x3;
	[sflag:s9] =	ssyncset.done @!p1 $0x0  }
0xfa: {  	s2 =	sadd.s32 @!p1 s6, s2;
	s4 =	simm.s32 @!p1 $0x400;
	[sflag:s9] =	ssyncadd.s32 @!p1 $0xFFFFFC00  }
0xfb: {  	[tilespmem:s4], [sflag:$0x4] =	stream.linear.gather @!p1 [hbm4b:s2+s10], $0x400, $0x38;
	[tilespmem:$0x1DF80] =	vst v63  }
0xfc: {  	s2 =	sadd.s32 s12, s19;
	_ =	swait.ge @!p1 [sflag:s9], $0x400  }
0xfd: {  	s14 =	sand.u32 $0x70, s18;
	s13 =	sand.u32 $0xFFFFFF80, s2;
	[sflag:s9] =	ssyncset.done @!p1 $0x0  }
0xfe: {  	s4 =	sor.u32 s14, s13;
	[sflag:s9] =	ssyncadd.s32 @!p1 $0xFFFFFC00  }
0xff: {  	v2 =	vld [tilespmem:s4+$0x0];
	_ =	sdelay $0x4  }
0x100: {  	v2 =	vshll.u32 v2, $0x1  }
0x101: {  	v2 =	vor.u32 v0, v2  }
0x102: {  	[tilespmem:$0x800] =	vst v2  }
0x103: {  	v2 =	vld [tilespmem:s4+$0x400];
	_ =	sdelay $0x4  }
0x104: {  	[tilespmem:$0x880] =	vst v2  }
0x105: {  	v2 =	vld [tilespmem:s2+$0x10];
	_ =	sdelay $0x4  }
0x106: {  	v2 =	vshll.u32 v2, $0x1  }
0x107: {  	v2 =	vor.u32 v0, v2  }
0x108: {  	[tilespmem:$0x810] =	vst v2  }
0x109: {  	v2 =	vld [tilespmem:s2+$0x410];
	_ =	sdelay $0x4  }
0x10a: {  	[tilespmem:$0x890] =	vst v2  }
0x10b: {  	v2 =	vld [tilespmem:s2+$0x20];
	_ =	sdelay $0x4  }
0x10c: {  	v2 =	vshll.u32 v2, $0x1  }
0x10d: {  	v2 =	vor.u32 v0, v2  }
0x10e: {  	[tilespmem:$0x820] =	vst v2  }
0x10f: {  	v2 =	vld [tilespmem:s2+$0x420];
	_ =	sdelay $0x4  }
0x110: {  	[tilespmem:$0x8A0] =	vst v2  }
0x111: {  	v2 =	vld [tilespmem:s2+$0x30];
	_ =	sdelay $0x4  }
0x112: {  	v2 =	vshll.u32 v2, $0x1  }
0x113: {  	v2 =	vor.u32 v0, v2  }
0x114: {  	[tilespmem:$0x830] =	vst v2  }
0x115: {  	v2 =	vld [tilespmem:s2+$0x430];
	_ =	sdelay $0x4  }
0x116: {  	[tilespmem:$0x8B0] =	vst v2  }
0x117: {  	v2 =	vld [tilespmem:s2+$0x40];
	_ =	sdelay $0x4  }
0x118: {  	v2 =	vshll.u32 v2, $0x1  }
0x119: {  	v2 =	vor.u32 v0, v2  }
0x11a: {  	[tilespmem:$0x840] =	vst v2  }
0x11b: {  	v2 =	vld [tilespmem:s2+$0x440];
	_ =	sdelay $0x4  }
0x11c: {  	[tilespmem:$0x8C0] =	vst v2  }
0x11d: {  	v2 =	vld [tilespmem:s2+$0x50];
	_ =	sdelay $0x4  }
0x11e: {  	v2 =	vshll.u32 v2, $0x1  }
0x11f: {  	v2 =	vor.u32 v0, v2  }
0x120: {  	[tilespmem:$0x850] =	vst v2  }
0x121: {  	v2 =	vld [tilespmem:s2+$0x450];
	_ =	sdelay $0x4  }
0x122: {  	[tilespmem:$0x8D0] =	vst v2  }
0x123: {  	v2 =	vld [tilespmem:s2+$0x60];
	_ =	sdelay $0x4  }
0x124: {  	v2 =	vshll.u32 v2, $0x1  }
0x125: {  	v2 =	vor.u32 v0, v2  }
0x126: {  	[tilespmem:$0x860] =	vst v2  }
0x127: {  	v2 =	vld [tilespmem:s2+$0x460];
	_ =	sdelay $0x4  }
0x128: {  	[tilespmem:$0x8E0] =	vst v2  }
0x129: {  	v2 =	vld [tilespmem:s2+$0x70];
	_ =	sdelay $0x4  }
0x12a: {  	v2 =	vshll.u32 v2, $0x1  }
0x12b: {  	v2 =	vor.u32 v0, v2  }
0x12c: {  	[tilespmem:$0x870] =	vst v2  }
0x12d: {  	v2 =	vld [tilespmem:s2+$0x470];
	_ =	sdelay $0x3  }
0x12e: {  	s17 =	simm.s32 $0x180  }
0x12f: {  	s18 =	sand.u32 $0x7C00, s17;
	[tilespmem:$0x8F0] =	vst v2  }
0x130: {  	[tilespmem:s25], [sflag:$0x1] =	stream.indirect.gather [hbm4b:s0+s23], $0x80, s24, s23, $0xb8;
	[tilespmem:$0x1DF80] =	vst v63  }
0x131: {  	s4 =	sadd.s32 s5, s18;
	_ =	swait.ge [sflag:s31], $0x4000  }
0x132: {  	s4 =	smax.u32 s4, $0x26D00;
	s2 =	sand.u32 $0x380, s17;
	[sflag:s31] =	ssyncset.done $0x0  }
0x133: {  	s2 =	sadd.s32 s4, s2;
	[sflag:s31] =	ssyncadd.s32 $0xFFFFC000  }
0x134: {  	[spmem:s3] =	stream.indirect.scatter.add.f32 [tilespmem:s28], [sflag:$0x4], $0x80, s1, s23, $0xb8;
	[tilespmem:$0x1DF80] =	vst v63  }
0x135: {  	s2 =	sadd.s32 $0xFFFD9300, s2;
	_ =	swait.ge [sflag:s22], $0x4000  }
0x136: {  	s4 =	sand.u32 $0x70, s4;
	s19 =	sand.u32 $0xFFFFFF80, s2;
	[sflag:s22] =	ssyncset.done $0x0  }
0x137: {  	s4 =	sor.u32 s4, s19;
	[sflag:s22] =	ssyncadd.s32 $0xFFFFC000  }
0x138: {  	v2 =	vld [tilespmem:s4+$0x0];
	_ =	sdelay $0x4  }
0x139: {  	v2 =	vshll.u32 v2, $0x1  }
0x13a: {  	v2 =	vor.u32 v0, v2  }
0x13b: {  	[tilespmem:$0x900] =	vst v2  }
0x13c: {  	v2 =	vld [tilespmem:s4+$0x400];
	_ =	sdelay $0x4  }
0x13d: {  	[tilespmem:$0x980] =	vst v2  }
0x13e: {  	v2 =	vld [tilespmem:s2+$0x10];
	_ =	sdelay $0x4  }
0x13f: {  	v2 =	vshll.u32 v2, $0x1  }
0x140: {  	v2 =	vor.u32 v0, v2  }
0x141: {  	[tilespmem:$0x910] =	vst v2  }
0x142: {  	v2 =	vld [tilespmem:s2+$0x410];
	_ =	sdelay $0x4  }
0x143: {  	[tilespmem:$0x990] =	vst v2  }
0x144: {  	v2 =	vld [tilespmem:s2+$0x20];
	_ =	sdelay $0x4  }
0x145: {  	v2 =	vshll.u32 v2, $0x1  }
0x146: {  	v2 =	vor.u32 v0, v2  }
0x147: {  	[tilespmem:$0x920] =	vst v2  }
0x148: {  	v2 =	vld [tilespmem:s2+$0x420];
	_ =	sdelay $0x4  }
0x149: {  	[tilespmem:$0x9A0] =	vst v2  }
0x14a: {  	v2 =	vld [tilespmem:s2+$0x30];
	_ =	sdelay $0x4  }
0x14b: {  	v2 =	vshll.u32 v2, $0x1  }
0x14c: {  	v2 =	vor.u32 v0, v2  }
0x14d: {  	[tilespmem:$0x930] =	vst v2  }
0x14e: {  	v2 =	vld [tilespmem:s2+$0x430];
	_ =	sdelay $0x4  }
0x14f: {  	[tilespmem:$0x9B0] =	vst v2  }
0x150: {  	v2 =	vld [tilespmem:s2+$0x40];
	_ =	sdelay $0x4  }
0x151: {  	v2 =	vshll.u32 v2, $0x1  }
0x152: {  	v2 =	vor.u32 v0, v2  }
0x153: {  	[tilespmem:$0x940] =	vst v2  }
0x154: {  	v2 =	vld [tilespmem:s2+$0x440];
	_ =	sdelay $0x4  }
0x155: {  	[tilespmem:$0x9C0] =	vst v2  }
0x156: {  	v2 =	vld [tilespmem:s2+$0x50];
	_ =	sdelay $0x4  }
0x157: {  	v2 =	vshll.u32 v2, $0x1  }
0x158: {  	v2 =	vor.u32 v0, v2  }
0x159: {  	[tilespmem:$0x950] =	vst v2  }
0x15a: {  	v2 =	vld [tilespmem:s2+$0x450];
	_ =	sdelay $0x4  }
0x15b: {  	[tilespmem:$0x9D0] =	vst v2  }
0x15c: {  	v2 =	vld [tilespmem:s2+$0x60];
	_ =	sdelay $0x4  }
0x15d: {  	v2 =	vshll.u32 v2, $0x1  }
0x15e: {  	v2 =	vor.u32 v0, v2  }
0x15f: {  	[tilespmem:$0x960] =	vst v2  }
0x160: {  	v2 =	vld [tilespmem:s2+$0x460];
	_ =	sdelay $0x4  }
0x161: {  	[tilespmem:$0x9E0] =	vst v2  }
0x162: {  	v2 =	vld [tilespmem:s2+$0x70];
	_ =	sdelay $0x4  }
0x163: {  	v2 =	vshll.u32 v2, $0x1  }
0x164: {  	v2 =	vor.u32 v0, v2  }
0x165: {  	[tilespmem:$0x970] =	vst v2  }
0x166: {  	v2 =	vld [tilespmem:s2+$0x470]  }
0x167: {  	s18 =	simm.s32 $0x4;
	s17 =	simm.s32 $0x280;
	s19 =	simm.s32 $0x6  }
.LBB2_6:
0x168: {  	s2 =	sadd.s32 $0xFFFFFF80, s17;
	s4 =	smov.u32 s19;
	s19 =	sadd.s32 $0x2, s19  }
0x169: {  	p1 =	sne.s32 s19, $0x4E;
	s2 =	sand.u32 $0x7C00, s2  }
0x16a: {  	s2 =	sadd.s32 s5, s2  }
0x16b: {  	s9 =	sand.u32 $0x6, s18;
	s18 =	smov.u32 s4;
	s10 =	smax.u32 s2, $0x26D00;
	[tilespmem:$0x9F0] =	vst v2  }
0x16c: {  	[tilespmem:s28], [sflag:$0x2] =	stream.indirect.gather [hbm4b:s0+s23], $0x80, s26, s23, $0xb8;
	[tilespmem:$0x1DF80] =	vst v63  }
0x16d: {  	p2 =	sne.s32 s9, $0x0;
	s4 =	sadd.s32 $0xFFFD9300, s10;
	_ =	swait.ge [sflag:s29], $0x4000  }
0x16e: {  	s2 =	ssub.s32 @!p2 s2, s4;
	[sflag:s29] =	ssyncset.done $0x0  }
0x16f: {  	s12 =	sshrl.u32 @!p2 s2, $0x3;
	s2 =	sadd.s32 @!p2 $0x27100, s2;
	[sflag:s29] =	ssyncadd.s32 $0xFFFFC000  }
0x170: {  	[spmem:s3] =	stream.indirect.scatter.add.f32 [tilespmem:s25], [sflag:$0x4], $0x80, s30, s23, $0xb8;
	[tilespmem:$0x1DF80] =	vst v63  }
0x171: {  	s13 =	simm.s32 @!p2 $0x4;
	s2 =	sshrl.u32 @!p2 s2, $0x3;
	_ =	swait.ge [sflag:s22], $0x4000  }
0x172: {  	s14 =	simm.s32 @!p2 $0x0;
	s12 =	sadd.s32 @!p2 s6, s12;
	[sflag:s22] =	ssyncset.done $0x0  }
0x173: {  	[sflag:s22] =	ssyncadd.s32 $0xFFFFC000  }
0x174: {  	[tilespmem:s14], [sflag:$0x4] =	stream.linear.gather @!p2 [hbm4b:s12+s14], $0x400, $0x38;
	[tilespmem:$0x1DF80] =	vst v63  }
0x175: {  	s9 =	sshll.u32 s9, $0x7;
	_ =	swait.ge @!p2 [sflag:s13], $0x400  }
0x176: {  	s7 =	simm.s32 @!p2 $0x400;
	s12 =	sadd.s32 @!p2 s6, s2;
	[sflag:s13] =	ssyncset.done @!p2 $0x0  }
0x177: {  	s2 =	sadd.s32 s9, s4;
	[sflag:s13] =	ssyncadd.s32 @!p2 $0xFFFFFC00  }
0x178: {  	[tilespmem:s7], [sflag:$0x4] =	stream.linear.gather @!p2 [hbm4b:s12+s14], $0x400, $0x38;
	[tilespmem:$0x1DF80] =	vst v63  }
0x179: {  	s4 =	sand.u32 $0xFFFFFF80, s2;
	s7 =	sand.u32 $0x70, s10;
	_ =	swait.ge @!p2 [sflag:s13], $0x400  }
0x17a: {  	s4 =	sor.u32 s7, s4;
	[sflag:s13] =	ssyncset.done @!p2 $0x0  }
0x17b: {  	[sflag:s13] =	ssyncadd.s32 @!p2 $0xFFFFFC00  }
0x17c: {  	v2 =	vld [tilespmem:s4+$0x0];
	_ =	sdelay $0x4  }
0x17d: {  	v2 =	vshll.u32 v2, $0x1  }
0x17e: {  	v2 =	vor.u32 v0, v2  }
0x17f: {  	[tilespmem:$0x800] =	vst v2  }
0x180: {  	v2 =	vld [tilespmem:s4+$0x400];
	_ =	sdelay $0x4  }
0x181: {  	[tilespmem:$0x880] =	vst v2  }
0x182: {  	v2 =	vld [tilespmem:s2+$0x10];
	_ =	sdelay $0x4  }
0x183: {  	v2 =	vshll.u32 v2, $0x1  }
0x184: {  	v2 =	vor.u32 v0, v2  }
0x185: {  	[tilespmem:$0x810] =	vst v2  }
0x186: {  	v2 =	vld [tilespmem:s2+$0x410];
	_ =	sdelay $0x4  }
0x187: {  	[tilespmem:$0x890] =	vst v2  }
0x188: {  	v2 =	vld [tilespmem:s2+$0x20];
	_ =	sdelay $0x4  }
0x189: {  	v2 =	vshll.u32 v2, $0x1  }
0x18a: {  	v2 =	vor.u32 v0, v2  }
0x18b: {  	[tilespmem:$0x820] =	vst v2  }
0x18c: {  	v2 =	vld [tilespmem:s2+$0x420];
	_ =	sdelay $0x4  }
0x18d: {  	[tilespmem:$0x8A0] =	vst v2  }
0x18e: {  	v2 =	vld [tilespmem:s2+$0x30];
	_ =	sdelay $0x4  }
0x18f: {  	v2 =	vshll.u32 v2, $0x1  }
0x190: {  	v2 =	vor.u32 v0, v2  }
0x191: {  	[tilespmem:$0x830] =	vst v2  }
0x192: {  	v2 =	vld [tilespmem:s2+$0x430];
	_ =	sdelay $0x4  }
0x193: {  	[tilespmem:$0x8B0] =	vst v2  }
0x194: {  	v2 =	vld [tilespmem:s2+$0x40];
	_ =	sdelay $0x4  }
0x195: {  	v2 =	vshll.u32 v2, $0x1  }
0x196: {  	v2 =	vor.u32 v0, v2  }
0x197: {  	[tilespmem:$0x840] =	vst v2  }
0x198: {  	v2 =	vld [tilespmem:s2+$0x440];
	_ =	sdelay $0x4  }
0x199: {  	[tilespmem:$0x8C0] =	vst v2  }
0x19a: {  	v2 =	vld [tilespmem:s2+$0x50];
	_ =	sdelay $0x4  }
0x19b: {  	v2 =	vshll.u32 v2, $0x1  }
0x19c: {  	v2 =	vor.u32 v0, v2  }
0x19d: {  	[tilespmem:$0x850] =	vst v2  }
0x19e: {  	v2 =	vld [tilespmem:s2+$0x450];
	_ =	sdelay $0x4  }
0x19f: {  	[tilespmem:$0x8D0] =	vst v2  }
0x1a0: {  	v2 =	vld [tilespmem:s2+$0x60];
	_ =	sdelay $0x4  }
0x1a1: {  	v2 =	vshll.u32 v2, $0x1  }
0x1a2: {  	v2 =	vor.u32 v0, v2  }
0x1a3: {  	[tilespmem:$0x860] =	vst v2  }
0x1a4: {  	v2 =	vld [tilespmem:s2+$0x460];
	_ =	sdelay $0x4  }
0x1a5: {  	[tilespmem:$0x8E0] =	vst v2  }
0x1a6: {  	v2 =	vld [tilespmem:s2+$0x70];
	_ =	sdelay $0x4  }
0x1a7: {  	v2 =	vshll.u32 v2, $0x1  }
0x1a8: {  	v2 =	vor.u32 v0, v2  }
0x1a9: {  	[tilespmem:$0x870] =	vst v2  }
0x1aa: {  	v2 =	vld [tilespmem:s2+$0x470];
	_ =	sdelay $0x4  }
0x1ab: {  	s2 =	sand.u32 $0x7C00, s17;
	[tilespmem:$0x8F0] =	vst v2  }
0x1ac: {  	[tilespmem:s25], [sflag:$0x1] =	stream.indirect.gather [hbm4b:s0+s23], $0x80, s24, s23, $0xb8;
	[tilespmem:$0x1DF80] =	vst v63  }
0x1ad: {  	s2 =	sadd.s32 s5, s2;
	_ =	swait.ge [sflag:s31], $0x4000  }
0x1ae: {  	s4 =	smax.u32 s2, $0x26D00;
	s2 =	sand.u32 $0x380, s17;
	[sflag:s31] =	ssyncset.done $0x0  }
0x1af: {  	s2 =	sadd.s32 s4, s2;
	[sflag:s31] =	ssyncadd.s32 $0xFFFFC000  }
0x1b0: {  	[spmem:s3] =	stream.indirect.scatter.add.f32 [tilespmem:s28], [sflag:$0x4], $0x80, s1, s23, $0xb8;
	[tilespmem:$0x1DF80] =	vst v63  }
0x1b1: {  	s4 =	sand.u32 $0x70, s4;
	s2 =	sadd.s32 $0xFFFD9300, s2;
	_ =	swait.ge [sflag:s22], $0x4000  }
0x1b2: {  	s7 =	sand.u32 $0xFFFFFF80, s2;
	[sflag:s22] =	ssyncset.done $0x0  }
0x1b3: {  	s4 =	sor.u32 s4, s7;
	[sflag:s22] =	ssyncadd.s32 $0xFFFFC000  }
0x1b4: {  	v2 =	vld [tilespmem:s4+$0x0];
	_ =	sdelay $0x4  }
0x1b5: {  	v2 =	vshll.u32 v2, $0x1  }
0x1b6: {  	v2 =	vor.u32 v0, v2  }
0x1b7: {  	[tilespmem:$0x900] =	vst v2  }
0x1b8: {  	v2 =	vld [tilespmem:s4+$0x400];
	_ =	sdelay $0x4  }
0x1b9: {  	[tilespmem:$0x980] =	vst v2  }
0x1ba: {  	v2 =	vld [tilespmem:s2+$0x10];
	_ =	sdelay $0x4  }
0x1bb: {  	v2 =	vshll.u32 v2, $0x1  }
0x1bc: {  	v2 =	vor.u32 v0, v2  }
0x1bd: {  	[tilespmem:$0x910] =	vst v2  }
0x1be: {  	v2 =	vld [tilespmem:s2+$0x410];
	_ =	sdelay $0x4  }
0x1bf: {  	[tilespmem:$0x990] =	vst v2  }
0x1c0: {  	v2 =	vld [tilespmem:s2+$0x20];
	_ =	sdelay $0x4  }
0x1c1: {  	v2 =	vshll.u32 v2, $0x1  }
0x1c2: {  	v2 =	vor.u32 v0, v2  }
0x1c3: {  	[tilespmem:$0x920] =	vst v2  }
0x1c4: {  	v2 =	vld [tilespmem:s2+$0x420];
	_ =	sdelay $0x4  }
0x1c5: {  	[tilespmem:$0x9A0] =	vst v2  }
0x1c6: {  	v2 =	vld [tilespmem:s2+$0x30];
	_ =	sdelay $0x4  }
0x1c7: {  	v2 =	vshll.u32 v2, $0x1  }
0x1c8: {  	v2 =	vor.u32 v0, v2  }
0x1c9: {  	[tilespmem:$0x930] =	vst v2  }
0x1ca: {  	v2 =	vld [tilespmem:s2+$0x430];
	_ =	sdelay $0x4  }
0x1cb: {  	[tilespmem:$0x9B0] =	vst v2  }
0x1cc: {  	v2 =	vld [tilespmem:s2+$0x40];
	_ =	sdelay $0x4  }
0x1cd: {  	v2 =	vshll.u32 v2, $0x1  }
0x1ce: {  	v2 =	vor.u32 v0, v2  }
0x1cf: {  	[tilespmem:$0x940] =	vst v2  }
0x1d0: {  	v2 =	vld [tilespmem:s2+$0x440];
	_ =	sdelay $0x4  }
0x1d1: {  	[tilespmem:$0x9C0] =	vst v2  }
0x1d2: {  	v2 =	vld [tilespmem:s2+$0x50];
	_ =	sdelay $0x4  }
0x1d3: {  	v2 =	vshll.u32 v2, $0x1  }
0x1d4: {  	v2 =	vor.u32 v0, v2  }
0x1d5: {  	[tilespmem:$0x950] =	vst v2  }
0x1d6: {  	v2 =	vld [tilespmem:s2+$0x450];
	_ =	sdelay $0x4  }
0x1d7: {  	[tilespmem:$0x9D0] =	vst v2  }
0x1d8: {  	v2 =	vld [tilespmem:s2+$0x60];
	_ =	sdelay $0x4  }
0x1d9: {  	v2 =	vshll.u32 v2, $0x1  }
0x1da: {  	v2 =	vor.u32 v0, v2  }
0x1db: {  	[tilespmem:$0x960] =	vst v2  }
0x1dc: {  	v2 =	vld [tilespmem:s2+$0x460];
	_ =	sdelay $0x4  }
0x1dd: {  	[tilespmem:$0x9E0] =	vst v2  }
0x1de: {  	v2 =	vld [tilespmem:s2+$0x70];
	_ =	sdelay $0x4  }
.Ltmp2:
0x1df: {  	v2 =	vshll.u32 v2, $0x1;
	(pc) =	sbr.rel @p1 .LBB2_6-.Ltmp2, $4  }
0x1e0: {  	v2 =	vor.u32 v0, v2  }
0x1e1: {  	[tilespmem:$0x970] =	vst v2  }
0x1e2: {  	v2 =	vld [tilespmem:s2+$0x470]  }
0x1e3: {  	s17 =	sadd.s32 $0x100, s17  }
0x1e4: {  	_ =	sdelay $0x1  }
0x1e5: {  	s2 =	sadd.s32 $0xFFFFFF80, s17  }
0x1e6: {  	s2 =	sand.u32 $0x7C00, s2;
	[tilespmem:$0x9F0] =	vst v2  }
0x1e7: {  	[tilespmem:s28], [sflag:$0x2] =	stream.indirect.gather [hbm4b:s0+s23], $0x80, s26, s23, $0xb8;
	[tilespmem:$0x1DF80] =	vst v63  }
0x1e8: {  	s2 =	sadd.s32 s5, s2;
	_ =	swait.ge [sflag:s29], $0x4000  }
0x1e9: {  	s4 =	sand.u32 $0x6, s18;
	s7 =	smax.u32 s2, $0x26D00;
	[sflag:s29] =	ssyncset.done $0x0  }
0x1ea: {  	p1 =	sne.s32 s4, $0x0;
	s9 =	sadd.s32 $0xFFFD9300, s7;
	[sflag:s29] =	ssyncadd.s32 $0xFFFFC000  }
0x1eb: {  	[spmem:s3] =	stream.indirect.scatter.add.f32 [tilespmem:s25], [sflag:$0x4], $0x80, s30, s23, $0xb8;
	[tilespmem:$0x1DF80] =	vst v63  }
0x1ec: {  	s2 =	ssub.s32 @!p1 s2, s9;
	_ =	swait.ge [sflag:s22], $0x4000  }
0x1ed: {  	s12 =	simm.s32 @!p1 $0x4;
	s10 =	sshrl.u32 @!p1 s2, $0x3;
	[sflag:s22] =	ssyncset.done $0x0  }
0x1ee: {  	s13 =	simm.s32 @!p1 $0x0;
	s10 =	sadd.s32 @!p1 s6, s10;
	[sflag:s22] =	ssyncadd.s32 $0xFFFFC000  }
0x1ef: {  	[tilespmem:s13], [sflag:$0x4] =	stream.linear.gather @!p1 [hbm4b:s10+s13], $0x400, $0x38;
	[tilespmem:$0x1DF80] =	vst v63  }
0x1f0: {  	s2 =	sadd.s32 @!p1 $0x27100, s2;
	_ =	swait.ge @!p1 [sflag:s12], $0x400  }
0x1f1: {  	s18 =	sshll.u32 s4, $0x7;
	s2 =	sshrl.u32 @!p1 s2, $0x3;
	[sflag:s12] =	ssyncset.done @!p1 $0x0  }
0x1f2: {  	s2 =	sadd.s32 @!p1 s6, s2;
	s10 =	simm.s32 @!p1 $0x400;
	[sflag:s12] =	ssyncadd.s32 @!p1 $0xFFFFFC00  }
0x1f3: {  	[tilespmem:s10], [sflag:$0x4] =	stream.linear.gather @!p1 [hbm4b:s2+s13], $0x400, $0x38;
	[tilespmem:$0x1DF80] =	vst v63  }
0x1f4: {  	s2 =	sadd.s32 s18, s9;
	_ =	swait.ge @!p1 [sflag:s12], $0x400  }
0x1f5: {  	s7 =	sand.u32 $0x70, s7;
	s19 =	sand.u32 $0xFFFFFF80, s2;
	[sflag:s12] =	ssyncset.done @!p1 $0x0  }
0x1f6: {  	s4 =	sor.u32 s7, s19;
	[sflag:s12] =	ssyncadd.s32 @!p1 $0xFFFFFC00  }
0x1f7: {  	v2 =	vld [tilespmem:s4+$0x0];
	_ =	sdelay $0x4  }
0x1f8: {  	v2 =	vshll.u32 v2, $0x1  }
0x1f9: {  	v2 =	vor.u32 v0, v2  }
0x1fa: {  	[tilespmem:$0x800] =	vst v2  }
0x1fb: {  	v2 =	vld [tilespmem:s4+$0x400];
	_ =	sdelay $0x4  }
0x1fc: {  	[tilespmem:$0x880] =	vst v2  }
0x1fd: {  	v2 =	vld [tilespmem:s2+$0x10];
	_ =	sdelay $0x4  }
0x1fe: {  	v2 =	vshll.u32 v2, $0x1  }
0x1ff: {  	v2 =	vor.u32 v0, v2  }
0x200: {  	[tilespmem:$0x810] =	vst v2  }
0x201: {  	v2 =	vld [tilespmem:s2+$0x410];
	_ =	sdelay $0x4  }
0x202: {  	[tilespmem:$0x890] =	vst v2  }
0x203: {  	v2 =	vld [tilespmem:s2+$0x20];
	_ =	sdelay $0x4  }
0x204: {  	v2 =	vshll.u32 v2, $0x1  }
0x205: {  	v2 =	vor.u32 v0, v2  }
0x206: {  	[tilespmem:$0x820] =	vst v2  }
0x207: {  	v2 =	vld [tilespmem:s2+$0x420];
	_ =	sdelay $0x4  }
0x208: {  	[tilespmem:$0x8A0] =	vst v2  }
0x209: {  	v2 =	vld [tilespmem:s2+$0x30];
	_ =	sdelay $0x4  }
0x20a: {  	v2 =	vshll.u32 v2, $0x1  }
0x20b: {  	v2 =	vor.u32 v0, v2  }
0x20c: {  	[tilespmem:$0x830] =	vst v2  }
0x20d: {  	v2 =	vld [tilespmem:s2+$0x430];
	_ =	sdelay $0x4  }
0x20e: {  	[tilespmem:$0x8B0] =	vst v2  }
0x20f: {  	v2 =	vld [tilespmem:s2+$0x40];
	_ =	sdelay $0x4  }
0x210: {  	v2 =	vshll.u32 v2, $0x1  }
0x211: {  	v2 =	vor.u32 v0, v2  }
0x212: {  	[tilespmem:$0x840] =	vst v2  }
0x213: {  	v2 =	vld [tilespmem:s2+$0x440];
	_ =	sdelay $0x4  }
0x214: {  	[tilespmem:$0x8C0] =	vst v2  }
0x215: {  	v2 =	vld [tilespmem:s2+$0x50];
	_ =	sdelay $0x4  }
0x216: {  	v2 =	vshll.u32 v2, $0x1  }
0x217: {  	v2 =	vor.u32 v0, v2  }
0x218: {  	[tilespmem:$0x850] =	vst v2  }
0x219: {  	v2 =	vld [tilespmem:s2+$0x450];
	_ =	sdelay $0x4  }
0x21a: {  	[tilespmem:$0x8D0] =	vst v2  }
0x21b: {  	v2 =	vld [tilespmem:s2+$0x60];
	_ =	sdelay $0x4  }
0x21c: {  	v2 =	vshll.u32 v2, $0x1  }
0x21d: {  	v2 =	vor.u32 v0, v2  }
0x21e: {  	[tilespmem:$0x860] =	vst v2  }
0x21f: {  	v2 =	vld [tilespmem:s2+$0x460];
	_ =	sdelay $0x4  }
0x220: {  	[tilespmem:$0x8E0] =	vst v2  }
0x221: {  	v2 =	vld [tilespmem:s2+$0x70];
	_ =	sdelay $0x4  }
0x222: {  	v2 =	vshll.u32 v2, $0x1  }
0x223: {  	v2 =	vor.u32 v0, v2  }
0x224: {  	[tilespmem:$0x870] =	vst v2  }
0x225: {  	v2 =	vld [tilespmem:s2+$0x470];
	_ =	sdelay $0x4  }
0x226: {  	s9 =	sand.u32 $0x7C00, s17;
	[tilespmem:$0x8F0] =	vst v2  }
0x227: {  	[tilespmem:s25], [sflag:$0x1] =	stream.indirect.gather [hbm4b:s0+s23], $0x80, s24, s23, $0xb8;
	[tilespmem:$0x1DF80] =	vst v63  }
0x228: {  	s2 =	sadd.s32 s5, s9;
	_ =	swait.ge [sflag:s31], $0x4000  }
0x229: {  	s10 =	sand.u32 $0x380, s17;
	s2 =	smax.u32 s2, $0x26D00;
	[sflag:s31] =	ssyncset.done $0x0  }
0x22a: {  	s4 =	sadd.s32 s2, s10;
	[sflag:s31] =	ssyncadd.s32 $0xFFFFC000  }
0x22b: {  	[spmem:s3] =	stream.indirect.scatter.add.f32 [tilespmem:s28], [sflag:$0x4], $0x80, s1, s23, $0xb8;
	[tilespmem:$0x1DF80] =	vst v63  }
0x22c: {  	s4 =	sadd.s32 $0xFFFD9300, s4;
	_ =	swait.ge [sflag:s22], $0x4000  }
0x22d: {  	s2 =	sand.u32 $0x70, s2;
	s12 =	sand.u32 $0xFFFFFF80, s4;
	[sflag:s22] =	ssyncset.done $0x0  }
0x22e: {  	s2 =	sor.u32 s2, s12;
	[sflag:s22] =	ssyncadd.s32 $0xFFFFC000  }
0x22f: {  	v2 =	vld [tilespmem:s2+$0x0];
	_ =	sdelay $0x4  }
0x230: {  	v2 =	vshll.u32 v2, $0x1  }
0x231: {  	v2 =	vor.u32 v0, v2  }
0x232: {  	[tilespmem:$0x900] =	vst v2  }
0x233: {  	v2 =	vld [tilespmem:s2+$0x400];
	_ =	sdelay $0x4  }
0x234: {  	[tilespmem:$0x980] =	vst v2  }
0x235: {  	v2 =	vld [tilespmem:s4+$0x10];
	_ =	sdelay $0x4  }
0x236: {  	v2 =	vshll.u32 v2, $0x1  }
0x237: {  	v2 =	vor.u32 v0, v2  }
0x238: {  	[tilespmem:$0x910] =	vst v2  }
0x239: {  	v2 =	vld [tilespmem:s4+$0x410];
	_ =	sdelay $0x4  }
0x23a: {  	[tilespmem:$0x990] =	vst v2  }
0x23b: {  	v2 =	vld [tilespmem:s4+$0x20];
	_ =	sdelay $0x4  }
0x23c: {  	v2 =	vshll.u32 v2, $0x1  }
0x23d: {  	v2 =	vor.u32 v0, v2  }
0x23e: {  	[tilespmem:$0x920] =	vst v2  }
0x23f: {  	v2 =	vld [tilespmem:s4+$0x420];
	_ =	sdelay $0x4  }
0x240: {  	[tilespmem:$0x9A0] =	vst v2  }
0x241: {  	v2 =	vld [tilespmem:s4+$0x30];
	_ =	sdelay $0x4  }
0x242: {  	v2 =	vshll.u32 v2, $0x1  }
0x243: {  	v2 =	vor.u32 v0, v2  }
0x244: {  	[tilespmem:$0x930] =	vst v2  }
0x245: {  	v2 =	vld [tilespmem:s4+$0x430];
	_ =	sdelay $0x4  }
0x246: {  	[tilespmem:$0x9B0] =	vst v2  }
0x247: {  	v2 =	vld [tilespmem:s4+$0x40];
	_ =	sdelay $0x4  }
0x248: {  	v2 =	vshll.u32 v2, $0x1  }
0x249: {  	v2 =	vor.u32 v0, v2  }
0x24a: {  	[tilespmem:$0x940] =	vst v2  }
0x24b: {  	v2 =	vld [tilespmem:s4+$0x440];
	_ =	sdelay $0x4  }
0x24c: {  	[tilespmem:$0x9C0] =	vst v2  }
0x24d: {  	v2 =	vld [tilespmem:s4+$0x50];
	_ =	sdelay $0x4  }
0x24e: {  	v2 =	vshll.u32 v2, $0x1  }
0x24f: {  	v2 =	vor.u32 v0, v2  }
0x250: {  	[tilespmem:$0x950] =	vst v2  }
0x251: {  	v2 =	vld [tilespmem:s4+$0x450];
	_ =	sdelay $0x4  }
0x252: {  	[tilespmem:$0x9D0] =	vst v2  }
0x253: {  	v2 =	vld [tilespmem:s4+$0x60];
	_ =	sdelay $0x4  }
0x254: {  	v2 =	vshll.u32 v2, $0x1  }
0x255: {  	v2 =	vor.u32 v0, v2  }
0x256: {  	[tilespmem:$0x960] =	vst v2  }
0x257: {  	v2 =	vld [tilespmem:s4+$0x460];
	_ =	sdelay $0x4  }
0x258: {  	[tilespmem:$0x9E0] =	vst v2  }
0x259: {  	v2 =	vld [tilespmem:s4+$0x70];
	_ =	sdelay $0x4  }
0x25a: {  	v2 =	vshll.u32 v2, $0x1  }
0x25b: {  	v2 =	vor.u32 v0, v2  }
0x25c: {  	[tilespmem:$0x970] =	vst v2  }
0x25d: {  	v2 =	vld [tilespmem:s4+$0x470];
	_ =	sdelay $0x4  }
0x25e: {  	[tilespmem:$0x9F0] =	vst v2  }
0x25f: {  	[tilespmem:s28], [sflag:$0x2] =	stream.indirect.gather [hbm4b:s0+s23], $0x80, s26, s23, $0xb8;
	[tilespmem:$0x1DF80] =	vst v63  }
0x260: {  	_ =	swait.ge [sflag:s29], $0x4000  }
0x261: {  	[sflag:s29] =	ssyncset.done $0x0  }
0x262: {  	[sflag:s29] =	ssyncadd.s32 $0xFFFFC000  }
0x263: {  	[spmem:s3] =	stream.indirect.scatter.add.f32 [tilespmem:s25], [sflag:$0x4], $0x80, s30, s23, $0xb8;
	[tilespmem:$0x1DF80] =	vst v63  }
0x264: {  	_ =	swait.ge [sflag:s22], $0x4000  }
0x265: {  	[sflag:s22] =	ssyncset.done $0x0  }
0x266: {  	[sflag:s22] =	ssyncadd.s32 $0xFFFFC000  }
0x267: {  	_ =	swait.ge [sflag:s31], $0x4000  }
0x268: {  	[sflag:s31] =	ssyncset.done $0x0  }
0x269: {  	[sflag:s31] =	ssyncadd.s32 $0xFFFFC000  }
0x26a: {  	[spmem:s3] =	stream.indirect.scatter.add.f32 [tilespmem:s28], [sflag:$0x4], $0x80, s1, s23, $0xb8;
	[tilespmem:$0x1DF80] =	vst v63  }
0x26b: {  	_ =	swait.ge [sflag:s22], $0x4000  }
0x26c: {  	[sflag:s22] =	ssyncset.done $0x0  }
0x26d: {  	[sflag:s22] =	ssyncadd.s32 $0xFFFFC000  }
0x26e: {  	v2 =	vld [tilespmem:s8+$0x300];
	_ =	sdelay $0x4  }
0x26f: {  	v2 =	vshll.u32 v2, $0x1  }
0x270: {  	v2 =	vor.u32 v0, v2  }
0x271: {  	s13 =	rddreg [dreg:$0x6];
	[tilespmem:$0x1D680] =	vst v2  }
0x272: {  	v2 =	vld [tilespmem:s13+$0x400];
	_ =	sdelay $0x4  }
0x273: {  	s14 =	simm.s32 $0x10;
	s17 =	simm.s32 $0x1D680;
	[tilespmem:$0x1D700] =	vst v2  }
0x274: {  	[tilespmem:s15], [sflag:$0x1] =	stream.indirect.gather [hbm4b:s0+s14], $0x80, s17, s14, $0xb8;
	[tilespmem:$0x1DF80] =	vst v63  }
0x275: {  	_ =	swait.ge [sflag:s29], $0x800  }
0x276: {  	[sflag:s29] =	ssyncset.done $0x0  }
0x277: {  	s18 =	simm.s32 $0x1D700;
	[sflag:s29] =	ssyncadd.s32 $0xFFFFF800  }
0x278: {  	[spmem:s3] =	stream.indirect.scatter.add.f32 [tilespmem:s15], [sflag:$0x4], $0x80, s18, s14, $0xb8;
	[tilespmem:$0x1DF80] =	vst v63  }
0x279: {  	_ =	swait.ge [sflag:s22], $0x800  }
0x27a: {  	[sflag:s22] =	ssyncset.done $0x0  }
0x27b: {  	s2 =	stileid.u32;
	[sflag:s22] =	ssyncadd.s32 $0xFFFFF800  }
0x27c: {  	s2 =	sshll.u32 @!p0 s2, $0x6;
	[bflag:$0x0] =	sbarrier.arrive $0xFFFF  }
0x27d: {  	s2 =	sor.u32 @!p0 $0x1C04, s2;
	s4 =	sshrl.u32 @!p0 s11, $0x3;
	s7 =	rddreg [dreg:$0x7]  }
0x27e: {  	[hbm:s7], [sflag:s2] =	dma.local @!p0 [spmem:s4], $0x3E80  }
0x27f: {  	s2 =	simm.s32 @!p0 $0x4  }
0x280: {  	_ =	swait.ge @!p0 [sflag:s2], $0x3E80  }
0x281: {  	s16 =	sadd.s32 $0x1, s16;
	s19 =	rddreg [dreg:$0x8]  }
0x282: {  	p1 =	sne.s32 s16, s19  }
.Ltmp3:
0x283: {  	_ = 	snop;
	(pc) =	sbr.rel @p1 .LBB2_1-.Ltmp3, $3  }
0x284: {  	_ =	sdelay $0x1  }
0x285: {  	[sflag:s2] =	ssyncset.done @!p0 $0x0  }
0x286: {  	[sflag:s2] =	ssyncadd.s32 @!p0 $0xFFFFC180  }
0x287: {  	_ =	sfence.sel $0x180000  }
0x288: {  	[bflag:$0x0] =	sbarrier.arrive $0xFFFF  }
0x289: {  	_ =	strace $0x90000047  }
0x28a: {  	s0 =	stileid.u32;
	[bflag:$0x2] =	sbarrier.arrive $0xFFFF  }
0x28b: {  	p0 =	sne.s32 s0, $0x0;
	s0 =	rddreg [dreg:$0x3]  }
0x28c: {  	s0 =	sadd.s32 @!p0 $0x100000, s0  }
0x28d: {  	[sflag:s0] =	ssyncadd.tile.s32 @!p0 $0x1;
	_ =	shalt  }
.Lfunc_end2:
_tile_overlayer_lowered:
.L_overlay_start_2:
0x28e: {  	(tag) =	ssettag $0x2  }
0x28f: {  	s0 =	rddreg [dreg:$0x0];
	s2 =	stileid.u32  }
0x290: {  	s1 =	rddreg [dreg:$0x1];
	p0 =	sne.s32 s2, $0x0  }
0x291: {  	s3 =	rddreg [dreg:$0x2];
	[bflag:$0x3] =	sbarrier.arrive $0xFFFF;
	s2 =	simm.s32 @!p0 $0x1C04  }
0x292: {  	[timem:s3], [sflag:s2] =	dma.local @!p0 [hbm:s0], s1  }
0x293: {  	s0 =	simm.s32 @!p0 $0x4  }
0x294: {  	_ =	swait.ge @!p0 [sflag:s0], s1  }
0x295: {  	s1 =	ssub.s32 @!p0 $0x0, s1;
	[sflag:s0] =	ssyncset.done @!p0 $0x0  }
0x296: {  	[sflag:s0] =	ssyncadd.s32 @!p0 s1  }
0x297: {  	[bflag:$0x3] =	sbarrier.arrive $0xFFFF  }
0x298: {  	_ =	shalt  }

// kernel: kernel.9.cloned.1.call-start
scs
__scs_entry_jumppad:
0x0: {  	(pc) =	sbr.rel $0x88, $3  }
0x1: {  	(tag) =	ssettag $0x0;
	lr =	simm.s32 $0x1  }
0x2: {  	[smem:$0x3F97] =	sst lr;
	_ =	strace $0xD0000000  }
0x3: {  	_ = 	snop  }
0x4: {  	_ = 	snop  }
0x5: {  	_ = 	snop  }
0x6: {  	_ = 	snop  }
0x7: {  	_ = 	snop  }
__scs_overlays_trampoline_lowered:
0x8: {  	[smem:$0x3FA6] =	sst s0  }
0x9: {  	[smem:$0x3FA7] =	sst s1  }
0xa: {  	[smem:$0x3FA8] =	sst s2  }
0xb: {  	[smem:$0x3FA9] =	sst s3  }
0xc: {  	[smem:$0x3FAA] =	sst s4  }
0xd: {  	[smem:$0x3FAB] =	sst s5  }
0xe: {  	[smem:$0x3FAC] =	sst s6  }
0xf: {  	[smem:$0x3FAD] =	sst s7  }
0x10: {  	[smem:$0x3FAE] =	sst s8  }
0x11: {  	[smem:$0x3FAF] =	sst s9;
	s0 =	simm.s32 @!p0 $0x0  }
0x12: {  	s1 =	sld [smem:$0x3F95];
	s0 =	simm.s32 @p0 $0x1  }
0x13: {  	[smem:$0x3FB0] =	sst s0;
	s0 =	simm.s32 @!p1 $0x0  }
0x14: {  	s2 =	sld [smem:$0x3F94];
	s0 =	simm.s32 @p1 $0x1  }
0x15: {  	[smem:$0x3FB1] =	sst s0;
	s0 =	simm.s32 @!p2 $0x0  }
0x16: {  	s3 =	sld [smem:$0x3FDB];
	s0 =	simm.s32 @p2 $0x1  }
0x17: {  	s4 =	simm.s32 $0x1BF5;
	[smem:$0x3FB3] =	sst s0  }
0x18: {  	s0 =	sld [smem:$0x3F96];
	_ =	swait.ge [sflag:s4], $0x0  }
0x19: {  	s7 =	sld [smem:$0x3F97]  }
0x1a: {  	s8 =	sadd.s32 $0xFFFFE003, lr  }
0x1b: {  	s9 =	sadd.s32 $0xFFFFFEF7, lr;
	s5 =	simm.s32 $0xFFFFFFFF;
	p2 =	slt.u32 s8, $0xFFFFF086  }
0x1c: {  	p1 =	slt.u32 s9, $0xF7A;
	s5 =	simm.s32 @!p2 $0x0  }
0x1d: {  	s5 =	simm.s32 @p1 $0x1;
	p0 =	seq.s32 s7, s2  }
0x1e: {  	s7 =	smul.u32 @!p0 $0xF7A, s2;
	p2 =	seq.s32 @!p0 s5, $0x0  }
0x1f: {  	s9 =	smul.u32 $0xF7A, s1;
	s8 =	simm.s32 @!p0 $0x1BF5;
	p2 =	por !p2, p0  }
0x20: {  	[sflag:s8] =	ssyncset.s32 @!p0 $0xFFFFF086;
	s6 =	sadd.s32 @!p0 s3, s7;
	s7 =	simm.s32 @!p0 $0x108  }
0x21: {  	s3 =	sadd.s32 s3, s9;
	s6 =	sadd.s32 @!p0 $0x88, s6;
	s7 =	simm.s32 @p2 $0x1082  }
0x22: {  	[simem:s7], [sflag:s8] =	dma.local @!p0 [hbm:s6], $0xF7A  }
0x23: {  	s9 =	sor.u32 $0xD0000000, s2;
	s6 =	simm.s32 $0x108;
	_ =	swait.ge @!p0 [sflag:s8], $0x0  }
0x24: {  	s3 =	sadd.s32 $0x88, s3;
	s6 =	simm.s32 @!p1 $0x1082;
	[sflag:s4] =	ssyncset.s32 $0xFFFFF086  }
0x25: {  	[simem:s6], [sflag:s4] =	dma.local [hbm:s3], $0xF7A  }
0x26: {  	[smem:$0x3F97] =	sst s1;
	(tag) =	ssettag s2;
	_ =	strace s9  }
0x27: {  	s1 =	sld [smem:$0x3FA7]  }
0x28: {  	s2 =	sld [smem:$0x3FA8]  }
0x29: {  	s4 =	sld [smem:$0x3FAA]  }
0x2a: {  	p0 =	seq.s32 s5, $0x0;
	s5 =	sld [smem:$0x3FAB]  }
0x2b: {  	s6 =	sld [smem:$0x3FAC]  }
0x2c: {  	s7 =	sld [smem:$0x3FAD]  }
0x2d: {  	s3 =	simm.s32 $0x108;
	s8 =	sld [smem:$0x3FAE]  }
0x2e: {  	s3 =	simm.s32 @!p0 $0x1082;
	s9 =	sld [smem:$0x3FAF]  }
0x2f: {  	lr =	sadd.s32 s0, s3;
	s0 =	sld [smem:$0x3FA6]  }
0x30: {  	s3 =	sld [smem:$0x3FA9]  }
0x31: {  	[smem:$0x3FB2] =	sst s10  }
0x32: {  	s10 =	sld [smem:$0x3FB0];
	_ =	sdelay $0x3  }
0x33: {  	p0 =	seq.s32 s10, $0x1;
	s10 =	sld [smem:$0x3FB2];
	_ =	sdelay $0x3  }
0x34: {  	[smem:$0x3FB2] =	sst s10  }
0x35: {  	s10 =	sld [smem:$0x3FB1];
	_ =	sdelay $0x3  }
0x36: {  	p1 =	seq.s32 s10, $0x1;
	s10 =	sld [smem:$0x3FB2];
	_ =	sdelay $0x3  }
0x37: {  	[smem:$0x3FB2] =	sst s10  }
0x38: {  	s10 =	sld [smem:$0x3FB3]  }
0x39: {  	_ = 	snop;
	(pc) =	sbr.ind lr, $3  }
0x3a: {  	_ = 	snop  }
0x3b: {  	_ = 	snop  }
0x3c: {  	p2 =	seq.s32 s10, $0x1;
	s10 =	sld [smem:$0x3FB2]  }
0x3d: {  	_ =	shalt  }
0x3e: {  	_ =	shalt  }
0x3f: {  	_ =	shalt  }
0x40: {  	_ =	shalt  }
0x41: {  	_ =	shalt  }
0x42: {  	_ =	shalt  }
0x43: {  	_ =	shalt  }
0x44: {  	_ =	shalt  }
0x45: {  	_ =	shalt  }
0x46: {  	_ =	shalt  }
0x47: {  	_ =	shalt  }
0x48: {  	_ =	shalt  }
0x49: {  	_ =	shalt  }
0x4a: {  	_ =	shalt  }
0x4b: {  	_ =	shalt  }
0x4c: {  	_ =	shalt  }
0x4d: {  	_ =	shalt  }
0x4e: {  	_ =	shalt  }
0x4f: {  	_ =	shalt  }
0x50: {  	_ =	shalt  }
0x51: {  	_ =	shalt  }
0x52: {  	_ =	shalt  }
0x53: {  	_ =	shalt  }
0x54: {  	_ =	shalt  }
0x55: {  	_ =	shalt  }
0x56: {  	_ =	shalt  }
0x57: {  	_ =	shalt  }
0x58: {  	_ =	shalt  }
0x59: {  	_ =	shalt  }
0x5a: {  	_ =	shalt  }
0x5b: {  	_ =	shalt  }
0x5c: {  	_ =	shalt  }
0x5d: {  	_ =	shalt  }
0x5e: {  	_ =	shalt  }
0x5f: {  	_ =	shalt  }
0x60: {  	_ =	shalt  }
0x61: {  	_ =	shalt  }
0x62: {  	_ =	shalt  }
0x63: {  	_ =	shalt  }
0x64: {  	_ =	shalt  }
0x65: {  	_ =	shalt  }
0x66: {  	_ =	shalt  }
0x67: {  	_ =	shalt  }
0x68: {  	_ =	shalt  }
0x69: {  	_ =	shalt  }
0x6a: {  	_ =	shalt  }
0x6b: {  	_ =	shalt  }
0x6c: {  	_ =	shalt  }
0x6d: {  	_ =	shalt  }
0x6e: {  	_ =	shalt  }
0x6f: {  	_ =	shalt  }
0x70: {  	_ =	shalt  }
0x71: {  	_ =	shalt  }
0x72: {  	_ =	shalt  }
0x73: {  	_ =	shalt  }
0x74: {  	_ =	shalt  }
0x75: {  	_ =	shalt  }
0x76: {  	_ =	shalt  }
0x77: {  	_ =	shalt  }
0x78: {  	_ =	shalt  }
0x79: {  	_ =	shalt  }
0x7a: {  	_ =	shalt  }
0x7b: {  	_ =	shalt  }
0x7c: {  	_ =	shalt  }
0x7d: {  	_ =	shalt  }
0x7e: {  	_ =	shalt  }
0x7f: {  	_ =	shalt  }
0x80: {  	_ =	shalt  }
0x81: {  	_ =	shalt  }
0x82: {  	_ =	shalt  }
0x83: {  	_ =	shalt  }
0x84: {  	_ =	shalt  }
0x85: {  	_ =	shalt  }
0x86: {  	_ =	shalt  }
0x87: {  	_ =	shalt  }
.Lfunc_end0:
.L_simem_size_0:
called_computation.1_lowered:
.L_overlay_start_0:
0x88: {  	s2 =	sld [smem:$0x3FD9]  }
0x89: {  	s3 =	sld [smem:$0x3FFE];
	_ =	sdelay $0x1  }
0x8a: {  	s1 =	srdreg.scid  }
0x8b: {  	s0 =	sand.u32 $0x1, s1  }
0x8c: {  	s17 =	sshll.u32 s0, $0xA;
	s2 =	sadd.s32 s3, s2  }
0x8d: {  	s2 =	sadd.s32 s2, s17  }
0x8e: {  	[smem:$0x3FBE] =	sst s2  }
0x8f: {  	_ = 	snop  }
0x90: {  	s2 =	sld [smem:$0x3FD0];
	(tm) =	ssettm $0x1  }
0x91: {  	s18 =	sld [smem:$0x3FFB];
	_ =	sdelay $0x3  }
0x92: {  	_ =	strace s18  }
0x93: {  	s3 =	sld [smem:$0x3FFC];
	_ =	sdelay $0x3  }
0x94: {  	_ =	strace s3  }
0x95: {  	s3 =	sld [smem:$0x3FFD];
	_ =	sdelay $0x3  }
0x96: {  	_ =	strace s3  }
0x97: {  	_ =	strace $0x8FFFFFFF  }
0x98: {  	s19 =	sld [smem:$0x3FDB];
	_ =	sdelay $0x1  }
0x99: {  	s4 =	simm.s32 $_scs_section_size  }
0x9a: {  	s5 =	simm.s32 $_size__tile_overlayer_lowered;
	s6 =	simm.s32 $_tile_overlayer_lowered  }
0x9b: {  	s22 =	simm.s32 $0x1BFF;
	s21 =	sshll.u32 s6, $0x1;
	s3 =	sadd.s32 s4, s19  }
0x9c: {  	s7 =	simm.s32 $0x0;
	s20 =	sshll.u32 s5, $0x1;
	s5 =	sadd.s32 s21, s3  }
0x9d: {  	[timem:s7], [sflag:s22] =	dma.local [hbm:s5], s20  }
0x9e: {  	_ =	swait.ge [sflag:s22], s20  }
0x9f: {  	s4 =	ssub.s32 $0x0, s20;
	[sflag:s22] =	ssyncset.done $0x0  }
0xa0: {  	[sflag:s22] =	ssyncadd.s32 s4;
	_ =	sdelay $0x1  }
0xa1: {  	s23 =	simm.s32 $0x1B8B  }
0xa2: {  	_ =	swait.ge [sflag:s23], $0x1  }
0xa3: {  	[sflag:s23] =	ssyncset.done $0x0  }
0xa4: {  	s25 =	simm.s32 $0x1B8E;
	s24 =	sld [smem:$0x3FFE];
	[sflag:s23] =	ssyncadd.s32 $0xFFFFFFFF  }
0xa5: {  	s26 =	simm.s32 $execute0_lowered;
	[smem:$0x3FD2] =	sst s25  }
0xa6: {  	s5 =	sshll.u32 s26, $0x1;
	_ =	strace $0x80000049;
	[dreg:$0x1] =	wrdreg $0xFFFFFFFF  }
0xa7: {  	s28 =	simm.s32 $_size_execute0_lowered;
	s3 =	sadd.s32 s3, s5;
	[dreg:$0x0] =	wrdreg $0x0  }
0xa8: {  	s5 =	sshll.u32 s28, $0x1;
	[dreg:$0x2] =	wrdreg s3  }
0xa9: {  	[dreg:$0x3] =	wrdreg s5  }
0xaa: {  	[dreg:$0x4] =	wrdreg $0xC0  }
0xab: {  	_ =	task [dreg:s7], $0x5FFFF  }
0xac: {  	[dreg:$0x1] =	wrdreg $0xFFFFFFFF  }
0xad: {  	[dreg:$0x0] =	wrdreg $0x60  }
0xae: {  	[dreg:$0x2] =	wrdreg s2  }
0xaf: {  	[dreg:$0x3] =	wrdreg s24  }
0xb0: {  	[dreg:$0x4] =	wrdreg $0x9E000  }
0xb1: {  	[dreg:$0x5] =	wrdreg $0x9  }
0xb2: {  	_ =	task.clear_ibuf [dreg:s7], $0x6FFFF;
	_ =	strace $0x90000049  }
0xb3: {  	s29 =	simm.s32 $0x9;
	_ =	strace $0x8000004B  }
0xb4: {  	_ =	swait.ge [sflag:s29], $0x1  }
0xb5: {  	[sflag:s29] =	ssyncadd.s32 $0xFFFFFFFF  }
0xb6: {  	_ =	strace $0x9000004B  }
0xb7: {  	_ =	sfence  }
0xb8: {  	s30 =	sld [smem:$0x0];
	_ =	sdelay $0x2  }
0xb9: {  	s31 =	sshll.u32 s1, $0xD;
	s1 =	sshrl.u32 s1, $0x2  }
0xba: {  	s3 =	sand.u32 $0x4000, s31;
	s1 =	sadd.s32 s1, s30  }
0xbb: {  	s0 =	sor.u32 s3, s0;
	s1 =	sshll.u32 s1, $0x11  }
0xbc: {  	s0 =	sor.u32 s1, s0  }
0xbd: {  	s0 =	sadd.s32 $0x8F2B, s0  }
0xbe: {  	[sflag:s0] =	ssyncadd.remote.s32 $0x1  }
0xbf: {  	_ =	sfence.sel $0xFFFF  }
0xc0: {  	[dreg:$0x0] =	wrdreg $0xFFFFFFFF;
	(pc) =	sbr.abs _section_cstart, $3  }
0xc1: {  	[dreg:$0x1] =	wrdreg $0xFFFFFFFF  }
0xc2: {  	_ =	task.clear_ibuf [dreg:s7], $0x2FFFF;
	_ =	strace $0x9FFFFFFF  }
0xc3: {  	(tm) =	ssettm $0x7FFFFFFF  }
tec
execute0_lowered:
.L_overlay_start_1:
0x0: {  	(tag) =	ssettag $0x1  }
0x1: {  	s0 =	rddreg [dreg:$0x0]  }
0x2: {  	s1 =	rddreg [dreg:$0x1];
	s2 =	srdreg.scid  }
0x3: {  	s3 =	rddreg [dreg:$0x2];
	s4 =	stileid.u32  }
0x4: {  	s7 =	simm.s32 $0x0;
	s2 =	sand.u32 $0x1, s2;
	s6 =	smul.u32 $0x1F400, s4  }
0x5: {  	[smem:$0x7FF] =	sst s7;
	s5 =	smul.u32 $0x138800, s2  }
0x6: {  	s10 =	smul.u32 $0x7D000, s4;
	_ =	strace $0x8000004A;
	s8 =	ssub.s32 $0x2, s2  }
0x7: {  	s14 =	sshrl.u32 s8, $0x1;
	s13 =	sadd.s32 s6, s5;
	s5 =	smul.u32 $0x2710, s4  }
0x8: {  	s18 =	sshrl.u32 s10, $0x2;
	s6 =	sadd.s32 $0x2A00, s1;
	s7 =	sshrl.u32 s13, $0x3  }
0x9: {  	s13 =	ssub.s32 s8, s14;
	s1 =	sadd.s32 s7, s1;
	s9 =	smax.u32 s5, $0x24900  }
0xa: {  	s16 =	sshrl.u32 s5, $0x3;
	s20 =	smax.u32 s13, $0x1;
	s15 =	sadd.s32 $0x7FFDB700, s9  }
0xb: {  	s9 =	sand.u32 $0x70, s9;
	s17 =	sadd.s32 s6, s16;
	[dreg:$0x8] =	wrdreg s20  }
0xc: {  	s1 =	sadd.s32 $0xC800, s1;
	s11 =	sand.u32 $0x7FFFFF80, s15;
	[dreg:$0x4] =	wrdreg s17  }
0xd: {  	s7 =	sadd.s32 $0x4E20, s17;
	[dreg:$0x7] =	wrdreg s1;
	s8 =	sor.u32 s9, s11  }
0xe: {  	[dreg:$0x5] =	wrdreg s7;
	s11 =	sadd.s32 s18, s3;
	s19 =	sadd.s32 $0x300, s8  }
0xf: {  	s21 =	sadd.s32 $0x1400, s11;
	[dreg:$0x6] =	wrdreg s19  }
0x10: {  	s22 =	sadd.s32 $0x2800, s11;
	[dreg:$0x9] =	wrdreg s21  }
0x11: {  	s23 =	sadd.s32 $0x3C00, s11;
	[dreg:$0xa] =	wrdreg s22  }
0x12: {  	s24 =	sadd.s32 $0x5000, s11;
	[dreg:$0xb] =	wrdreg s23  }
0x13: {  	s25 =	sadd.s32 $0x6400, s11;
	[dreg:$0xc] =	wrdreg s24  }
0x14: {  	s26 =	sadd.s32 $0x7800, s11;
	[dreg:$0xd] =	wrdreg s25  }
0x15: {  	s7 =	sadd.s32 $0x8C00, s11;
	[dreg:$0xe] =	wrdreg s26  }
0x16: {  	s9 =	sadd.s32 $0xA000, s11;
	[dreg:$0xf] =	wrdreg s7  }
0x17: {  	s10 =	sadd.s32 $0xB400, s11;
	[dreg:$0x10] =	wrdreg s9  }
0x18: {  	s12 =	sadd.s32 $0xC800, s11;
	[dreg:$0x11] =	wrdreg s10  }
0x19: {  	s13 =	sadd.s32 $0xDC00, s11;
	[dreg:$0x12] =	wrdreg s12  }
0x1a: {  	s14 =	sadd.s32 $0xF000, s11;
	[dreg:$0x13] =	wrdreg s13  }
0x1b: {  	s15 =	sadd.s32 $0x10400, s11;
	[dreg:$0x14] =	wrdreg s14  }
0x1c: {  	s16 =	sadd.s32 $0x11800, s11;
	[dreg:$0x15] =	wrdreg s15  }
0x1d: {  	s17 =	sadd.s32 $0x12C00, s11;
	[dreg:$0x16] =	wrdreg s16  }
0x1e: {  	s18 =	sadd.s32 $0x14000, s11;
	[dreg:$0x17] =	wrdreg s17  }
0x1f: {  	s20 =	sadd.s32 $0x16800, s11;
	[dreg:$0x18] =	wrdreg s18  }
0x20: {  	s28 =	simm.s32 $0x4A00;
	s19 =	sadd.s32 $0x15400, s11;
	[dreg:$0x1a] =	wrdreg s20  }
0x21: {  	s29 =	simm.s32 $0x1;
	s21 =	sadd.s32 $0x17C00, s11;
	[dreg:$0x19] =	wrdreg s19  }
0x22: {  	s30 =	simm.s32 $0x880;
	s22 =	sadd.s32 $0x19000, s11;
	[dreg:$0x1b] =	wrdreg s21  }
0x23: {  	s31 =	simm.s32 $0x2;
	s23 =	sadd.s32 $0x1A400, s11;
	[dreg:$0x1c] =	wrdreg s22  }
0x24: {  	p0 =	sgt.u32 s4, $0x9;
	s24 =	sadd.s32 $0x1B800, s11;
	[dreg:$0x1d] =	wrdreg s23  }
0x25: {  	s1 =	simm.s32 $0x980;
	s25 =	sadd.s32 $0x1CC00, s11;
	[dreg:$0x1e] =	wrdreg s24  }
0x26: {  	s26 =	sadd.s32 $0x1E000, s11;
	s20 =	simm.s32 $0x8A00;
	[dreg:$0x1f] =	wrdreg s25  }
0x27: {  	s15 =	simm.s32 $0x1D780;
	s16 =	simm.s32 $0x0;
	[smem:$0x7FD] =	sst s26  }
0x28: {  	s21 =	simm.s32 $0x3;
	s22 =	simm.s32 $0x4;
	s23 =	simm.s32 $0x80  }
0x29: {  	v1 =	vimm.f32 $0.0e+00;
	v0 =	vmov s2;
	s24 =	simm.s32 $0x800;
	s25 =	simm.s32 $0xA00;
	s26 =	simm.s32 $0x900  }
.LBB2_1:
0x2a: {  	s2 =	simm.s32 $0x0;
	s17 =	simm.s32 $0x200  }
.LBB2_2:
0x2b: {  	p1 =	sne.s32 s17, $0x4E00;
	[tilespmem:s2+$0x8A70] =	vst v1  }
0x2c: {  	[tilespmem:s2+$0x8A00] =	vst v1  }
0x2d: {  	[tilespmem:s2+$0x8A10] =	vst v1  }
.Ltmp0:
0x2e: {  	[tilespmem:s2+$0x8A20] =	vst v1;
	(pc) =	sbr.rel @p1 .LBB2_2-.Ltmp0, $4  }
0x2f: {  	[tilespmem:s2+$0x8A30] =	vst v1  }
0x30: {  	[tilespmem:s2+$0x8A40] =	vst v1  }
0x31: {  	[tilespmem:s2+$0x8A50] =	vst v1  }
0x32: {  	[tilespmem:s2+$0x8A60] =	vst v1;
	s2 =	sshra.s32 s17, $0x2;
	s17 =	sadd.s32 $0x200, s17  }
0x33: {  	[tilespmem:s2+$0x8A70] =	vst v1  }
0x34: {  	[tilespmem:s2+$0x8A00] =	vst v1  }
0x35: {  	[tilespmem:s2+$0x8A10] =	vst v1  }
.Ltmp1:
0x36: {  	[tilespmem:s2+$0x8A20] =	vst v1;
	(pc) =	sbr.rel @p0 .LBB2_5-.Ltmp1, $4  }
0x37: {  	[tilespmem:s2+$0x8A30] =	vst v1  }
0x38: {  	[tilespmem:s2+$0x8A40] =	vst v1  }
0x39: {  	[tilespmem:s2+$0x8A50] =	vst v1  }
0x3a: {  	[tilespmem:s2+$0x8A60] =	vst v1  }
0x3b: {  	[spmem:s11] =	stream.linear.scatter [tilespmem:s20], [sflag:$0x3], $0x1400, $0x38;
	[tilespmem:$0x1DF80] =	vst v63  }
0x3c: {  	s2 =	rddreg [dreg:$0x9]  }
0x3d: {  	s17 =	rddreg [dreg:$0xa]  }
0x3e: {  	[spmem:s2] =	stream.linear.scatter [tilespmem:s20], [sflag:$0x3], $0x1400, $0x38;
	[tilespmem:$0x1DF80] =	vst v63  }
0x3f: {  	s18 =	rddreg [dreg:$0xb]  }
0x40: {  	[spmem:s17] =	stream.linear.scatter [tilespmem:s20], [sflag:$0x3], $0x1400, $0x38;
	[tilespmem:$0x1DF80] =	vst v63  }
0x41: {  	s19 =	rddreg [dreg:$0xc]  }
0x42: {  	[spmem:s18] =	stream.linear.scatter [tilespmem:s20], [sflag:$0x3], $0x1400, $0x38;
	[tilespmem:$0x1DF80] =	vst v63  }
0x43: {  	s4 =	rddreg [dreg:$0xd]  }
0x44: {  	[spmem:s19] =	stream.linear.scatter [tilespmem:s20], [sflag:$0x3], $0x1400, $0x38;
	[tilespmem:$0x1DF80] =	vst v63  }
0x45: {  	s7 =	rddreg [dreg:$0xe]  }
0x46: {  	[spmem:s4] =	stream.linear.scatter [tilespmem:s20], [sflag:$0x3], $0x1400, $0x38;
	[tilespmem:$0x1DF80] =	vst v63  }
0x47: {  	s9 =	rddreg [dreg:$0xf]  }
0x48: {  	[spmem:s7] =	stream.linear.scatter [tilespmem:s20], [sflag:$0x3], $0x1400, $0x38;
	[tilespmem:$0x1DF80] =	vst v63  }
0x49: {  	s10 =	rddreg [dreg:$0x10]  }
0x4a: {  	[spmem:s9] =	stream.linear.scatter [tilespmem:s20], [sflag:$0x3], $0x1400, $0x38;
	[tilespmem:$0x1DF80] =	vst v63  }
0x4b: {  	s12 =	rddreg [dreg:$0x11]  }
0x4c: {  	[spmem:s10] =	stream.linear.scatter [tilespmem:s20], [sflag:$0x3], $0x1400, $0x38;
	[tilespmem:$0x1DF80] =	vst v63  }
0x4d: {  	s13 =	rddreg [dreg:$0x12]  }
0x4e: {  	[spmem:s12] =	stream.linear.scatter [tilespmem:s20], [sflag:$0x3], $0x1400, $0x38;
	[tilespmem:$0x1DF80] =	vst v63  }
0x4f: {  	s14 =	rddreg [dreg:$0x13]  }
0x50: {  	[spmem:s13] =	stream.linear.scatter [tilespmem:s20], [sflag:$0x3], $0x1400, $0x38;
	[tilespmem:$0x1DF80] =	vst v63  }
0x51: {  	s17 =	rddreg [dreg:$0x14]  }
0x52: {  	[spmem:s14] =	stream.linear.scatter [tilespmem:s20], [sflag:$0x3], $0x1400, $0x38;
	[tilespmem:$0x1DF80] =	vst v63  }
0x53: {  	s18 =	rddreg [dreg:$0x15]  }
0x54: {  	[spmem:s17] =	stream.linear.scatter [tilespmem:s20], [sflag:$0x3], $0x1400, $0x38;
	[tilespmem:$0x1DF80] =	vst v63  }
0x55: {  	s19 =	rddreg [dreg:$0x16]  }
0x56: {  	[spmem:s18] =	stream.linear.scatter [tilespmem:s20], [sflag:$0x3], $0x1400, $0x38;
	[tilespmem:$0x1DF80] =	vst v63  }
0x57: {  	s4 =	rddreg [dreg:$0x17]  }
0x58: {  	[spmem:s19] =	stream.linear.scatter [tilespmem:s20], [sflag:$0x3], $0x1400, $0x38;
	[tilespmem:$0x1DF80] =	vst v63  }
0x59: {  	s7 =	rddreg [dreg:$0x18]  }
0x5a: {  	[spmem:s4] =	stream.linear.scatter [tilespmem:s20], [sflag:$0x3], $0x1400, $0x38;
	[tilespmem:$0x1DF80] =	vst v63  }
0x5b: {  	s9 =	rddreg [dreg:$0x19]  }
0x5c: {  	[spmem:s7] =	stream.linear.scatter [tilespmem:s20], [sflag:$0x3], $0x1400, $0x38;
	[tilespmem:$0x1DF80] =	vst v63  }
0x5d: {  	s10 =	rddreg [dreg:$0x1a]  }
0x5e: {  	[spmem:s9] =	stream.linear.scatter [tilespmem:s20], [sflag:$0x3], $0x1400, $0x38;
	[tilespmem:$0x1DF80] =	vst v63  }
0x5f: {  	s12 =	rddreg [dreg:$0x1b]  }
0x60: {  	[spmem:s10] =	stream.linear.scatter [tilespmem:s20], [sflag:$0x3], $0x1400, $0x38;
	[tilespmem:$0x1DF80] =	vst v63  }
0x61: {  	s13 =	rddreg [dreg:$0x1c]  }
0x62: {  	[spmem:s12] =	stream.linear.scatter [tilespmem:s20], [sflag:$0x3], $0x1400, $0x38;
	[tilespmem:$0x1DF80] =	vst v63  }
0x63: {  	s14 =	rddreg [dreg:$0x1d]  }
0x64: {  	[spmem:s13] =	stream.linear.scatter [tilespmem:s20], [sflag:$0x3], $0x1400, $0x38;
	[tilespmem:$0x1DF80] =	vst v63  }
0x65: {  	s17 =	rddreg [dreg:$0x1e]  }
0x66: {  	[spmem:s14] =	stream.linear.scatter [tilespmem:s20], [sflag:$0x3], $0x1400, $0x38;
	[tilespmem:$0x1DF80] =	vst v63  }
0x67: {  	s18 =	rddreg [dreg:$0x1f]  }
0x68: {  	[spmem:s17] =	stream.linear.scatter [tilespmem:s20], [sflag:$0x3], $0x1400, $0x38;
	[tilespmem:$0x1DF80] =	vst v63  }
0x69: {  	s19 =	sld [smem:$0x7FD]  }
0x6a: {  	[spmem:s18] =	stream.linear.scatter [tilespmem:s20], [sflag:$0x3], $0x1400, $0x38;
	[tilespmem:$0x1DF80] =	vst v63  }
0x6b: {  	_ = 	snop  }
0x6c: {  	[spmem:s19] =	stream.linear.scatter [tilespmem:s20], [sflag:$0x3], $0x1400, $0x38;
	[tilespmem:$0x1DF80] =	vst v63  }
0x6d: {  	_ =	swait.ge [sflag:s21], $0x1400  }
0x6e: {  	[sflag:s21] =	ssyncset.done $0x0  }
0x6f: {  	[sflag:s21] =	ssyncadd.s32 $0xFFFFEC00  }
0x70: {  	_ =	swait.ge [sflag:s21], $0x1400  }
0x71: {  	[sflag:s21] =	ssyncset.done $0x0  }
0x72: {  	[sflag:s21] =	ssyncadd.s32 $0xFFFFEC00  }
0x73: {  	_ =	swait.ge [sflag:s21], $0x1400  }
0x74: {  	[sflag:s21] =	ssyncset.done $0x0  }
0x75: {  	[sflag:s21] =	ssyncadd.s32 $0xFFFFEC00  }
0x76: {  	_ =	swait.ge [sflag:s21], $0x1400  }
0x77: {  	[sflag:s21] =	ssyncset.done $0x0  }
0x78: {  	[sflag:s21] =	ssyncadd.s32 $0xFFFFEC00  }
0x79: {  	_ =	swait.ge [sflag:s21], $0x1400  }
0x7a: {  	[sflag:s21] =	ssyncset.done $0x0  }
0x7b: {  	[sflag:s21] =	ssyncadd.s32 $0xFFFFEC00  }
0x7c: {  	_ =	swait.ge [sflag:s21], $0x1400  }
0x7d: {  	[sflag:s21] =	ssyncset.done $0x0  }
0x7e: {  	[sflag:s21] =	ssyncadd.s32 $0xFFFFEC00  }
0x7f: {  	_ =	swait.ge [sflag:s21], $0x1400  }
0x80: {  	[sflag:s21] =	ssyncset.done $0x0  }
0x81: {  	[sflag:s21] =	ssyncadd.s32 $0xFFFFEC00  }
0x82: {  	_ =	swait.ge [sflag:s21], $0x1400  }
0x83: {  	[sflag:s21] =	ssyncset.done $0x0  }
0x84: {  	[sflag:s21] =	ssyncadd.s32 $0xFFFFEC00  }
0x85: {  	_ =	swait.ge [sflag:s21], $0x1400  }
0x86: {  	[sflag:s21] =	ssyncset.done $0x0  }
0x87: {  	[sflag:s21] =	ssyncadd.s32 $0xFFFFEC00  }
0x88: {  	_ =	swait.ge [sflag:s21], $0x1400  }
0x89: {  	[sflag:s21] =	ssyncset.done $0x0  }
0x8a: {  	[sflag:s21] =	ssyncadd.s32 $0xFFFFEC00  }
0x8b: {  	_ =	swait.ge [sflag:s21], $0x1400  }
0x8c: {  	[sflag:s21] =	ssyncset.done $0x0  }
0x8d: {  	[sflag:s21] =	ssyncadd.s32 $0xFFFFEC00  }
0x8e: {  	_ =	swait.ge [sflag:s21], $0x1400  }
0x8f: {  	[sflag:s21] =	ssyncset.done $0x0  }
0x90: {  	[sflag:s21] =	ssyncadd.s32 $0xFFFFEC00  }
0x91: {  	_ =	swait.ge [sflag:s21], $0x1400  }
0x92: {  	[sflag:s21] =	ssyncset.done $0x0  }
0x93: {  	[sflag:s21] =	ssyncadd.s32 $0xFFFFEC00  }
0x94: {  	_ =	swait.ge [sflag:s21], $0x1400  }
0x95: {  	[sflag:s21] =	ssyncset.done $0x0  }
0x96: {  	[sflag:s21] =	ssyncadd.s32 $0xFFFFEC00  }
0x97: {  	_ =	swait.ge [sflag:s21], $0x1400  }
0x98: {  	[sflag:s21] =	ssyncset.done $0x0  }
0x99: {  	[sflag:s21] =	ssyncadd.s32 $0xFFFFEC00  }
0x9a: {  	_ =	swait.ge [sflag:s21], $0x1400  }
0x9b: {  	[sflag:s21] =	ssyncset.done $0x0  }
0x9c: {  	[sflag:s21] =	ssyncadd.s32 $0xFFFFEC00  }
0x9d: {  	_ =	swait.ge [sflag:s21], $0x1400  }
0x9e: {  	[sflag:s21] =	ssyncset.done $0x0  }
0x9f: {  	[sflag:s21] =	ssyncadd.s32 $0xFFFFEC00  }
0xa0: {  	_ =	swait.ge [sflag:s21], $0x1400  }
0xa1: {  	[sflag:s21] =	ssyncset.done $0x0  }
0xa2: {  	[sflag:s21] =	ssyncadd.s32 $0xFFFFEC00  }
0xa3: {  	_ =	swait.ge [sflag:s21], $0x1400  }
0xa4: {  	[sflag:s21] =	ssyncset.done $0x0  }
0xa5: {  	[sflag:s21] =	ssyncadd.s32 $0xFFFFEC00  }
0xa6: {  	_ =	swait.ge [sflag:s21], $0x1400  }
0xa7: {  	[sflag:s21] =	ssyncset.done $0x0  }
0xa8: {  	[sflag:s21] =	ssyncadd.s32 $0xFFFFEC00  }
0xa9: {  	_ =	swait.ge [sflag:s21], $0x1400  }
0xaa: {  	[sflag:s21] =	ssyncset.done $0x0  }
0xab: {  	[sflag:s21] =	ssyncadd.s32 $0xFFFFEC00  }
0xac: {  	_ =	swait.ge [sflag:s21], $0x1400  }
0xad: {  	[sflag:s21] =	ssyncset.done $0x0  }
0xae: {  	[sflag:s21] =	ssyncadd.s32 $0xFFFFEC00  }
0xaf: {  	_ =	swait.ge [sflag:s21], $0x1400  }
0xb0: {  	[sflag:s21] =	ssyncset.done $0x0  }
0xb1: {  	[sflag:s21] =	ssyncadd.s32 $0xFFFFEC00  }
0xb2: {  	_ =	swait.ge [sflag:s21], $0x1400  }
0xb3: {  	[sflag:s21] =	ssyncset.done $0x0  }
0xb4: {  	[sflag:s21] =	ssyncadd.s32 $0xFFFFEC00  }
0xb5: {  	_ =	swait.ge [sflag:s21], $0x1400  }
0xb6: {  	[sflag:s21] =	ssyncset.done $0x0  }
0xb7: {  	[sflag:s21] =	ssyncadd.s32 $0xFFFFEC00  }
.LBB2_5:
0xb8: {  	[bflag:$0x0] =	sbarrier.arrive $0xFFFF  }
0xb9: {  	s2 =	simm.s32 $0x0;
	s4 =	rddreg [dreg:$0x4]  }
0xba: {  	[tilespmem:s2], [sflag:$0x4] =	stream.linear.gather [hbm4b:s4+s2], $0x400, $0x38;
	[tilespmem:$0x1DF80] =	vst v63  }
0xbb: {  	_ =	swait.ge [sflag:s22], $0x400  }
0xbc: {  	[sflag:s22] =	ssyncset.done $0x0  }
0xbd: {  	s7 =	simm.s32 $0x400;
	s9 =	rddreg [dreg:$0x5];
	[sflag:s22] =	ssyncadd.s32 $0xFFFFFC00  }
0xbe: {  	[tilespmem:s7], [sflag:$0x4] =	stream.linear.gather [hbm4b:s9+s2], $0x400, $0x38;
	[tilespmem:$0x1DF80] =	vst v63  }
0xbf: {  	_ =	swait.ge [sflag:s22], $0x400  }
0xc0: {  	[sflag:s22] =	ssyncset.done $0x0  }
0xc1: {  	[sflag:s22] =	ssyncadd.s32 $0xFFFFFC00  }
0xc2: {  	v2 =	vld [tilespmem:$0x0];
	_ =	sdelay $0x1  }
0xc3: {  	v3 =	vld [tilespmem:$0x10]  }
0xc4: {  	v4 =	vld [tilespmem:$0x400]  }
0xc5: {  	v5 =	vld [tilespmem:$0x20]  }
0xc6: {  	v6 =	vld [tilespmem:$0x410];
	v2 =	vshll.u32 v2, $0x1  }
0xc7: {  	v7 =	vld [tilespmem:$0x30];
	v2 =	vor.u32 v0, v2  }
0xc8: {  	[tilespmem:$0x800] =	vst v2;
	v2 =	vshll.u32 v3, $0x1;
	v3 =	vld [tilespmem:$0x420]  }
0xc9: {  	v46 =	vld [tilespmem:$0x40];
	[tilespmem:$0x880] =	vst v4;
	v2 =	vor.u32 v0, v2  }
0xca: {  	v47 =	vld [tilespmem:$0x430];
	[tilespmem:$0x810] =	vst v2;
	v2 =	vshll.u32 v5, $0x1  }
0xcb: {  	v48 =	vld [tilespmem:$0x50];
	[tilespmem:$0x890] =	vst v6;
	v2 =	vor.u32 v0, v2  }
0xcc: {  	v49 =	vld [tilespmem:$0x440];
	[tilespmem:$0x820] =	vst v2;
	v2 =	vshll.u32 v7, $0x1  }
0xcd: {  	[tilespmem:$0x8A0] =	vst v3;
	v2 =	vor.u32 v0, v2;
	v3 =	vld [tilespmem:$0x60]  }
0xce: {  	v50 =	vld [tilespmem:$0x450];
	[tilespmem:$0x830] =	vst v2;
	v2 =	vshll.u32 v46, $0x1  }
0xcf: {  	v51 =	vld [tilespmem:$0x70];
	[tilespmem:$0x8B0] =	vst v47;
	v2 =	vor.u32 v0, v2  }
0xd0: {  	v52 =	vld [tilespmem:$0x460];
	[tilespmem:$0x840] =	vst v2;
	v2 =	vshll.u32 v48, $0x1  }
0xd1: {  	[tilespmem:$0x8C0] =	vst v49;
	v2 =	vor.u32 v0, v2  }
0xd2: {  	[tilespmem:$0x850] =	vst v2;
	v2 =	vshll.u32 v3, $0x1;
	v3 =	vld [tilespmem:$0x470]  }
0xd3: {  	[tilespmem:$0x8D0] =	vst v50;
	v2 =	vor.u32 v0, v2  }
0xd4: {  	[tilespmem:$0x860] =	vst v2;
	v2 =	vshll.u32 v51, $0x1  }
0xd5: {  	[tilespmem:$0x8E0] =	vst v52;
	v2 =	vor.u32 v0, v2  }
0xd6: {  	[tilespmem:$0x870] =	vst v2  }
0xd7: {  	[tilespmem:$0x8F0] =	vst v3  }
0xd8: {  	[tilespmem:s25], [sflag:$0x1] =	stream.indirect.gather [hbm4b:s0+s23], $0x80, s24, s23, $0xb8;
	[tilespmem:$0x1DF80] =	vst v63  }
0xd9: {  	v2 =	vld [tilespmem:$0x80];
	_ =	sdelay $0x1  }
0xda: {  	v3 =	vld [tilespmem:$0x90]  }
0xdb: {  	v53 =	vld [tilespmem:$0x480]  }
0xdc: {  	v54 =	vld [tilespmem:$0xA0]  }
0xdd: {  	v55 =	vld [tilespmem:$0x490];
	v2 =	vshll.u32 v2, $0x1  }
0xde: {  	v56 =	vld [tilespmem:$0xB0];
	v2 =	vor.u32 v0, v2  }
0xdf: {  	[tilespmem:$0x900] =	vst v2;
	v2 =	vshll.u32 v3, $0x1;
	v3 =	vld [tilespmem:$0x4A0]  }
0xe0: {  	v57 =	vld [tilespmem:$0xC0];
	[tilespmem:$0x980] =	vst v53;
	v2 =	vor.u32 v0, v2  }
0xe1: {  	v58 =	vld [tilespmem:$0x4B0];
	[tilespmem:$0x910] =	vst v2;
	v2 =	vshll.u32 v54, $0x1  }
0xe2: {  	v59 =	vld [tilespmem:$0xD0];
	[tilespmem:$0x990] =	vst v55;
	v2 =	vor.u32 v0, v2  }
0xe3: {  	v60 =	vld [tilespmem:$0x4C0];
	[tilespmem:$0x920] =	vst v2;
	v2 =	vshll.u32 v56, $0x1  }
0xe4: {  	[tilespmem:$0x9A0] =	vst v3;
	v2 =	vor.u32 v0, v2;
	v3 =	vld [tilespmem:$0xE0]  }
0xe5: {  	v61 =	vld [tilespmem:$0x4D0];
	[tilespmem:$0x930] =	vst v2;
	v2 =	vshll.u32 v57, $0x1  }
0xe6: {  	v62 =	vld [tilespmem:$0xF0];
	[tilespmem:$0x9B0] =	vst v58;
	v2 =	vor.u32 v0, v2  }
0xe7: {  	v63 =	vld [tilespmem:$0x4E0];
	[tilespmem:$0x940] =	vst v2;
	v2 =	vshll.u32 v59, $0x1  }
0xe8: {  	[tilespmem:$0x9C0] =	vst v60;
	v2 =	vor.u32 v0, v2  }
0xe9: {  	[tilespmem:$0x950] =	vst v2;
	v2 =	vshll.u32 v3, $0x1;
	v3 =	vld [tilespmem:$0x4F0]  }
0xea: {  	[tilespmem:$0x9D0] =	vst v61;
	v2 =	vor.u32 v0, v2  }
0xeb: {  	[tilespmem:$0x960] =	vst v2;
	v2 =	vshll.u32 v62, $0x1  }
0xec: {  	[tilespmem:$0x9E0] =	vst v63;
	v2 =	vor.u32 v0, v2  }
0xed: {  	s10 =	simm.s32 $0x100;
	[tilespmem:$0x970] =	vst v2  }
0xee: {  	s2 =	sand.u32 $0x7C00, s10;
	[tilespmem:$0x9F0] =	vst v3  }
0xef: {  	[tilespmem:s28], [sflag:$0x2] =	stream.indirect.gather [hbm4b:s0+s23], $0x80, s26, s23, $0xb8;
	[tilespmem:$0x1DF80] =	vst v63  }
0xf0: {  	s17 =	simm.s32 $0x2;
	s2 =	sadd.s32 s5, s2;
	_ =	swait.ge [sflag:s29], $0x4000  }
0xf1: {  	s17 =	sand.u32 $0x6, s17;
	s18 =	smax.u32 s2, $0x26D00;
	[sflag:s29] =	ssyncset.done $0x0  }
0xf2: {  	p1 =	sne.s32 s17, $0x0;
	s19 =	sadd.s32 $0xFFFD9300, s18;
	[sflag:s29] =	ssyncadd.s32 $0xFFFFC000  }
0xf3: {  	[spmem:s3] =	stream.indirect.scatter.add.f32 [tilespmem:s25], [sflag:$0x4], $0x80, s30, s23, $0xb8;
	[tilespmem:$0x1DF80] =	vst v63  }
0xf4: {  	s2 =	ssub.s32 @!p1 s2, s19;
	_ =	swait.ge [sflag:s22], $0x4000  }
0xf5: {  	s9 =	simm.s32 @!p1 $0x4;
	s4 =	sshrl.u32 @!p1 s2, $0x3;
	[sflag:s22] =	ssyncset.done $0x0  }
0xf6: {  	s10 =	simm.s32 @!p1 $0x0;
	s4 =	sadd.s32 @!p1 s6, s4;
	[sflag:s22] =	ssyncadd.s32 $0xFFFFC000  }
0xf7: {  	[tilespmem:s10], [sflag:$0x4] =	stream.linear.gather @!p1 [hbm4b:s4+s10], $0x400, $0x38;
	[tilespmem:$0x1DF80] =	vst v63  }
0xf8: {  	s2 =	sadd.s32 @!p1 $0x27100, s2;
	_ =	swait.ge @!p1 [sflag:s9], $0x400  }
0xf9: {  	s12 =	sshll.u32 s17, $0x7;
	s2 =	sshrl.u32 @!p1 s2, $0x3;
	[sflag:s9] =	ssyncset.done @!p1 $0x0  }
0xfa: {  	s2 =	sadd.s32 @!p1 s6, s2;
	s4 =	simm.s32 @!p1 $0x400;
	[sflag:s9] =	ssyncadd.s32 @!p1 $0xFFFFFC00  }
0xfb: {  	[tilespmem:s4], [sflag:$0x4] =	stream.linear.gather @!p1 [hbm4b:s2+s10], $0x400, $0x38;
	[tilespmem:$0x1DF80] =	vst v63  }
0xfc: {  	s2 =	sadd.s32 s12, s19;
	_ =	swait.ge @!p1 [sflag:s9], $0x400  }
0xfd: {  	s14 =	sand.u32 $0x70, s18;
	s13 =	sand.u32 $0xFFFFFF80, s2;
	[sflag:s9] =	ssyncset.done @!p1 $0x0  }
0xfe: {  	s4 =	sor.u32 s14, s13;
	[sflag:s9] =	ssyncadd.s32 @!p1 $0xFFFFFC00  }
0xff: {  	v2 =	vld [tilespmem:s4+$0x0];
	_ =	sdelay $0x4  }
0x100: {  	v2 =	vshll.u32 v2, $0x1  }
0x101: {  	v2 =	vor.u32 v0, v2  }
0x102: {  	[tilespmem:$0x800] =	vst v2  }
0x103: {  	v2 =	vld [tilespmem:s4+$0x400];
	_ =	sdelay $0x4  }
0x104: {  	[tilespmem:$0x880] =	vst v2  }
0x105: {  	v2 =	vld [tilespmem:s2+$0x10];
	_ =	sdelay $0x4  }
0x106: {  	v2 =	vshll.u32 v2, $0x1  }
0x107: {  	v2 =	vor.u32 v0, v2  }
0x108: {  	[tilespmem:$0x810] =	vst v2  }
0x109: {  	v2 =	vld [tilespmem:s2+$0x410];
	_ =	sdelay $0x4  }
0x10a: {  	[tilespmem:$0x890] =	vst v2  }
0x10b: {  	v2 =	vld [tilespmem:s2+$0x20];
	_ =	sdelay $0x4  }
0x10c: {  	v2 =	vshll.u32 v2, $0x1  }
0x10d: {  	v2 =	vor.u32 v0, v2  }
0x10e: {  	[tilespmem:$0x820] =	vst v2  }
0x10f: {  	v2 =	vld [tilespmem:s2+$0x420];
	_ =	sdelay $0x4  }
0x110: {  	[tilespmem:$0x8A0] =	vst v2  }
0x111: {  	v2 =	vld [tilespmem:s2+$0x30];
	_ =	sdelay $0x4  }
0x112: {  	v2 =	vshll.u32 v2, $0x1  }
0x113: {  	v2 =	vor.u32 v0, v2  }
0x114: {  	[tilespmem:$0x830] =	vst v2  }
0x115: {  	v2 =	vld [tilespmem:s2+$0x430];
	_ =	sdelay $0x4  }
0x116: {  	[tilespmem:$0x8B0] =	vst v2  }
0x117: {  	v2 =	vld [tilespmem:s2+$0x40];
	_ =	sdelay $0x4  }
0x118: {  	v2 =	vshll.u32 v2, $0x1  }
0x119: {  	v2 =	vor.u32 v0, v2  }
0x11a: {  	[tilespmem:$0x840] =	vst v2  }
0x11b: {  	v2 =	vld [tilespmem:s2+$0x440];
	_ =	sdelay $0x4  }
0x11c: {  	[tilespmem:$0x8C0] =	vst v2  }
0x11d: {  	v2 =	vld [tilespmem:s2+$0x50];
	_ =	sdelay $0x4  }
0x11e: {  	v2 =	vshll.u32 v2, $0x1  }
0x11f: {  	v2 =	vor.u32 v0, v2  }
0x120: {  	[tilespmem:$0x850] =	vst v2  }
0x121: {  	v2 =	vld [tilespmem:s2+$0x450];
	_ =	sdelay $0x4  }
0x122: {  	[tilespmem:$0x8D0] =	vst v2  }
0x123: {  	v2 =	vld [tilespmem:s2+$0x60];
	_ =	sdelay $0x4  }
0x124: {  	v2 =	vshll.u32 v2, $0x1  }
0x125: {  	v2 =	vor.u32 v0, v2  }
0x126: {  	[tilespmem:$0x860] =	vst v2  }
0x127: {  	v2 =	vld [tilespmem:s2+$0x460];
	_ =	sdelay $0x4  }
0x128: {  	[tilespmem:$0x8E0] =	vst v2  }
0x129: {  	v2 =	vld [tilespmem:s2+$0x70];
	_ =	sdelay $0x4  }
0x12a: {  	v2 =	vshll.u32 v2, $0x1  }
0x12b: {  	v2 =	vor.u32 v0, v2  }
0x12c: {  	[tilespmem:$0x870] =	vst v2  }
0x12d: {  	v2 =	vld [tilespmem:s2+$0x470];
	_ =	sdelay $0x3  }
0x12e: {  	s17 =	simm.s32 $0x180  }
0x12f: {  	s18 =	sand.u32 $0x7C00, s17;
	[tilespmem:$0x8F0] =	vst v2  }
0x130: {  	[tilespmem:s25], [sflag:$0x1] =	stream.indirect.gather [hbm4b:s0+s23], $0x80, s24, s23, $0xb8;
	[tilespmem:$0x1DF80] =	vst v63  }
0x131: {  	s4 =	sadd.s32 s5, s18;
	_ =	swait.ge [sflag:s31], $0x4000  }
0x132: {  	s4 =	smax.u32 s4, $0x26D00;
	s2 =	sand.u32 $0x380, s17;
	[sflag:s31] =	ssyncset.done $0x0  }
0x133: {  	s2 =	sadd.s32 s4, s2;
	[sflag:s31] =	ssyncadd.s32 $0xFFFFC000  }
0x134: {  	[spmem:s3] =	stream.indirect.scatter.add.f32 [tilespmem:s28], [sflag:$0x4], $0x80, s1, s23, $0xb8;
	[tilespmem:$0x1DF80] =	vst v63  }
0x135: {  	s2 =	sadd.s32 $0xFFFD9300, s2;
	_ =	swait.ge [sflag:s22], $0x4000  }
0x136: {  	s4 =	sand.u32 $0x70, s4;
	s19 =	sand.u32 $0xFFFFFF80, s2;
	[sflag:s22] =	ssyncset.done $0x0  }
0x137: {  	s4 =	sor.u32 s4, s19;
	[sflag:s22] =	ssyncadd.s32 $0xFFFFC000  }
0x138: {  	v2 =	vld [tilespmem:s4+$0x0];
	_ =	sdelay $0x4  }
0x139: {  	v2 =	vshll.u32 v2, $0x1  }
0x13a: {  	v2 =	vor.u32 v0, v2  }
0x13b: {  	[tilespmem:$0x900] =	vst v2  }
0x13c: {  	v2 =	vld [tilespmem:s4+$0x400];
	_ =	sdelay $0x4  }
0x13d: {  	[tilespmem:$0x980] =	vst v2  }
0x13e: {  	v2 =	vld [tilespmem:s2+$0x10];
	_ =	sdelay $0x4  }
0x13f: {  	v2 =	vshll.u32 v2, $0x1  }
0x140: {  	v2 =	vor.u32 v0, v2  }
0x141: {  	[tilespmem:$0x910] =	vst v2  }
0x142: {  	v2 =	vld [tilespmem:s2+$0x410];
	_ =	sdelay $0x4  }
0x143: {  	[tilespmem:$0x990] =	vst v2  }
0x144: {  	v2 =	vld [tilespmem:s2+$0x20];
	_ =	sdelay $0x4  }
0x145: {  	v2 =	vshll.u32 v2, $0x1  }
0x146: {  	v2 =	vor.u32 v0, v2  }
0x147: {  	[tilespmem:$0x920] =	vst v2  }
0x148: {  	v2 =	vld [tilespmem:s2+$0x420];
	_ =	sdelay $0x4  }
0x149: {  	[tilespmem:$0x9A0] =	vst v2  }
0x14a: {  	v2 =	vld [tilespmem:s2+$0x30];
	_ =	sdelay $0x4  }
0x14b: {  	v2 =	vshll.u32 v2, $0x1  }
0x14c: {  	v2 =	vor.u32 v0, v2  }
0x14d: {  	[tilespmem:$0x930] =	vst v2  }
0x14e: {  	v2 =	vld [tilespmem:s2+$0x430];
	_ =	sdelay $0x4  }
0x14f: {  	[tilespmem:$0x9B0] =	vst v2  }
0x150: {  	v2 =	vld [tilespmem:s2+$0x40];
	_ =	sdelay $0x4  }
0x151: {  	v2 =	vshll.u32 v2, $0x1  }
0x152: {  	v2 =	vor.u32 v0, v2  }
0x153: {  	[tilespmem:$0x940] =	vst v2  }
0x154: {  	v2 =	vld [tilespmem:s2+$0x440];
	_ =	sdelay $0x4  }
0x155: {  	[tilespmem:$0x9C0] =	vst v2  }
0x156: {  	v2 =	vld [tilespmem:s2+$0x50];
	_ =	sdelay $0x4  }
0x157: {  	v2 =	vshll.u32 v2, $0x1  }
0x158: {  	v2 =	vor.u32 v0, v2  }
0x159: {  	[tilespmem:$0x950] =	vst v2  }
0x15a: {  	v2 =	vld [tilespmem:s2+$0x450];
	_ =	sdelay $0x4  }
0x15b: {  	[tilespmem:$0x9D0] =	vst v2  }
0x15c: {  	v2 =	vld [tilespmem:s2+$0x60];
	_ =	sdelay $0x4  }
0x15d: {  	v2 =	vshll.u32 v2, $0x1  }
0x15e: {  	v2 =	vor.u32 v0, v2  }
0x15f: {  	[tilespmem:$0x960] =	vst v2  }
0x160: {  	v2 =	vld [tilespmem:s2+$0x460];
	_ =	sdelay $0x4  }
0x161: {  	[tilespmem:$0x9E0] =	vst v2  }
0x162: {  	v2 =	vld [tilespmem:s2+$0x70];
	_ =	sdelay $0x4  }
0x163: {  	v2 =	vshll.u32 v2, $0x1  }
0x164: {  	v2 =	vor.u32 v0, v2  }
0x165: {  	[tilespmem:$0x970] =	vst v2  }
0x166: {  	v2 =	vld [tilespmem:s2+$0x470]  }
0x167: {  	s18 =	simm.s32 $0x4;
	s17 =	simm.s32 $0x280;
	s19 =	simm.s32 $0x6  }
.LBB2_6:
0x168: {  	s2 =	sadd.s32 $0xFFFFFF80, s17;
	s4 =	smov.u32 s19;
	s19 =	sadd.s32 $0x2, s19  }
0x169: {  	p1 =	sne.s32 s19, $0x4E;
	s2 =	sand.u32 $0x7C00, s2  }
0x16a: {  	s2 =	sadd.s32 s5, s2  }
0x16b: {  	s9 =	sand.u32 $0x6, s18;
	s18 =	smov.u32 s4;
	s10 =	smax.u32 s2, $0x26D00;
	[tilespmem:$0x9F0] =	vst v2  }
0x16c: {  	[tilespmem:s28], [sflag:$0x2] =	stream.indirect.gather [hbm4b:s0+s23], $0x80, s26, s23, $0xb8;
	[tilespmem:$0x1DF80] =	vst v63  }
0x16d: {  	p2 =	sne.s32 s9, $0x0;
	s4 =	sadd.s32 $0xFFFD9300, s10;
	_ =	swait.ge [sflag:s29], $0x4000  }
0x16e: {  	s2 =	ssub.s32 @!p2 s2, s4;
	[sflag:s29] =	ssyncset.done $0x0  }
0x16f: {  	s12 =	sshrl.u32 @!p2 s2, $0x3;
	s2 =	sadd.s32 @!p2 $0x27100, s2;
	[sflag:s29] =	ssyncadd.s32 $0xFFFFC000  }
0x170: {  	[spmem:s3] =	stream.indirect.scatter.add.f32 [tilespmem:s25], [sflag:$0x4], $0x80, s30, s23, $0xb8;
	[tilespmem:$0x1DF80] =	vst v63  }
0x171: {  	s13 =	simm.s32 @!p2 $0x4;
	s2 =	sshrl.u32 @!p2 s2, $0x3;
	_ =	swait.ge [sflag:s22], $0x4000  }
0x172: {  	s14 =	simm.s32 @!p2 $0x0;
	s12 =	sadd.s32 @!p2 s6, s12;
	[sflag:s22] =	ssyncset.done $0x0  }
0x173: {  	[sflag:s22] =	ssyncadd.s32 $0xFFFFC000  }
0x174: {  	[tilespmem:s14], [sflag:$0x4] =	stream.linear.gather @!p2 [hbm4b:s12+s14], $0x400, $0x38;
	[tilespmem:$0x1DF80] =	vst v63  }
0x175: {  	s9 =	sshll.u32 s9, $0x7;
	_ =	swait.ge @!p2 [sflag:s13], $0x400  }
0x176: {  	s7 =	simm.s32 @!p2 $0x400;
	s12 =	sadd.s32 @!p2 s6, s2;
	[sflag:s13] =	ssyncset.done @!p2 $0x0  }
0x177: {  	s2 =	sadd.s32 s9, s4;
	[sflag:s13] =	ssyncadd.s32 @!p2 $0xFFFFFC00  }
0x178: {  	[tilespmem:s7], [sflag:$0x4] =	stream.linear.gather @!p2 [hbm4b:s12+s14], $0x400, $0x38;
	[tilespmem:$0x1DF80] =	vst v63  }
0x179: {  	s4 =	sand.u32 $0xFFFFFF80, s2;
	s7 =	sand.u32 $0x70, s10;
	_ =	swait.ge @!p2 [sflag:s13], $0x400  }
0x17a: {  	s4 =	sor.u32 s7, s4;
	[sflag:s13] =	ssyncset.done @!p2 $0x0  }
0x17b: {  	[sflag:s13] =	ssyncadd.s32 @!p2 $0xFFFFFC00  }
0x17c: {  	v2 =	vld [tilespmem:s4+$0x0];
	_ =	sdelay $0x4  }
0x17d: {  	v2 =	vshll.u32 v2, $0x1  }
0x17e: {  	v2 =	vor.u32 v0, v2  }
0x17f: {  	[tilespmem:$0x800] =	vst v2  }
0x180: {  	v2 =	vld [tilespmem:s4+$0x400];
	_ =	sdelay $0x4  }
0x181: {  	[tilespmem:$0x880] =	vst v2  }
0x182: {  	v2 =	vld [tilespmem:s2+$0x10];
	_ =	sdelay $0x4  }
0x183: {  	v2 =	vshll.u32 v2, $0x1  }
0x184: {  	v2 =	vor.u32 v0, v2  }
0x185: {  	[tilespmem:$0x810] =	vst v2  }
0x186: {  	v2 =	vld [tilespmem:s2+$0x410];
	_ =	sdelay $0x4  }
0x187: {  	[tilespmem:$0x890] =	vst v2  }
0x188: {  	v2 =	vld [tilespmem:s2+$0x20];
	_ =	sdelay $0x4  }
0x189: {  	v2 =	vshll.u32 v2, $0x1  }
0x18a: {  	v2 =	vor.u32 v0, v2  }
0x18b: {  	[tilespmem:$0x820] =	vst v2  }
0x18c: {  	v2 =	vld [tilespmem:s2+$0x420];
	_ =	sdelay $0x4  }
0x18d: {  	[tilespmem:$0x8A0] =	vst v2  }
0x18e: {  	v2 =	vld [tilespmem:s2+$0x30];
	_ =	sdelay $0x4  }
0x18f: {  	v2 =	vshll.u32 v2, $0x1  }
0x190: {  	v2 =	vor.u32 v0, v2  }
0x191: {  	[tilespmem:$0x830] =	vst v2  }
0x192: {  	v2 =	vld [tilespmem:s2+$0x430];
	_ =	sdelay $0x4  }
0x193: {  	[tilespmem:$0x8B0] =	vst v2  }
0x194: {  	v2 =	vld [tilespmem:s2+$0x40];
	_ =	sdelay $0x4  }
0x195: {  	v2 =	vshll.u32 v2, $0x1  }
0x196: {  	v2 =	vor.u32 v0, v2  }
0x197: {  	[tilespmem:$0x840] =	vst v2  }
0x198: {  	v2 =	vld [tilespmem:s2+$0x440];
	_ =	sdelay $0x4  }
0x199: {  	[tilespmem:$0x8C0] =	vst v2  }
0x19a: {  	v2 =	vld [tilespmem:s2+$0x50];
	_ =	sdelay $0x4  }
0x19b: {  	v2 =	vshll.u32 v2, $0x1  }
0x19c: {  	v2 =	vor.u32 v0, v2  }
0x19d: {  	[tilespmem:$0x850] =	vst v2  }
0x19e: {  	v2 =	vld [tilespmem:s2+$0x450];
	_ =	sdelay $0x4  }
0x19f: {  	[tilespmem:$0x8D0] =	vst v2  }
0x1a0: {  	v2 =	vld [tilespmem:s2+$0x60];
	_ =	sdelay $0x4  }
0x1a1: {  	v2 =	vshll.u32 v2, $0x1  }
0x1a2: {  	v2 =	vor.u32 v0, v2  }
0x1a3: {  	[tilespmem:$0x860] =	vst v2  }
0x1a4: {  	v2 =	vld [tilespmem:s2+$0x460];
	_ =	sdelay $0x4  }
0x1a5: {  	[tilespmem:$0x8E0] =	vst v2  }
0x1a6: {  	v2 =	vld [tilespmem:s2+$0x70];
	_ =	sdelay $0x4  }
0x1a7: {  	v2 =	vshll.u32 v2, $0x1  }
0x1a8: {  	v2 =	vor.u32 v0, v2  }
0x1a9: {  	[tilespmem:$0x870] =	vst v2  }
0x1aa: {  	v2 =	vld [tilespmem:s2+$0x470];
	_ =	sdelay $0x4  }
0x1ab: {  	s2 =	sand.u32 $0x7C00, s17;
	[tilespmem:$0x8F0] =	vst v2  }
0x1ac: {  	[tilespmem:s25], [sflag:$0x1] =	stream.indirect.gather [hbm4b:s0+s23], $0x80, s24, s23, $0xb8;
	[tilespmem:$0x1DF80] =	vst v63  }
0x1ad: {  	s2 =	sadd.s32 s5, s2;
	_ =	swait.ge [sflag:s31], $0x4000  }
0x1ae: {  	s4 =	smax.u32 s2, $0x26D00;
	s2 =	sand.u32 $0x380, s17;
	[sflag:s31] =	ssyncset.done $0x0  }
0x1af: {  	s2 =	sadd.s32 s4, s2;
	[sflag:s31] =	ssyncadd.s32 $0xFFFFC000  }
0x1b0: {  	[spmem:s3] =	stream.indirect.scatter.add.f32 [tilespmem:s28], [sflag:$0x4], $0x80, s1, s23, $0xb8;
	[tilespmem:$0x1DF80] =	vst v63  }
0x1b1: {  	s4 =	sand.u32 $0x70, s4;
	s2 =	sadd.s32 $0xFFFD9300, s2;
	_ =	swait.ge [sflag:s22], $0x4000  }
0x1b2: {  	s7 =	sand.u32 $0xFFFFFF80, s2;
	[sflag:s22] =	ssyncset.done $0x0  }
0x1b3: {  	s4 =	sor.u32 s4, s7;
	[sflag:s22] =	ssyncadd.s32 $0xFFFFC000  }
0x1b4: {  	v2 =	vld [tilespmem:s4+$0x0];
	_ =	sdelay $0x4  }
0x1b5: {  	v2 =	vshll.u32 v2, $0x1  }
0x1b6: {  	v2 =	vor.u32 v0, v2  }
0x1b7: {  	[tilespmem:$0x900] =	vst v2  }
0x1b8: {  	v2 =	vld [tilespmem:s4+$0x400];
	_ =	sdelay $0x4  }
0x1b9: {  	[tilespmem:$0x980] =	vst v2  }
0x1ba: {  	v2 =	vld [tilespmem:s2+$0x10];
	_ =	sdelay $0x4  }
0x1bb: {  	v2 =	vshll.u32 v2, $0x1  }
0x1bc: {  	v2 =	vor.u32 v0, v2  }
0x1bd: {  	[tilespmem:$0x910] =	vst v2  }
0x1be: {  	v2 =	vld [tilespmem:s2+$0x410];
	_ =	sdelay $0x4  }
0x1bf: {  	[tilespmem:$0x990] =	vst v2  }
0x1c0: {  	v2 =	vld [tilespmem:s2+$0x20];
	_ =	sdelay $0x4  }
0x1c1: {  	v2 =	vshll.u32 v2, $0x1  }
0x1c2: {  	v2 =	vor.u32 v0, v2  }
0x1c3: {  	[tilespmem:$0x920] =	vst v2  }
0x1c4: {  	v2 =	vld [tilespmem:s2+$0x420];
	_ =	sdelay $0x4  }
0x1c5: {  	[tilespmem:$0x9A0] =	vst v2  }
0x1c6: {  	v2 =	vld [tilespmem:s2+$0x30];
	_ =	sdelay $0x4  }
0x1c7: {  	v2 =	vshll.u32 v2, $0x1  }
0x1c8: {  	v2 =	vor.u32 v0, v2  }
0x1c9: {  	[tilespmem:$0x930] =	vst v2  }
0x1ca: {  	v2 =	vld [tilespmem:s2+$0x430];
	_ =	sdelay $0x4  }
0x1cb: {  	[tilespmem:$0x9B0] =	vst v2  }
0x1cc: {  	v2 =	vld [tilespmem:s2+$0x40];
	_ =	sdelay $0x4  }
0x1cd: {  	v2 =	vshll.u32 v2, $0x1  }
0x1ce: {  	v2 =	vor.u32 v0, v2  }
0x1cf: {  	[tilespmem:$0x940] =	vst v2  }
0x1d0: {  	v2 =	vld [tilespmem:s2+$0x440];
	_ =	sdelay $0x4  }
0x1d1: {  	[tilespmem:$0x9C0] =	vst v2  }
0x1d2: {  	v2 =	vld [tilespmem:s2+$0x50];
	_ =	sdelay $0x4  }
0x1d3: {  	v2 =	vshll.u32 v2, $0x1  }
0x1d4: {  	v2 =	vor.u32 v0, v2  }
0x1d5: {  	[tilespmem:$0x950] =	vst v2  }
0x1d6: {  	v2 =	vld [tilespmem:s2+$0x450];
	_ =	sdelay $0x4  }
0x1d7: {  	[tilespmem:$0x9D0] =	vst v2  }
0x1d8: {  	v2 =	vld [tilespmem:s2+$0x60];
	_ =	sdelay $0x4  }
0x1d9: {  	v2 =	vshll.u32 v2, $0x1  }
0x1da: {  	v2 =	vor.u32 v0, v2  }
0x1db: {  	[tilespmem:$0x960] =	vst v2  }
0x1dc: {  	v2 =	vld [tilespmem:s2+$0x460];
	_ =	sdelay $0x4  }
0x1dd: {  	[tilespmem:$0x9E0] =	vst v2  }
0x1de: {  	v2 =	vld [tilespmem:s2+$0x70];
	_ =	sdelay $0x4  }
.Ltmp2:
0x1df: {  	v2 =	vshll.u32 v2, $0x1;
	(pc) =	sbr.rel @p1 .LBB2_6-.Ltmp2, $4  }
0x1e0: {  	v2 =	vor.u32 v0, v2  }
0x1e1: {  	[tilespmem:$0x970] =	vst v2  }
0x1e2: {  	v2 =	vld [tilespmem:s2+$0x470]  }
0x1e3: {  	s17 =	sadd.s32 $0x100, s17  }
0x1e4: {  	_ =	sdelay $0x1  }
0x1e5: {  	s2 =	sadd.s32 $0xFFFFFF80, s17  }
0x1e6: {  	s2 =	sand.u32 $0x7C00, s2;
	[tilespmem:$0x9F0] =	vst v2  }
0x1e7: {  	[tilespmem:s28], [sflag:$0x2] =	stream.indirect.gather [hbm4b:s0+s23], $0x80, s26, s23, $0xb8;
	[tilespmem:$0x1DF80] =	vst v63  }
0x1e8: {  	s2 =	sadd.s32 s5, s2;
	_ =	swait.ge [sflag:s29], $0x4000  }
0x1e9: {  	s4 =	sand.u32 $0x6, s18;
	s7 =	smax.u32 s2, $0x26D00;
	[sflag:s29] =	ssyncset.done $0x0  }
0x1ea: {  	p1 =	sne.s32 s4, $0x0;
	s9 =	sadd.s32 $0xFFFD9300, s7;
	[sflag:s29] =	ssyncadd.s32 $0xFFFFC000  }
0x1eb: {  	[spmem:s3] =	stream.indirect.scatter.add.f32 [tilespmem:s25], [sflag:$0x4], $0x80, s30, s23, $0xb8;
	[tilespmem:$0x1DF80] =	vst v63  }
0x1ec: {  	s2 =	ssub.s32 @!p1 s2, s9;
	_ =	swait.ge [sflag:s22], $0x4000  }
0x1ed: {  	s12 =	simm.s32 @!p1 $0x4;
	s10 =	sshrl.u32 @!p1 s2, $0x3;
	[sflag:s22] =	ssyncset.done $0x0  }
0x1ee: {  	s13 =	simm.s32 @!p1 $0x0;
	s10 =	sadd.s32 @!p1 s6, s10;
	[sflag:s22] =	ssyncadd.s32 $0xFFFFC000  }
0x1ef: {  	[tilespmem:s13], [sflag:$0x4] =	stream.linear.gather @!p1 [hbm4b:s10+s13], $0x400, $0x38;
	[tilespmem:$0x1DF80] =	vst v63  }
0x1f0: {  	s2 =	sadd.s32 @!p1 $0x27100, s2;
	_ =	swait.ge @!p1 [sflag:s12], $0x400  }
0x1f1: {  	s18 =	sshll.u32 s4, $0x7;
	s2 =	sshrl.u32 @!p1 s2, $0x3;
	[sflag:s12] =	ssyncset.done @!p1 $0x0  }
0x1f2: {  	s2 =	sadd.s32 @!p1 s6, s2;
	s10 =	simm.s32 @!p1 $0x400;
	[sflag:s12] =	ssyncadd.s32 @!p1 $0xFFFFFC00  }
0x1f3: {  	[tilespmem:s10], [sflag:$0x4] =	stream.linear.gather @!p1 [hbm4b:s2+s13], $0x400, $0x38;
	[tilespmem:$0x1DF80] =	vst v63  }
0x1f4: {  	s2 =	sadd.s32 s18, s9;
	_ =	swait.ge @!p1 [sflag:s12], $0x400  }
0x1f5: {  	s7 =	sand.u32 $0x70, s7;
	s19 =	sand.u32 $0xFFFFFF80, s2;
	[sflag:s12] =	ssyncset.done @!p1 $0x0  }
0x1f6: {  	s4 =	sor.u32 s7, s19;
	[sflag:s12] =	ssyncadd.s32 @!p1 $0xFFFFFC00  }
0x1f7: {  	v2 =	vld [tilespmem:s4+$0x0];
	_ =	sdelay $0x4  }
0x1f8: {  	v2 =	vshll.u32 v2, $0x1  }
0x1f9: {  	v2 =	vor.u32 v0, v2  }
0x1fa: {  	[tilespmem:$0x800] =	vst v2  }
0x1fb: {  	v2 =	vld [tilespmem:s4+$0x400];
	_ =	sdelay $0x4  }
0x1fc: {  	[tilespmem:$0x880] =	vst v2  }
0x1fd: {  	v2 =	vld [tilespmem:s2+$0x10];
	_ =	sdelay $0x4  }
0x1fe: {  	v2 =	vshll.u32 v2, $0x1  }
0x1ff: {  	v2 =	vor.u32 v0, v2  }
0x200: {  	[tilespmem:$0x810] =	vst v2  }
0x201: {  	v2 =	vld [tilespmem:s2+$0x410];
	_ =	sdelay $0x4  }
0x202: {  	[tilespmem:$0x890] =	vst v2  }
0x203: {  	v2 =	vld [tilespmem:s2+$0x20];
	_ =	sdelay $0x4  }
0x204: {  	v2 =	vshll.u32 v2, $0x1  }
0x205: {  	v2 =	vor.u32 v0, v2  }
0x206: {  	[tilespmem:$0x820] =	vst v2  }
0x207: {  	v2 =	vld [tilespmem:s2+$0x420];
	_ =	sdelay $0x4  }
0x208: {  	[tilespmem:$0x8A0] =	vst v2  }
0x209: {  	v2 =	vld [tilespmem:s2+$0x30];
	_ =	sdelay $0x4  }
0x20a: {  	v2 =	vshll.u32 v2, $0x1  }
0x20b: {  	v2 =	vor.u32 v0, v2  }
0x20c: {  	[tilespmem:$0x830] =	vst v2  }
0x20d: {  	v2 =	vld [tilespmem:s2+$0x430];
	_ =	sdelay $0x4  }
0x20e: {  	[tilespmem:$0x8B0] =	vst v2  }
0x20f: {  	v2 =	vld [tilespmem:s2+$0x40];
	_ =	sdelay $0x4  }
0x210: {  	v2 =	vshll.u32 v2, $0x1  }
0x211: {  	v2 =	vor.u32 v0, v2  }
0x212: {  	[tilespmem:$0x840] =	vst v2  }
0x213: {  	v2 =	vld [tilespmem:s2+$0x440];
	_ =	sdelay $0x4  }
0x214: {  	[tilespmem:$0x8C0] =	vst v2  }
0x215: {  	v2 =	vld [tilespmem:s2+$0x50];
	_ =	sdelay $0x4  }
0x216: {  	v2 =	vshll.u32 v2, $0x1  }
0x217: {  	v2 =	vor.u32 v0, v2  }
0x218: {  	[tilespmem:$0x850] =	vst v2  }
0x219: {  	v2 =	vld [tilespmem:s2+$0x450];
	_ =	sdelay $0x4  }
0x21a: {  	[tilespmem:$0x8D0] =	vst v2  }
0x21b: {  	v2 =	vld [tilespmem:s2+$0x60];
	_ =	sdelay $0x4  }
0x21c: {  	v2 =	vshll.u32 v2, $0x1  }
0x21d: {  	v2 =	vor.u32 v0, v2  }
0x21e: {  	[tilespmem:$0x860] =	vst v2  }
0x21f: {  	v2 =	vld [tilespmem:s2+$0x460];
	_ =	sdelay $0x4  }
0x220: {  	[tilespmem:$0x8E0] =	vst v2  }
0x221: {  	v2 =	vld [tilespmem:s2+$0x70];
	_ =	sdelay $0x4  }
0x222: {  	v2 =	vshll.u32 v2, $0x1  }
0x223: {  	v2 =	vor.u32 v0, v2  }
0x224: {  	[tilespmem:$0x870] =	vst v2  }
0x225: {  	v2 =	vld [tilespmem:s2+$0x470];
	_ =	sdelay $0x4  }
0x226: {  	s9 =	sand.u32 $0x7C00, s17;
	[tilespmem:$0x8F0] =	vst v2  }
0x227: {  	[tilespmem:s25], [sflag:$0x1] =	stream.indirect.gather [hbm4b:s0+s23], $0x80, s24, s23, $0xb8;
	[tilespmem:$0x1DF80] =	vst v63  }
0x228: {  	s2 =	sadd.s32 s5, s9;
	_ =	swait.ge [sflag:s31], $0x4000  }
0x229: {  	s10 =	sand.u32 $0x380, s17;
	s2 =	smax.u32 s2, $0x26D00;
	[sflag:s31] =	ssyncset.done $0x0  }
0x22a: {  	s4 =	sadd.s32 s2, s10;
	[sflag:s31] =	ssyncadd.s32 $0xFFFFC000  }
0x22b: {  	[spmem:s3] =	stream.indirect.scatter.add.f32 [tilespmem:s28], [sflag:$0x4], $0x80, s1, s23, $0xb8;
	[tilespmem:$0x1DF80] =	vst v63  }
0x22c: {  	s4 =	sadd.s32 $0xFFFD9300, s4;
	_ =	swait.ge [sflag:s22], $0x4000  }
0x22d: {  	s2 =	sand.u32 $0x70, s2;
	s12 =	sand.u32 $0xFFFFFF80, s4;
	[sflag:s22] =	ssyncset.done $0x0  }
0x22e: {  	s2 =	sor.u32 s2, s12;
	[sflag:s22] =	ssyncadd.s32 $0xFFFFC000  }
0x22f: {  	v2 =	vld [tilespmem:s2+$0x0];
	_ =	sdelay $0x4  }
0x230: {  	v2 =	vshll.u32 v2, $0x1  }
0x231: {  	v2 =	vor.u32 v0, v2  }
0x232: {  	[tilespmem:$0x900] =	vst v2  }
0x233: {  	v2 =	vld [tilespmem:s2+$0x400];
	_ =	sdelay $0x4  }
0x234: {  	[tilespmem:$0x980] =	vst v2  }
0x235: {  	v2 =	vld [tilespmem:s4+$0x10];
	_ =	sdelay $0x4  }
0x236: {  	v2 =	vshll.u32 v2, $0x1  }
0x237: {  	v2 =	vor.u32 v0, v2  }
0x238: {  	[tilespmem:$0x910] =	vst v2  }
0x239: {  	v2 =	vld [tilespmem:s4+$0x410];
	_ =	sdelay $0x4  }
0x23a: {  	[tilespmem:$0x990] =	vst v2  }
0x23b: {  	v2 =	vld [tilespmem:s4+$0x20];
	_ =	sdelay $0x4  }
0x23c: {  	v2 =	vshll.u32 v2, $0x1  }
0x23d: {  	v2 =	vor.u32 v0, v2  }
0x23e: {  	[tilespmem:$0x920] =	vst v2  }
0x23f: {  	v2 =	vld [tilespmem:s4+$0x420];
	_ =	sdelay $0x4  }
0x240: {  	[tilespmem:$0x9A0] =	vst v2  }
0x241: {  	v2 =	vld [tilespmem:s4+$0x30];
	_ =	sdelay $0x4  }
0x242: {  	v2 =	vshll.u32 v2, $0x1  }
0x243: {  	v2 =	vor.u32 v0, v2  }
0x244: {  	[tilespmem:$0x930] =	vst v2  }
0x245: {  	v2 =	vld [tilespmem:s4+$0x430];
	_ =	sdelay $0x4  }
0x246: {  	[tilespmem:$0x9B0] =	vst v2  }
0x247: {  	v2 =	vld [tilespmem:s4+$0x40];
	_ =	sdelay $0x4  }
0x248: {  	v2 =	vshll.u32 v2, $0x1  }
0x249: {  	v2 =	vor.u32 v0, v2  }
0x24a: {  	[tilespmem:$0x940] =	vst v2  }
0x24b: {  	v2 =	vld [tilespmem:s4+$0x440];
	_ =	sdelay $0x4  }
0x24c: {  	[tilespmem:$0x9C0] =	vst v2  }
0x24d: {  	v2 =	vld [tilespmem:s4+$0x50];
	_ =	sdelay $0x4  }
0x24e: {  	v2 =	vshll.u32 v2, $0x1  }
0x24f: {  	v2 =	vor.u32 v0, v2  }
0x250: {  	[tilespmem:$0x950] =	vst v2  }
0x251: {  	v2 =	vld [tilespmem:s4+$0x450];
	_ =	sdelay $0x4  }
0x252: {  	[tilespmem:$0x9D0] =	vst v2  }
0x253: {  	v2 =	vld [tilespmem:s4+$0x60];
	_ =	sdelay $0x4  }
0x254: {  	v2 =	vshll.u32 v2, $0x1  }
0x255: {  	v2 =	vor.u32 v0, v2  }
0x256: {  	[tilespmem:$0x960] =	vst v2  }
0x257: {  	v2 =	vld [tilespmem:s4+$0x460];
	_ =	sdelay $0x4  }
0x258: {  	[tilespmem:$0x9E0] =	vst v2  }
0x259: {  	v2 =	vld [tilespmem:s4+$0x70];
	_ =	sdelay $0x4  }
0x25a: {  	v2 =	vshll.u32 v2, $0x1  }
0x25b: {  	v2 =	vor.u32 v0, v2  }
0x25c: {  	[tilespmem:$0x970] =	vst v2  }
0x25d: {  	v2 =	vld [tilespmem:s4+$0x470];
	_ =	sdelay $0x4  }
0x25e: {  	[tilespmem:$0x9F0] =	vst v2  }
0x25f: {  	[tilespmem:s28], [sflag:$0x2] =	stream.indirect.gather [hbm4b:s0+s23], $0x80, s26, s23, $0xb8;
	[tilespmem:$0x1DF80] =	vst v63  }
0x260: {  	_ =	swait.ge [sflag:s29], $0x4000  }
0x261: {  	[sflag:s29] =	ssyncset.done $0x0  }
0x262: {  	[sflag:s29] =	ssyncadd.s32 $0xFFFFC000  }
0x263: {  	[spmem:s3] =	stream.indirect.scatter.add.f32 [tilespmem:s25], [sflag:$0x4], $0x80, s30, s23, $0xb8;
	[tilespmem:$0x1DF80] =	vst v63  }
0x264: {  	_ =	swait.ge [sflag:s22], $0x4000  }
0x265: {  	[sflag:s22] =	ssyncset.done $0x0  }
0x266: {  	[sflag:s22] =	ssyncadd.s32 $0xFFFFC000  }
0x267: {  	_ =	swait.ge [sflag:s31], $0x4000  }
0x268: {  	[sflag:s31] =	ssyncset.done $0x0  }
0x269: {  	[sflag:s31] =	ssyncadd.s32 $0xFFFFC000  }
0x26a: {  	[spmem:s3] =	stream.indirect.scatter.add.f32 [tilespmem:s28], [sflag:$0x4], $0x80, s1, s23, $0xb8;
	[tilespmem:$0x1DF80] =	vst v63  }
0x26b: {  	_ =	swait.ge [sflag:s22], $0x4000  }
0x26c: {  	[sflag:s22] =	ssyncset.done $0x0  }
0x26d: {  	[sflag:s22] =	ssyncadd.s32 $0xFFFFC000  }
0x26e: {  	v2 =	vld [tilespmem:s8+$0x300];
	_ =	sdelay $0x4  }
0x26f: {  	v2 =	vshll.u32 v2, $0x1  }
0x270: {  	v2 =	vor.u32 v0, v2  }
0x271: {  	s13 =	rddreg [dreg:$0x6];
	[tilespmem:$0x1D680] =	vst v2  }
0x272: {  	v2 =	vld [tilespmem:s13+$0x400];
	_ =	sdelay $0x4  }
0x273: {  	s14 =	simm.s32 $0x10;
	s17 =	simm.s32 $0x1D680;
	[tilespmem:$0x1D700] =	vst v2  }
0x274: {  	[tilespmem:s15], [sflag:$0x1] =	stream.indirect.gather [hbm4b:s0+s14], $0x80, s17, s14, $0xb8;
	[tilespmem:$0x1DF80] =	vst v63  }
0x275: {  	_ =	swait.ge [sflag:s29], $0x800  }
0x276: {  	[sflag:s29] =	ssyncset.done $0x0  }
0x277: {  	s18 =	simm.s32 $0x1D700;
	[sflag:s29] =	ssyncadd.s32 $0xFFFFF800  }
0x278: {  	[spmem:s3] =	stream.indirect.scatter.add.f32 [tilespmem:s15], [sflag:$0x4], $0x80, s18, s14, $0xb8;
	[tilespmem:$0x1DF80] =	vst v63  }
0x279: {  	_ =	swait.ge [sflag:s22], $0x800  }
0x27a: {  	[sflag:s22] =	ssyncset.done $0x0  }
0x27b: {  	s2 =	stileid.u32;
	[sflag:s22] =	ssyncadd.s32 $0xFFFFF800  }
0x27c: {  	s2 =	sshll.u32 @!p0 s2, $0x6;
	[bflag:$0x0] =	sbarrier.arrive $0xFFFF  }
0x27d: {  	s2 =	sor.u32 @!p0 $0x1C04, s2;
	s4 =	sshrl.u32 @!p0 s11, $0x3;
	s7 =	rddreg [dreg:$0x7]  }
0x27e: {  	[hbm:s7], [sflag:s2] =	dma.local @!p0 [spmem:s4], $0x3E80  }
0x27f: {  	s2 =	simm.s32 @!p0 $0x4  }
0x280: {  	_ =	swait.ge @!p0 [sflag:s2], $0x3E80  }
0x281: {  	s16 =	sadd.s32 $0x1, s16;
	s19 =	rddreg [dreg:$0x8]  }
0x282: {  	p1 =	sne.s32 s16, s19  }
.Ltmp3:
0x283: {  	_ = 	snop;
	(pc) =	sbr.rel @p1 .LBB2_1-.Ltmp3, $3  }
0x284: {  	_ =	sdelay $0x1  }
0x285: {  	[sflag:s2] =	ssyncset.done @!p0 $0x0  }
0x286: {  	[sflag:s2] =	ssyncadd.s32 @!p0 $0xFFFFC180  }
0x287: {  	_ =	sfence.sel $0x180000  }
0x288: {  	[bflag:$0x0] =	sbarrier.arrive $0xFFFF  }
0x289: {  	_ =	strace $0x9000004A  }
0x28a: {  	s0 =	stileid.u32;
	[bflag:$0x2] =	sbarrier.arrive $0xFFFF  }
0x28b: {  	p0 =	sne.s32 s0, $0x0;
	s0 =	rddreg [dreg:$0x3]  }
0x28c: {  	s0 =	sadd.s32 @!p0 $0x100000, s0  }
0x28d: {  	[sflag:s0] =	ssyncadd.tile.s32 @!p0 $0x1;
	_ =	shalt  }
.Lfunc_end2:
_tile_overlayer_lowered:
.L_overlay_start_2:
0x28e: {  	(tag) =	ssettag $0x2  }
0x28f: {  	s0 =	rddreg [dreg:$0x0];
	s2 =	stileid.u32  }
0x290: {  	s1 =	rddreg [dreg:$0x1];
	p0 =	sne.s32 s2, $0x0  }
0x291: {  	s3 =	rddreg [dreg:$0x2];
	[bflag:$0x3] =	sbarrier.arrive $0xFFFF;
	s2 =	simm.s32 @!p0 $0x1C04  }
0x292: {  	[timem:s3], [sflag:s2] =	dma.local @!p0 [hbm:s0], s1  }
0x293: {  	s0 =	simm.s32 @!p0 $0x4  }
0x294: {  	_ =	swait.ge @!p0 [sflag:s0], s1  }
0x295: {  	s1 =	ssub.s32 @!p0 $0x0, s1;
	[sflag:s0] =	ssyncset.done @!p0 $0x0  }
0x296: {  	[sflag:s0] =	ssyncadd.s32 @!p0 s1  }
0x297: {  	[bflag:$0x3] =	sbarrier.arrive $0xFFFF  }
0x298: {  	_ =	shalt  }

</sc_bundles>
